<compile_context>
chip_gen: v7x
topology: tpu7x:2x2x1
jax: 0.10.2.dev20260603
libtpu: 0.0.44.dev20260713+nightly
codegen_flags: <defaults>
</compile_context>

<pallas_src>
import functools

import jax
import jax.numpy as jnp
from jax import lax
from jax.experimental import pallas as pl
from jax.experimental.pallas import tpu as pltpu
from jax.experimental.pallas import tpu_sc as plsc

B = 4096
L = 200
D = 64
DU = 128
W = 400
WP = W + 1
NLANES = 16

NC = 2
NS = 16
NW = NC * NS
BPW = B // NW

CHUNKS = (96, 104)
OFFS = (0, 96)


def _tile_body(x_hbm, table_hbm, y_hbm, idx_v, in00, in01, in10, in11,
               out_v, isem0, isem1, isem2, isem3, gs00, gs01, gs10, gs11,
               osem0, osem1):
    ins = ((in00, in01), (in10, in11))
    gsems = ((gs00, gs01), (gs10, gs11))
    isems = (isem0, isem1, isem2, isem3)
    osems = (osem0, osem1)
    wid = lax.axis_index("s") * NC + lax.axis_index("c")
    lane = lax.iota(jnp.int32, NLANES)

    didx = [lane + c * NLANES for c in range(D // NLANES)]

    def issue_gathers(slot, p):
        idx = idx_v.at[slot]
        for k in range(2):
            pltpu.async_copy(
                table_hbm.at[idx.at[pl.ds(OFFS[k], CHUNKS[k])]],
                ins[p][k], gsems[p][k])

    def wait_gather(slot, p, k):
        pltpu.make_async_copy(
            table_hbm.at[idx_v.at[slot].at[pl.ds(OFFS[k], CHUNKS[k])]],
            ins[p][k], gsems[p][k]).wait()

    def transpose_chunk(p, k, dst):
        src = ins[p][k]
        tbase = 2 * OFFS[k]

        @plsc.parallel_loop(0, CHUNKS[k], unroll=4)
        def _(l, src=src, dst=dst, tbase=tbase):
            for u in range(2):
                t = jnp.broadcast_to(tbase + 2 * l + u, (NLANES,)).astype(
                    jnp.int32)
                for c in range(D // NLANES):
                    vals = src[l, pl.ds(u * D + c * NLANES, NLANES)]
                    plsc.store_scatter(dst, [didx[c], t], vals)

    b0 = wid * BPW
    pltpu.sync_copy(x_hbm.at[b0], idx_v.at[0])
    issue_gathers(0, 0)
    pltpu.sync_copy(x_hbm.at[b0 + 1], idx_v.at[1])
    issue_gathers(1, 1)
    pltpu.async_copy(x_hbm.at[b0 + 2], idx_v.at[2], isems[2])
    pltpu.async_copy(x_hbm.at[b0 + 3], idx_v.at[3], isems[3])

    def one_batch(i, p, s):
        b = wid * BPW + i
        dst = out_v.at[p]
        s2 = (s + 2) % 4

        @pl.when(i >= 2)
        def _():
            pltpu.make_async_copy(
                dst.at[:, pl.ds(0, W)], y_hbm.at[b - 2], osems[p]).wait()

        wait_gather(s, p, 0)
        transpose_chunk(p, 0, dst)
        wait_gather(s, p, 1)
        transpose_chunk(p, 1, dst)

        @pl.when(i + 2 < BPW)
        def _():
            pltpu.make_async_copy(
                x_hbm.at[b + 2], idx_v.at[s2], isems[s2]).wait()
            issue_gathers(s2, p)

            @pl.when(i + 4 < BPW)
            def _():
                pltpu.async_copy(x_hbm.at[b + 4], idx_v.at[s], isems[s])

        pltpu.async_copy(dst.at[:, pl.ds(0, W)], y_hbm.at[b], osems[p])

    def batch_quad_body(q, _):
        for r in range(4):
            one_batch(4 * q + r, r % 2, r)
        return 0

    lax.fori_loop(0, BPW // 4, batch_quad_body, 0)

    for i in range(BPW - 2, BPW):
        pltpu.make_async_copy(
            out_v.at[i % 2].at[:, pl.ds(0, W)], y_hbm.at[wid * BPW + i],
            osems[i % 2]).wait()


@functools.partial(jax.jit, static_argnames=())
def _embed_sc(x, table):
    mesh = plsc.VectorSubcoreMesh(core_axis_name="c", subcore_axis_name="s")
    f = pl.kernel(
        _tile_body,
        mesh=mesh,
        out_type=jax.ShapeDtypeStruct((B, D, W), jnp.float32),
        scratch_types=[
            pltpu.VMEM((4, L), jnp.int32),
            pltpu.VMEM((CHUNKS[0], DU), jnp.float32),
            pltpu.VMEM((CHUNKS[1], DU), jnp.float32),
            pltpu.VMEM((CHUNKS[0], DU), jnp.float32),
            pltpu.VMEM((CHUNKS[1], DU), jnp.float32),
            pltpu.VMEM((2, D, WP), jnp.float32),
            pltpu.SemaphoreType.DMA,
            pltpu.SemaphoreType.DMA,
            pltpu.SemaphoreType.DMA,
            pltpu.SemaphoreType.DMA,
            pltpu.SemaphoreType.DMA,
            pltpu.SemaphoreType.DMA,
            pltpu.SemaphoreType.DMA,
            pltpu.SemaphoreType.DMA,
            pltpu.SemaphoreType.DMA,
            pltpu.SemaphoreType.DMA,
        ],
        compiler_params=pltpu.CompilerParams(
            use_tc_tiling_on_sc=False, needs_layout_passes=False),
    )
    return f(x, table)


def kernel(x, x_len, table):
    y = _embed_sc(x, table)
    y_len = None if x_len is None else x_len * 2
    return (y, y_len)

# --- scband reference (transcript-rebuilt; emitter-appended) ---
"""Pipeline reference for scband-embed-40037685133709 (READ-ONLY COPY).

The authoritative reference and input builder live on the scoring server;
editing this copy changes nothing except your own understanding.
"""

import jax, jax.numpy as jnp
import numpy as np

NUM_SYMBOLS = 100000
EMBEDDING_DIM = 64
NUM_UPSAMPLE = 2
BATCH = 4096
SEQ_LEN = 200


def setup_inputs(seed: int = 0) -> dict:
    key = jax.random.key(seed)
    k1, k2, k3 = jax.random.split(key, 3)
    x = jax.random.randint(k1, (BATCH, SEQ_LEN), 0, NUM_SYMBOLS, dtype=jnp.int64 if jax.config.jax_enable_x64 else jnp.int32).astype(jnp.int32)
    x_len = jax.random.randint(k2, (BATCH,), 0, SEQ_LEN, dtype=jnp.int32)
    table = jax.random.normal(k3, (NUM_SYMBOLS, EMBEDDING_DIM * NUM_UPSAMPLE), dtype=jnp.float32)
    return {"x": x, "x_len": x_len, "table": table}


def reference(x, x_len, table):
    batch_size, seq_len = x.shape
    # embedding lookup: [B, L, D*U]
    e = jnp.take(table, x, axis=0)
    # transpose(1, 2): [B, D*U, L]
    e = jnp.transpose(e, (0, 2, 1))
    # chunk along dim 1 into NUM_UPSAMPLE pieces of [B, D, L]
    xs = jnp.split(e, NUM_UPSAMPLE, axis=1)
    # stack along last dim: [B, D, L, U]
    y = jnp.stack(xs, axis=-1)
    # reshape to [B, D, U*L]
    y = y.reshape(batch_size, EMBEDDING_DIM, NUM_UPSAMPLE * seq_len)
    y_len = None if x_len is None else x_len * NUM_UPSAMPLE
    return (y, y_len)

if __name__ == "__main__":
    import jax
    _d = setup_inputs()
    print(jax.jit(kernel)(*tuple(_d.values())))

</pallas_src>

<mosaic_0001>
#map = affine_map<(d0, d1) -> (0, 0)>
#map1 = affine_map<(d0, d1) -> (0, 0, 0)>
module attributes {stable_mosaic.version = 14 : i64} {
  func.func @_tile_body(%arg0: i32, %arg1: i32, %arg2: memref<4096x200xi32, #tpu.memory_space<hbm>>, %arg3: memref<100000x128xf32, #tpu.memory_space<hbm>>, %arg4: memref<4096x64x400xf32, #tpu.memory_space<hbm>>, %arg5: memref<4x200xi32, #tpu.memory_space<vmem>>, %arg6: memref<96x128xf32, #tpu.memory_space<vmem>>, %arg7: memref<104x128xf32, #tpu.memory_space<vmem>>, %arg8: memref<96x128xf32, #tpu.memory_space<vmem>>, %arg9: memref<104x128xf32, #tpu.memory_space<vmem>>, %arg10: memref<2x64x401xf32, #tpu.memory_space<vmem>>, %arg11: memref<!tpu.dma_semaphore, #tpu.memory_space<semaphore_mem>>, %arg12: memref<!tpu.dma_semaphore, #tpu.memory_space<semaphore_mem>>, %arg13: memref<!tpu.dma_semaphore, #tpu.memory_space<semaphore_mem>>, %arg14: memref<!tpu.dma_semaphore, #tpu.memory_space<semaphore_mem>>, %arg15: memref<!tpu.dma_semaphore, #tpu.memory_space<semaphore_mem>>, %arg16: memref<!tpu.dma_semaphore, #tpu.memory_space<semaphore_mem>>, %arg17: memref<!tpu.dma_semaphore, #tpu.memory_space<semaphore_mem>>, %arg18: memref<!tpu.dma_semaphore, #tpu.memory_space<semaphore_mem>>, %arg19: memref<!tpu.dma_semaphore, #tpu.memory_space<semaphore_mem>>, %arg20: memref<!tpu.dma_semaphore, #tpu.memory_space<semaphore_mem>>) attributes {dimension_semantics = [#tpu.dimension_semantics<core_parallel>, #tpu.dimension_semantics<subcore_parallel>], iteration_bounds = array<i64: 2, 16>, scalar_prefetch = 0 : i64, scratch_operands = 16 : i64, tpu.core_type = #tpu.core_type<sc_vector_subcore>, window_params = [{transform_indices = #map}, {transform_indices = #map}, {transform_indices = #map1}]} {
    %mul3A = arith.constant 2 : i32
    %mul3A_0 = arith.muli %arg1, %mul3A : i32
    %add3A = arith.addi %mul3A_0, %arg0 : i32
    %iota3A = tpu.iota {dimensions = array<i32: 0>} : vector<16xi32>
    %add3A_1 = arith.constant 0 : i32
    %add3A_2 = vector.broadcast %add3A_1 : i32 to vector<16xi32>
    %add3A_3 = arith.addi %iota3A, %add3A_2 : vector<16xi32>
    %add3A_4 = arith.constant 16 : i32
    %add3A_5 = vector.broadcast %add3A_4 : i32 to vector<16xi32>
    %add3A_6 = arith.addi %iota3A, %add3A_5 : vector<16xi32>
    %add3A_7 = arith.constant 32 : i32
    %add3A_8 = vector.broadcast %add3A_7 : i32 to vector<16xi32>
    %add3A_9 = arith.addi %iota3A, %add3A_8 : vector<16xi32>
    %add3A_10 = arith.constant 48 : i32
    %add3A_11 = vector.broadcast %add3A_10 : i32 to vector<16xi32>
    %add3A_12 = arith.addi %iota3A, %add3A_11 : vector<16xi32>
    %mul3A_13 = arith.constant 128 : i32
    %mul3A_14 = arith.muli %add3A, %mul3A_13 : i32
    %run_scoped3A = arith.constant 0 : i32
    "tpu.region"() ({
      %run_scoped3A_142 = tpu.sem_alloc : memref<!tpu.dma_semaphore, #tpu.memory_space<semaphore_mem>>
      %dma_start3A_143 = arith.constant 0 : i32
      %dma_start3A_144 = tpu.memref_slice %arg5[%run_scoped3A, %dma_start3A_143] : memref<4x200xi32, #tpu.memory_space<vmem>> -> memref<1x200xi32, #tpu.memory_space<vmem>>
      %dma_start3A_145 = tpu.memref_squeeze %dma_start3A_144 : memref<1x200xi32, #tpu.memory_space<vmem>> -> memref<200xi32, #tpu.memory_space<vmem>>
      %dma_start3A_146 = arith.constant 0 : i32
      %dma_start3A_147 = tpu.memref_slice %arg2[%mul3A_14, %dma_start3A_146] : memref<4096x200xi32, #tpu.memory_space<hbm>> -> memref<1x200xi32, #tpu.memory_space<hbm>>
      %dma_start3A_148 = tpu.memref_squeeze %dma_start3A_147 : memref<1x200xi32, #tpu.memory_space<hbm>> -> memref<200xi32, #tpu.memory_space<hbm>>
      %dma_start3A_149 = arith.constant 0 : i32
      %dma_start3A_150 = tpu.memref_slice %arg5[%run_scoped3A, %dma_start3A_149] : memref<4x200xi32, #tpu.memory_space<vmem>> -> memref<1x200xi32, #tpu.memory_space<vmem>>
      %dma_start3A_151 = tpu.memref_squeeze %dma_start3A_150 : memref<1x200xi32, #tpu.memory_space<vmem>> -> memref<200xi32, #tpu.memory_space<vmem>>
      %dma_start3A_152 = arith.constant 0 : i32
      %dma_start3A_153 = tpu.memref_slice %arg2[%mul3A_14, %dma_start3A_152] : memref<4096x200xi32, #tpu.memory_space<hbm>> -> memref<1x200xi32, #tpu.memory_space<hbm>>
      %dma_start3A_154 = tpu.memref_squeeze %dma_start3A_153 : memref<1x200xi32, #tpu.memory_space<hbm>> -> memref<200xi32, #tpu.memory_space<hbm>>
      tpu.enqueue_dma source(%dma_start3A_154 : memref<200xi32, #tpu.memory_space<hbm>>) target(%dma_start3A_151 : memref<200xi32, #tpu.memory_space<vmem>>) target_semaphore(%run_scoped3A_142 : memref<!tpu.dma_semaphore, #tpu.memory_space<semaphore_mem>>)
      %dma_wait3A_155 = arith.constant 0 : i32
      %dma_wait3A_156 = tpu.memref_slice %arg5[%run_scoped3A, %dma_wait3A_155] : memref<4x200xi32, #tpu.memory_space<vmem>> -> memref<1x200xi32, #tpu.memory_space<vmem>>
      %dma_wait3A_157 = tpu.memref_squeeze %dma_wait3A_156 : memref<1x200xi32, #tpu.memory_space<vmem>> -> memref<200xi32, #tpu.memory_space<vmem>>
      %dma_wait3A_158 = arith.constant 0 : i32
      %dma_wait3A_159 = tpu.memref_slice %arg2[%mul3A_14, %dma_wait3A_158] : memref<4096x200xi32, #tpu.memory_space<hbm>> -> memref<1x200xi32, #tpu.memory_space<hbm>>
      %dma_wait3A_160 = tpu.memref_squeeze %dma_wait3A_159 : memref<1x200xi32, #tpu.memory_space<hbm>> -> memref<200xi32, #tpu.memory_space<hbm>>
      %dma_wait3A_161 = arith.constant 0 : i32
      %dma_wait3A_162 = tpu.memref_slice %arg5[%run_scoped3A, %dma_wait3A_161] : memref<4x200xi32, #tpu.memory_space<vmem>> -> memref<1x200xi32, #tpu.memory_space<vmem>>
      %dma_wait3A_163 = tpu.memref_squeeze %dma_wait3A_162 : memref<1x200xi32, #tpu.memory_space<vmem>> -> memref<200xi32, #tpu.memory_space<vmem>>
      %dma_wait3A_164 = arith.constant 0 : i32
      %dma_wait3A_165 = tpu.memref_slice %arg2[%mul3A_14, %dma_wait3A_164] : memref<4096x200xi32, #tpu.memory_space<hbm>> -> memref<1x200xi32, #tpu.memory_space<hbm>>
      %dma_wait3A_166 = tpu.memref_squeeze %dma_wait3A_165 : memref<1x200xi32, #tpu.memory_space<hbm>> -> memref<200xi32, #tpu.memory_space<hbm>>
      tpu.wait_dma2 semaphore(%run_scoped3A_142 : memref<!tpu.dma_semaphore, #tpu.memory_space<semaphore_mem>>) src(%dma_wait3A_166 : memref<200xi32, #tpu.memory_space<hbm>>) dst(%dma_wait3A_163 : memref<200xi32, #tpu.memory_space<vmem>>)
      tpu.yield
    }) : () -> ()
    %dma_start3A = arith.constant 0 : i32
    %dma_start3A_15 = arith.constant 0 : i32
    %dma_start3A_16 = tpu.memref_slice %arg5[%dma_start3A, %dma_start3A_15] : memref<4x200xi32, #tpu.memory_space<vmem>> -> memref<1x200xi32, #tpu.memory_space<vmem>>
    %dma_start3A_17 = tpu.memref_squeeze %dma_start3A_16 : memref<1x200xi32, #tpu.memory_space<vmem>> -> memref<200xi32, #tpu.memory_space<vmem>>
    %dma_start3A_18 = arith.constant 0 : i32
    %dma_start3A_19 = tpu.memref_slice %dma_start3A_17[%dma_start3A_18] : memref<200xi32, #tpu.memory_space<vmem>> -> memref<96xi32, #tpu.memory_space<vmem>>
    %dma_start3A_20 = arith.constant 0 : i32
    %dma_start3A_21 = arith.constant 0 : i32
    %dma_start3A_22 = tpu.memref_slice %arg3[%dma_start3A_20, %dma_start3A_21] : memref<100000x128xf32, #tpu.memory_space<hbm>> -> memref<100000x128xf32, #tpu.memory_space<hbm>>
    tpu.enqueue_indirect_dma source(%dma_start3A_22 : memref<100000x128xf32, #tpu.memory_space<hbm>>) target(%arg6 : memref<96x128xf32, #tpu.memory_space<vmem>>) offsets(%dma_start3A_19 : memref<96xi32, #tpu.memory_space<vmem>>) semaphore(%arg15 : memref<!tpu.dma_semaphore, #tpu.memory_space<semaphore_mem>>)
    %dma_start3A_23 = arith.constant 0 : i32
    %dma_start3A_24 = arith.constant 0 : i32
    %dma_start3A_25 = tpu.memref_slice %arg5[%dma_start3A_23, %dma_start3A_24] : memref<4x200xi32, #tpu.memory_space<vmem>> -> memref<1x200xi32, #tpu.memory_space<vmem>>
    %dma_start3A_26 = tpu.memref_squeeze %dma_start3A_25 : memref<1x200xi32, #tpu.memory_space<vmem>> -> memref<200xi32, #tpu.memory_space<vmem>>
    %dma_start3A_27 = arith.constant 96 : i32
    %dma_start3A_28 = tpu.memref_slice %dma_start3A_26[%dma_start3A_27] : memref<200xi32, #tpu.memory_space<vmem>> -> memref<104xi32, #tpu.memory_space<vmem>>
    %dma_start3A_29 = arith.constant 0 : i32
    %dma_start3A_30 = arith.constant 0 : i32
    %dma_start3A_31 = tpu.memref_slice %arg3[%dma_start3A_29, %dma_start3A_30] : memref<100000x128xf32, #tpu.memory_space<hbm>> -> memref<100000x128xf32, #tpu.memory_space<hbm>>
    tpu.enqueue_indirect_dma source(%dma_start3A_31 : memref<100000x128xf32, #tpu.memory_space<hbm>>) target(%arg7 : memref<104x128xf32, #tpu.memory_space<vmem>>) offsets(%dma_start3A_28 : memref<104xi32, #tpu.memory_space<vmem>>) semaphore(%arg16 : memref<!tpu.dma_semaphore, #tpu.memory_space<semaphore_mem>>)
    %add3A_32 = arith.constant 1 : i32
    %add3A_33 = arith.addi %mul3A_14, %add3A_32 : i32
    %run_scoped3A_34 = arith.constant 1 : i32
    "tpu.region"() ({
      %run_scoped3A_142 = tpu.sem_alloc : memref<!tpu.dma_semaphore, #tpu.memory_space<semaphore_mem>>
      %dma_start3A_143 = arith.constant 0 : i32
      %dma_start3A_144 = tpu.memref_slice %arg5[%run_scoped3A_34, %dma_start3A_143] : memref<4x200xi32, #tpu.memory_space<vmem>> -> memref<1x200xi32, #tpu.memory_space<vmem>>
      %dma_start3A_145 = tpu.memref_squeeze %dma_start3A_144 : memref<1x200xi32, #tpu.memory_space<vmem>> -> memref<200xi32, #tpu.memory_space<vmem>>
      %dma_start3A_146 = arith.constant 0 : i32
      %dma_start3A_147 = tpu.memref_slice %arg2[%add3A_33, %dma_start3A_146] : memref<4096x200xi32, #tpu.memory_space<hbm>> -> memref<1x200xi32, #tpu.memory_space<hbm>>
      %dma_start3A_148 = tpu.memref_squeeze %dma_start3A_147 : memref<1x200xi32, #tpu.memory_space<hbm>> -> memref<200xi32, #tpu.memory_space<hbm>>
      %dma_start3A_149 = arith.constant 0 : i32
      %dma_start3A_150 = tpu.memref_slice %arg5[%run_scoped3A_34, %dma_start3A_149] : memref<4x200xi32, #tpu.memory_space<vmem>> -> memref<1x200xi32, #tpu.memory_space<vmem>>
      %dma_start3A_151 = tpu.memref_squeeze %dma_start3A_150 : memref<1x200xi32, #tpu.memory_space<vmem>> -> memref<200xi32, #tpu.memory_space<vmem>>
      %dma_start3A_152 = arith.constant 0 : i32
      %dma_start3A_153 = tpu.memref_slice %arg2[%add3A_33, %dma_start3A_152] : memref<4096x200xi32, #tpu.memory_space<hbm>> -> memref<1x200xi32, #tpu.memory_space<hbm>>
      %dma_start3A_154 = tpu.memref_squeeze %dma_start3A_153 : memref<1x200xi32, #tpu.memory_space<hbm>> -> memref<200xi32, #tpu.memory_space<hbm>>
      tpu.enqueue_dma source(%dma_start3A_154 : memref<200xi32, #tpu.memory_space<hbm>>) target(%dma_start3A_151 : memref<200xi32, #tpu.memory_space<vmem>>) target_semaphore(%run_scoped3A_142 : memref<!tpu.dma_semaphore, #tpu.memory_space<semaphore_mem>>)
      %dma_wait3A_155 = arith.constant 0 : i32
      %dma_wait3A_156 = tpu.memref_slice %arg5[%run_scoped3A_34, %dma_wait3A_155] : memref<4x200xi32, #tpu.memory_space<vmem>> -> memref<1x200xi32, #tpu.memory_space<vmem>>
      %dma_wait3A_157 = tpu.memref_squeeze %dma_wait3A_156 : memref<1x200xi32, #tpu.memory_space<vmem>> -> memref<200xi32, #tpu.memory_space<vmem>>
      %dma_wait3A_158 = arith.constant 0 : i32
      %dma_wait3A_159 = tpu.memref_slice %arg2[%add3A_33, %dma_wait3A_158] : memref<4096x200xi32, #tpu.memory_space<hbm>> -> memref<1x200xi32, #tpu.memory_space<hbm>>
      %dma_wait3A_160 = tpu.memref_squeeze %dma_wait3A_159 : memref<1x200xi32, #tpu.memory_space<hbm>> -> memref<200xi32, #tpu.memory_space<hbm>>
      %dma_wait3A_161 = arith.constant 0 : i32
      %dma_wait3A_162 = tpu.memref_slice %arg5[%run_scoped3A_34, %dma_wait3A_161] : memref<4x200xi32, #tpu.memory_space<vmem>> -> memref<1x200xi32, #tpu.memory_space<vmem>>
      %dma_wait3A_163 = tpu.memref_squeeze %dma_wait3A_162 : memref<1x200xi32, #tpu.memory_space<vmem>> -> memref<200xi32, #tpu.memory_space<vmem>>
      %dma_wait3A_164 = arith.constant 0 : i32
      %dma_wait3A_165 = tpu.memref_slice %arg2[%add3A_33, %dma_wait3A_164] : memref<4096x200xi32, #tpu.memory_space<hbm>> -> memref<1x200xi32, #tpu.memory_space<hbm>>
      %dma_wait3A_166 = tpu.memref_squeeze %dma_wait3A_165 : memref<1x200xi32, #tpu.memory_space<hbm>> -> memref<200xi32, #tpu.memory_space<hbm>>
      tpu.wait_dma2 semaphore(%run_scoped3A_142 : memref<!tpu.dma_semaphore, #tpu.memory_space<semaphore_mem>>) src(%dma_wait3A_166 : memref<200xi32, #tpu.memory_space<hbm>>) dst(%dma_wait3A_163 : memref<200xi32, #tpu.memory_space<vmem>>)
      tpu.yield
    }) : () -> ()
    %dma_start3A_35 = arith.constant 1 : i32
    %dma_start3A_36 = arith.constant 0 : i32
    %dma_start3A_37 = tpu.memref_slice %arg5[%dma_start3A_35, %dma_start3A_36] : memref<4x200xi32, #tpu.memory_space<vmem>> -> memref<1x200xi32, #tpu.memory_space<vmem>>
    %dma_start3A_38 = tpu.memref_squeeze %dma_start3A_37 : memref<1x200xi32, #tpu.memory_space<vmem>> -> memref<200xi32, #tpu.memory_space<vmem>>
    %dma_start3A_39 = arith.constant 0 : i32
    %dma_start3A_40 = tpu.memref_slice %dma_start3A_38[%dma_start3A_39] : memref<200xi32, #tpu.memory_space<vmem>> -> memref<96xi32, #tpu.memory_space<vmem>>
    %dma_start3A_41 = arith.constant 0 : i32
    %dma_start3A_42 = arith.constant 0 : i32
    %dma_start3A_43 = tpu.memref_slice %arg3[%dma_start3A_41, %dma_start3A_42] : memref<100000x128xf32, #tpu.memory_space<hbm>> -> memref<100000x128xf32, #tpu.memory_space<hbm>>
    tpu.enqueue_indirect_dma source(%dma_start3A_43 : memref<100000x128xf32, #tpu.memory_space<hbm>>) target(%arg8 : memref<96x128xf32, #tpu.memory_space<vmem>>) offsets(%dma_start3A_40 : memref<96xi32, #tpu.memory_space<vmem>>) semaphore(%arg17 : memref<!tpu.dma_semaphore, #tpu.memory_space<semaphore_mem>>)
    %dma_start3A_44 = arith.constant 1 : i32
    %dma_start3A_45 = arith.constant 0 : i32
    %dma_start3A_46 = tpu.memref_slice %arg5[%dma_start3A_44, %dma_start3A_45] : memref<4x200xi32, #tpu.memory_space<vmem>> -> memref<1x200xi32, #tpu.memory_space<vmem>>
    %dma_start3A_47 = tpu.memref_squeeze %dma_start3A_46 : memref<1x200xi32, #tpu.memory_space<vmem>> -> memref<200xi32, #tpu.memory_space<vmem>>
    %dma_start3A_48 = arith.constant 96 : i32
    %dma_start3A_49 = tpu.memref_slice %dma_start3A_47[%dma_start3A_48] : memref<200xi32, #tpu.memory_space<vmem>> -> memref<104xi32, #tpu.memory_space<vmem>>
    %dma_start3A_50 = arith.constant 0 : i32
    %dma_start3A_51 = arith.constant 0 : i32
    %dma_start3A_52 = tpu.memref_slice %arg3[%dma_start3A_50, %dma_start3A_51] : memref<100000x128xf32, #tpu.memory_space<hbm>> -> memref<100000x128xf32, #tpu.memory_space<hbm>>
    tpu.enqueue_indirect_dma source(%dma_start3A_52 : memref<100000x128xf32, #tpu.memory_space<hbm>>) target(%arg9 : memref<104x128xf32, #tpu.memory_space<vmem>>) offsets(%dma_start3A_49 : memref<104xi32, #tpu.memory_space<vmem>>) semaphore(%arg18 : memref<!tpu.dma_semaphore, #tpu.memory_space<semaphore_mem>>)
    %add3A_53 = arith.constant 2 : i32
    %add3A_54 = arith.addi %mul3A_14, %add3A_53 : i32
    %dma_start3A_55 = arith.constant 2 : i32
    %dma_start3A_56 = arith.constant 0 : i32
    %dma_start3A_57 = tpu.memref_slice %arg5[%dma_start3A_55, %dma_start3A_56] : memref<4x200xi32, #tpu.memory_space<vmem>> -> memref<1x200xi32, #tpu.memory_space<vmem>>
    %dma_start3A_58 = tpu.memref_squeeze %dma_start3A_57 : memref<1x200xi32, #tpu.memory_space<vmem>> -> memref<200xi32, #tpu.memory_space<vmem>>
    %dma_start3A_59 = arith.constant 0 : i32
    %dma_start3A_60 = tpu.memref_slice %arg2[%add3A_54, %dma_start3A_59] : memref<4096x200xi32, #tpu.memory_space<hbm>> -> memref<1x200xi32, #tpu.memory_space<hbm>>
    %dma_start3A_61 = tpu.memref_squeeze %dma_start3A_60 : memref<1x200xi32, #tpu.memory_space<hbm>> -> memref<200xi32, #tpu.memory_space<hbm>>
    %dma_start3A_62 = arith.constant 0 : i32
    %dma_start3A_63 = tpu.memref_slice %arg5[%dma_start3A_55, %dma_start3A_62] : memref<4x200xi32, #tpu.memory_space<vmem>> -> memref<1x200xi32, #tpu.memory_space<vmem>>
    %dma_start3A_64 = tpu.memref_squeeze %dma_start3A_63 : memref<1x200xi32, #tpu.memory_space<vmem>> -> memref<200xi32, #tpu.memory_space<vmem>>
    %dma_start3A_65 = arith.constant 0 : i32
    %dma_start3A_66 = tpu.memref_slice %arg2[%add3A_54, %dma_start3A_65] : memref<4096x200xi32, #tpu.memory_space<hbm>> -> memref<1x200xi32, #tpu.memory_space<hbm>>
    %dma_start3A_67 = tpu.memref_squeeze %dma_start3A_66 : memref<1x200xi32, #tpu.memory_space<hbm>> -> memref<200xi32, #tpu.memory_space<hbm>>
    tpu.enqueue_dma source(%dma_start3A_67 : memref<200xi32, #tpu.memory_space<hbm>>) target(%dma_start3A_64 : memref<200xi32, #tpu.memory_space<vmem>>) target_semaphore(%arg13 : memref<!tpu.dma_semaphore, #tpu.memory_space<semaphore_mem>>)
    %add3A_68 = arith.constant 3 : i32
    %add3A_69 = arith.addi %mul3A_14, %add3A_68 : i32
    %dma_start3A_70 = arith.constant 3 : i32
    %dma_start3A_71 = arith.constant 0 : i32
    %dma_start3A_72 = tpu.memref_slice %arg5[%dma_start3A_70, %dma_start3A_71] : memref<4x200xi32, #tpu.memory_space<vmem>> -> memref<1x200xi32, #tpu.memory_space<vmem>>
    %dma_start3A_73 = tpu.memref_squeeze %dma_start3A_72 : memref<1x200xi32, #tpu.memory_space<vmem>> -> memref<200xi32, #tpu.memory_space<vmem>>
    %dma_start3A_74 = arith.constant 0 : i32
    %dma_start3A_75 = tpu.memref_slice %arg2[%add3A_69, %dma_start3A_74] : memref<4096x200xi32, #tpu.memory_space<hbm>> -> memref<1x200xi32, #tpu.memory_space<hbm>>
    %dma_start3A_76 = tpu.memref_squeeze %dma_start3A_75 : memref<1x200xi32, #tpu.memory_space<hbm>> -> memref<200xi32, #tpu.memory_space<hbm>>
    %dma_start3A_77 = arith.constant 0 : i32
    %dma_start3A_78 = tpu.memref_slice %arg5[%dma_start3A_70, %dma_start3A_77] : memref<4x200xi32, #tpu.memory_space<vmem>> -> memref<1x200xi32, #tpu.memory_space<vmem>>
    %dma_start3A_79 = tpu.memref_squeeze %dma_start3A_78 : memref<1x200xi32, #tpu.memory_space<vmem>> -> memref<200xi32, #tpu.memory_space<vmem>>
    %dma_start3A_80 = arith.constant 0 : i32
    %dma_start3A_81 = tpu.memref_slice %arg2[%add3A_69, %dma_start3A_80] : memref<4096x200xi32, #tpu.memory_space<hbm>> -> memref<1x200xi32, #tpu.memory_space<hbm>>
    %dma_start3A_82 = tpu.memref_squeeze %dma_start3A_81 : memref<1x200xi32, #tpu.memory_space<hbm>> -> memref<200xi32, #tpu.memory_space<hbm>>
    tpu.enqueue_dma source(%dma_start3A_82 : memref<200xi32, #tpu.memory_space<hbm>>) target(%dma_start3A_79 : memref<200xi32, #tpu.memory_space<vmem>>) target_semaphore(%arg14 : memref<!tpu.dma_semaphore, #tpu.memory_space<semaphore_mem>>)
    %scan3A = arith.constant 0 : i32
    %scan3A_83 = arith.constant 0 : i32
    %scan3A_84 = arith.constant 32 : i32
    %scan3A_85 = arith.addi %scan3A_83, %scan3A_84 : i32
    %scan3A_86 = arith.constant 1 : i32
    %scan3A_87 = scf.for %scan3A_142 = %scan3A_83 to %scan3A_85 step %scan3A_86 iter_args(%scan3A_143 = %scan3A) -> (i32)  : i32 {
      %mul3A_144 = arith.constant 4 : i32
      %mul3A_145 = arith.muli %mul3A_144, %scan3A_142 : i32
      %add3A_146 = arith.constant 0 : i32
      %add3A_147 = arith.addi %mul3A_145, %add3A_146 : i32
      %mul3A_148 = arith.constant 128 : i32
      %mul3A_149 = arith.muli %add3A, %mul3A_148 : i32
      %add3A_150 = arith.addi %mul3A_149, %add3A_147 : i32
      %ge3A = arith.constant 2 : i32
      %ge3A_151 = arith.cmpi sge, %add3A_147, %ge3A : i32
      %convert_element_type3A = arith.extui %ge3A_151 : i1 to i32
      %cond3A = arith.constant 0 : i32
      %cond3A_152 = arith.constant 0 : i32
      %cond3A_153 = arith.cmpi ne, %convert_element_type3A, %cond3A_152 : i32
      scf.if %cond3A_153 {
        %sub3A = arith.constant 2 : i32
        %sub3A_416 = arith.subi %add3A_150, %sub3A : i32
        %dma_wait3A_417 = arith.constant 0 : i32
        %dma_wait3A_418 = arith.constant 0 : i32
        %dma_wait3A_419 = tpu.memref_slice %arg10[%cond3A, %dma_wait3A_417, %dma_wait3A_418] : memref<2x64x401xf32, #tpu.memory_space<vmem>> -> memref<1x64x401xf32, #tpu.memory_space<vmem>>
        %dma_wait3A_420 = tpu.memref_squeeze %dma_wait3A_419 : memref<1x64x401xf32, #tpu.memory_space<vmem>> -> memref<64x401xf32, #tpu.memory_space<vmem>>
        %dma_wait3A_421 = arith.constant 0 : i32
        %dma_wait3A_422 = arith.constant 0 : i32
        %dma_wait3A_423 = tpu.memref_slice %dma_wait3A_420[%dma_wait3A_421, %dma_wait3A_422] : memref<64x401xf32, #tpu.memory_space<vmem>> -> memref<64x400xf32, #tpu.memory_space<vmem>>
        %dma_wait3A_424 = arith.constant 0 : i32
        %dma_wait3A_425 = arith.constant 0 : i32
        %dma_wait3A_426 = tpu.memref_slice %arg4[%sub3A_416, %dma_wait3A_424, %dma_wait3A_425] : memref<4096x64x400xf32, #tpu.memory_space<hbm>> -> memref<1x64x400xf32, #tpu.memory_space<hbm>>
        %dma_wait3A_427 = tpu.memref_squeeze %dma_wait3A_426 : memref<1x64x400xf32, #tpu.memory_space<hbm>> -> memref<64x400xf32, #tpu.memory_space<hbm>>
        %dma_wait3A_428 = arith.constant 0 : i32
        %dma_wait3A_429 = arith.constant 0 : i32
        %dma_wait3A_430 = tpu.memref_slice %arg4[%sub3A_416, %dma_wait3A_428, %dma_wait3A_429] : memref<4096x64x400xf32, #tpu.memory_space<hbm>> -> memref<1x64x400xf32, #tpu.memory_space<hbm>>
        %dma_wait3A_431 = tpu.memref_squeeze %dma_wait3A_430 : memref<1x64x400xf32, #tpu.memory_space<hbm>> -> memref<64x400xf32, #tpu.memory_space<hbm>>
        %dma_wait3A_432 = arith.constant 0 : i32
        %dma_wait3A_433 = arith.constant 0 : i32
        %dma_wait3A_434 = tpu.memref_slice %arg10[%cond3A, %dma_wait3A_432, %dma_wait3A_433] : memref<2x64x401xf32, #tpu.memory_space<vmem>> -> memref<1x64x401xf32, #tpu.memory_space<vmem>>
        %dma_wait3A_435 = tpu.memref_squeeze %dma_wait3A_434 : memref<1x64x401xf32, #tpu.memory_space<vmem>> -> memref<64x401xf32, #tpu.memory_space<vmem>>
        %dma_wait3A_436 = arith.constant 0 : i32
        %dma_wait3A_437 = arith.constant 0 : i32
        %dma_wait3A_438 = tpu.memref_slice %dma_wait3A_435[%dma_wait3A_436, %dma_wait3A_437] : memref<64x401xf32, #tpu.memory_space<vmem>> -> memref<64x400xf32, #tpu.memory_space<vmem>>
        tpu.wait_dma2 semaphore(%arg19 : memref<!tpu.dma_semaphore, #tpu.memory_space<semaphore_mem>>) src(%dma_wait3A_438 : memref<64x400xf32, #tpu.memory_space<vmem>>) dst(%dma_wait3A_431 : memref<64x400xf32, #tpu.memory_space<hbm>>)
      } else {
      }
      %dma_wait3A_154 = arith.constant 0 : i32
      %dma_wait3A_155 = arith.constant 0 : i32
      %dma_wait3A_156 = tpu.memref_slice %arg5[%dma_wait3A_154, %dma_wait3A_155] : memref<4x200xi32, #tpu.memory_space<vmem>> -> memref<1x200xi32, #tpu.memory_space<vmem>>
      %dma_wait3A_157 = tpu.memref_squeeze %dma_wait3A_156 : memref<1x200xi32, #tpu.memory_space<vmem>> -> memref<200xi32, #tpu.memory_space<vmem>>
      %dma_wait3A_158 = arith.constant 0 : i32
      %dma_wait3A_159 = tpu.memref_slice %dma_wait3A_157[%dma_wait3A_158] : memref<200xi32, #tpu.memory_space<vmem>> -> memref<96xi32, #tpu.memory_space<vmem>>
      %dma_wait3A_160 = arith.constant 0 : i32
      %dma_wait3A_161 = arith.constant 0 : i32
      %dma_wait3A_162 = tpu.memref_slice %arg3[%dma_wait3A_160, %dma_wait3A_161] : memref<100000x128xf32, #tpu.memory_space<hbm>> -> memref<100000x128xf32, #tpu.memory_space<hbm>>
      tpu.wait_indirect_dma semaphore(%arg15 : memref<!tpu.dma_semaphore, #tpu.memory_space<semaphore_mem>>) src(%dma_wait3A_162 : memref<100000x128xf32, #tpu.memory_space<hbm>>) dst(%arg6 : memref<96x128xf32, #tpu.memory_space<vmem>>)
      %parallel_loop3A = arith.constant 0 : i32
      %parallel_loop3A_163 = arith.constant 96 : i32
      %parallel_loop3A_164 = arith.constant 1 : i32
      %parallel_loop3A_165 = arith.constant 0 : i32
      scf.for %parallel_loop3A_416 = %parallel_loop3A to %parallel_loop3A_163 step %parallel_loop3A_164  : i32 {
        %parallel_loop3A_417 = arith.constant 2 : i32
        %parallel_loop3A_418 = arith.muli %parallel_loop3A_417, %parallel_loop3A_416 : i32
        %parallel_loop3A_419 = arith.constant 0 : i32
        %parallel_loop3A_420 = arith.addi %parallel_loop3A_419, %parallel_loop3A_418 : i32
        %parallel_loop3A_421 = arith.constant 0 : i32
        %parallel_loop3A_422 = arith.addi %parallel_loop3A_420, %parallel_loop3A_421 : i32
        %parallel_loop3A_423 = vector.broadcast %parallel_loop3A_422 : i32 to vector<16xi32>
        %parallel_loop3A_424 = arith.index_cast %parallel_loop3A_416 : i32 to index
        %parallel_loop3A_425 = arith.constant 0 : index
        %parallel_loop3A_426 = tpu.vector_load %arg6[%parallel_loop3A_424, %parallel_loop3A_425] {strides = array<i32>} : memref<96x128xf32, #tpu.memory_space<vmem>>, vector<16xf32>,
        %parallel_loop3A_427 = arith.constant 0 : i32
        %parallel_loop3A_428 = arith.constant 0 : i32
        %parallel_loop3A_429 = tpu.memref_slice %arg10[%parallel_loop3A_165, %parallel_loop3A_427, %parallel_loop3A_428] : memref<2x64x401xf32, #tpu.memory_space<vmem>> -> memref<1x64x401xf32, #tpu.memory_space<vmem>>
        %parallel_loop3A_430 = tpu.memref_squeeze %parallel_loop3A_429 : memref<1x64x401xf32, #tpu.memory_space<vmem>> -> memref<64x401xf32, #tpu.memory_space<vmem>>
        tpu.vector_store_idx %parallel_loop3A_430[%add3A_3, %parallel_loop3A_423], %parallel_loop3A_426 : memref<64x401xf32, #tpu.memory_space<vmem>>[vector<16xi32>, vector<16xi32>], vector<16xf32>,
        %parallel_loop3A_431 = arith.index_cast %parallel_loop3A_416 : i32 to index
        %parallel_loop3A_432 = arith.constant 16 : index
        %parallel_loop3A_433 = tpu.vector_load %arg6[%parallel_loop3A_431, %parallel_loop3A_432] {strides = array<i32>} : memref<96x128xf32, #tpu.memory_space<vmem>>, vector<16xf32>,
        %parallel_loop3A_434 = arith.constant 0 : i32
        %parallel_loop3A_435 = arith.constant 0 : i32
        %parallel_loop3A_436 = tpu.memref_slice %arg10[%parallel_loop3A_165, %parallel_loop3A_434, %parallel_loop3A_435] : memref<2x64x401xf32, #tpu.memory_space<vmem>> -> memref<1x64x401xf32, #tpu.memory_space<vmem>>
        %parallel_loop3A_437 = tpu.memref_squeeze %parallel_loop3A_436 : memref<1x64x401xf32, #tpu.memory_space<vmem>> -> memref<64x401xf32, #tpu.memory_space<vmem>>
        tpu.vector_store_idx %parallel_loop3A_437[%add3A_6, %parallel_loop3A_423], %parallel_loop3A_433 : memref<64x401xf32, #tpu.memory_space<vmem>>[vector<16xi32>, vector<16xi32>], vector<16xf32>,
        %parallel_loop3A_438 = arith.index_cast %parallel_loop3A_416 : i32 to index
        %parallel_loop3A_439 = arith.constant 32 : index
        %parallel_loop3A_440 = tpu.vector_load %arg6[%parallel_loop3A_438, %parallel_loop3A_439] {strides = array<i32>} : memref<96x128xf32, #tpu.memory_space<vmem>>, vector<16xf32>,
        %parallel_loop3A_441 = arith.constant 0 : i32
        %parallel_loop3A_442 = arith.constant 0 : i32
        %parallel_loop3A_443 = tpu.memref_slice %arg10[%parallel_loop3A_165, %parallel_loop3A_441, %parallel_loop3A_442] : memref<2x64x401xf32, #tpu.memory_space<vmem>> -> memref<1x64x401xf32, #tpu.memory_space<vmem>>
        %parallel_loop3A_444 = tpu.memref_squeeze %parallel_loop3A_443 : memref<1x64x401xf32, #tpu.memory_space<vmem>> -> memref<64x401xf32, #tpu.memory_space<vmem>>
        tpu.vector_store_idx %parallel_loop3A_444[%add3A_9, %parallel_loop3A_423], %parallel_loop3A_440 : memref<64x401xf32, #tpu.memory_space<vmem>>[vector<16xi32>, vector<16xi32>], vector<16xf32>,
        %parallel_loop3A_445 = arith.index_cast %parallel_loop3A_416 : i32 to index
        %parallel_loop3A_446 = arith.constant 48 : index
        %parallel_loop3A_447 = tpu.vector_load %arg6[%parallel_loop3A_445, %parallel_loop3A_446] {strides = array<i32>} : memref<96x128xf32, #tpu.memory_space<vmem>>, vector<16xf32>,
        %parallel_loop3A_448 = arith.constant 0 : i32
        %parallel_loop3A_449 = arith.constant 0 : i32
        %parallel_loop3A_450 = tpu.memref_slice %arg10[%parallel_loop3A_165, %parallel_loop3A_448, %parallel_loop3A_449] : memref<2x64x401xf32, #tpu.memory_space<vmem>> -> memref<1x64x401xf32, #tpu.memory_space<vmem>>
        %parallel_loop3A_451 = tpu.memref_squeeze %parallel_loop3A_450 : memref<1x64x401xf32, #tpu.memory_space<vmem>> -> memref<64x401xf32, #tpu.memory_space<vmem>>
        tpu.vector_store_idx %parallel_loop3A_451[%add3A_12, %parallel_loop3A_423], %parallel_loop3A_447 : memref<64x401xf32, #tpu.memory_space<vmem>>[vector<16xi32>, vector<16xi32>], vector<16xf32>,
        %parallel_loop3A_452 = arith.constant 2 : i32
        %parallel_loop3A_453 = arith.muli %parallel_loop3A_452, %parallel_loop3A_416 : i32
        %parallel_loop3A_454 = arith.constant 0 : i32
        %parallel_loop3A_455 = arith.addi %parallel_loop3A_454, %parallel_loop3A_453 : i32
        %parallel_loop3A_456 = arith.constant 1 : i32
        %parallel_loop3A_457 = arith.addi %parallel_loop3A_455, %parallel_loop3A_456 : i32
        %parallel_loop3A_458 = vector.broadcast %parallel_loop3A_457 : i32 to vector<16xi32>
        %parallel_loop3A_459 = arith.index_cast %parallel_loop3A_416 : i32 to index
        %parallel_loop3A_460 = arith.constant 64 : index
        %parallel_loop3A_461 = tpu.vector_load %arg6[%parallel_loop3A_459, %parallel_loop3A_460] {strides = array<i32>} : memref<96x128xf32, #tpu.memory_space<vmem>>, vector<16xf32>,
        %parallel_loop3A_462 = arith.constant 0 : i32
        %parallel_loop3A_463 = arith.constant 0 : i32
        %parallel_loop3A_464 = tpu.memref_slice %arg10[%parallel_loop3A_165, %parallel_loop3A_462, %parallel_loop3A_463] : memref<2x64x401xf32, #tpu.memory_space<vmem>> -> memref<1x64x401xf32, #tpu.memory_space<vmem>>
        %parallel_loop3A_465 = tpu.memref_squeeze %parallel_loop3A_464 : memref<1x64x401xf32, #tpu.memory_space<vmem>> -> memref<64x401xf32, #tpu.memory_space<vmem>>
        tpu.vector_store_idx %parallel_loop3A_465[%add3A_3, %parallel_loop3A_458], %parallel_loop3A_461 : memref<64x401xf32, #tpu.memory_space<vmem>>[vector<16xi32>, vector<16xi32>], vector<16xf32>,
        %parallel_loop3A_466 = arith.index_cast %parallel_loop3A_416 : i32 to index
        %parallel_loop3A_467 = arith.constant 80 : index
        %parallel_loop3A_468 = tpu.vector_load %arg6[%parallel_loop3A_466, %parallel_loop3A_467] {strides = array<i32>} : memref<96x128xf32, #tpu.memory_space<vmem>>, vector<16xf32>,
        %parallel_loop3A_469 = arith.constant 0 : i32
        %parallel_loop3A_470 = arith.constant 0 : i32
        %parallel_loop3A_471 = tpu.memref_slice %arg10[%parallel_loop3A_165, %parallel_loop3A_469, %parallel_loop3A_470] : memref<2x64x401xf32, #tpu.memory_space<vmem>> -> memref<1x64x401xf32, #tpu.memory_space<vmem>>
        %parallel_loop3A_472 = tpu.memref_squeeze %parallel_loop3A_471 : memref<1x64x401xf32, #tpu.memory_space<vmem>> -> memref<64x401xf32, #tpu.memory_space<vmem>>
        tpu.vector_store_idx %parallel_loop3A_472[%add3A_6, %parallel_loop3A_458], %parallel_loop3A_468 : memref<64x401xf32, #tpu.memory_space<vmem>>[vector<16xi32>, vector<16xi32>], vector<16xf32>,
        %parallel_loop3A_473 = arith.index_cast %parallel_loop3A_416 : i32 to index
        %parallel_loop3A_474 = arith.constant 96 : index
        %parallel_loop3A_475 = tpu.vector_load %arg6[%parallel_loop3A_473, %parallel_loop3A_474] {strides = array<i32>} : memref<96x128xf32, #tpu.memory_space<vmem>>, vector<16xf32>,
        %parallel_loop3A_476 = arith.constant 0 : i32
        %parallel_loop3A_477 = arith.constant 0 : i32
        %parallel_loop3A_478 = tpu.memref_slice %arg10[%parallel_loop3A_165, %parallel_loop3A_476, %parallel_loop3A_477] : memref<2x64x401xf32, #tpu.memory_space<vmem>> -> memref<1x64x401xf32, #tpu.memory_space<vmem>>
        %parallel_loop3A_479 = tpu.memref_squeeze %parallel_loop3A_478 : memref<1x64x401xf32, #tpu.memory_space<vmem>> -> memref<64x401xf32, #tpu.memory_space<vmem>>
        tpu.vector_store_idx %parallel_loop3A_479[%add3A_9, %parallel_loop3A_458], %parallel_loop3A_475 : memref<64x401xf32, #tpu.memory_space<vmem>>[vector<16xi32>, vector<16xi32>], vector<16xf32>,
        %parallel_loop3A_480 = arith.index_cast %parallel_loop3A_416 : i32 to index
        %parallel_loop3A_481 = arith.constant 112 : index
        %parallel_loop3A_482 = tpu.vector_load %arg6[%parallel_loop3A_480, %parallel_loop3A_481] {strides = array<i32>} : memref<96x128xf32, #tpu.memory_space<vmem>>, vector<16xf32>,
        %parallel_loop3A_483 = arith.constant 0 : i32
        %parallel_loop3A_484 = arith.constant 0 : i32
        %parallel_loop3A_485 = tpu.memref_slice %arg10[%parallel_loop3A_165, %parallel_loop3A_483, %parallel_loop3A_484] : memref<2x64x401xf32, #tpu.memory_space<vmem>> -> memref<1x64x401xf32, #tpu.memory_space<vmem>>
        %parallel_loop3A_486 = tpu.memref_squeeze %parallel_loop3A_485 : memref<1x64x401xf32, #tpu.memory_space<vmem>> -> memref<64x401xf32, #tpu.memory_space<vmem>>
        tpu.vector_store_idx %parallel_loop3A_486[%add3A_12, %parallel_loop3A_458], %parallel_loop3A_482 : memref<64x401xf32, #tpu.memory_space<vmem>>[vector<16xi32>, vector<16xi32>], vector<16xf32>,
      } {sc.loop_unroll_factor = 4 : i64, sc.parallel_access}
      %dma_wait3A_166 = arith.constant 0 : i32
      %dma_wait3A_167 = arith.constant 0 : i32
      %dma_wait3A_168 = tpu.memref_slice %arg5[%dma_wait3A_166, %dma_wait3A_167] : memref<4x200xi32, #tpu.memory_space<vmem>> -> memref<1x200xi32, #tpu.memory_space<vmem>>
      %dma_wait3A_169 = tpu.memref_squeeze %dma_wait3A_168 : memref<1x200xi32, #tpu.memory_space<vmem>> -> memref<200xi32, #tpu.memory_space<vmem>>
      %dma_wait3A_170 = arith.constant 96 : i32
      %dma_wait3A_171 = tpu.memref_slice %dma_wait3A_169[%dma_wait3A_170] : memref<200xi32, #tpu.memory_space<vmem>> -> memref<104xi32, #tpu.memory_space<vmem>>
      %dma_wait3A_172 = arith.constant 0 : i32
      %dma_wait3A_173 = arith.constant 0 : i32
      %dma_wait3A_174 = tpu.memref_slice %arg3[%dma_wait3A_172, %dma_wait3A_173] : memref<100000x128xf32, #tpu.memory_space<hbm>> -> memref<100000x128xf32, #tpu.memory_space<hbm>>
      tpu.wait_indirect_dma semaphore(%arg16 : memref<!tpu.dma_semaphore, #tpu.memory_space<semaphore_mem>>) src(%dma_wait3A_174 : memref<100000x128xf32, #tpu.memory_space<hbm>>) dst(%arg7 : memref<104x128xf32, #tpu.memory_space<vmem>>)
      %parallel_loop3A_175 = arith.constant 0 : i32
      %parallel_loop3A_176 = arith.constant 104 : i32
      %parallel_loop3A_177 = arith.constant 1 : i32
      %parallel_loop3A_178 = arith.constant 0 : i32
      scf.for %parallel_loop3A_416 = %parallel_loop3A_175 to %parallel_loop3A_176 step %parallel_loop3A_177  : i32 {
        %parallel_loop3A_417 = arith.constant 2 : i32
        %parallel_loop3A_418 = arith.muli %parallel_loop3A_417, %parallel_loop3A_416 : i32
        %parallel_loop3A_419 = arith.constant 192 : i32
        %parallel_loop3A_420 = arith.addi %parallel_loop3A_419, %parallel_loop3A_418 : i32
        %parallel_loop3A_421 = arith.constant 0 : i32
        %parallel_loop3A_422 = arith.addi %parallel_loop3A_420, %parallel_loop3A_421 : i32
        %parallel_loop3A_423 = vector.broadcast %parallel_loop3A_422 : i32 to vector<16xi32>
        %parallel_loop3A_424 = arith.index_cast %parallel_loop3A_416 : i32 to index
        %parallel_loop3A_425 = arith.constant 0 : index
        %parallel_loop3A_426 = tpu.vector_load %arg7[%parallel_loop3A_424, %parallel_loop3A_425] {strides = array<i32>} : memref<104x128xf32, #tpu.memory_space<vmem>>, vector<16xf32>,
        %parallel_loop3A_427 = arith.constant 0 : i32
        %parallel_loop3A_428 = arith.constant 0 : i32
        %parallel_loop3A_429 = tpu.memref_slice %arg10[%parallel_loop3A_178, %parallel_loop3A_427, %parallel_loop3A_428] : memref<2x64x401xf32, #tpu.memory_space<vmem>> -> memref<1x64x401xf32, #tpu.memory_space<vmem>>
        %parallel_loop3A_430 = tpu.memref_squeeze %parallel_loop3A_429 : memref<1x64x401xf32, #tpu.memory_space<vmem>> -> memref<64x401xf32, #tpu.memory_space<vmem>>
        tpu.vector_store_idx %parallel_loop3A_430[%add3A_3, %parallel_loop3A_423], %parallel_loop3A_426 : memref<64x401xf32, #tpu.memory_space<vmem>>[vector<16xi32>, vector<16xi32>], vector<16xf32>,
        %parallel_loop3A_431 = arith.index_cast %parallel_loop3A_416 : i32 to index
        %parallel_loop3A_432 = arith.constant 16 : index
        %parallel_loop3A_433 = tpu.vector_load %arg7[%parallel_loop3A_431, %parallel_loop3A_432] {strides = array<i32>} : memref<104x128xf32, #tpu.memory_space<vmem>>, vector<16xf32>,
        %parallel_loop3A_434 = arith.constant 0 : i32
        %parallel_loop3A_435 = arith.constant 0 : i32
        %parallel_loop3A_436 = tpu.memref_slice %arg10[%parallel_loop3A_178, %parallel_loop3A_434, %parallel_loop3A_435] : memref<2x64x401xf32, #tpu.memory_space<vmem>> -> memref<1x64x401xf32, #tpu.memory_space<vmem>>
        %parallel_loop3A_437 = tpu.memref_squeeze %parallel_loop3A_436 : memref<1x64x401xf32, #tpu.memory_space<vmem>> -> memref<64x401xf32, #tpu.memory_space<vmem>>
        tpu.vector_store_idx %parallel_loop3A_437[%add3A_6, %parallel_loop3A_423], %parallel_loop3A_433 : memref<64x401xf32, #tpu.memory_space<vmem>>[vector<16xi32>, vector<16xi32>], vector<16xf32>,
        %parallel_loop3A_438 = arith.index_cast %parallel_loop3A_416 : i32 to index
        %parallel_loop3A_439 = arith.constant 32 : index
        %parallel_loop3A_440 = tpu.vector_load %arg7[%parallel_loop3A_438, %parallel_loop3A_439] {strides = array<i32>} : memref<104x128xf32, #tpu.memory_space<vmem>>, vector<16xf32>,
        %parallel_loop3A_441 = arith.constant 0 : i32
        %parallel_loop3A_442 = arith.constant 0 : i32
        %parallel_loop3A_443 = tpu.memref_slice %arg10[%parallel_loop3A_178, %parallel_loop3A_441, %parallel_loop3A_442] : memref<2x64x401xf32, #tpu.memory_space<vmem>> -> memref<1x64x401xf32, #tpu.memory_space<vmem>>
        %parallel_loop3A_444 = tpu.memref_squeeze %parallel_loop3A_443 : memref<1x64x401xf32, #tpu.memory_space<vmem>> -> memref<64x401xf32, #tpu.memory_space<vmem>>
        tpu.vector_store_idx %parallel_loop3A_444[%add3A_9, %parallel_loop3A_423], %parallel_loop3A_440 : memref<64x401xf32, #tpu.memory_space<vmem>>[vector<16xi32>, vector<16xi32>], vector<16xf32>,
        %parallel_loop3A_445 = arith.index_cast %parallel_loop3A_416 : i32 to index
        %parallel_loop3A_446 = arith.constant 48 : index
        %parallel_loop3A_447 = tpu.vector_load %arg7[%parallel_loop3A_445, %parallel_loop3A_446] {strides = array<i32>} : memref<104x128xf32, #tpu.memory_space<vmem>>, vector<16xf32>,
        %parallel_loop3A_448 = arith.constant 0 : i32
        %parallel_loop3A_449 = arith.constant 0 : i32
        %parallel_loop3A_450 = tpu.memref_slice %arg10[%parallel_loop3A_178, %parallel_loop3A_448, %parallel_loop3A_449] : memref<2x64x401xf32, #tpu.memory_space<vmem>> -> memref<1x64x401xf32, #tpu.memory_space<vmem>>
        %parallel_loop3A_451 = tpu.memref_squeeze %parallel_loop3A_450 : memref<1x64x401xf32, #tpu.memory_space<vmem>> -> memref<64x401xf32, #tpu.memory_space<vmem>>
        tpu.vector_store_idx %parallel_loop3A_451[%add3A_12, %parallel_loop3A_423], %parallel_loop3A_447 : memref<64x401xf32, #tpu.memory_space<vmem>>[vector<16xi32>, vector<16xi32>], vector<16xf32>,
        %parallel_loop3A_452 = arith.constant 2 : i32
        %parallel_loop3A_453 = arith.muli %parallel_loop3A_452, %parallel_loop3A_416 : i32
        %parallel_loop3A_454 = arith.constant 192 : i32
        %parallel_loop3A_455 = arith.addi %parallel_loop3A_454, %parallel_loop3A_453 : i32
        %parallel_loop3A_456 = arith.constant 1 : i32
        %parallel_loop3A_457 = arith.addi %parallel_loop3A_455, %parallel_loop3A_456 : i32
        %parallel_loop3A_458 = vector.broadcast %parallel_loop3A_457 : i32 to vector<16xi32>
        %parallel_loop3A_459 = arith.index_cast %parallel_loop3A_416 : i32 to index
        %parallel_loop3A_460 = arith.constant 64 : index
        %parallel_loop3A_461 = tpu.vector_load %arg7[%parallel_loop3A_459, %parallel_loop3A_460] {strides = array<i32>} : memref<104x128xf32, #tpu.memory_space<vmem>>, vector<16xf32>,
        %parallel_loop3A_462 = arith.constant 0 : i32
        %parallel_loop3A_463 = arith.constant 0 : i32
        %parallel_loop3A_464 = tpu.memref_slice %arg10[%parallel_loop3A_178, %parallel_loop3A_462, %parallel_loop3A_463] : memref<2x64x401xf32, #tpu.memory_space<vmem>> -> memref<1x64x401xf32, #tpu.memory_space<vmem>>
        %parallel_loop3A_465 = tpu.memref_squeeze %parallel_loop3A_464 : memref<1x64x401xf32, #tpu.memory_space<vmem>> -> memref<64x401xf32, #tpu.memory_space<vmem>>
        tpu.vector_store_idx %parallel_loop3A_465[%add3A_3, %parallel_loop3A_458], %parallel_loop3A_461 : memref<64x401xf32, #tpu.memory_space<vmem>>[vector<16xi32>, vector<16xi32>], vector<16xf32>,
        %parallel_loop3A_466 = arith.index_cast %parallel_loop3A_416 : i32 to index
        %parallel_loop3A_467 = arith.constant 80 : index
        %parallel_loop3A_468 = tpu.vector_load %arg7[%parallel_loop3A_466, %parallel_loop3A_467] {strides = array<i32>} : memref<104x128xf32, #tpu.memory_space<vmem>>, vector<16xf32>,
        %parallel_loop3A_469 = arith.constant 0 : i32
        %parallel_loop3A_470 = arith.constant 0 : i32
        %parallel_loop3A_471 = tpu.memref_slice %arg10[%parallel_loop3A_178, %parallel_loop3A_469, %parallel_loop3A_470] : memref<2x64x401xf32, #tpu.memory_space<vmem>> -> memref<1x64x401xf32, #tpu.memory_space<vmem>>
        %parallel_loop3A_472 = tpu.memref_squeeze %parallel_loop3A_471 : memref<1x64x401xf32, #tpu.memory_space<vmem>> -> memref<64x401xf32, #tpu.memory_space<vmem>>
        tpu.vector_store_idx %parallel_loop3A_472[%add3A_6, %parallel_loop3A_458], %parallel_loop3A_468 : memref<64x401xf32, #tpu.memory_space<vmem>>[vector<16xi32>, vector<16xi32>], vector<16xf32>,
        %parallel_loop3A_473 = arith.index_cast %parallel_loop3A_416 : i32 to index
        %parallel_loop3A_474 = arith.constant 96 : index
        %parallel_loop3A_475 = tpu.vector_load %arg7[%parallel_loop3A_473, %parallel_loop3A_474] {strides = array<i32>} : memref<104x128xf32, #tpu.memory_space<vmem>>, vector<16xf32>,
        %parallel_loop3A_476 = arith.constant 0 : i32
        %parallel_loop3A_477 = arith.constant 0 : i32
        %parallel_loop3A_478 = tpu.memref_slice %arg10[%parallel_loop3A_178, %parallel_loop3A_476, %parallel_loop3A_477] : memref<2x64x401xf32, #tpu.memory_space<vmem>> -> memref<1x64x401xf32, #tpu.memory_space<vmem>>
        %parallel_loop3A_479 = tpu.memref_squeeze %parallel_loop3A_478 : memref<1x64x401xf32, #tpu.memory_space<vmem>> -> memref<64x401xf32, #tpu.memory_space<vmem>>
        tpu.vector_store_idx %parallel_loop3A_479[%add3A_9, %parallel_loop3A_458], %parallel_loop3A_475 : memref<64x401xf32, #tpu.memory_space<vmem>>[vector<16xi32>, vector<16xi32>], vector<16xf32>,
        %parallel_loop3A_480 = arith.index_cast %parallel_loop3A_416 : i32 to index
        %parallel_loop3A_481 = arith.constant 112 : index
        %parallel_loop3A_482 = tpu.vector_load %arg7[%parallel_loop3A_480, %parallel_loop3A_481] {strides = array<i32>} : memref<104x128xf32, #tpu.memory_space<vmem>>, vector<16xf32>,
        %parallel_loop3A_483 = arith.constant 0 : i32
        %parallel_loop3A_484 = arith.constant 0 : i32
        %parallel_loop3A_485 = tpu.memref_slice %arg10[%parallel_loop3A_178, %parallel_loop3A_483, %parallel_loop3A_484] : memref<2x64x401xf32, #tpu.memory_space<vmem>> -> memref<1x64x401xf32, #tpu.memory_space<vmem>>
        %parallel_loop3A_486 = tpu.memref_squeeze %parallel_loop3A_485 : memref<1x64x401xf32, #tpu.memory_space<vmem>> -> memref<64x401xf32, #tpu.memory_space<vmem>>
        tpu.vector_store_idx %parallel_loop3A_486[%add3A_12, %parallel_loop3A_458], %parallel_loop3A_482 : memref<64x401xf32, #tpu.memory_space<vmem>>[vector<16xi32>, vector<16xi32>], vector<16xf32>,
      } {sc.loop_unroll_factor = 4 : i64, sc.parallel_access}
      %add3A_179 = arith.constant 2 : i32
      %add3A_180 = arith.addi %add3A_147, %add3A_179 : i32
      %lt3A = arith.constant 128 : i32
      %lt3A_181 = arith.cmpi slt, %add3A_180, %lt3A : i32
      %convert_element_type3A_182 = arith.extui %lt3A_181 : i1 to i32
      %cond3A_183 = arith.constant 0 : i32
      %cond3A_184 = arith.cmpi ne, %convert_element_type3A_182, %cond3A_183 : i32
      scf.if %cond3A_184 {
        %add3A_416 = arith.constant 2 : i32
        %add3A_417 = arith.addi %add3A_150, %add3A_416 : i32
        %dma_wait3A_418 = arith.constant 2 : i32
        %dma_wait3A_419 = arith.constant 0 : i32
        %dma_wait3A_420 = tpu.memref_slice %arg5[%dma_wait3A_418, %dma_wait3A_419] : memref<4x200xi32, #tpu.memory_space<vmem>> -> memref<1x200xi32, #tpu.memory_space<vmem>>
        %dma_wait3A_421 = tpu.memref_squeeze %dma_wait3A_420 : memref<1x200xi32, #tpu.memory_space<vmem>> -> memref<200xi32, #tpu.memory_space<vmem>>
        %dma_wait3A_422 = arith.constant 0 : i32
        %dma_wait3A_423 = tpu.memref_slice %arg2[%add3A_417, %dma_wait3A_422] : memref<4096x200xi32, #tpu.memory_space<hbm>> -> memref<1x200xi32, #tpu.memory_space<hbm>>
        %dma_wait3A_424 = tpu.memref_squeeze %dma_wait3A_423 : memref<1x200xi32, #tpu.memory_space<hbm>> -> memref<200xi32, #tpu.memory_space<hbm>>
        %dma_wait3A_425 = arith.constant 0 : i32
        %dma_wait3A_426 = tpu.memref_slice %arg5[%dma_wait3A_418, %dma_wait3A_425] : memref<4x200xi32, #tpu.memory_space<vmem>> -> memref<1x200xi32, #tpu.memory_space<vmem>>
        %dma_wait3A_427 = tpu.memref_squeeze %dma_wait3A_426 : memref<1x200xi32, #tpu.memory_space<vmem>> -> memref<200xi32, #tpu.memory_space<vmem>>
        %dma_wait3A_428 = arith.constant 0 : i32
        %dma_wait3A_429 = tpu.memref_slice %arg2[%add3A_417, %dma_wait3A_428] : memref<4096x200xi32, #tpu.memory_space<hbm>> -> memref<1x200xi32, #tpu.memory_space<hbm>>
        %dma_wait3A_430 = tpu.memref_squeeze %dma_wait3A_429 : memref<1x200xi32, #tpu.memory_space<hbm>> -> memref<200xi32, #tpu.memory_space<hbm>>
        tpu.wait_dma2 semaphore(%arg13 : memref<!tpu.dma_semaphore, #tpu.memory_space<semaphore_mem>>) src(%dma_wait3A_430 : memref<200xi32, #tpu.memory_space<hbm>>) dst(%dma_wait3A_427 : memref<200xi32, #tpu.memory_space<vmem>>)
        %dma_start3A_431 = arith.constant 2 : i32
        %dma_start3A_432 = arith.constant 0 : i32
        %dma_start3A_433 = tpu.memref_slice %arg5[%dma_start3A_431, %dma_start3A_432] : memref<4x200xi32, #tpu.memory_space<vmem>> -> memref<1x200xi32, #tpu.memory_space<vmem>>
        %dma_start3A_434 = tpu.memref_squeeze %dma_start3A_433 : memref<1x200xi32, #tpu.memory_space<vmem>> -> memref<200xi32, #tpu.memory_space<vmem>>
        %dma_start3A_435 = arith.constant 0 : i32
        %dma_start3A_436 = tpu.memref_slice %dma_start3A_434[%dma_start3A_435] : memref<200xi32, #tpu.memory_space<vmem>> -> memref<96xi32, #tpu.memory_space<vmem>>
        %dma_start3A_437 = arith.constant 0 : i32
        %dma_start3A_438 = arith.constant 0 : i32
        %dma_start3A_439 = tpu.memref_slice %arg3[%dma_start3A_437, %dma_start3A_438] : memref<100000x128xf32, #tpu.memory_space<hbm>> -> memref<100000x128xf32, #tpu.memory_space<hbm>>
        tpu.enqueue_indirect_dma source(%dma_start3A_439 : memref<100000x128xf32, #tpu.memory_space<hbm>>) target(%arg6 : memref<96x128xf32, #tpu.memory_space<vmem>>) offsets(%dma_start3A_436 : memref<96xi32, #tpu.memory_space<vmem>>) semaphore(%arg15 : memref<!tpu.dma_semaphore, #tpu.memory_space<semaphore_mem>>)
        %dma_start3A_440 = arith.constant 2 : i32
        %dma_start3A_441 = arith.constant 0 : i32
        %dma_start3A_442 = tpu.memref_slice %arg5[%dma_start3A_440, %dma_start3A_441] : memref<4x200xi32, #tpu.memory_space<vmem>> -> memref<1x200xi32, #tpu.memory_space<vmem>>
        %dma_start3A_443 = tpu.memref_squeeze %dma_start3A_442 : memref<1x200xi32, #tpu.memory_space<vmem>> -> memref<200xi32, #tpu.memory_space<vmem>>
        %dma_start3A_444 = arith.constant 96 : i32
        %dma_start3A_445 = tpu.memref_slice %dma_start3A_443[%dma_start3A_444] : memref<200xi32, #tpu.memory_space<vmem>> -> memref<104xi32, #tpu.memory_space<vmem>>
        %dma_start3A_446 = arith.constant 0 : i32
        %dma_start3A_447 = arith.constant 0 : i32
        %dma_start3A_448 = tpu.memref_slice %arg3[%dma_start3A_446, %dma_start3A_447] : memref<100000x128xf32, #tpu.memory_space<hbm>> -> memref<100000x128xf32, #tpu.memory_space<hbm>>
        tpu.enqueue_indirect_dma source(%dma_start3A_448 : memref<100000x128xf32, #tpu.memory_space<hbm>>) target(%arg7 : memref<104x128xf32, #tpu.memory_space<vmem>>) offsets(%dma_start3A_445 : memref<104xi32, #tpu.memory_space<vmem>>) semaphore(%arg16 : memref<!tpu.dma_semaphore, #tpu.memory_space<semaphore_mem>>)
        %add3A_449 = arith.constant 4 : i32
        %add3A_450 = arith.addi %add3A_147, %add3A_449 : i32
        %lt3A_451 = arith.constant 128 : i32
        %lt3A_452 = arith.cmpi slt, %add3A_450, %lt3A_451 : i32
        %convert_element_type3A_453 = arith.extui %lt3A_452 : i1 to i32
        %cond3A_454 = arith.constant 0 : i32
        %cond3A_455 = arith.cmpi ne, %convert_element_type3A_453, %cond3A_454 : i32
        scf.if %cond3A_455 {
          %add3A_456 = arith.constant 4 : i32
          %add3A_457 = arith.addi %add3A_150, %add3A_456 : i32
          %dma_start3A_458 = arith.constant 0 : i32
          %dma_start3A_459 = arith.constant 0 : i32
          %dma_start3A_460 = tpu.memref_slice %arg5[%dma_start3A_458, %dma_start3A_459] : memref<4x200xi32, #tpu.memory_space<vmem>> -> memref<1x200xi32, #tpu.memory_space<vmem>>
          %dma_start3A_461 = tpu.memref_squeeze %dma_start3A_460 : memref<1x200xi32, #tpu.memory_space<vmem>> -> memref<200xi32, #tpu.memory_space<vmem>>
          %dma_start3A_462 = arith.constant 0 : i32
          %dma_start3A_463 = tpu.memref_slice %arg2[%add3A_457, %dma_start3A_462] : memref<4096x200xi32, #tpu.memory_space<hbm>> -> memref<1x200xi32, #tpu.memory_space<hbm>>
          %dma_start3A_464 = tpu.memref_squeeze %dma_start3A_463 : memref<1x200xi32, #tpu.memory_space<hbm>> -> memref<200xi32, #tpu.memory_space<hbm>>
          %dma_start3A_465 = arith.constant 0 : i32
          %dma_start3A_466 = tpu.memref_slice %arg5[%dma_start3A_458, %dma_start3A_465] : memref<4x200xi32, #tpu.memory_space<vmem>> -> memref<1x200xi32, #tpu.memory_space<vmem>>
          %dma_start3A_467 = tpu.memref_squeeze %dma_start3A_466 : memref<1x200xi32, #tpu.memory_space<vmem>> -> memref<200xi32, #tpu.memory_space<vmem>>
          %dma_start3A_468 = arith.constant 0 : i32
          %dma_start3A_469 = tpu.memref_slice %arg2[%add3A_457, %dma_start3A_468] : memref<4096x200xi32, #tpu.memory_space<hbm>> -> memref<1x200xi32, #tpu.memory_space<hbm>>
          %dma_start3A_470 = tpu.memref_squeeze %dma_start3A_469 : memref<1x200xi32, #tpu.memory_space<hbm>> -> memref<200xi32, #tpu.memory_space<hbm>>
          tpu.enqueue_dma source(%dma_start3A_470 : memref<200xi32, #tpu.memory_space<hbm>>) target(%dma_start3A_467 : memref<200xi32, #tpu.memory_space<vmem>>) target_semaphore(%arg11 : memref<!tpu.dma_semaphore, #tpu.memory_space<semaphore_mem>>)
        } else {
        }
      } else {
      }
      %dma_start3A_185 = arith.constant 0 : i32
      %dma_start3A_186 = arith.constant 0 : i32
      %dma_start3A_187 = arith.constant 0 : i32
      %dma_start3A_188 = tpu.memref_slice %arg10[%dma_start3A_185, %dma_start3A_186, %dma_start3A_187] : memref<2x64x401xf32, #tpu.memory_space<vmem>> -> memref<1x64x401xf32, #tpu.memory_space<vmem>>
      %dma_start3A_189 = tpu.memref_squeeze %dma_start3A_188 : memref<1x64x401xf32, #tpu.memory_space<vmem>> -> memref<64x401xf32, #tpu.memory_space<vmem>>
      %dma_start3A_190 = arith.constant 0 : i32
      %dma_start3A_191 = arith.constant 0 : i32
      %dma_start3A_192 = tpu.memref_slice %dma_start3A_189[%dma_start3A_190, %dma_start3A_191] : memref<64x401xf32, #tpu.memory_space<vmem>> -> memref<64x400xf32, #tpu.memory_space<vmem>>
      %dma_start3A_193 = arith.constant 0 : i32
      %dma_start3A_194 = arith.constant 0 : i32
      %dma_start3A_195 = tpu.memref_slice %arg4[%add3A_150, %dma_start3A_193, %dma_start3A_194] : memref<4096x64x400xf32, #tpu.memory_space<hbm>> -> memref<1x64x400xf32, #tpu.memory_space<hbm>>
      %dma_start3A_196 = tpu.memref_squeeze %dma_start3A_195 : memref<1x64x400xf32, #tpu.memory_space<hbm>> -> memref<64x400xf32, #tpu.memory_space<hbm>>
      %dma_start3A_197 = arith.constant 0 : i32
      %dma_start3A_198 = arith.constant 0 : i32
      %dma_start3A_199 = tpu.memref_slice %arg4[%add3A_150, %dma_start3A_197, %dma_start3A_198] : memref<4096x64x400xf32, #tpu.memory_space<hbm>> -> memref<1x64x400xf32, #tpu.memory_space<hbm>>
      %dma_start3A_200 = tpu.memref_squeeze %dma_start3A_199 : memref<1x64x400xf32, #tpu.memory_space<hbm>> -> memref<64x400xf32, #tpu.memory_space<hbm>>
      %dma_start3A_201 = arith.constant 0 : i32
      %dma_start3A_202 = arith.constant 0 : i32
      %dma_start3A_203 = tpu.memref_slice %arg10[%dma_start3A_185, %dma_start3A_201, %dma_start3A_202] : memref<2x64x401xf32, #tpu.memory_space<vmem>> -> memref<1x64x401xf32, #tpu.memory_space<vmem>>
      %dma_start3A_204 = tpu.memref_squeeze %dma_start3A_203 : memref<1x64x401xf32, #tpu.memory_space<vmem>> -> memref<64x401xf32, #tpu.memory_space<vmem>>
      %dma_start3A_205 = arith.constant 0 : i32
      %dma_start3A_206 = arith.constant 0 : i32
      %dma_start3A_207 = tpu.memref_slice %dma_start3A_204[%dma_start3A_205, %dma_start3A_206] : memref<64x401xf32, #tpu.memory_space<vmem>> -> memref<64x400xf32, #tpu.memory_space<vmem>>
      tpu.enqueue_dma source(%dma_start3A_207 : memref<64x400xf32, #tpu.memory_space<vmem>>) target(%dma_start3A_200 : memref<64x400xf32, #tpu.memory_space<hbm>>) target_semaphore(%arg19 : memref<!tpu.dma_semaphore, #tpu.memory_space<semaphore_mem>>)
      %mul3A_208 = arith.constant 4 : i32
      %mul3A_209 = arith.muli %mul3A_208, %scan3A_142 : i32
      %add3A_210 = arith.constant 1 : i32
      %add3A_211 = arith.addi %mul3A_209, %add3A_210 : i32
      %mul3A_212 = arith.constant 128 : i32
      %mul3A_213 = arith.muli %add3A, %mul3A_212 : i32
      %add3A_214 = arith.addi %mul3A_213, %add3A_211 : i32
      %ge3A_215 = arith.constant 2 : i32
      %ge3A_216 = arith.cmpi sge, %add3A_211, %ge3A_215 : i32
      %convert_element_type3A_217 = arith.extui %ge3A_216 : i1 to i32
      %cond3A_218 = arith.constant 1 : i32
      %cond3A_219 = arith.constant 0 : i32
      %cond3A_220 = arith.cmpi ne, %convert_element_type3A_217, %cond3A_219 : i32
      scf.if %cond3A_220 {
        %sub3A = arith.constant 2 : i32
        %sub3A_416 = arith.subi %add3A_214, %sub3A : i32
        %dma_wait3A_417 = arith.constant 0 : i32
        %dma_wait3A_418 = arith.constant 0 : i32
        %dma_wait3A_419 = tpu.memref_slice %arg10[%cond3A_218, %dma_wait3A_417, %dma_wait3A_418] : memref<2x64x401xf32, #tpu.memory_space<vmem>> -> memref<1x64x401xf32, #tpu.memory_space<vmem>>
        %dma_wait3A_420 = tpu.memref_squeeze %dma_wait3A_419 : memref<1x64x401xf32, #tpu.memory_space<vmem>> -> memref<64x401xf32, #tpu.memory_space<vmem>>
        %dma_wait3A_421 = arith.constant 0 : i32
        %dma_wait3A_422 = arith.constant 0 : i32
        %dma_wait3A_423 = tpu.memref_slice %dma_wait3A_420[%dma_wait3A_421, %dma_wait3A_422] : memref<64x401xf32, #tpu.memory_space<vmem>> -> memref<64x400xf32, #tpu.memory_space<vmem>>
        %dma_wait3A_424 = arith.constant 0 : i32
        %dma_wait3A_425 = arith.constant 0 : i32
        %dma_wait3A_426 = tpu.memref_slice %arg4[%sub3A_416, %dma_wait3A_424, %dma_wait3A_425] : memref<4096x64x400xf32, #tpu.memory_space<hbm>> -> memref<1x64x400xf32, #tpu.memory_space<hbm>>
        %dma_wait3A_427 = tpu.memref_squeeze %dma_wait3A_426 : memref<1x64x400xf32, #tpu.memory_space<hbm>> -> memref<64x400xf32, #tpu.memory_space<hbm>>
        %dma_wait3A_428 = arith.constant 0 : i32
        %dma_wait3A_429 = arith.constant 0 : i32
        %dma_wait3A_430 = tpu.memref_slice %arg4[%sub3A_416, %dma_wait3A_428, %dma_wait3A_429] : memref<4096x64x400xf32, #tpu.memory_space<hbm>> -> memref<1x64x400xf32, #tpu.memory_space<hbm>>
        %dma_wait3A_431 = tpu.memref_squeeze %dma_wait3A_430 : memref<1x64x400xf32, #tpu.memory_space<hbm>> -> memref<64x400xf32, #tpu.memory_space<hbm>>
        %dma_wait3A_432 = arith.constant 0 : i32
        %dma_wait3A_433 = arith.constant 0 : i32
        %dma_wait3A_434 = tpu.memref_slice %arg10[%cond3A_218, %dma_wait3A_432, %dma_wait3A_433] : memref<2x64x401xf32, #tpu.memory_space<vmem>> -> memref<1x64x401xf32, #tpu.memory_space<vmem>>
        %dma_wait3A_435 = tpu.memref_squeeze %dma_wait3A_434 : memref<1x64x401xf32, #tpu.memory_space<vmem>> -> memref<64x401xf32, #tpu.memory_space<vmem>>
        %dma_wait3A_436 = arith.constant 0 : i32
        %dma_wait3A_437 = arith.constant 0 : i32
        %dma_wait3A_438 = tpu.memref_slice %dma_wait3A_435[%dma_wait3A_436, %dma_wait3A_437] : memref<64x401xf32, #tpu.memory_space<vmem>> -> memref<64x400xf32, #tpu.memory_space<vmem>>
        tpu.wait_dma2 semaphore(%arg20 : memref<!tpu.dma_semaphore, #tpu.memory_space<semaphore_mem>>) src(%dma_wait3A_438 : memref<64x400xf32, #tpu.memory_space<vmem>>) dst(%dma_wait3A_431 : memref<64x400xf32, #tpu.memory_space<hbm>>)
      } else {
      }
      %dma_wait3A_221 = arith.constant 1 : i32
      %dma_wait3A_222 = arith.constant 0 : i32
      %dma_wait3A_223 = tpu.memref_slice %arg5[%dma_wait3A_221, %dma_wait3A_222] : memref<4x200xi32, #tpu.memory_space<vmem>> -> memref<1x200xi32, #tpu.memory_space<vmem>>
      %dma_wait3A_224 = tpu.memref_squeeze %dma_wait3A_223 : memref<1x200xi32, #tpu.memory_space<vmem>> -> memref<200xi32, #tpu.memory_space<vmem>>
      %dma_wait3A_225 = arith.constant 0 : i32
      %dma_wait3A_226 = tpu.memref_slice %dma_wait3A_224[%dma_wait3A_225] : memref<200xi32, #tpu.memory_space<vmem>> -> memref<96xi32, #tpu.memory_space<vmem>>
      %dma_wait3A_227 = arith.constant 0 : i32
      %dma_wait3A_228 = arith.constant 0 : i32
      %dma_wait3A_229 = tpu.memref_slice %arg3[%dma_wait3A_227, %dma_wait3A_228] : memref<100000x128xf32, #tpu.memory_space<hbm>> -> memref<100000x128xf32, #tpu.memory_space<hbm>>
      tpu.wait_indirect_dma semaphore(%arg17 : memref<!tpu.dma_semaphore, #tpu.memory_space<semaphore_mem>>) src(%dma_wait3A_229 : memref<100000x128xf32, #tpu.memory_space<hbm>>) dst(%arg8 : memref<96x128xf32, #tpu.memory_space<vmem>>)
      %parallel_loop3A_230 = arith.constant 0 : i32
      %parallel_loop3A_231 = arith.constant 96 : i32
      %parallel_loop3A_232 = arith.constant 1 : i32
      %parallel_loop3A_233 = arith.constant 1 : i32
      scf.for %parallel_loop3A_416 = %parallel_loop3A_230 to %parallel_loop3A_231 step %parallel_loop3A_232  : i32 {
        %parallel_loop3A_417 = arith.constant 2 : i32
        %parallel_loop3A_418 = arith.muli %parallel_loop3A_417, %parallel_loop3A_416 : i32
        %parallel_loop3A_419 = arith.constant 0 : i32
        %parallel_loop3A_420 = arith.addi %parallel_loop3A_419, %parallel_loop3A_418 : i32
        %parallel_loop3A_421 = arith.constant 0 : i32
        %parallel_loop3A_422 = arith.addi %parallel_loop3A_420, %parallel_loop3A_421 : i32
        %parallel_loop3A_423 = vector.broadcast %parallel_loop3A_422 : i32 to vector<16xi32>
        %parallel_loop3A_424 = arith.index_cast %parallel_loop3A_416 : i32 to index
        %parallel_loop3A_425 = arith.constant 0 : index
        %parallel_loop3A_426 = tpu.vector_load %arg8[%parallel_loop3A_424, %parallel_loop3A_425] {strides = array<i32>} : memref<96x128xf32, #tpu.memory_space<vmem>>, vector<16xf32>,
        %parallel_loop3A_427 = arith.constant 0 : i32
        %parallel_loop3A_428 = arith.constant 0 : i32
        %parallel_loop3A_429 = tpu.memref_slice %arg10[%parallel_loop3A_233, %parallel_loop3A_427, %parallel_loop3A_428] : memref<2x64x401xf32, #tpu.memory_space<vmem>> -> memref<1x64x401xf32, #tpu.memory_space<vmem>>
        %parallel_loop3A_430 = tpu.memref_squeeze %parallel_loop3A_429 : memref<1x64x401xf32, #tpu.memory_space<vmem>> -> memref<64x401xf32, #tpu.memory_space<vmem>>
        tpu.vector_store_idx %parallel_loop3A_430[%add3A_3, %parallel_loop3A_423], %parallel_loop3A_426 : memref<64x401xf32, #tpu.memory_space<vmem>>[vector<16xi32>, vector<16xi32>], vector<16xf32>,
        %parallel_loop3A_431 = arith.index_cast %parallel_loop3A_416 : i32 to index
        %parallel_loop3A_432 = arith.constant 16 : index
        %parallel_loop3A_433 = tpu.vector_load %arg8[%parallel_loop3A_431, %parallel_loop3A_432] {strides = array<i32>} : memref<96x128xf32, #tpu.memory_space<vmem>>, vector<16xf32>,
        %parallel_loop3A_434 = arith.constant 0 : i32
        %parallel_loop3A_435 = arith.constant 0 : i32
        %parallel_loop3A_436 = tpu.memref_slice %arg10[%parallel_loop3A_233, %parallel_loop3A_434, %parallel_loop3A_435] : memref<2x64x401xf32, #tpu.memory_space<vmem>> -> memref<1x64x401xf32, #tpu.memory_space<vmem>>
        %parallel_loop3A_437 = tpu.memref_squeeze %parallel_loop3A_436 : memref<1x64x401xf32, #tpu.memory_space<vmem>> -> memref<64x401xf32, #tpu.memory_space<vmem>>
        tpu.vector_store_idx %parallel_loop3A_437[%add3A_6, %parallel_loop3A_423], %parallel_loop3A_433 : memref<64x401xf32, #tpu.memory_space<vmem>>[vector<16xi32>, vector<16xi32>], vector<16xf32>,
        %parallel_loop3A_438 = arith.index_cast %parallel_loop3A_416 : i32 to index
        %parallel_loop3A_439 = arith.constant 32 : index
        %parallel_loop3A_440 = tpu.vector_load %arg8[%parallel_loop3A_438, %parallel_loop3A_439] {strides = array<i32>} : memref<96x128xf32, #tpu.memory_space<vmem>>, vector<16xf32>,
        %parallel_loop3A_441 = arith.constant 0 : i32
        %parallel_loop3A_442 = arith.constant 0 : i32
        %parallel_loop3A_443 = tpu.memref_slice %arg10[%parallel_loop3A_233, %parallel_loop3A_441, %parallel_loop3A_442] : memref<2x64x401xf32, #tpu.memory_space<vmem>> -> memref<1x64x401xf32, #tpu.memory_space<vmem>>
        %parallel_loop3A_444 = tpu.memref_squeeze %parallel_loop3A_443 : memref<1x64x401xf32, #tpu.memory_space<vmem>> -> memref<64x401xf32, #tpu.memory_space<vmem>>
        tpu.vector_store_idx %parallel_loop3A_444[%add3A_9, %parallel_loop3A_423], %parallel_loop3A_440 : memref<64x401xf32, #tpu.memory_space<vmem>>[vector<16xi32>, vector<16xi32>], vector<16xf32>,
        %parallel_loop3A_445 = arith.index_cast %parallel_loop3A_416 : i32 to index
        %parallel_loop3A_446 = arith.constant 48 : index
        %parallel_loop3A_447 = tpu.vector_load %arg8[%parallel_loop3A_445, %parallel_loop3A_446] {strides = array<i32>} : memref<96x128xf32, #tpu.memory_space<vmem>>, vector<16xf32>,
        %parallel_loop3A_448 = arith.constant 0 : i32
        %parallel_loop3A_449 = arith.constant 0 : i32
        %parallel_loop3A_450 = tpu.memref_slice %arg10[%parallel_loop3A_233, %parallel_loop3A_448, %parallel_loop3A_449] : memref<2x64x401xf32, #tpu.memory_space<vmem>> -> memref<1x64x401xf32, #tpu.memory_space<vmem>>
        %parallel_loop3A_451 = tpu.memref_squeeze %parallel_loop3A_450 : memref<1x64x401xf32, #tpu.memory_space<vmem>> -> memref<64x401xf32, #tpu.memory_space<vmem>>
        tpu.vector_store_idx %parallel_loop3A_451[%add3A_12, %parallel_loop3A_423], %parallel_loop3A_447 : memref<64x401xf32, #tpu.memory_space<vmem>>[vector<16xi32>, vector<16xi32>], vector<16xf32>,
        %parallel_loop3A_452 = arith.constant 2 : i32
        %parallel_loop3A_453 = arith.muli %parallel_loop3A_452, %parallel_loop3A_416 : i32
        %parallel_loop3A_454 = arith.constant 0 : i32
        %parallel_loop3A_455 = arith.addi %parallel_loop3A_454, %parallel_loop3A_453 : i32
        %parallel_loop3A_456 = arith.constant 1 : i32
        %parallel_loop3A_457 = arith.addi %parallel_loop3A_455, %parallel_loop3A_456 : i32
        %parallel_loop3A_458 = vector.broadcast %parallel_loop3A_457 : i32 to vector<16xi32>
        %parallel_loop3A_459 = arith.index_cast %parallel_loop3A_416 : i32 to index
        %parallel_loop3A_460 = arith.constant 64 : index
        %parallel_loop3A_461 = tpu.vector_load %arg8[%parallel_loop3A_459, %parallel_loop3A_460] {strides = array<i32>} : memref<96x128xf32, #tpu.memory_space<vmem>>, vector<16xf32>,
        %parallel_loop3A_462 = arith.constant 0 : i32
        %parallel_loop3A_463 = arith.constant 0 : i32
        %parallel_loop3A_464 = tpu.memref_slice %arg10[%parallel_loop3A_233, %parallel_loop3A_462, %parallel_loop3A_463] : memref<2x64x401xf32, #tpu.memory_space<vmem>> -> memref<1x64x401xf32, #tpu.memory_space<vmem>>
        %parallel_loop3A_465 = tpu.memref_squeeze %parallel_loop3A_464 : memref<1x64x401xf32, #tpu.memory_space<vmem>> -> memref<64x401xf32, #tpu.memory_space<vmem>>
        tpu.vector_store_idx %parallel_loop3A_465[%add3A_3, %parallel_loop3A_458], %parallel_loop3A_461 : memref<64x401xf32, #tpu.memory_space<vmem>>[vector<16xi32>, vector<16xi32>], vector<16xf32>,
        %parallel_loop3A_466 = arith.index_cast %parallel_loop3A_416 : i32 to index
        %parallel_loop3A_467 = arith.constant 80 : index
        %parallel_loop3A_468 = tpu.vector_load %arg8[%parallel_loop3A_466, %parallel_loop3A_467] {strides = array<i32>} : memref<96x128xf32, #tpu.memory_space<vmem>>, vector<16xf32>,
        %parallel_loop3A_469 = arith.constant 0 : i32
        %parallel_loop3A_470 = arith.constant 0 : i32
        %parallel_loop3A_471 = tpu.memref_slice %arg10[%parallel_loop3A_233, %parallel_loop3A_469, %parallel_loop3A_470] : memref<2x64x401xf32, #tpu.memory_space<vmem>> -> memref<1x64x401xf32, #tpu.memory_space<vmem>>
        %parallel_loop3A_472 = tpu.memref_squeeze %parallel_loop3A_471 : memref<1x64x401xf32, #tpu.memory_space<vmem>> -> memref<64x401xf32, #tpu.memory_space<vmem>>
        tpu.vector_store_idx %parallel_loop3A_472[%add3A_6, %parallel_loop3A_458], %parallel_loop3A_468 : memref<64x401xf32, #tpu.memory_space<vmem>>[vector<16xi32>, vector<16xi32>], vector<16xf32>,
        %parallel_loop3A_473 = arith.index_cast %parallel_loop3A_416 : i32 to index
        %parallel_loop3A_474 = arith.constant 96 : index
        %parallel_loop3A_475 = tpu.vector_load %arg8[%parallel_loop3A_473, %parallel_loop3A_474] {strides = array<i32>} : memref<96x128xf32, #tpu.memory_space<vmem>>, vector<16xf32>,
        %parallel_loop3A_476 = arith.constant 0 : i32
        %parallel_loop3A_477 = arith.constant 0 : i32
        %parallel_loop3A_478 = tpu.memref_slice %arg10[%parallel_loop3A_233, %parallel_loop3A_476, %parallel_loop3A_477] : memref<2x64x401xf32, #tpu.memory_space<vmem>> -> memref<1x64x401xf32, #tpu.memory_space<vmem>>
        %parallel_loop3A_479 = tpu.memref_squeeze %parallel_loop3A_478 : memref<1x64x401xf32, #tpu.memory_space<vmem>> -> memref<64x401xf32, #tpu.memory_space<vmem>>
        tpu.vector_store_idx %parallel_loop3A_479[%add3A_9, %parallel_loop3A_458], %parallel_loop3A_475 : memref<64x401xf32, #tpu.memory_space<vmem>>[vector<16xi32>, vector<16xi32>], vector<16xf32>,
        %parallel_loop3A_480 = arith.index_cast %parallel_loop3A_416 : i32 to index
        %parallel_loop3A_481 = arith.constant 112 : index
        %parallel_loop3A_482 = tpu.vector_load %arg8[%parallel_loop3A_480, %parallel_loop3A_481] {strides = array<i32>} : memref<96x128xf32, #tpu.memory_space<vmem>>, vector<16xf32>,
        %parallel_loop3A_483 = arith.constant 0 : i32
        %parallel_loop3A_484 = arith.constant 0 : i32
        %parallel_loop3A_485 = tpu.memref_slice %arg10[%parallel_loop3A_233, %parallel_loop3A_483, %parallel_loop3A_484] : memref<2x64x401xf32, #tpu.memory_space<vmem>> -> memref<1x64x401xf32, #tpu.memory_space<vmem>>
        %parallel_loop3A_486 = tpu.memref_squeeze %parallel_loop3A_485 : memref<1x64x401xf32, #tpu.memory_space<vmem>> -> memref<64x401xf32, #tpu.memory_space<vmem>>
        tpu.vector_store_idx %parallel_loop3A_486[%add3A_12, %parallel_loop3A_458], %parallel_loop3A_482 : memref<64x401xf32, #tpu.memory_space<vmem>>[vector<16xi32>, vector<16xi32>], vector<16xf32>,
      } {sc.loop_unroll_factor = 4 : i64, sc.parallel_access}
      %dma_wait3A_234 = arith.constant 1 : i32
      %dma_wait3A_235 = arith.constant 0 : i32
      %dma_wait3A_236 = tpu.memref_slice %arg5[%dma_wait3A_234, %dma_wait3A_235] : memref<4x200xi32, #tpu.memory_space<vmem>> -> memref<1x200xi32, #tpu.memory_space<vmem>>
      %dma_wait3A_237 = tpu.memref_squeeze %dma_wait3A_236 : memref<1x200xi32, #tpu.memory_space<vmem>> -> memref<200xi32, #tpu.memory_space<vmem>>
      %dma_wait3A_238 = arith.constant 96 : i32
      %dma_wait3A_239 = tpu.memref_slice %dma_wait3A_237[%dma_wait3A_238] : memref<200xi32, #tpu.memory_space<vmem>> -> memref<104xi32, #tpu.memory_space<vmem>>
      %dma_wait3A_240 = arith.constant 0 : i32
      %dma_wait3A_241 = arith.constant 0 : i32
      %dma_wait3A_242 = tpu.memref_slice %arg3[%dma_wait3A_240, %dma_wait3A_241] : memref<100000x128xf32, #tpu.memory_space<hbm>> -> memref<100000x128xf32, #tpu.memory_space<hbm>>
      tpu.wait_indirect_dma semaphore(%arg18 : memref<!tpu.dma_semaphore, #tpu.memory_space<semaphore_mem>>) src(%dma_wait3A_242 : memref<100000x128xf32, #tpu.memory_space<hbm>>) dst(%arg9 : memref<104x128xf32, #tpu.memory_space<vmem>>)
      %parallel_loop3A_243 = arith.constant 0 : i32
      %parallel_loop3A_244 = arith.constant 104 : i32
      %parallel_loop3A_245 = arith.constant 1 : i32
      %parallel_loop3A_246 = arith.constant 1 : i32
      scf.for %parallel_loop3A_416 = %parallel_loop3A_243 to %parallel_loop3A_244 step %parallel_loop3A_245  : i32 {
        %parallel_loop3A_417 = arith.constant 2 : i32
        %parallel_loop3A_418 = arith.muli %parallel_loop3A_417, %parallel_loop3A_416 : i32
        %parallel_loop3A_419 = arith.constant 192 : i32
        %parallel_loop3A_420 = arith.addi %parallel_loop3A_419, %parallel_loop3A_418 : i32
        %parallel_loop3A_421 = arith.constant 0 : i32
        %parallel_loop3A_422 = arith.addi %parallel_loop3A_420, %parallel_loop3A_421 : i32
        %parallel_loop3A_423 = vector.broadcast %parallel_loop3A_422 : i32 to vector<16xi32>
        %parallel_loop3A_424 = arith.index_cast %parallel_loop3A_416 : i32 to index
        %parallel_loop3A_425 = arith.constant 0 : index
        %parallel_loop3A_426 = tpu.vector_load %arg9[%parallel_loop3A_424, %parallel_loop3A_425] {strides = array<i32>} : memref<104x128xf32, #tpu.memory_space<vmem>>, vector<16xf32>,
        %parallel_loop3A_427 = arith.constant 0 : i32
        %parallel_loop3A_428 = arith.constant 0 : i32
        %parallel_loop3A_429 = tpu.memref_slice %arg10[%parallel_loop3A_246, %parallel_loop3A_427, %parallel_loop3A_428] : memref<2x64x401xf32, #tpu.memory_space<vmem>> -> memref<1x64x401xf32, #tpu.memory_space<vmem>>
        %parallel_loop3A_430 = tpu.memref_squeeze %parallel_loop3A_429 : memref<1x64x401xf32, #tpu.memory_space<vmem>> -> memref<64x401xf32, #tpu.memory_space<vmem>>
        tpu.vector_store_idx %parallel_loop3A_430[%add3A_3, %parallel_loop3A_423], %parallel_loop3A_426 : memref<64x401xf32, #tpu.memory_space<vmem>>[vector<16xi32>, vector<16xi32>], vector<16xf32>,
        %parallel_loop3A_431 = arith.index_cast %parallel_loop3A_416 : i32 to index
        %parallel_loop3A_432 = arith.constant 16 : index
        %parallel_loop3A_433 = tpu.vector_load %arg9[%parallel_loop3A_431, %parallel_loop3A_432] {strides = array<i32>} : memref<104x128xf32, #tpu.memory_space<vmem>>, vector<16xf32>,
        %parallel_loop3A_434 = arith.constant 0 : i32
        %parallel_loop3A_435 = arith.constant 0 : i32
        %parallel_loop3A_436 = tpu.memref_slice %arg10[%parallel_loop3A_246, %parallel_loop3A_434, %parallel_loop3A_435] : memref<2x64x401xf32, #tpu.memory_space<vmem>> -> memref<1x64x401xf32, #tpu.memory_space<vmem>>
        %parallel_loop3A_437 = tpu.memref_squeeze %parallel_loop3A_436 : memref<1x64x401xf32, #tpu.memory_space<vmem>> -> memref<64x401xf32, #tpu.memory_space<vmem>>
        tpu.vector_store_idx %parallel_loop3A_437[%add3A_6, %parallel_loop3A_423], %parallel_loop3A_433 : memref<64x401xf32, #tpu.memory_space<vmem>>[vector<16xi32>, vector<16xi32>], vector<16xf32>,
        %parallel_loop3A_438 = arith.index_cast %parallel_loop3A_416 : i32 to index
        %parallel_loop3A_439 = arith.constant 32 : index
        %parallel_loop3A_440 = tpu.vector_load %arg9[%parallel_loop3A_438, %parallel_loop3A_439] {strides = array<i32>} : memref<104x128xf32, #tpu.memory_space<vmem>>, vector<16xf32>,
        %parallel_loop3A_441 = arith.constant 0 : i32
        %parallel_loop3A_442 = arith.constant 0 : i32
        %parallel_loop3A_443 = tpu.memref_slice %arg10[%parallel_loop3A_246, %parallel_loop3A_441, %parallel_loop3A_442] : memref<2x64x401xf32, #tpu.memory_space<vmem>> -> memref<1x64x401xf32, #tpu.memory_space<vmem>>
        %parallel_loop3A_444 = tpu.memref_squeeze %parallel_loop3A_443 : memref<1x64x401xf32, #tpu.memory_space<vmem>> -> memref<64x401xf32, #tpu.memory_space<vmem>>
        tpu.vector_store_idx %parallel_loop3A_444[%add3A_9, %parallel_loop3A_423], %parallel_loop3A_440 : memref<64x401xf32, #tpu.memory_space<vmem>>[vector<16xi32>, vector<16xi32>], vector<16xf32>,
        %parallel_loop3A_445 = arith.index_cast %parallel_loop3A_416 : i32 to index
        %parallel_loop3A_446 = arith.constant 48 : index
        %parallel_loop3A_447 = tpu.vector_load %arg9[%parallel_loop3A_445, %parallel_loop3A_446] {strides = array<i32>} : memref<104x128xf32, #tpu.memory_space<vmem>>, vector<16xf32>,
        %parallel_loop3A_448 = arith.constant 0 : i32
        %parallel_loop3A_449 = arith.constant 0 : i32
        %parallel_loop3A_450 = tpu.memref_slice %arg10[%parallel_loop3A_246, %parallel_loop3A_448, %parallel_loop3A_449] : memref<2x64x401xf32, #tpu.memory_space<vmem>> -> memref<1x64x401xf32, #tpu.memory_space<vmem>>
        %parallel_loop3A_451 = tpu.memref_squeeze %parallel_loop3A_450 : memref<1x64x401xf32, #tpu.memory_space<vmem>> -> memref<64x401xf32, #tpu.memory_space<vmem>>
        tpu.vector_store_idx %parallel_loop3A_451[%add3A_12, %parallel_loop3A_423], %parallel_loop3A_447 : memref<64x401xf32, #tpu.memory_space<vmem>>[vector<16xi32>, vector<16xi32>], vector<16xf32>,
        %parallel_loop3A_452 = arith.constant 2 : i32
        %parallel_loop3A_453 = arith.muli %parallel_loop3A_452, %parallel_loop3A_416 : i32
        %parallel_loop3A_454 = arith.constant 192 : i32
        %parallel_loop3A_455 = arith.addi %parallel_loop3A_454, %parallel_loop3A_453 : i32
        %parallel_loop3A_456 = arith.constant 1 : i32
        %parallel_loop3A_457 = arith.addi %parallel_loop3A_455, %parallel_loop3A_456 : i32
        %parallel_loop3A_458 = vector.broadcast %parallel_loop3A_457 : i32 to vector<16xi32>
        %parallel_loop3A_459 = arith.index_cast %parallel_loop3A_416 : i32 to index
        %parallel_loop3A_460 = arith.constant 64 : index
        %parallel_loop3A_461 = tpu.vector_load %arg9[%parallel_loop3A_459, %parallel_loop3A_460] {strides = array<i32>} : memref<104x128xf32, #tpu.memory_space<vmem>>, vector<16xf32>,
        %parallel_loop3A_462 = arith.constant 0 : i32
        %parallel_loop3A_463 = arith.constant 0 : i32
        %parallel_loop3A_464 = tpu.memref_slice %arg10[%parallel_loop3A_246, %parallel_loop3A_462, %parallel_loop3A_463] : memref<2x64x401xf32, #tpu.memory_space<vmem>> -> memref<1x64x401xf32, #tpu.memory_space<vmem>>
        %parallel_loop3A_465 = tpu.memref_squeeze %parallel_loop3A_464 : memref<1x64x401xf32, #tpu.memory_space<vmem>> -> memref<64x401xf32, #tpu.memory_space<vmem>>
        tpu.vector_store_idx %parallel_loop3A_465[%add3A_3, %parallel_loop3A_458], %parallel_loop3A_461 : memref<64x401xf32, #tpu.memory_space<vmem>>[vector<16xi32>, vector<16xi32>], vector<16xf32>,
        %parallel_loop3A_466 = arith.index_cast %parallel_loop3A_416 : i32 to index
        %parallel_loop3A_467 = arith.constant 80 : index
        %parallel_loop3A_468 = tpu.vector_load %arg9[%parallel_loop3A_466, %parallel_loop3A_467] {strides = array<i32>} : memref<104x128xf32, #tpu.memory_space<vmem>>, vector<16xf32>,
        %parallel_loop3A_469 = arith.constant 0 : i32
        %parallel_loop3A_470 = arith.constant 0 : i32
        %parallel_loop3A_471 = tpu.memref_slice %arg10[%parallel_loop3A_246, %parallel_loop3A_469, %parallel_loop3A_470] : memref<2x64x401xf32, #tpu.memory_space<vmem>> -> memref<1x64x401xf32, #tpu.memory_space<vmem>>
        %parallel_loop3A_472 = tpu.memref_squeeze %parallel_loop3A_471 : memref<1x64x401xf32, #tpu.memory_space<vmem>> -> memref<64x401xf32, #tpu.memory_space<vmem>>
        tpu.vector_store_idx %parallel_loop3A_472[%add3A_6, %parallel_loop3A_458], %parallel_loop3A_468 : memref<64x401xf32, #tpu.memory_space<vmem>>[vector<16xi32>, vector<16xi32>], vector<16xf32>,
        %parallel_loop3A_473 = arith.index_cast %parallel_loop3A_416 : i32 to index
        %parallel_loop3A_474 = arith.constant 96 : index
        %parallel_loop3A_475 = tpu.vector_load %arg9[%parallel_loop3A_473, %parallel_loop3A_474] {strides = array<i32>} : memref<104x128xf32, #tpu.memory_space<vmem>>, vector<16xf32>,
        %parallel_loop3A_476 = arith.constant 0 : i32
        %parallel_loop3A_477 = arith.constant 0 : i32
        %parallel_loop3A_478 = tpu.memref_slice %arg10[%parallel_loop3A_246, %parallel_loop3A_476, %parallel_loop3A_477] : memref<2x64x401xf32, #tpu.memory_space<vmem>> -> memref<1x64x401xf32, #tpu.memory_space<vmem>>
        %parallel_loop3A_479 = tpu.memref_squeeze %parallel_loop3A_478 : memref<1x64x401xf32, #tpu.memory_space<vmem>> -> memref<64x401xf32, #tpu.memory_space<vmem>>
        tpu.vector_store_idx %parallel_loop3A_479[%add3A_9, %parallel_loop3A_458], %parallel_loop3A_475 : memref<64x401xf32, #tpu.memory_space<vmem>>[vector<16xi32>, vector<16xi32>], vector<16xf32>,
        %parallel_loop3A_480 = arith.index_cast %parallel_loop3A_416 : i32 to index
        %parallel_loop3A_481 = arith.constant 112 : index
        %parallel_loop3A_482 = tpu.vector_load %arg9[%parallel_loop3A_480, %parallel_loop3A_481] {strides = array<i32>} : memref<104x128xf32, #tpu.memory_space<vmem>>, vector<16xf32>,
        %parallel_loop3A_483 = arith.constant 0 : i32
        %parallel_loop3A_484 = arith.constant 0 : i32
        %parallel_loop3A_485 = tpu.memref_slice %arg10[%parallel_loop3A_246, %parallel_loop3A_483, %parallel_loop3A_484] : memref<2x64x401xf32, #tpu.memory_space<vmem>> -> memref<1x64x401xf32, #tpu.memory_space<vmem>>
        %parallel_loop3A_486 = tpu.memref_squeeze %parallel_loop3A_485 : memref<1x64x401xf32, #tpu.memory_space<vmem>> -> memref<64x401xf32, #tpu.memory_space<vmem>>
        tpu.vector_store_idx %parallel_loop3A_486[%add3A_12, %parallel_loop3A_458], %parallel_loop3A_482 : memref<64x401xf32, #tpu.memory_space<vmem>>[vector<16xi32>, vector<16xi32>], vector<16xf32>,
      } {sc.loop_unroll_factor = 4 : i64, sc.parallel_access}
      %add3A_247 = arith.constant 2 : i32
      %add3A_248 = arith.addi %add3A_211, %add3A_247 : i32
      %lt3A_249 = arith.constant 128 : i32
      %lt3A_250 = arith.cmpi slt, %add3A_248, %lt3A_249 : i32
      %convert_element_type3A_251 = arith.extui %lt3A_250 : i1 to i32
      %cond3A_252 = arith.constant 0 : i32
      %cond3A_253 = arith.cmpi ne, %convert_element_type3A_251, %cond3A_252 : i32
      scf.if %cond3A_253 {
        %add3A_416 = arith.constant 2 : i32
        %add3A_417 = arith.addi %add3A_214, %add3A_416 : i32
        %dma_wait3A_418 = arith.constant 3 : i32
        %dma_wait3A_419 = arith.constant 0 : i32
        %dma_wait3A_420 = tpu.memref_slice %arg5[%dma_wait3A_418, %dma_wait3A_419] : memref<4x200xi32, #tpu.memory_space<vmem>> -> memref<1x200xi32, #tpu.memory_space<vmem>>
        %dma_wait3A_421 = tpu.memref_squeeze %dma_wait3A_420 : memref<1x200xi32, #tpu.memory_space<vmem>> -> memref<200xi32, #tpu.memory_space<vmem>>
        %dma_wait3A_422 = arith.constant 0 : i32
        %dma_wait3A_423 = tpu.memref_slice %arg2[%add3A_417, %dma_wait3A_422] : memref<4096x200xi32, #tpu.memory_space<hbm>> -> memref<1x200xi32, #tpu.memory_space<hbm>>
        %dma_wait3A_424 = tpu.memref_squeeze %dma_wait3A_423 : memref<1x200xi32, #tpu.memory_space<hbm>> -> memref<200xi32, #tpu.memory_space<hbm>>
        %dma_wait3A_425 = arith.constant 0 : i32
        %dma_wait3A_426 = tpu.memref_slice %arg5[%dma_wait3A_418, %dma_wait3A_425] : memref<4x200xi32, #tpu.memory_space<vmem>> -> memref<1x200xi32, #tpu.memory_space<vmem>>
        %dma_wait3A_427 = tpu.memref_squeeze %dma_wait3A_426 : memref<1x200xi32, #tpu.memory_space<vmem>> -> memref<200xi32, #tpu.memory_space<vmem>>
        %dma_wait3A_428 = arith.constant 0 : i32
        %dma_wait3A_429 = tpu.memref_slice %arg2[%add3A_417, %dma_wait3A_428] : memref<4096x200xi32, #tpu.memory_space<hbm>> -> memref<1x200xi32, #tpu.memory_space<hbm>>
        %dma_wait3A_430 = tpu.memref_squeeze %dma_wait3A_429 : memref<1x200xi32, #tpu.memory_space<hbm>> -> memref<200xi32, #tpu.memory_space<hbm>>
        tpu.wait_dma2 semaphore(%arg14 : memref<!tpu.dma_semaphore, #tpu.memory_space<semaphore_mem>>) src(%dma_wait3A_430 : memref<200xi32, #tpu.memory_space<hbm>>) dst(%dma_wait3A_427 : memref<200xi32, #tpu.memory_space<vmem>>)
        %dma_start3A_431 = arith.constant 3 : i32
        %dma_start3A_432 = arith.constant 0 : i32
        %dma_start3A_433 = tpu.memref_slice %arg5[%dma_start3A_431, %dma_start3A_432] : memref<4x200xi32, #tpu.memory_space<vmem>> -> memref<1x200xi32, #tpu.memory_space<vmem>>
        %dma_start3A_434 = tpu.memref_squeeze %dma_start3A_433 : memref<1x200xi32, #tpu.memory_space<vmem>> -> memref<200xi32, #tpu.memory_space<vmem>>
        %dma_start3A_435 = arith.constant 0 : i32
        %dma_start3A_436 = tpu.memref_slice %dma_start3A_434[%dma_start3A_435] : memref<200xi32, #tpu.memory_space<vmem>> -> memref<96xi32, #tpu.memory_space<vmem>>
        %dma_start3A_437 = arith.constant 0 : i32
        %dma_start3A_438 = arith.constant 0 : i32
        %dma_start3A_439 = tpu.memref_slice %arg3[%dma_start3A_437, %dma_start3A_438] : memref<100000x128xf32, #tpu.memory_space<hbm>> -> memref<100000x128xf32, #tpu.memory_space<hbm>>
        tpu.enqueue_indirect_dma source(%dma_start3A_439 : memref<100000x128xf32, #tpu.memory_space<hbm>>) target(%arg8 : memref<96x128xf32, #tpu.memory_space<vmem>>) offsets(%dma_start3A_436 : memref<96xi32, #tpu.memory_space<vmem>>) semaphore(%arg17 : memref<!tpu.dma_semaphore, #tpu.memory_space<semaphore_mem>>)
        %dma_start3A_440 = arith.constant 3 : i32
        %dma_start3A_441 = arith.constant 0 : i32
        %dma_start3A_442 = tpu.memref_slice %arg5[%dma_start3A_440, %dma_start3A_441] : memref<4x200xi32, #tpu.memory_space<vmem>> -> memref<1x200xi32, #tpu.memory_space<vmem>>
        %dma_start3A_443 = tpu.memref_squeeze %dma_start3A_442 : memref<1x200xi32, #tpu.memory_space<vmem>> -> memref<200xi32, #tpu.memory_space<vmem>>
        %dma_start3A_444 = arith.constant 96 : i32
        %dma_start3A_445 = tpu.memref_slice %dma_start3A_443[%dma_start3A_444] : memref<200xi32, #tpu.memory_space<vmem>> -> memref<104xi32, #tpu.memory_space<vmem>>
        %dma_start3A_446 = arith.constant 0 : i32
        %dma_start3A_447 = arith.constant 0 : i32
        %dma_start3A_448 = tpu.memref_slice %arg3[%dma_start3A_446, %dma_start3A_447] : memref<100000x128xf32, #tpu.memory_space<hbm>> -> memref<100000x128xf32, #tpu.memory_space<hbm>>
        tpu.enqueue_indirect_dma source(%dma_start3A_448 : memref<100000x128xf32, #tpu.memory_space<hbm>>) target(%arg9 : memref<104x128xf32, #tpu.memory_space<vmem>>) offsets(%dma_start3A_445 : memref<104xi32, #tpu.memory_space<vmem>>) semaphore(%arg18 : memref<!tpu.dma_semaphore, #tpu.memory_space<semaphore_mem>>)
        %add3A_449 = arith.constant 4 : i32
        %add3A_450 = arith.addi %add3A_211, %add3A_449 : i32
        %lt3A_451 = arith.constant 128 : i32
        %lt3A_452 = arith.cmpi slt, %add3A_450, %lt3A_451 : i32
        %convert_element_type3A_453 = arith.extui %lt3A_452 : i1 to i32
        %cond3A_454 = arith.constant 0 : i32
        %cond3A_455 = arith.cmpi ne, %convert_element_type3A_453, %cond3A_454 : i32
        scf.if %cond3A_455 {
          %add3A_456 = arith.constant 4 : i32
          %add3A_457 = arith.addi %add3A_214, %add3A_456 : i32
          %dma_start3A_458 = arith.constant 1 : i32
          %dma_start3A_459 = arith.constant 0 : i32
          %dma_start3A_460 = tpu.memref_slice %arg5[%dma_start3A_458, %dma_start3A_459] : memref<4x200xi32, #tpu.memory_space<vmem>> -> memref<1x200xi32, #tpu.memory_space<vmem>>
          %dma_start3A_461 = tpu.memref_squeeze %dma_start3A_460 : memref<1x200xi32, #tpu.memory_space<vmem>> -> memref<200xi32, #tpu.memory_space<vmem>>
          %dma_start3A_462 = arith.constant 0 : i32
          %dma_start3A_463 = tpu.memref_slice %arg2[%add3A_457, %dma_start3A_462] : memref<4096x200xi32, #tpu.memory_space<hbm>> -> memref<1x200xi32, #tpu.memory_space<hbm>>
          %dma_start3A_464 = tpu.memref_squeeze %dma_start3A_463 : memref<1x200xi32, #tpu.memory_space<hbm>> -> memref<200xi32, #tpu.memory_space<hbm>>
          %dma_start3A_465 = arith.constant 0 : i32
          %dma_start3A_466 = tpu.memref_slice %arg5[%dma_start3A_458, %dma_start3A_465] : memref<4x200xi32, #tpu.memory_space<vmem>> -> memref<1x200xi32, #tpu.memory_space<vmem>>
          %dma_start3A_467 = tpu.memref_squeeze %dma_start3A_466 : memref<1x200xi32, #tpu.memory_space<vmem>> -> memref<200xi32, #tpu.memory_space<vmem>>
          %dma_start3A_468 = arith.constant 0 : i32
          %dma_start3A_469 = tpu.memref_slice %arg2[%add3A_457, %dma_start3A_468] : memref<4096x200xi32, #tpu.memory_space<hbm>> -> memref<1x200xi32, #tpu.memory_space<hbm>>
          %dma_start3A_470 = tpu.memref_squeeze %dma_start3A_469 : memref<1x200xi32, #tpu.memory_space<hbm>> -> memref<200xi32, #tpu.memory_space<hbm>>
          tpu.enqueue_dma source(%dma_start3A_470 : memref<200xi32, #tpu.memory_space<hbm>>) target(%dma_start3A_467 : memref<200xi32, #tpu.memory_space<vmem>>) target_semaphore(%arg12 : memref<!tpu.dma_semaphore, #tpu.memory_space<semaphore_mem>>)
        } else {
        }
      } else {
      }
      %dma_start3A_254 = arith.constant 1 : i32
      %dma_start3A_255 = arith.constant 0 : i32
      %dma_start3A_256 = arith.constant 0 : i32
      %dma_start3A_257 = tpu.memref_slice %arg10[%dma_start3A_254, %dma_start3A_255, %dma_start3A_256] : memref<2x64x401xf32, #tpu.memory_space<vmem>> -> memref<1x64x401xf32, #tpu.memory_space<vmem>>
      %dma_start3A_258 = tpu.memref_squeeze %dma_start3A_257 : memref<1x64x401xf32, #tpu.memory_space<vmem>> -> memref<64x401xf32, #tpu.memory_space<vmem>>
      %dma_start3A_259 = arith.constant 0 : i32
      %dma_start3A_260 = arith.constant 0 : i32
      %dma_start3A_261 = tpu.memref_slice %dma_start3A_258[%dma_start3A_259, %dma_start3A_260] : memref<64x401xf32, #tpu.memory_space<vmem>> -> memref<64x400xf32, #tpu.memory_space<vmem>>
      %dma_start3A_262 = arith.constant 0 : i32
      %dma_start3A_263 = arith.constant 0 : i32
      %dma_start3A_264 = tpu.memref_slice %arg4[%add3A_214, %dma_start3A_262, %dma_start3A_263] : memref<4096x64x400xf32, #tpu.memory_space<hbm>> -> memref<1x64x400xf32, #tpu.memory_space<hbm>>
      %dma_start3A_265 = tpu.memref_squeeze %dma_start3A_264 : memref<1x64x400xf32, #tpu.memory_space<hbm>> -> memref<64x400xf32, #tpu.memory_space<hbm>>
      %dma_start3A_266 = arith.constant 0 : i32
      %dma_start3A_267 = arith.constant 0 : i32
      %dma_start3A_268 = tpu.memref_slice %arg4[%add3A_214, %dma_start3A_266, %dma_start3A_267] : memref<4096x64x400xf32, #tpu.memory_space<hbm>> -> memref<1x64x400xf32, #tpu.memory_space<hbm>>
      %dma_start3A_269 = tpu.memref_squeeze %dma_start3A_268 : memref<1x64x400xf32, #tpu.memory_space<hbm>> -> memref<64x400xf32, #tpu.memory_space<hbm>>
      %dma_start3A_270 = arith.constant 0 : i32
      %dma_start3A_271 = arith.constant 0 : i32
      %dma_start3A_272 = tpu.memref_slice %arg10[%dma_start3A_254, %dma_start3A_270, %dma_start3A_271] : memref<2x64x401xf32, #tpu.memory_space<vmem>> -> memref<1x64x401xf32, #tpu.memory_space<vmem>>
      %dma_start3A_273 = tpu.memref_squeeze %dma_start3A_272 : memref<1x64x401xf32, #tpu.memory_space<vmem>> -> memref<64x401xf32, #tpu.memory_space<vmem>>
      %dma_start3A_274 = arith.constant 0 : i32
      %dma_start3A_275 = arith.constant 0 : i32
      %dma_start3A_276 = tpu.memref_slice %dma_start3A_273[%dma_start3A_274, %dma_start3A_275] : memref<64x401xf32, #tpu.memory_space<vmem>> -> memref<64x400xf32, #tpu.memory_space<vmem>>
      tpu.enqueue_dma source(%dma_start3A_276 : memref<64x400xf32, #tpu.memory_space<vmem>>) target(%dma_start3A_269 : memref<64x400xf32, #tpu.memory_space<hbm>>) target_semaphore(%arg20 : memref<!tpu.dma_semaphore, #tpu.memory_space<semaphore_mem>>)
      %mul3A_277 = arith.constant 4 : i32
      %mul3A_278 = arith.muli %mul3A_277, %scan3A_142 : i32
      %add3A_279 = arith.constant 2 : i32
      %add3A_280 = arith.addi %mul3A_278, %add3A_279 : i32
      %mul3A_281 = arith.constant 128 : i32
      %mul3A_282 = arith.muli %add3A, %mul3A_281 : i32
      %add3A_283 = arith.addi %mul3A_282, %add3A_280 : i32
      %ge3A_284 = arith.constant 2 : i32
      %ge3A_285 = arith.cmpi sge, %add3A_280, %ge3A_284 : i32
      %convert_element_type3A_286 = arith.extui %ge3A_285 : i1 to i32
      %cond3A_287 = arith.constant 0 : i32
      %cond3A_288 = arith.constant 0 : i32
      %cond3A_289 = arith.cmpi ne, %convert_element_type3A_286, %cond3A_288 : i32
      scf.if %cond3A_289 {
        %sub3A = arith.constant 2 : i32
        %sub3A_416 = arith.subi %add3A_283, %sub3A : i32
        %dma_wait3A_417 = arith.constant 0 : i32
        %dma_wait3A_418 = arith.constant 0 : i32
        %dma_wait3A_419 = tpu.memref_slice %arg10[%cond3A_287, %dma_wait3A_417, %dma_wait3A_418] : memref<2x64x401xf32, #tpu.memory_space<vmem>> -> memref<1x64x401xf32, #tpu.memory_space<vmem>>
        %dma_wait3A_420 = tpu.memref_squeeze %dma_wait3A_419 : memref<1x64x401xf32, #tpu.memory_space<vmem>> -> memref<64x401xf32, #tpu.memory_space<vmem>>
        %dma_wait3A_421 = arith.constant 0 : i32
        %dma_wait3A_422 = arith.constant 0 : i32
        %dma_wait3A_423 = tpu.memref_slice %dma_wait3A_420[%dma_wait3A_421, %dma_wait3A_422] : memref<64x401xf32, #tpu.memory_space<vmem>> -> memref<64x400xf32, #tpu.memory_space<vmem>>
        %dma_wait3A_424 = arith.constant 0 : i32
        %dma_wait3A_425 = arith.constant 0 : i32
        %dma_wait3A_426 = tpu.memref_slice %arg4[%sub3A_416, %dma_wait3A_424, %dma_wait3A_425] : memref<4096x64x400xf32, #tpu.memory_space<hbm>> -> memref<1x64x400xf32, #tpu.memory_space<hbm>>
        %dma_wait3A_427 = tpu.memref_squeeze %dma_wait3A_426 : memref<1x64x400xf32, #tpu.memory_space<hbm>> -> memref<64x400xf32, #tpu.memory_space<hbm>>
        %dma_wait3A_428 = arith.constant 0 : i32
        %dma_wait3A_429 = arith.constant 0 : i32
        %dma_wait3A_430 = tpu.memref_slice %arg4[%sub3A_416, %dma_wait3A_428, %dma_wait3A_429] : memref<4096x64x400xf32, #tpu.memory_space<hbm>> -> memref<1x64x400xf32, #tpu.memory_space<hbm>>
        %dma_wait3A_431 = tpu.memref_squeeze %dma_wait3A_430 : memref<1x64x400xf32, #tpu.memory_space<hbm>> -> memref<64x400xf32, #tpu.memory_space<hbm>>
        %dma_wait3A_432 = arith.constant 0 : i32
        %dma_wait3A_433 = arith.constant 0 : i32
        %dma_wait3A_434 = tpu.memref_slice %arg10[%cond3A_287, %dma_wait3A_432, %dma_wait3A_433] : memref<2x64x401xf32, #tpu.memory_space<vmem>> -> memref<1x64x401xf32, #tpu.memory_space<vmem>>
        %dma_wait3A_435 = tpu.memref_squeeze %dma_wait3A_434 : memref<1x64x401xf32, #tpu.memory_space<vmem>> -> memref<64x401xf32, #tpu.memory_space<vmem>>
        %dma_wait3A_436 = arith.constant 0 : i32
        %dma_wait3A_437 = arith.constant 0 : i32
        %dma_wait3A_438 = tpu.memref_slice %dma_wait3A_435[%dma_wait3A_436, %dma_wait3A_437] : memref<64x401xf32, #tpu.memory_space<vmem>> -> memref<64x400xf32, #tpu.memory_space<vmem>>
        tpu.wait_dma2 semaphore(%arg19 : memref<!tpu.dma_semaphore, #tpu.memory_space<semaphore_mem>>) src(%dma_wait3A_438 : memref<64x400xf32, #tpu.memory_space<vmem>>) dst(%dma_wait3A_431 : memref<64x400xf32, #tpu.memory_space<hbm>>)
      } else {
      }
      %dma_wait3A_290 = arith.constant 2 : i32
      %dma_wait3A_291 = arith.constant 0 : i32
      %dma_wait3A_292 = tpu.memref_slice %arg5[%dma_wait3A_290, %dma_wait3A_291] : memref<4x200xi32, #tpu.memory_space<vmem>> -> memref<1x200xi32, #tpu.memory_space<vmem>>
      %dma_wait3A_293 = tpu.memref_squeeze %dma_wait3A_292 : memref<1x200xi32, #tpu.memory_space<vmem>> -> memref<200xi32, #tpu.memory_space<vmem>>
      %dma_wait3A_294 = arith.constant 0 : i32
      %dma_wait3A_295 = tpu.memref_slice %dma_wait3A_293[%dma_wait3A_294] : memref<200xi32, #tpu.memory_space<vmem>> -> memref<96xi32, #tpu.memory_space<vmem>>
      %dma_wait3A_296 = arith.constant 0 : i32
      %dma_wait3A_297 = arith.constant 0 : i32
      %dma_wait3A_298 = tpu.memref_slice %arg3[%dma_wait3A_296, %dma_wait3A_297] : memref<100000x128xf32, #tpu.memory_space<hbm>> -> memref<100000x128xf32, #tpu.memory_space<hbm>>
      tpu.wait_indirect_dma semaphore(%arg15 : memref<!tpu.dma_semaphore, #tpu.memory_space<semaphore_mem>>) src(%dma_wait3A_298 : memref<100000x128xf32, #tpu.memory_space<hbm>>) dst(%arg6 : memref<96x128xf32, #tpu.memory_space<vmem>>)
      %parallel_loop3A_299 = arith.constant 0 : i32
      %parallel_loop3A_300 = arith.constant 96 : i32
      %parallel_loop3A_301 = arith.constant 1 : i32
      %parallel_loop3A_302 = arith.constant 0 : i32
      scf.for %parallel_loop3A_416 = %parallel_loop3A_299 to %parallel_loop3A_300 step %parallel_loop3A_301  : i32 {
        %parallel_loop3A_417 = arith.constant 2 : i32
        %parallel_loop3A_418 = arith.muli %parallel_loop3A_417, %parallel_loop3A_416 : i32
        %parallel_loop3A_419 = arith.constant 0 : i32
        %parallel_loop3A_420 = arith.addi %parallel_loop3A_419, %parallel_loop3A_418 : i32
        %parallel_loop3A_421 = arith.constant 0 : i32
        %parallel_loop3A_422 = arith.addi %parallel_loop3A_420, %parallel_loop3A_421 : i32
        %parallel_loop3A_423 = vector.broadcast %parallel_loop3A_422 : i32 to vector<16xi32>
        %parallel_loop3A_424 = arith.index_cast %parallel_loop3A_416 : i32 to index
        %parallel_loop3A_425 = arith.constant 0 : index
        %parallel_loop3A_426 = tpu.vector_load %arg6[%parallel_loop3A_424, %parallel_loop3A_425] {strides = array<i32>} : memref<96x128xf32, #tpu.memory_space<vmem>>, vector<16xf32>,
        %parallel_loop3A_427 = arith.constant 0 : i32
        %parallel_loop3A_428 = arith.constant 0 : i32
        %parallel_loop3A_429 = tpu.memref_slice %arg10[%parallel_loop3A_302, %parallel_loop3A_427, %parallel_loop3A_428] : memref<2x64x401xf32, #tpu.memory_space<vmem>> -> memref<1x64x401xf32, #tpu.memory_space<vmem>>
        %parallel_loop3A_430 = tpu.memref_squeeze %parallel_loop3A_429 : memref<1x64x401xf32, #tpu.memory_space<vmem>> -> memref<64x401xf32, #tpu.memory_space<vmem>>
        tpu.vector_store_idx %parallel_loop3A_430[%add3A_3, %parallel_loop3A_423], %parallel_loop3A_426 : memref<64x401xf32, #tpu.memory_space<vmem>>[vector<16xi32>, vector<16xi32>], vector<16xf32>,
        %parallel_loop3A_431 = arith.index_cast %parallel_loop3A_416 : i32 to index
        %parallel_loop3A_432 = arith.constant 16 : index
        %parallel_loop3A_433 = tpu.vector_load %arg6[%parallel_loop3A_431, %parallel_loop3A_432] {strides = array<i32>} : memref<96x128xf32, #tpu.memory_space<vmem>>, vector<16xf32>,
        %parallel_loop3A_434 = arith.constant 0 : i32
        %parallel_loop3A_435 = arith.constant 0 : i32
        %parallel_loop3A_436 = tpu.memref_slice %arg10[%parallel_loop3A_302, %parallel_loop3A_434, %parallel_loop3A_435] : memref<2x64x401xf32, #tpu.memory_space<vmem>> -> memref<1x64x401xf32, #tpu.memory_space<vmem>>
        %parallel_loop3A_437 = tpu.memref_squeeze %parallel_loop3A_436 : memref<1x64x401xf32, #tpu.memory_space<vmem>> -> memref<64x401xf32, #tpu.memory_space<vmem>>
        tpu.vector_store_idx %parallel_loop3A_437[%add3A_6, %parallel_loop3A_423], %parallel_loop3A_433 : memref<64x401xf32, #tpu.memory_space<vmem>>[vector<16xi32>, vector<16xi32>], vector<16xf32>,
        %parallel_loop3A_438 = arith.index_cast %parallel_loop3A_416 : i32 to index
        %parallel_loop3A_439 = arith.constant 32 : index
        %parallel_loop3A_440 = tpu.vector_load %arg6[%parallel_loop3A_438, %parallel_loop3A_439] {strides = array<i32>} : memref<96x128xf32, #tpu.memory_space<vmem>>, vector<16xf32>,
        %parallel_loop3A_441 = arith.constant 0 : i32
        %parallel_loop3A_442 = arith.constant 0 : i32
        %parallel_loop3A_443 = tpu.memref_slice %arg10[%parallel_loop3A_302, %parallel_loop3A_441, %parallel_loop3A_442] : memref<2x64x401xf32, #tpu.memory_space<vmem>> -> memref<1x64x401xf32, #tpu.memory_space<vmem>>
        %parallel_loop3A_444 = tpu.memref_squeeze %parallel_loop3A_443 : memref<1x64x401xf32, #tpu.memory_space<vmem>> -> memref<64x401xf32, #tpu.memory_space<vmem>>
        tpu.vector_store_idx %parallel_loop3A_444[%add3A_9, %parallel_loop3A_423], %parallel_loop3A_440 : memref<64x401xf32, #tpu.memory_space<vmem>>[vector<16xi32>, vector<16xi32>], vector<16xf32>,
        %parallel_loop3A_445 = arith.index_cast %parallel_loop3A_416 : i32 to index
        %parallel_loop3A_446 = arith.constant 48 : index
        %parallel_loop3A_447 = tpu.vector_load %arg6[%parallel_loop3A_445, %parallel_loop3A_446] {strides = array<i32>} : memref<96x128xf32, #tpu.memory_space<vmem>>, vector<16xf32>,
        %parallel_loop3A_448 = arith.constant 0 : i32
        %parallel_loop3A_449 = arith.constant 0 : i32
        %parallel_loop3A_450 = tpu.memref_slice %arg10[%parallel_loop3A_302, %parallel_loop3A_448, %parallel_loop3A_449] : memref<2x64x401xf32, #tpu.memory_space<vmem>> -> memref<1x64x401xf32, #tpu.memory_space<vmem>>
        %parallel_loop3A_451 = tpu.memref_squeeze %parallel_loop3A_450 : memref<1x64x401xf32, #tpu.memory_space<vmem>> -> memref<64x401xf32, #tpu.memory_space<vmem>>
        tpu.vector_store_idx %parallel_loop3A_451[%add3A_12, %parallel_loop3A_423], %parallel_loop3A_447 : memref<64x401xf32, #tpu.memory_space<vmem>>[vector<16xi32>, vector<16xi32>], vector<16xf32>,
        %parallel_loop3A_452 = arith.constant 2 : i32
        %parallel_loop3A_453 = arith.muli %parallel_loop3A_452, %parallel_loop3A_416 : i32
        %parallel_loop3A_454 = arith.constant 0 : i32
        %parallel_loop3A_455 = arith.addi %parallel_loop3A_454, %parallel_loop3A_453 : i32
        %parallel_loop3A_456 = arith.constant 1 : i32
        %parallel_loop3A_457 = arith.addi %parallel_loop3A_455, %parallel_loop3A_456 : i32
        %parallel_loop3A_458 = vector.broadcast %parallel_loop3A_457 : i32 to vector<16xi32>
        %parallel_loop3A_459 = arith.index_cast %parallel_loop3A_416 : i32 to index
        %parallel_loop3A_460 = arith.constant 64 : index
        %parallel_loop3A_461 = tpu.vector_load %arg6[%parallel_loop3A_459, %parallel_loop3A_460] {strides = array<i32>} : memref<96x128xf32, #tpu.memory_space<vmem>>, vector<16xf32>,
        %parallel_loop3A_462 = arith.constant 0 : i32
        %parallel_loop3A_463 = arith.constant 0 : i32
        %parallel_loop3A_464 = tpu.memref_slice %arg10[%parallel_loop3A_302, %parallel_loop3A_462, %parallel_loop3A_463] : memref<2x64x401xf32, #tpu.memory_space<vmem>> -> memref<1x64x401xf32, #tpu.memory_space<vmem>>
        %parallel_loop3A_465 = tpu.memref_squeeze %parallel_loop3A_464 : memref<1x64x401xf32, #tpu.memory_space<vmem>> -> memref<64x401xf32, #tpu.memory_space<vmem>>
        tpu.vector_store_idx %parallel_loop3A_465[%add3A_3, %parallel_loop3A_458], %parallel_loop3A_461 : memref<64x401xf32, #tpu.memory_space<vmem>>[vector<16xi32>, vector<16xi32>], vector<16xf32>,
        %parallel_loop3A_466 = arith.index_cast %parallel_loop3A_416 : i32 to index
        %parallel_loop3A_467 = arith.constant 80 : index
        %parallel_loop3A_468 = tpu.vector_load %arg6[%parallel_loop3A_466, %parallel_loop3A_467] {strides = array<i32>} : memref<96x128xf32, #tpu.memory_space<vmem>>, vector<16xf32>,
        %parallel_loop3A_469 = arith.constant 0 : i32
        %parallel_loop3A_470 = arith.constant 0 : i32
        %parallel_loop3A_471 = tpu.memref_slice %arg10[%parallel_loop3A_302, %parallel_loop3A_469, %parallel_loop3A_470] : memref<2x64x401xf32, #tpu.memory_space<vmem>> -> memref<1x64x401xf32, #tpu.memory_space<vmem>>
        %parallel_loop3A_472 = tpu.memref_squeeze %parallel_loop3A_471 : memref<1x64x401xf32, #tpu.memory_space<vmem>> -> memref<64x401xf32, #tpu.memory_space<vmem>>
        tpu.vector_store_idx %parallel_loop3A_472[%add3A_6, %parallel_loop3A_458], %parallel_loop3A_468 : memref<64x401xf32, #tpu.memory_space<vmem>>[vector<16xi32>, vector<16xi32>], vector<16xf32>,
        %parallel_loop3A_473 = arith.index_cast %parallel_loop3A_416 : i32 to index
        %parallel_loop3A_474 = arith.constant 96 : index
        %parallel_loop3A_475 = tpu.vector_load %arg6[%parallel_loop3A_473, %parallel_loop3A_474] {strides = array<i32>} : memref<96x128xf32, #tpu.memory_space<vmem>>, vector<16xf32>,
        %parallel_loop3A_476 = arith.constant 0 : i32
        %parallel_loop3A_477 = arith.constant 0 : i32
        %parallel_loop3A_478 = tpu.memref_slice %arg10[%parallel_loop3A_302, %parallel_loop3A_476, %parallel_loop3A_477] : memref<2x64x401xf32, #tpu.memory_space<vmem>> -> memref<1x64x401xf32, #tpu.memory_space<vmem>>
        %parallel_loop3A_479 = tpu.memref_squeeze %parallel_loop3A_478 : memref<1x64x401xf32, #tpu.memory_space<vmem>> -> memref<64x401xf32, #tpu.memory_space<vmem>>
        tpu.vector_store_idx %parallel_loop3A_479[%add3A_9, %parallel_loop3A_458], %parallel_loop3A_475 : memref<64x401xf32, #tpu.memory_space<vmem>>[vector<16xi32>, vector<16xi32>], vector<16xf32>,
        %parallel_loop3A_480 = arith.index_cast %parallel_loop3A_416 : i32 to index
        %parallel_loop3A_481 = arith.constant 112 : index
        %parallel_loop3A_482 = tpu.vector_load %arg6[%parallel_loop3A_480, %parallel_loop3A_481] {strides = array<i32>} : memref<96x128xf32, #tpu.memory_space<vmem>>, vector<16xf32>,
        %parallel_loop3A_483 = arith.constant 0 : i32
        %parallel_loop3A_484 = arith.constant 0 : i32
        %parallel_loop3A_485 = tpu.memref_slice %arg10[%parallel_loop3A_302, %parallel_loop3A_483, %parallel_loop3A_484] : memref<2x64x401xf32, #tpu.memory_space<vmem>> -> memref<1x64x401xf32, #tpu.memory_space<vmem>>
        %parallel_loop3A_486 = tpu.memref_squeeze %parallel_loop3A_485 : memref<1x64x401xf32, #tpu.memory_space<vmem>> -> memref<64x401xf32, #tpu.memory_space<vmem>>
        tpu.vector_store_idx %parallel_loop3A_486[%add3A_12, %parallel_loop3A_458], %parallel_loop3A_482 : memref<64x401xf32, #tpu.memory_space<vmem>>[vector<16xi32>, vector<16xi32>], vector<16xf32>,
      } {sc.loop_unroll_factor = 4 : i64, sc.parallel_access}
      %dma_wait3A_303 = arith.constant 2 : i32
      %dma_wait3A_304 = arith.constant 0 : i32
      %dma_wait3A_305 = tpu.memref_slice %arg5[%dma_wait3A_303, %dma_wait3A_304] : memref<4x200xi32, #tpu.memory_space<vmem>> -> memref<1x200xi32, #tpu.memory_space<vmem>>
      %dma_wait3A_306 = tpu.memref_squeeze %dma_wait3A_305 : memref<1x200xi32, #tpu.memory_space<vmem>> -> memref<200xi32, #tpu.memory_space<vmem>>
      %dma_wait3A_307 = arith.constant 96 : i32
      %dma_wait3A_308 = tpu.memref_slice %dma_wait3A_306[%dma_wait3A_307] : memref<200xi32, #tpu.memory_space<vmem>> -> memref<104xi32, #tpu.memory_space<vmem>>
      %dma_wait3A_309 = arith.constant 0 : i32
      %dma_wait3A_310 = arith.constant 0 : i32
      %dma_wait3A_311 = tpu.memref_slice %arg3[%dma_wait3A_309, %dma_wait3A_310] : memref<100000x128xf32, #tpu.memory_space<hbm>> -> memref<100000x128xf32, #tpu.memory_space<hbm>>
      tpu.wait_indirect_dma semaphore(%arg16 : memref<!tpu.dma_semaphore, #tpu.memory_space<semaphore_mem>>) src(%dma_wait3A_311 : memref<100000x128xf32, #tpu.memory_space<hbm>>) dst(%arg7 : memref<104x128xf32, #tpu.memory_space<vmem>>)
      %parallel_loop3A_312 = arith.constant 0 : i32
      %parallel_loop3A_313 = arith.constant 104 : i32
      %parallel_loop3A_314 = arith.constant 1 : i32
      %parallel_loop3A_315 = arith.constant 0 : i32
      scf.for %parallel_loop3A_416 = %parallel_loop3A_312 to %parallel_loop3A_313 step %parallel_loop3A_314  : i32 {
        %parallel_loop3A_417 = arith.constant 2 : i32
        %parallel_loop3A_418 = arith.muli %parallel_loop3A_417, %parallel_loop3A_416 : i32
        %parallel_loop3A_419 = arith.constant 192 : i32
        %parallel_loop3A_420 = arith.addi %parallel_loop3A_419, %parallel_loop3A_418 : i32
        %parallel_loop3A_421 = arith.constant 0 : i32
        %parallel_loop3A_422 = arith.addi %parallel_loop3A_420, %parallel_loop3A_421 : i32
        %parallel_loop3A_423 = vector.broadcast %parallel_loop3A_422 : i32 to vector<16xi32>
        %parallel_loop3A_424 = arith.index_cast %parallel_loop3A_416 : i32 to index
        %parallel_loop3A_425 = arith.constant 0 : index
        %parallel_loop3A_426 = tpu.vector_load %arg7[%parallel_loop3A_424, %parallel_loop3A_425] {strides = array<i32>} : memref<104x128xf32, #tpu.memory_space<vmem>>, vector<16xf32>,
        %parallel_loop3A_427 = arith.constant 0 : i32
        %parallel_loop3A_428 = arith.constant 0 : i32
        %parallel_loop3A_429 = tpu.memref_slice %arg10[%parallel_loop3A_315, %parallel_loop3A_427, %parallel_loop3A_428] : memref<2x64x401xf32, #tpu.memory_space<vmem>> -> memref<1x64x401xf32, #tpu.memory_space<vmem>>
        %parallel_loop3A_430 = tpu.memref_squeeze %parallel_loop3A_429 : memref<1x64x401xf32, #tpu.memory_space<vmem>> -> memref<64x401xf32, #tpu.memory_space<vmem>>
        tpu.vector_store_idx %parallel_loop3A_430[%add3A_3, %parallel_loop3A_423], %parallel_loop3A_426 : memref<64x401xf32, #tpu.memory_space<vmem>>[vector<16xi32>, vector<16xi32>], vector<16xf32>,
        %parallel_loop3A_431 = arith.index_cast %parallel_loop3A_416 : i32 to index
        %parallel_loop3A_432 = arith.constant 16 : index
        %parallel_loop3A_433 = tpu.vector_load %arg7[%parallel_loop3A_431, %parallel_loop3A_432] {strides = array<i32>} : memref<104x128xf32, #tpu.memory_space<vmem>>, vector<16xf32>,
        %parallel_loop3A_434 = arith.constant 0 : i32
        %parallel_loop3A_435 = arith.constant 0 : i32
        %parallel_loop3A_436 = tpu.memref_slice %arg10[%parallel_loop3A_315, %parallel_loop3A_434, %parallel_loop3A_435] : memref<2x64x401xf32, #tpu.memory_space<vmem>> -> memref<1x64x401xf32, #tpu.memory_space<vmem>>
        %parallel_loop3A_437 = tpu.memref_squeeze %parallel_loop3A_436 : memref<1x64x401xf32, #tpu.memory_space<vmem>> -> memref<64x401xf32, #tpu.memory_space<vmem>>
        tpu.vector_store_idx %parallel_loop3A_437[%add3A_6, %parallel_loop3A_423], %parallel_loop3A_433 : memref<64x401xf32, #tpu.memory_space<vmem>>[vector<16xi32>, vector<16xi32>], vector<16xf32>,
        %parallel_loop3A_438 = arith.index_cast %parallel_loop3A_416 : i32 to index
        %parallel_loop3A_439 = arith.constant 32 : index
        %parallel_loop3A_440 = tpu.vector_load %arg7[%parallel_loop3A_438, %parallel_loop3A_439] {strides = array<i32>} : memref<104x128xf32, #tpu.memory_space<vmem>>, vector<16xf32>,
        %parallel_loop3A_441 = arith.constant 0 : i32
        %parallel_loop3A_442 = arith.constant 0 : i32
        %parallel_loop3A_443 = tpu.memref_slice %arg10[%parallel_loop3A_315, %parallel_loop3A_441, %parallel_loop3A_442] : memref<2x64x401xf32, #tpu.memory_space<vmem>> -> memref<1x64x401xf32, #tpu.memory_space<vmem>>
        %parallel_loop3A_444 = tpu.memref_squeeze %parallel_loop3A_443 : memref<1x64x401xf32, #tpu.memory_space<vmem>> -> memref<64x401xf32, #tpu.memory_space<vmem>>
        tpu.vector_store_idx %parallel_loop3A_444[%add3A_9, %parallel_loop3A_423], %parallel_loop3A_440 : memref<64x401xf32, #tpu.memory_space<vmem>>[vector<16xi32>, vector<16xi32>], vector<16xf32>,
        %parallel_loop3A_445 = arith.index_cast %parallel_loop3A_416 : i32 to index
        %parallel_loop3A_446 = arith.constant 48 : index
        %parallel_loop3A_447 = tpu.vector_load %arg7[%parallel_loop3A_445, %parallel_loop3A_446] {strides = array<i32>} : memref<104x128xf32, #tpu.memory_space<vmem>>, vector<16xf32>,
        %parallel_loop3A_448 = arith.constant 0 : i32
        %parallel_loop3A_449 = arith.constant 0 : i32
        %parallel_loop3A_450 = tpu.memref_slice %arg10[%parallel_loop3A_315, %parallel_loop3A_448, %parallel_loop3A_449] : memref<2x64x401xf32, #tpu.memory_space<vmem>> -> memref<1x64x401xf32, #tpu.memory_space<vmem>>
        %parallel_loop3A_451 = tpu.memref_squeeze %parallel_loop3A_450 : memref<1x64x401xf32, #tpu.memory_space<vmem>> -> memref<64x401xf32, #tpu.memory_space<vmem>>
        tpu.vector_store_idx %parallel_loop3A_451[%add3A_12, %parallel_loop3A_423], %parallel_loop3A_447 : memref<64x401xf32, #tpu.memory_space<vmem>>[vector<16xi32>, vector<16xi32>], vector<16xf32>,
        %parallel_loop3A_452 = arith.constant 2 : i32
        %parallel_loop3A_453 = arith.muli %parallel_loop3A_452, %parallel_loop3A_416 : i32
        %parallel_loop3A_454 = arith.constant 192 : i32
        %parallel_loop3A_455 = arith.addi %parallel_loop3A_454, %parallel_loop3A_453 : i32
        %parallel_loop3A_456 = arith.constant 1 : i32
        %parallel_loop3A_457 = arith.addi %parallel_loop3A_455, %parallel_loop3A_456 : i32
        %parallel_loop3A_458 = vector.broadcast %parallel_loop3A_457 : i32 to vector<16xi32>
        %parallel_loop3A_459 = arith.index_cast %parallel_loop3A_416 : i32 to index
        %parallel_loop3A_460 = arith.constant 64 : index
        %parallel_loop3A_461 = tpu.vector_load %arg7[%parallel_loop3A_459, %parallel_loop3A_460] {strides = array<i32>} : memref<104x128xf32, #tpu.memory_space<vmem>>, vector<16xf32>,
        %parallel_loop3A_462 = arith.constant 0 : i32
        %parallel_loop3A_463 = arith.constant 0 : i32
        %parallel_loop3A_464 = tpu.memref_slice %arg10[%parallel_loop3A_315, %parallel_loop3A_462, %parallel_loop3A_463] : memref<2x64x401xf32, #tpu.memory_space<vmem>> -> memref<1x64x401xf32, #tpu.memory_space<vmem>>
        %parallel_loop3A_465 = tpu.memref_squeeze %parallel_loop3A_464 : memref<1x64x401xf32, #tpu.memory_space<vmem>> -> memref<64x401xf32, #tpu.memory_space<vmem>>
        tpu.vector_store_idx %parallel_loop3A_465[%add3A_3, %parallel_loop3A_458], %parallel_loop3A_461 : memref<64x401xf32, #tpu.memory_space<vmem>>[vector<16xi32>, vector<16xi32>], vector<16xf32>,
        %parallel_loop3A_466 = arith.index_cast %parallel_loop3A_416 : i32 to index
        %parallel_loop3A_467 = arith.constant 80 : index
        %parallel_loop3A_468 = tpu.vector_load %arg7[%parallel_loop3A_466, %parallel_loop3A_467] {strides = array<i32>} : memref<104x128xf32, #tpu.memory_space<vmem>>, vector<16xf32>,
        %parallel_loop3A_469 = arith.constant 0 : i32
        %parallel_loop3A_470 = arith.constant 0 : i32
        %parallel_loop3A_471 = tpu.memref_slice %arg10[%parallel_loop3A_315, %parallel_loop3A_469, %parallel_loop3A_470] : memref<2x64x401xf32, #tpu.memory_space<vmem>> -> memref<1x64x401xf32, #tpu.memory_space<vmem>>
        %parallel_loop3A_472 = tpu.memref_squeeze %parallel_loop3A_471 : memref<1x64x401xf32, #tpu.memory_space<vmem>> -> memref<64x401xf32, #tpu.memory_space<vmem>>
        tpu.vector_store_idx %parallel_loop3A_472[%add3A_6, %parallel_loop3A_458], %parallel_loop3A_468 : memref<64x401xf32, #tpu.memory_space<vmem>>[vector<16xi32>, vector<16xi32>], vector<16xf32>,
        %parallel_loop3A_473 = arith.index_cast %parallel_loop3A_416 : i32 to index
        %parallel_loop3A_474 = arith.constant 96 : index
        %parallel_loop3A_475 = tpu.vector_load %arg7[%parallel_loop3A_473, %parallel_loop3A_474] {strides = array<i32>} : memref<104x128xf32, #tpu.memory_space<vmem>>, vector<16xf32>,
        %parallel_loop3A_476 = arith.constant 0 : i32
        %parallel_loop3A_477 = arith.constant 0 : i32
        %parallel_loop3A_478 = tpu.memref_slice %arg10[%parallel_loop3A_315, %parallel_loop3A_476, %parallel_loop3A_477] : memref<2x64x401xf32, #tpu.memory_space<vmem>> -> memref<1x64x401xf32, #tpu.memory_space<vmem>>
        %parallel_loop3A_479 = tpu.memref_squeeze %parallel_loop3A_478 : memref<1x64x401xf32, #tpu.memory_space<vmem>> -> memref<64x401xf32, #tpu.memory_space<vmem>>
        tpu.vector_store_idx %parallel_loop3A_479[%add3A_9, %parallel_loop3A_458], %parallel_loop3A_475 : memref<64x401xf32, #tpu.memory_space<vmem>>[vector<16xi32>, vector<16xi32>], vector<16xf32>,
        %parallel_loop3A_480 = arith.index_cast %parallel_loop3A_416 : i32 to index
        %parallel_loop3A_481 = arith.constant 112 : index
        %parallel_loop3A_482 = tpu.vector_load %arg7[%parallel_loop3A_480, %parallel_loop3A_481] {strides = array<i32>} : memref<104x128xf32, #tpu.memory_space<vmem>>, vector<16xf32>,
        %parallel_loop3A_483 = arith.constant 0 : i32
        %parallel_loop3A_484 = arith.constant 0 : i32
        %parallel_loop3A_485 = tpu.memref_slice %arg10[%parallel_loop3A_315, %parallel_loop3A_483, %parallel_loop3A_484] : memref<2x64x401xf32, #tpu.memory_space<vmem>> -> memref<1x64x401xf32, #tpu.memory_space<vmem>>
        %parallel_loop3A_486 = tpu.memref_squeeze %parallel_loop3A_485 : memref<1x64x401xf32, #tpu.memory_space<vmem>> -> memref<64x401xf32, #tpu.memory_space<vmem>>
        tpu.vector_store_idx %parallel_loop3A_486[%add3A_12, %parallel_loop3A_458], %parallel_loop3A_482 : memref<64x401xf32, #tpu.memory_space<vmem>>[vector<16xi32>, vector<16xi32>], vector<16xf32>,
      } {sc.loop_unroll_factor = 4 : i64, sc.parallel_access}
      %add3A_316 = arith.constant 2 : i32
      %add3A_317 = arith.addi %add3A_280, %add3A_316 : i32
      %lt3A_318 = arith.constant 128 : i32
      %lt3A_319 = arith.cmpi slt, %add3A_317, %lt3A_318 : i32
      %convert_element_type3A_320 = arith.extui %lt3A_319 : i1 to i32
      %cond3A_321 = arith.constant 0 : i32
      %cond3A_322 = arith.cmpi ne, %convert_element_type3A_320, %cond3A_321 : i32
      scf.if %cond3A_322 {
        %add3A_416 = arith.constant 2 : i32
        %add3A_417 = arith.addi %add3A_283, %add3A_416 : i32
        %dma_wait3A_418 = arith.constant 0 : i32
        %dma_wait3A_419 = arith.constant 0 : i32
        %dma_wait3A_420 = tpu.memref_slice %arg5[%dma_wait3A_418, %dma_wait3A_419] : memref<4x200xi32, #tpu.memory_space<vmem>> -> memref<1x200xi32, #tpu.memory_space<vmem>>
        %dma_wait3A_421 = tpu.memref_squeeze %dma_wait3A_420 : memref<1x200xi32, #tpu.memory_space<vmem>> -> memref<200xi32, #tpu.memory_space<vmem>>
        %dma_wait3A_422 = arith.constant 0 : i32
        %dma_wait3A_423 = tpu.memref_slice %arg2[%add3A_417, %dma_wait3A_422] : memref<4096x200xi32, #tpu.memory_space<hbm>> -> memref<1x200xi32, #tpu.memory_space<hbm>>
        %dma_wait3A_424 = tpu.memref_squeeze %dma_wait3A_423 : memref<1x200xi32, #tpu.memory_space<hbm>> -> memref<200xi32, #tpu.memory_space<hbm>>
        %dma_wait3A_425 = arith.constant 0 : i32
        %dma_wait3A_426 = tpu.memref_slice %arg5[%dma_wait3A_418, %dma_wait3A_425] : memref<4x200xi32, #tpu.memory_space<vmem>> -> memref<1x200xi32, #tpu.memory_space<vmem>>
        %dma_wait3A_427 = tpu.memref_squeeze %dma_wait3A_426 : memref<1x200xi32, #tpu.memory_space<vmem>> -> memref<200xi32, #tpu.memory_space<vmem>>
        %dma_wait3A_428 = arith.constant 0 : i32
        %dma_wait3A_429 = tpu.memref_slice %arg2[%add3A_417, %dma_wait3A_428] : memref<4096x200xi32, #tpu.memory_space<hbm>> -> memref<1x200xi32, #tpu.memory_space<hbm>>
        %dma_wait3A_430 = tpu.memref_squeeze %dma_wait3A_429 : memref<1x200xi32, #tpu.memory_space<hbm>> -> memref<200xi32, #tpu.memory_space<hbm>>
        tpu.wait_dma2 semaphore(%arg11 : memref<!tpu.dma_semaphore, #tpu.memory_space<semaphore_mem>>) src(%dma_wait3A_430 : memref<200xi32, #tpu.memory_space<hbm>>) dst(%dma_wait3A_427 : memref<200xi32, #tpu.memory_space<vmem>>)
        %dma_start3A_431 = arith.constant 0 : i32
        %dma_start3A_432 = arith.constant 0 : i32
        %dma_start3A_433 = tpu.memref_slice %arg5[%dma_start3A_431, %dma_start3A_432] : memref<4x200xi32, #tpu.memory_space<vmem>> -> memref<1x200xi32, #tpu.memory_space<vmem>>
        %dma_start3A_434 = tpu.memref_squeeze %dma_start3A_433 : memref<1x200xi32, #tpu.memory_space<vmem>> -> memref<200xi32, #tpu.memory_space<vmem>>
        %dma_start3A_435 = arith.constant 0 : i32
        %dma_start3A_436 = tpu.memref_slice %dma_start3A_434[%dma_start3A_435] : memref<200xi32, #tpu.memory_space<vmem>> -> memref<96xi32, #tpu.memory_space<vmem>>
        %dma_start3A_437 = arith.constant 0 : i32
        %dma_start3A_438 = arith.constant 0 : i32
        %dma_start3A_439 = tpu.memref_slice %arg3[%dma_start3A_437, %dma_start3A_438] : memref<100000x128xf32, #tpu.memory_space<hbm>> -> memref<100000x128xf32, #tpu.memory_space<hbm>>
        tpu.enqueue_indirect_dma source(%dma_start3A_439 : memref<100000x128xf32, #tpu.memory_space<hbm>>) target(%arg6 : memref<96x128xf32, #tpu.memory_space<vmem>>) offsets(%dma_start3A_436 : memref<96xi32, #tpu.memory_space<vmem>>) semaphore(%arg15 : memref<!tpu.dma_semaphore, #tpu.memory_space<semaphore_mem>>)
        %dma_start3A_440 = arith.constant 0 : i32
        %dma_start3A_441 = arith.constant 0 : i32
        %dma_start3A_442 = tpu.memref_slice %arg5[%dma_start3A_440, %dma_start3A_441] : memref<4x200xi32, #tpu.memory_space<vmem>> -> memref<1x200xi32, #tpu.memory_space<vmem>>
        %dma_start3A_443 = tpu.memref_squeeze %dma_start3A_442 : memref<1x200xi32, #tpu.memory_space<vmem>> -> memref<200xi32, #tpu.memory_space<vmem>>
        %dma_start3A_444 = arith.constant 96 : i32
        %dma_start3A_445 = tpu.memref_slice %dma_start3A_443[%dma_start3A_444] : memref<200xi32, #tpu.memory_space<vmem>> -> memref<104xi32, #tpu.memory_space<vmem>>
        %dma_start3A_446 = arith.constant 0 : i32
        %dma_start3A_447 = arith.constant 0 : i32
        %dma_start3A_448 = tpu.memref_slice %arg3[%dma_start3A_446, %dma_start3A_447] : memref<100000x128xf32, #tpu.memory_space<hbm>> -> memref<100000x128xf32, #tpu.memory_space<hbm>>
        tpu.enqueue_indirect_dma source(%dma_start3A_448 : memref<100000x128xf32, #tpu.memory_space<hbm>>) target(%arg7 : memref<104x128xf32, #tpu.memory_space<vmem>>) offsets(%dma_start3A_445 : memref<104xi32, #tpu.memory_space<vmem>>) semaphore(%arg16 : memref<!tpu.dma_semaphore, #tpu.memory_space<semaphore_mem>>)
        %add3A_449 = arith.constant 4 : i32
        %add3A_450 = arith.addi %add3A_280, %add3A_449 : i32
        %lt3A_451 = arith.constant 128 : i32
        %lt3A_452 = arith.cmpi slt, %add3A_450, %lt3A_451 : i32
        %convert_element_type3A_453 = arith.extui %lt3A_452 : i1 to i32
        %cond3A_454 = arith.constant 0 : i32
        %cond3A_455 = arith.cmpi ne, %convert_element_type3A_453, %cond3A_454 : i32
        scf.if %cond3A_455 {
          %add3A_456 = arith.constant 4 : i32
          %add3A_457 = arith.addi %add3A_283, %add3A_456 : i32
          %dma_start3A_458 = arith.constant 2 : i32
          %dma_start3A_459 = arith.constant 0 : i32
          %dma_start3A_460 = tpu.memref_slice %arg5[%dma_start3A_458, %dma_start3A_459] : memref<4x200xi32, #tpu.memory_space<vmem>> -> memref<1x200xi32, #tpu.memory_space<vmem>>
          %dma_start3A_461 = tpu.memref_squeeze %dma_start3A_460 : memref<1x200xi32, #tpu.memory_space<vmem>> -> memref<200xi32, #tpu.memory_space<vmem>>
          %dma_start3A_462 = arith.constant 0 : i32
          %dma_start3A_463 = tpu.memref_slice %arg2[%add3A_457, %dma_start3A_462] : memref<4096x200xi32, #tpu.memory_space<hbm>> -> memref<1x200xi32, #tpu.memory_space<hbm>>
          %dma_start3A_464 = tpu.memref_squeeze %dma_start3A_463 : memref<1x200xi32, #tpu.memory_space<hbm>> -> memref<200xi32, #tpu.memory_space<hbm>>
          %dma_start3A_465 = arith.constant 0 : i32
          %dma_start3A_466 = tpu.memref_slice %arg5[%dma_start3A_458, %dma_start3A_465] : memref<4x200xi32, #tpu.memory_space<vmem>> -> memref<1x200xi32, #tpu.memory_space<vmem>>
          %dma_start3A_467 = tpu.memref_squeeze %dma_start3A_466 : memref<1x200xi32, #tpu.memory_space<vmem>> -> memref<200xi32, #tpu.memory_space<vmem>>
          %dma_start3A_468 = arith.constant 0 : i32
          %dma_start3A_469 = tpu.memref_slice %arg2[%add3A_457, %dma_start3A_468] : memref<4096x200xi32, #tpu.memory_space<hbm>> -> memref<1x200xi32, #tpu.memory_space<hbm>>
          %dma_start3A_470 = tpu.memref_squeeze %dma_start3A_469 : memref<1x200xi32, #tpu.memory_space<hbm>> -> memref<200xi32, #tpu.memory_space<hbm>>
          tpu.enqueue_dma source(%dma_start3A_470 : memref<200xi32, #tpu.memory_space<hbm>>) target(%dma_start3A_467 : memref<200xi32, #tpu.memory_space<vmem>>) target_semaphore(%arg13 : memref<!tpu.dma_semaphore, #tpu.memory_space<semaphore_mem>>)
        } else {
        }
      } else {
      }
      %dma_start3A_323 = arith.constant 0 : i32
      %dma_start3A_324 = arith.constant 0 : i32
      %dma_start3A_325 = arith.constant 0 : i32
      %dma_start3A_326 = tpu.memref_slice %arg10[%dma_start3A_323, %dma_start3A_324, %dma_start3A_325] : memref<2x64x401xf32, #tpu.memory_space<vmem>> -> memref<1x64x401xf32, #tpu.memory_space<vmem>>
      %dma_start3A_327 = tpu.memref_squeeze %dma_start3A_326 : memref<1x64x401xf32, #tpu.memory_space<vmem>> -> memref<64x401xf32, #tpu.memory_space<vmem>>
      %dma_start3A_328 = arith.constant 0 : i32
      %dma_start3A_329 = arith.constant 0 : i32
      %dma_start3A_330 = tpu.memref_slice %dma_start3A_327[%dma_start3A_328, %dma_start3A_329] : memref<64x401xf32, #tpu.memory_space<vmem>> -> memref<64x400xf32, #tpu.memory_space<vmem>>
      %dma_start3A_331 = arith.constant 0 : i32
      %dma_start3A_332 = arith.constant 0 : i32
      %dma_start3A_333 = tpu.memref_slice %arg4[%add3A_283, %dma_start3A_331, %dma_start3A_332] : memref<4096x64x400xf32, #tpu.memory_space<hbm>> -> memref<1x64x400xf32, #tpu.memory_space<hbm>>
      %dma_start3A_334 = tpu.memref_squeeze %dma_start3A_333 : memref<1x64x400xf32, #tpu.memory_space<hbm>> -> memref<64x400xf32, #tpu.memory_space<hbm>>
      %dma_start3A_335 = arith.constant 0 : i32
      %dma_start3A_336 = arith.constant 0 : i32
      %dma_start3A_337 = tpu.memref_slice %arg4[%add3A_283, %dma_start3A_335, %dma_start3A_336] : memref<4096x64x400xf32, #tpu.memory_space<hbm>> -> memref<1x64x400xf32, #tpu.memory_space<hbm>>
      %dma_start3A_338 = tpu.memref_squeeze %dma_start3A_337 : memref<1x64x400xf32, #tpu.memory_space<hbm>> -> memref<64x400xf32, #tpu.memory_space<hbm>>
      %dma_start3A_339 = arith.constant 0 : i32
      %dma_start3A_340 = arith.constant 0 : i32
      %dma_start3A_341 = tpu.memref_slice %arg10[%dma_start3A_323, %dma_start3A_339, %dma_start3A_340] : memref<2x64x401xf32, #tpu.memory_space<vmem>> -> memref<1x64x401xf32, #tpu.memory_space<vmem>>
      %dma_start3A_342 = tpu.memref_squeeze %dma_start3A_341 : memref<1x64x401xf32, #tpu.memory_space<vmem>> -> memref<64x401xf32, #tpu.memory_space<vmem>>
      %dma_start3A_343 = arith.constant 0 : i32
      %dma_start3A_344 = arith.constant 0 : i32
      %dma_start3A_345 = tpu.memref_slice %dma_start3A_342[%dma_start3A_343, %dma_start3A_344] : memref<64x401xf32, #tpu.memory_space<vmem>> -> memref<64x400xf32, #tpu.memory_space<vmem>>
      tpu.enqueue_dma source(%dma_start3A_345 : memref<64x400xf32, #tpu.memory_space<vmem>>) target(%dma_start3A_338 : memref<64x400xf32, #tpu.memory_space<hbm>>) target_semaphore(%arg19 : memref<!tpu.dma_semaphore, #tpu.memory_space<semaphore_mem>>)
      %mul3A_346 = arith.constant 4 : i32
      %mul3A_347 = arith.muli %mul3A_346, %scan3A_142 : i32
      %add3A_348 = arith.constant 3 : i32
      %add3A_349 = arith.addi %mul3A_347, %add3A_348 : i32
      %mul3A_350 = arith.constant 128 : i32
      %mul3A_351 = arith.muli %add3A, %mul3A_350 : i32
      %add3A_352 = arith.addi %mul3A_351, %add3A_349 : i32
      %ge3A_353 = arith.constant 2 : i32
      %ge3A_354 = arith.cmpi sge, %add3A_349, %ge3A_353 : i32
      %convert_element_type3A_355 = arith.extui %ge3A_354 : i1 to i32
      %cond3A_356 = arith.constant 1 : i32
      %cond3A_357 = arith.constant 0 : i32
      %cond3A_358 = arith.cmpi ne, %convert_element_type3A_355, %cond3A_357 : i32
      scf.if %cond3A_358 {
        %sub3A = arith.constant 2 : i32
        %sub3A_416 = arith.subi %add3A_352, %sub3A : i32
        %dma_wait3A_417 = arith.constant 0 : i32
        %dma_wait3A_418 = arith.constant 0 : i32
        %dma_wait3A_419 = tpu.memref_slice %arg10[%cond3A_356, %dma_wait3A_417, %dma_wait3A_418] : memref<2x64x401xf32, #tpu.memory_space<vmem>> -> memref<1x64x401xf32, #tpu.memory_space<vmem>>
        %dma_wait3A_420 = tpu.memref_squeeze %dma_wait3A_419 : memref<1x64x401xf32, #tpu.memory_space<vmem>> -> memref<64x401xf32, #tpu.memory_space<vmem>>
        %dma_wait3A_421 = arith.constant 0 : i32
        %dma_wait3A_422 = arith.constant 0 : i32
        %dma_wait3A_423 = tpu.memref_slice %dma_wait3A_420[%dma_wait3A_421, %dma_wait3A_422] : memref<64x401xf32, #tpu.memory_space<vmem>> -> memref<64x400xf32, #tpu.memory_space<vmem>>
        %dma_wait3A_424 = arith.constant 0 : i32
        %dma_wait3A_425 = arith.constant 0 : i32
        %dma_wait3A_426 = tpu.memref_slice %arg4[%sub3A_416, %dma_wait3A_424, %dma_wait3A_425] : memref<4096x64x400xf32, #tpu.memory_space<hbm>> -> memref<1x64x400xf32, #tpu.memory_space<hbm>>
        %dma_wait3A_427 = tpu.memref_squeeze %dma_wait3A_426 : memref<1x64x400xf32, #tpu.memory_space<hbm>> -> memref<64x400xf32, #tpu.memory_space<hbm>>
        %dma_wait3A_428 = arith.constant 0 : i32
        %dma_wait3A_429 = arith.constant 0 : i32
        %dma_wait3A_430 = tpu.memref_slice %arg4[%sub3A_416, %dma_wait3A_428, %dma_wait3A_429] : memref<4096x64x400xf32, #tpu.memory_space<hbm>> -> memref<1x64x400xf32, #tpu.memory_space<hbm>>
        %dma_wait3A_431 = tpu.memref_squeeze %dma_wait3A_430 : memref<1x64x400xf32, #tpu.memory_space<hbm>> -> memref<64x400xf32, #tpu.memory_space<hbm>>
        %dma_wait3A_432 = arith.constant 0 : i32
        %dma_wait3A_433 = arith.constant 0 : i32
        %dma_wait3A_434 = tpu.memref_slice %arg10[%cond3A_356, %dma_wait3A_432, %dma_wait3A_433] : memref<2x64x401xf32, #tpu.memory_space<vmem>> -> memref<1x64x401xf32, #tpu.memory_space<vmem>>
        %dma_wait3A_435 = tpu.memref_squeeze %dma_wait3A_434 : memref<1x64x401xf32, #tpu.memory_space<vmem>> -> memref<64x401xf32, #tpu.memory_space<vmem>>
        %dma_wait3A_436 = arith.constant 0 : i32
        %dma_wait3A_437 = arith.constant 0 : i32
        %dma_wait3A_438 = tpu.memref_slice %dma_wait3A_435[%dma_wait3A_436, %dma_wait3A_437] : memref<64x401xf32, #tpu.memory_space<vmem>> -> memref<64x400xf32, #tpu.memory_space<vmem>>
        tpu.wait_dma2 semaphore(%arg20 : memref<!tpu.dma_semaphore, #tpu.memory_space<semaphore_mem>>) src(%dma_wait3A_438 : memref<64x400xf32, #tpu.memory_space<vmem>>) dst(%dma_wait3A_431 : memref<64x400xf32, #tpu.memory_space<hbm>>)
      } else {
      }
      %dma_wait3A_359 = arith.constant 3 : i32
      %dma_wait3A_360 = arith.constant 0 : i32
      %dma_wait3A_361 = tpu.memref_slice %arg5[%dma_wait3A_359, %dma_wait3A_360] : memref<4x200xi32, #tpu.memory_space<vmem>> -> memref<1x200xi32, #tpu.memory_space<vmem>>
      %dma_wait3A_362 = tpu.memref_squeeze %dma_wait3A_361 : memref<1x200xi32, #tpu.memory_space<vmem>> -> memref<200xi32, #tpu.memory_space<vmem>>
      %dma_wait3A_363 = arith.constant 0 : i32
      %dma_wait3A_364 = tpu.memref_slice %dma_wait3A_362[%dma_wait3A_363] : memref<200xi32, #tpu.memory_space<vmem>> -> memref<96xi32, #tpu.memory_space<vmem>>
      %dma_wait3A_365 = arith.constant 0 : i32
      %dma_wait3A_366 = arith.constant 0 : i32
      %dma_wait3A_367 = tpu.memref_slice %arg3[%dma_wait3A_365, %dma_wait3A_366] : memref<100000x128xf32, #tpu.memory_space<hbm>> -> memref<100000x128xf32, #tpu.memory_space<hbm>>
      tpu.wait_indirect_dma semaphore(%arg17 : memref<!tpu.dma_semaphore, #tpu.memory_space<semaphore_mem>>) src(%dma_wait3A_367 : memref<100000x128xf32, #tpu.memory_space<hbm>>) dst(%arg8 : memref<96x128xf32, #tpu.memory_space<vmem>>)
      %parallel_loop3A_368 = arith.constant 0 : i32
      %parallel_loop3A_369 = arith.constant 96 : i32
      %parallel_loop3A_370 = arith.constant 1 : i32
      %parallel_loop3A_371 = arith.constant 1 : i32
      scf.for %parallel_loop3A_416 = %parallel_loop3A_368 to %parallel_loop3A_369 step %parallel_loop3A_370  : i32 {
        %parallel_loop3A_417 = arith.constant 2 : i32
        %parallel_loop3A_418 = arith.muli %parallel_loop3A_417, %parallel_loop3A_416 : i32
        %parallel_loop3A_419 = arith.constant 0 : i32
        %parallel_loop3A_420 = arith.addi %parallel_loop3A_419, %parallel_loop3A_418 : i32
        %parallel_loop3A_421 = arith.constant 0 : i32
        %parallel_loop3A_422 = arith.addi %parallel_loop3A_420, %parallel_loop3A_421 : i32
        %parallel_loop3A_423 = vector.broadcast %parallel_loop3A_422 : i32 to vector<16xi32>
        %parallel_loop3A_424 = arith.index_cast %parallel_loop3A_416 : i32 to index
        %parallel_loop3A_425 = arith.constant 0 : index
        %parallel_loop3A_426 = tpu.vector_load %arg8[%parallel_loop3A_424, %parallel_loop3A_425] {strides = array<i32>} : memref<96x128xf32, #tpu.memory_space<vmem>>, vector<16xf32>,
        %parallel_loop3A_427 = arith.constant 0 : i32
        %parallel_loop3A_428 = arith.constant 0 : i32
        %parallel_loop3A_429 = tpu.memref_slice %arg10[%parallel_loop3A_371, %parallel_loop3A_427, %parallel_loop3A_428] : memref<2x64x401xf32, #tpu.memory_space<vmem>> -> memref<1x64x401xf32, #tpu.memory_space<vmem>>
        %parallel_loop3A_430 = tpu.memref_squeeze %parallel_loop3A_429 : memref<1x64x401xf32, #tpu.memory_space<vmem>> -> memref<64x401xf32, #tpu.memory_space<vmem>>
        tpu.vector_store_idx %parallel_loop3A_430[%add3A_3, %parallel_loop3A_423], %parallel_loop3A_426 : memref<64x401xf32, #tpu.memory_space<vmem>>[vector<16xi32>, vector<16xi32>], vector<16xf32>,
        %parallel_loop3A_431 = arith.index_cast %parallel_loop3A_416 : i32 to index
        %parallel_loop3A_432 = arith.constant 16 : index
        %parallel_loop3A_433 = tpu.vector_load %arg8[%parallel_loop3A_431, %parallel_loop3A_432] {strides = array<i32>} : memref<96x128xf32, #tpu.memory_space<vmem>>, vector<16xf32>,
        %parallel_loop3A_434 = arith.constant 0 : i32
        %parallel_loop3A_435 = arith.constant 0 : i32
        %parallel_loop3A_436 = tpu.memref_slice %arg10[%parallel_loop3A_371, %parallel_loop3A_434, %parallel_loop3A_435] : memref<2x64x401xf32, #tpu.memory_space<vmem>> -> memref<1x64x401xf32, #tpu.memory_space<vmem>>
        %parallel_loop3A_437 = tpu.memref_squeeze %parallel_loop3A_436 : memref<1x64x401xf32, #tpu.memory_space<vmem>> -> memref<64x401xf32, #tpu.memory_space<vmem>>
        tpu.vector_store_idx %parallel_loop3A_437[%add3A_6, %parallel_loop3A_423], %parallel_loop3A_433 : memref<64x401xf32, #tpu.memory_space<vmem>>[vector<16xi32>, vector<16xi32>], vector<16xf32>,
        %parallel_loop3A_438 = arith.index_cast %parallel_loop3A_416 : i32 to index
        %parallel_loop3A_439 = arith.constant 32 : index
        %parallel_loop3A_440 = tpu.vector_load %arg8[%parallel_loop3A_438, %parallel_loop3A_439] {strides = array<i32>} : memref<96x128xf32, #tpu.memory_space<vmem>>, vector<16xf32>,
        %parallel_loop3A_441 = arith.constant 0 : i32
        %parallel_loop3A_442 = arith.constant 0 : i32
        %parallel_loop3A_443 = tpu.memref_slice %arg10[%parallel_loop3A_371, %parallel_loop3A_441, %parallel_loop3A_442] : memref<2x64x401xf32, #tpu.memory_space<vmem>> -> memref<1x64x401xf32, #tpu.memory_space<vmem>>
        %parallel_loop3A_444 = tpu.memref_squeeze %parallel_loop3A_443 : memref<1x64x401xf32, #tpu.memory_space<vmem>> -> memref<64x401xf32, #tpu.memory_space<vmem>>
        tpu.vector_store_idx %parallel_loop3A_444[%add3A_9, %parallel_loop3A_423], %parallel_loop3A_440 : memref<64x401xf32, #tpu.memory_space<vmem>>[vector<16xi32>, vector<16xi32>], vector<16xf32>,
        %parallel_loop3A_445 = arith.index_cast %parallel_loop3A_416 : i32 to index
        %parallel_loop3A_446 = arith.constant 48 : index
        %parallel_loop3A_447 = tpu.vector_load %arg8[%parallel_loop3A_445, %parallel_loop3A_446] {strides = array<i32>} : memref<96x128xf32, #tpu.memory_space<vmem>>, vector<16xf32>,
        %parallel_loop3A_448 = arith.constant 0 : i32
        %parallel_loop3A_449 = arith.constant 0 : i32
        %parallel_loop3A_450 = tpu.memref_slice %arg10[%parallel_loop3A_371, %parallel_loop3A_448, %parallel_loop3A_449] : memref<2x64x401xf32, #tpu.memory_space<vmem>> -> memref<1x64x401xf32, #tpu.memory_space<vmem>>
        %parallel_loop3A_451 = tpu.memref_squeeze %parallel_loop3A_450 : memref<1x64x401xf32, #tpu.memory_space<vmem>> -> memref<64x401xf32, #tpu.memory_space<vmem>>
        tpu.vector_store_idx %parallel_loop3A_451[%add3A_12, %parallel_loop3A_423], %parallel_loop3A_447 : memref<64x401xf32, #tpu.memory_space<vmem>>[vector<16xi32>, vector<16xi32>], vector<16xf32>,
        %parallel_loop3A_452 = arith.constant 2 : i32
        %parallel_loop3A_453 = arith.muli %parallel_loop3A_452, %parallel_loop3A_416 : i32
        %parallel_loop3A_454 = arith.constant 0 : i32
        %parallel_loop3A_455 = arith.addi %parallel_loop3A_454, %parallel_loop3A_453 : i32
        %parallel_loop3A_456 = arith.constant 1 : i32
        %parallel_loop3A_457 = arith.addi %parallel_loop3A_455, %parallel_loop3A_456 : i32
        %parallel_loop3A_458 = vector.broadcast %parallel_loop3A_457 : i32 to vector<16xi32>
        %parallel_loop3A_459 = arith.index_cast %parallel_loop3A_416 : i32 to index
        %parallel_loop3A_460 = arith.constant 64 : index
        %parallel_loop3A_461 = tpu.vector_load %arg8[%parallel_loop3A_459, %parallel_loop3A_460] {strides = array<i32>} : memref<96x128xf32, #tpu.memory_space<vmem>>, vector<16xf32>,
        %parallel_loop3A_462 = arith.constant 0 : i32
        %parallel_loop3A_463 = arith.constant 0 : i32
        %parallel_loop3A_464 = tpu.memref_slice %arg10[%parallel_loop3A_371, %parallel_loop3A_462, %parallel_loop3A_463] : memref<2x64x401xf32, #tpu.memory_space<vmem>> -> memref<1x64x401xf32, #tpu.memory_space<vmem>>
        %parallel_loop3A_465 = tpu.memref_squeeze %parallel_loop3A_464 : memref<1x64x401xf32, #tpu.memory_space<vmem>> -> memref<64x401xf32, #tpu.memory_space<vmem>>
        tpu.vector_store_idx %parallel_loop3A_465[%add3A_3, %parallel_loop3A_458], %parallel_loop3A_461 : memref<64x401xf32, #tpu.memory_space<vmem>>[vector<16xi32>, vector<16xi32>], vector<16xf32>,
        %parallel_loop3A_466 = arith.index_cast %parallel_loop3A_416 : i32 to index
        %parallel_loop3A_467 = arith.constant 80 : index
        %parallel_loop3A_468 = tpu.vector_load %arg8[%parallel_loop3A_466, %parallel_loop3A_467] {strides = array<i32>} : memref<96x128xf32, #tpu.memory_space<vmem>>, vector<16xf32>,
        %parallel_loop3A_469 = arith.constant 0 : i32
        %parallel_loop3A_470 = arith.constant 0 : i32
        %parallel_loop3A_471 = tpu.memref_slice %arg10[%parallel_loop3A_371, %parallel_loop3A_469, %parallel_loop3A_470] : memref<2x64x401xf32, #tpu.memory_space<vmem>> -> memref<1x64x401xf32, #tpu.memory_space<vmem>>
        %parallel_loop3A_472 = tpu.memref_squeeze %parallel_loop3A_471 : memref<1x64x401xf32, #tpu.memory_space<vmem>> -> memref<64x401xf32, #tpu.memory_space<vmem>>
        tpu.vector_store_idx %parallel_loop3A_472[%add3A_6, %parallel_loop3A_458], %parallel_loop3A_468 : memref<64x401xf32, #tpu.memory_space<vmem>>[vector<16xi32>, vector<16xi32>], vector<16xf32>,
        %parallel_loop3A_473 = arith.index_cast %parallel_loop3A_416 : i32 to index
        %parallel_loop3A_474 = arith.constant 96 : index
        %parallel_loop3A_475 = tpu.vector_load %arg8[%parallel_loop3A_473, %parallel_loop3A_474] {strides = array<i32>} : memref<96x128xf32, #tpu.memory_space<vmem>>, vector<16xf32>,
        %parallel_loop3A_476 = arith.constant 0 : i32
        %parallel_loop3A_477 = arith.constant 0 : i32
        %parallel_loop3A_478 = tpu.memref_slice %arg10[%parallel_loop3A_371, %parallel_loop3A_476, %parallel_loop3A_477] : memref<2x64x401xf32, #tpu.memory_space<vmem>> -> memref<1x64x401xf32, #tpu.memory_space<vmem>>
        %parallel_loop3A_479 = tpu.memref_squeeze %parallel_loop3A_478 : memref<1x64x401xf32, #tpu.memory_space<vmem>> -> memref<64x401xf32, #tpu.memory_space<vmem>>
        tpu.vector_store_idx %parallel_loop3A_479[%add3A_9, %parallel_loop3A_458], %parallel_loop3A_475 : memref<64x401xf32, #tpu.memory_space<vmem>>[vector<16xi32>, vector<16xi32>], vector<16xf32>,
        %parallel_loop3A_480 = arith.index_cast %parallel_loop3A_416 : i32 to index
        %parallel_loop3A_481 = arith.constant 112 : index
        %parallel_loop3A_482 = tpu.vector_load %arg8[%parallel_loop3A_480, %parallel_loop3A_481] {strides = array<i32>} : memref<96x128xf32, #tpu.memory_space<vmem>>, vector<16xf32>,
        %parallel_loop3A_483 = arith.constant 0 : i32
        %parallel_loop3A_484 = arith.constant 0 : i32
        %parallel_loop3A_485 = tpu.memref_slice %arg10[%parallel_loop3A_371, %parallel_loop3A_483, %parallel_loop3A_484] : memref<2x64x401xf32, #tpu.memory_space<vmem>> -> memref<1x64x401xf32, #tpu.memory_space<vmem>>
        %parallel_loop3A_486 = tpu.memref_squeeze %parallel_loop3A_485 : memref<1x64x401xf32, #tpu.memory_space<vmem>> -> memref<64x401xf32, #tpu.memory_space<vmem>>
        tpu.vector_store_idx %parallel_loop3A_486[%add3A_12, %parallel_loop3A_458], %parallel_loop3A_482 : memref<64x401xf32, #tpu.memory_space<vmem>>[vector<16xi32>, vector<16xi32>], vector<16xf32>,
      } {sc.loop_unroll_factor = 4 : i64, sc.parallel_access}
      %dma_wait3A_372 = arith.constant 3 : i32
      %dma_wait3A_373 = arith.constant 0 : i32
      %dma_wait3A_374 = tpu.memref_slice %arg5[%dma_wait3A_372, %dma_wait3A_373] : memref<4x200xi32, #tpu.memory_space<vmem>> -> memref<1x200xi32, #tpu.memory_space<vmem>>
      %dma_wait3A_375 = tpu.memref_squeeze %dma_wait3A_374 : memref<1x200xi32, #tpu.memory_space<vmem>> -> memref<200xi32, #tpu.memory_space<vmem>>
      %dma_wait3A_376 = arith.constant 96 : i32
      %dma_wait3A_377 = tpu.memref_slice %dma_wait3A_375[%dma_wait3A_376] : memref<200xi32, #tpu.memory_space<vmem>> -> memref<104xi32, #tpu.memory_space<vmem>>
      %dma_wait3A_378 = arith.constant 0 : i32
      %dma_wait3A_379 = arith.constant 0 : i32
      %dma_wait3A_380 = tpu.memref_slice %arg3[%dma_wait3A_378, %dma_wait3A_379] : memref<100000x128xf32, #tpu.memory_space<hbm>> -> memref<100000x128xf32, #tpu.memory_space<hbm>>
      tpu.wait_indirect_dma semaphore(%arg18 : memref<!tpu.dma_semaphore, #tpu.memory_space<semaphore_mem>>) src(%dma_wait3A_380 : memref<100000x128xf32, #tpu.memory_space<hbm>>) dst(%arg9 : memref<104x128xf32, #tpu.memory_space<vmem>>)
      %parallel_loop3A_381 = arith.constant 0 : i32
      %parallel_loop3A_382 = arith.constant 104 : i32
      %parallel_loop3A_383 = arith.constant 1 : i32
      %parallel_loop3A_384 = arith.constant 1 : i32
      scf.for %parallel_loop3A_416 = %parallel_loop3A_381 to %parallel_loop3A_382 step %parallel_loop3A_383  : i32 {
        %parallel_loop3A_417 = arith.constant 2 : i32
        %parallel_loop3A_418 = arith.muli %parallel_loop3A_417, %parallel_loop3A_416 : i32
        %parallel_loop3A_419 = arith.constant 192 : i32
        %parallel_loop3A_420 = arith.addi %parallel_loop3A_419, %parallel_loop3A_418 : i32
        %parallel_loop3A_421 = arith.constant 0 : i32
        %parallel_loop3A_422 = arith.addi %parallel_loop3A_420, %parallel_loop3A_421 : i32
        %parallel_loop3A_423 = vector.broadcast %parallel_loop3A_422 : i32 to vector<16xi32>
        %parallel_loop3A_424 = arith.index_cast %parallel_loop3A_416 : i32 to index
        %parallel_loop3A_425 = arith.constant 0 : index
        %parallel_loop3A_426 = tpu.vector_load %arg9[%parallel_loop3A_424, %parallel_loop3A_425] {strides = array<i32>} : memref<104x128xf32, #tpu.memory_space<vmem>>, vector<16xf32>,
        %parallel_loop3A_427 = arith.constant 0 : i32
        %parallel_loop3A_428 = arith.constant 0 : i32
        %parallel_loop3A_429 = tpu.memref_slice %arg10[%parallel_loop3A_384, %parallel_loop3A_427, %parallel_loop3A_428] : memref<2x64x401xf32, #tpu.memory_space<vmem>> -> memref<1x64x401xf32, #tpu.memory_space<vmem>>
        %parallel_loop3A_430 = tpu.memref_squeeze %parallel_loop3A_429 : memref<1x64x401xf32, #tpu.memory_space<vmem>> -> memref<64x401xf32, #tpu.memory_space<vmem>>
        tpu.vector_store_idx %parallel_loop3A_430[%add3A_3, %parallel_loop3A_423], %parallel_loop3A_426 : memref<64x401xf32, #tpu.memory_space<vmem>>[vector<16xi32>, vector<16xi32>], vector<16xf32>,
        %parallel_loop3A_431 = arith.index_cast %parallel_loop3A_416 : i32 to index
        %parallel_loop3A_432 = arith.constant 16 : index
        %parallel_loop3A_433 = tpu.vector_load %arg9[%parallel_loop3A_431, %parallel_loop3A_432] {strides = array<i32>} : memref<104x128xf32, #tpu.memory_space<vmem>>, vector<16xf32>,
        %parallel_loop3A_434 = arith.constant 0 : i32
        %parallel_loop3A_435 = arith.constant 0 : i32
        %parallel_loop3A_436 = tpu.memref_slice %arg10[%parallel_loop3A_384, %parallel_loop3A_434, %parallel_loop3A_435] : memref<2x64x401xf32, #tpu.memory_space<vmem>> -> memref<1x64x401xf32, #tpu.memory_space<vmem>>
        %parallel_loop3A_437 = tpu.memref_squeeze %parallel_loop3A_436 : memref<1x64x401xf32, #tpu.memory_space<vmem>> -> memref<64x401xf32, #tpu.memory_space<vmem>>
        tpu.vector_store_idx %parallel_loop3A_437[%add3A_6, %parallel_loop3A_423], %parallel_loop3A_433 : memref<64x401xf32, #tpu.memory_space<vmem>>[vector<16xi32>, vector<16xi32>], vector<16xf32>,
        %parallel_loop3A_438 = arith.index_cast %parallel_loop3A_416 : i32 to index
        %parallel_loop3A_439 = arith.constant 32 : index
        %parallel_loop3A_440 = tpu.vector_load %arg9[%parallel_loop3A_438, %parallel_loop3A_439] {strides = array<i32>} : memref<104x128xf32, #tpu.memory_space<vmem>>, vector<16xf32>,
        %parallel_loop3A_441 = arith.constant 0 : i32
        %parallel_loop3A_442 = arith.constant 0 : i32
        %parallel_loop3A_443 = tpu.memref_slice %arg10[%parallel_loop3A_384, %parallel_loop3A_441, %parallel_loop3A_442] : memref<2x64x401xf32, #tpu.memory_space<vmem>> -> memref<1x64x401xf32, #tpu.memory_space<vmem>>
        %parallel_loop3A_444 = tpu.memref_squeeze %parallel_loop3A_443 : memref<1x64x401xf32, #tpu.memory_space<vmem>> -> memref<64x401xf32, #tpu.memory_space<vmem>>
        tpu.vector_store_idx %parallel_loop3A_444[%add3A_9, %parallel_loop3A_423], %parallel_loop3A_440 : memref<64x401xf32, #tpu.memory_space<vmem>>[vector<16xi32>, vector<16xi32>], vector<16xf32>,
        %parallel_loop3A_445 = arith.index_cast %parallel_loop3A_416 : i32 to index
        %parallel_loop3A_446 = arith.constant 48 : index
        %parallel_loop3A_447 = tpu.vector_load %arg9[%parallel_loop3A_445, %parallel_loop3A_446] {strides = array<i32>} : memref<104x128xf32, #tpu.memory_space<vmem>>, vector<16xf32>,
        %parallel_loop3A_448 = arith.constant 0 : i32
        %parallel_loop3A_449 = arith.constant 0 : i32
        %parallel_loop3A_450 = tpu.memref_slice %arg10[%parallel_loop3A_384, %parallel_loop3A_448, %parallel_loop3A_449] : memref<2x64x401xf32, #tpu.memory_space<vmem>> -> memref<1x64x401xf32, #tpu.memory_space<vmem>>
        %parallel_loop3A_451 = tpu.memref_squeeze %parallel_loop3A_450 : memref<1x64x401xf32, #tpu.memory_space<vmem>> -> memref<64x401xf32, #tpu.memory_space<vmem>>
        tpu.vector_store_idx %parallel_loop3A_451[%add3A_12, %parallel_loop3A_423], %parallel_loop3A_447 : memref<64x401xf32, #tpu.memory_space<vmem>>[vector<16xi32>, vector<16xi32>], vector<16xf32>,
        %parallel_loop3A_452 = arith.constant 2 : i32
        %parallel_loop3A_453 = arith.muli %parallel_loop3A_452, %parallel_loop3A_416 : i32
        %parallel_loop3A_454 = arith.constant 192 : i32
        %parallel_loop3A_455 = arith.addi %parallel_loop3A_454, %parallel_loop3A_453 : i32
        %parallel_loop3A_456 = arith.constant 1 : i32
        %parallel_loop3A_457 = arith.addi %parallel_loop3A_455, %parallel_loop3A_456 : i32
        %parallel_loop3A_458 = vector.broadcast %parallel_loop3A_457 : i32 to vector<16xi32>
        %parallel_loop3A_459 = arith.index_cast %parallel_loop3A_416 : i32 to index
        %parallel_loop3A_460 = arith.constant 64 : index
        %parallel_loop3A_461 = tpu.vector_load %arg9[%parallel_loop3A_459, %parallel_loop3A_460] {strides = array<i32>} : memref<104x128xf32, #tpu.memory_space<vmem>>, vector<16xf32>,
        %parallel_loop3A_462 = arith.constant 0 : i32
        %parallel_loop3A_463 = arith.constant 0 : i32
        %parallel_loop3A_464 = tpu.memref_slice %arg10[%parallel_loop3A_384, %parallel_loop3A_462, %parallel_loop3A_463] : memref<2x64x401xf32, #tpu.memory_space<vmem>> -> memref<1x64x401xf32, #tpu.memory_space<vmem>>
        %parallel_loop3A_465 = tpu.memref_squeeze %parallel_loop3A_464 : memref<1x64x401xf32, #tpu.memory_space<vmem>> -> memref<64x401xf32, #tpu.memory_space<vmem>>
        tpu.vector_store_idx %parallel_loop3A_465[%add3A_3, %parallel_loop3A_458], %parallel_loop3A_461 : memref<64x401xf32, #tpu.memory_space<vmem>>[vector<16xi32>, vector<16xi32>], vector<16xf32>,
        %parallel_loop3A_466 = arith.index_cast %parallel_loop3A_416 : i32 to index
        %parallel_loop3A_467 = arith.constant 80 : index
        %parallel_loop3A_468 = tpu.vector_load %arg9[%parallel_loop3A_466, %parallel_loop3A_467] {strides = array<i32>} : memref<104x128xf32, #tpu.memory_space<vmem>>, vector<16xf32>,
        %parallel_loop3A_469 = arith.constant 0 : i32
        %parallel_loop3A_470 = arith.constant 0 : i32
        %parallel_loop3A_471 = tpu.memref_slice %arg10[%parallel_loop3A_384, %parallel_loop3A_469, %parallel_loop3A_470] : memref<2x64x401xf32, #tpu.memory_space<vmem>> -> memref<1x64x401xf32, #tpu.memory_space<vmem>>
        %parallel_loop3A_472 = tpu.memref_squeeze %parallel_loop3A_471 : memref<1x64x401xf32, #tpu.memory_space<vmem>> -> memref<64x401xf32, #tpu.memory_space<vmem>>
        tpu.vector_store_idx %parallel_loop3A_472[%add3A_6, %parallel_loop3A_458], %parallel_loop3A_468 : memref<64x401xf32, #tpu.memory_space<vmem>>[vector<16xi32>, vector<16xi32>], vector<16xf32>,
        %parallel_loop3A_473 = arith.index_cast %parallel_loop3A_416 : i32 to index
        %parallel_loop3A_474 = arith.constant 96 : index
        %parallel_loop3A_475 = tpu.vector_load %arg9[%parallel_loop3A_473, %parallel_loop3A_474] {strides = array<i32>} : memref<104x128xf32, #tpu.memory_space<vmem>>, vector<16xf32>,
        %parallel_loop3A_476 = arith.constant 0 : i32
        %parallel_loop3A_477 = arith.constant 0 : i32
        %parallel_loop3A_478 = tpu.memref_slice %arg10[%parallel_loop3A_384, %parallel_loop3A_476, %parallel_loop3A_477] : memref<2x64x401xf32, #tpu.memory_space<vmem>> -> memref<1x64x401xf32, #tpu.memory_space<vmem>>
        %parallel_loop3A_479 = tpu.memref_squeeze %parallel_loop3A_478 : memref<1x64x401xf32, #tpu.memory_space<vmem>> -> memref<64x401xf32, #tpu.memory_space<vmem>>
        tpu.vector_store_idx %parallel_loop3A_479[%add3A_9, %parallel_loop3A_458], %parallel_loop3A_475 : memref<64x401xf32, #tpu.memory_space<vmem>>[vector<16xi32>, vector<16xi32>], vector<16xf32>,
        %parallel_loop3A_480 = arith.index_cast %parallel_loop3A_416 : i32 to index
        %parallel_loop3A_481 = arith.constant 112 : index
        %parallel_loop3A_482 = tpu.vector_load %arg9[%parallel_loop3A_480, %parallel_loop3A_481] {strides = array<i32>} : memref<104x128xf32, #tpu.memory_space<vmem>>, vector<16xf32>,
        %parallel_loop3A_483 = arith.constant 0 : i32
        %parallel_loop3A_484 = arith.constant 0 : i32
        %parallel_loop3A_485 = tpu.memref_slice %arg10[%parallel_loop3A_384, %parallel_loop3A_483, %parallel_loop3A_484] : memref<2x64x401xf32, #tpu.memory_space<vmem>> -> memref<1x64x401xf32, #tpu.memory_space<vmem>>
        %parallel_loop3A_486 = tpu.memref_squeeze %parallel_loop3A_485 : memref<1x64x401xf32, #tpu.memory_space<vmem>> -> memref<64x401xf32, #tpu.memory_space<vmem>>
        tpu.vector_store_idx %parallel_loop3A_486[%add3A_12, %parallel_loop3A_458], %parallel_loop3A_482 : memref<64x401xf32, #tpu.memory_space<vmem>>[vector<16xi32>, vector<16xi32>], vector<16xf32>,
      } {sc.loop_unroll_factor = 4 : i64, sc.parallel_access}
      %add3A_385 = arith.constant 2 : i32
      %add3A_386 = arith.addi %add3A_349, %add3A_385 : i32
      %lt3A_387 = arith.constant 128 : i32
      %lt3A_388 = arith.cmpi slt, %add3A_386, %lt3A_387 : i32
      %convert_element_type3A_389 = arith.extui %lt3A_388 : i1 to i32
      %cond3A_390 = arith.constant 0 : i32
      %cond3A_391 = arith.cmpi ne, %convert_element_type3A_389, %cond3A_390 : i32
      scf.if %cond3A_391 {
        %add3A_416 = arith.constant 2 : i32
        %add3A_417 = arith.addi %add3A_352, %add3A_416 : i32
        %dma_wait3A_418 = arith.constant 1 : i32
        %dma_wait3A_419 = arith.constant 0 : i32
        %dma_wait3A_420 = tpu.memref_slice %arg5[%dma_wait3A_418, %dma_wait3A_419] : memref<4x200xi32, #tpu.memory_space<vmem>> -> memref<1x200xi32, #tpu.memory_space<vmem>>
        %dma_wait3A_421 = tpu.memref_squeeze %dma_wait3A_420 : memref<1x200xi32, #tpu.memory_space<vmem>> -> memref<200xi32, #tpu.memory_space<vmem>>
        %dma_wait3A_422 = arith.constant 0 : i32
        %dma_wait3A_423 = tpu.memref_slice %arg2[%add3A_417, %dma_wait3A_422] : memref<4096x200xi32, #tpu.memory_space<hbm>> -> memref<1x200xi32, #tpu.memory_space<hbm>>
        %dma_wait3A_424 = tpu.memref_squeeze %dma_wait3A_423 : memref<1x200xi32, #tpu.memory_space<hbm>> -> memref<200xi32, #tpu.memory_space<hbm>>
        %dma_wait3A_425 = arith.constant 0 : i32
        %dma_wait3A_426 = tpu.memref_slice %arg5[%dma_wait3A_418, %dma_wait3A_425] : memref<4x200xi32, #tpu.memory_space<vmem>> -> memref<1x200xi32, #tpu.memory_space<vmem>>
        %dma_wait3A_427 = tpu.memref_squeeze %dma_wait3A_426 : memref<1x200xi32, #tpu.memory_space<vmem>> -> memref<200xi32, #tpu.memory_space<vmem>>
        %dma_wait3A_428 = arith.constant 0 : i32
        %dma_wait3A_429 = tpu.memref_slice %arg2[%add3A_417, %dma_wait3A_428] : memref<4096x200xi32, #tpu.memory_space<hbm>> -> memref<1x200xi32, #tpu.memory_space<hbm>>
        %dma_wait3A_430 = tpu.memref_squeeze %dma_wait3A_429 : memref<1x200xi32, #tpu.memory_space<hbm>> -> memref<200xi32, #tpu.memory_space<hbm>>
        tpu.wait_dma2 semaphore(%arg12 : memref<!tpu.dma_semaphore, #tpu.memory_space<semaphore_mem>>) src(%dma_wait3A_430 : memref<200xi32, #tpu.memory_space<hbm>>) dst(%dma_wait3A_427 : memref<200xi32, #tpu.memory_space<vmem>>)
        %dma_start3A_431 = arith.constant 1 : i32
        %dma_start3A_432 = arith.constant 0 : i32
        %dma_start3A_433 = tpu.memref_slice %arg5[%dma_start3A_431, %dma_start3A_432] : memref<4x200xi32, #tpu.memory_space<vmem>> -> memref<1x200xi32, #tpu.memory_space<vmem>>
        %dma_start3A_434 = tpu.memref_squeeze %dma_start3A_433 : memref<1x200xi32, #tpu.memory_space<vmem>> -> memref<200xi32, #tpu.memory_space<vmem>>
        %dma_start3A_435 = arith.constant 0 : i32
        %dma_start3A_436 = tpu.memref_slice %dma_start3A_434[%dma_start3A_435] : memref<200xi32, #tpu.memory_space<vmem>> -> memref<96xi32, #tpu.memory_space<vmem>>
        %dma_start3A_437 = arith.constant 0 : i32
        %dma_start3A_438 = arith.constant 0 : i32
        %dma_start3A_439 = tpu.memref_slice %arg3[%dma_start3A_437, %dma_start3A_438] : memref<100000x128xf32, #tpu.memory_space<hbm>> -> memref<100000x128xf32, #tpu.memory_space<hbm>>
        tpu.enqueue_indirect_dma source(%dma_start3A_439 : memref<100000x128xf32, #tpu.memory_space<hbm>>) target(%arg8 : memref<96x128xf32, #tpu.memory_space<vmem>>) offsets(%dma_start3A_436 : memref<96xi32, #tpu.memory_space<vmem>>) semaphore(%arg17 : memref<!tpu.dma_semaphore, #tpu.memory_space<semaphore_mem>>)
        %dma_start3A_440 = arith.constant 1 : i32
        %dma_start3A_441 = arith.constant 0 : i32
        %dma_start3A_442 = tpu.memref_slice %arg5[%dma_start3A_440, %dma_start3A_441] : memref<4x200xi32, #tpu.memory_space<vmem>> -> memref<1x200xi32, #tpu.memory_space<vmem>>
        %dma_start3A_443 = tpu.memref_squeeze %dma_start3A_442 : memref<1x200xi32, #tpu.memory_space<vmem>> -> memref<200xi32, #tpu.memory_space<vmem>>
        %dma_start3A_444 = arith.constant 96 : i32
        %dma_start3A_445 = tpu.memref_slice %dma_start3A_443[%dma_start3A_444] : memref<200xi32, #tpu.memory_space<vmem>> -> memref<104xi32, #tpu.memory_space<vmem>>
        %dma_start3A_446 = arith.constant 0 : i32
        %dma_start3A_447 = arith.constant 0 : i32
        %dma_start3A_448 = tpu.memref_slice %arg3[%dma_start3A_446, %dma_start3A_447] : memref<100000x128xf32, #tpu.memory_space<hbm>> -> memref<100000x128xf32, #tpu.memory_space<hbm>>
        tpu.enqueue_indirect_dma source(%dma_start3A_448 : memref<100000x128xf32, #tpu.memory_space<hbm>>) target(%arg9 : memref<104x128xf32, #tpu.memory_space<vmem>>) offsets(%dma_start3A_445 : memref<104xi32, #tpu.memory_space<vmem>>) semaphore(%arg18 : memref<!tpu.dma_semaphore, #tpu.memory_space<semaphore_mem>>)
        %add3A_449 = arith.constant 4 : i32
        %add3A_450 = arith.addi %add3A_349, %add3A_449 : i32
        %lt3A_451 = arith.constant 128 : i32
        %lt3A_452 = arith.cmpi slt, %add3A_450, %lt3A_451 : i32
        %convert_element_type3A_453 = arith.extui %lt3A_452 : i1 to i32
        %cond3A_454 = arith.constant 0 : i32
        %cond3A_455 = arith.cmpi ne, %convert_element_type3A_453, %cond3A_454 : i32
        scf.if %cond3A_455 {
          %add3A_456 = arith.constant 4 : i32
          %add3A_457 = arith.addi %add3A_352, %add3A_456 : i32
          %dma_start3A_458 = arith.constant 3 : i32
          %dma_start3A_459 = arith.constant 0 : i32
          %dma_start3A_460 = tpu.memref_slice %arg5[%dma_start3A_458, %dma_start3A_459] : memref<4x200xi32, #tpu.memory_space<vmem>> -> memref<1x200xi32, #tpu.memory_space<vmem>>
          %dma_start3A_461 = tpu.memref_squeeze %dma_start3A_460 : memref<1x200xi32, #tpu.memory_space<vmem>> -> memref<200xi32, #tpu.memory_space<vmem>>
          %dma_start3A_462 = arith.constant 0 : i32
          %dma_start3A_463 = tpu.memref_slice %arg2[%add3A_457, %dma_start3A_462] : memref<4096x200xi32, #tpu.memory_space<hbm>> -> memref<1x200xi32, #tpu.memory_space<hbm>>
          %dma_start3A_464 = tpu.memref_squeeze %dma_start3A_463 : memref<1x200xi32, #tpu.memory_space<hbm>> -> memref<200xi32, #tpu.memory_space<hbm>>
          %dma_start3A_465 = arith.constant 0 : i32
          %dma_start3A_466 = tpu.memref_slice %arg5[%dma_start3A_458, %dma_start3A_465] : memref<4x200xi32, #tpu.memory_space<vmem>> -> memref<1x200xi32, #tpu.memory_space<vmem>>
          %dma_start3A_467 = tpu.memref_squeeze %dma_start3A_466 : memref<1x200xi32, #tpu.memory_space<vmem>> -> memref<200xi32, #tpu.memory_space<vmem>>
          %dma_start3A_468 = arith.constant 0 : i32
          %dma_start3A_469 = tpu.memref_slice %arg2[%add3A_457, %dma_start3A_468] : memref<4096x200xi32, #tpu.memory_space<hbm>> -> memref<1x200xi32, #tpu.memory_space<hbm>>
          %dma_start3A_470 = tpu.memref_squeeze %dma_start3A_469 : memref<1x200xi32, #tpu.memory_space<hbm>> -> memref<200xi32, #tpu.memory_space<hbm>>
          tpu.enqueue_dma source(%dma_start3A_470 : memref<200xi32, #tpu.memory_space<hbm>>) target(%dma_start3A_467 : memref<200xi32, #tpu.memory_space<vmem>>) target_semaphore(%arg14 : memref<!tpu.dma_semaphore, #tpu.memory_space<semaphore_mem>>)
        } else {
        }
      } else {
      }
      %dma_start3A_392 = arith.constant 1 : i32
      %dma_start3A_393 = arith.constant 0 : i32
      %dma_start3A_394 = arith.constant 0 : i32
      %dma_start3A_395 = tpu.memref_slice %arg10[%dma_start3A_392, %dma_start3A_393, %dma_start3A_394] : memref<2x64x401xf32, #tpu.memory_space<vmem>> -> memref<1x64x401xf32, #tpu.memory_space<vmem>>
      %dma_start3A_396 = tpu.memref_squeeze %dma_start3A_395 : memref<1x64x401xf32, #tpu.memory_space<vmem>> -> memref<64x401xf32, #tpu.memory_space<vmem>>
      %dma_start3A_397 = arith.constant 0 : i32
      %dma_start3A_398 = arith.constant 0 : i32
      %dma_start3A_399 = tpu.memref_slice %dma_start3A_396[%dma_start3A_397, %dma_start3A_398] : memref<64x401xf32, #tpu.memory_space<vmem>> -> memref<64x400xf32, #tpu.memory_space<vmem>>
      %dma_start3A_400 = arith.constant 0 : i32
      %dma_start3A_401 = arith.constant 0 : i32
      %dma_start3A_402 = tpu.memref_slice %arg4[%add3A_352, %dma_start3A_400, %dma_start3A_401] : memref<4096x64x400xf32, #tpu.memory_space<hbm>> -> memref<1x64x400xf32, #tpu.memory_space<hbm>>
      %dma_start3A_403 = tpu.memref_squeeze %dma_start3A_402 : memref<1x64x400xf32, #tpu.memory_space<hbm>> -> memref<64x400xf32, #tpu.memory_space<hbm>>
      %dma_start3A_404 = arith.constant 0 : i32
      %dma_start3A_405 = arith.constant 0 : i32
      %dma_start3A_406 = tpu.memref_slice %arg4[%add3A_352, %dma_start3A_404, %dma_start3A_405] : memref<4096x64x400xf32, #tpu.memory_space<hbm>> -> memref<1x64x400xf32, #tpu.memory_space<hbm>>
      %dma_start3A_407 = tpu.memref_squeeze %dma_start3A_406 : memref<1x64x400xf32, #tpu.memory_space<hbm>> -> memref<64x400xf32, #tpu.memory_space<hbm>>
      %dma_start3A_408 = arith.constant 0 : i32
      %dma_start3A_409 = arith.constant 0 : i32
      %dma_start3A_410 = tpu.memref_slice %arg10[%dma_start3A_392, %dma_start3A_408, %dma_start3A_409] : memref<2x64x401xf32, #tpu.memory_space<vmem>> -> memref<1x64x401xf32, #tpu.memory_space<vmem>>
      %dma_start3A_411 = tpu.memref_squeeze %dma_start3A_410 : memref<1x64x401xf32, #tpu.memory_space<vmem>> -> memref<64x401xf32, #tpu.memory_space<vmem>>
      %dma_start3A_412 = arith.constant 0 : i32
      %dma_start3A_413 = arith.constant 0 : i32
      %dma_start3A_414 = tpu.memref_slice %dma_start3A_411[%dma_start3A_412, %dma_start3A_413] : memref<64x401xf32, #tpu.memory_space<vmem>> -> memref<64x400xf32, #tpu.memory_space<vmem>>
      tpu.enqueue_dma source(%dma_start3A_414 : memref<64x400xf32, #tpu.memory_space<vmem>>) target(%dma_start3A_407 : memref<64x400xf32, #tpu.memory_space<hbm>>) target_semaphore(%arg20 : memref<!tpu.dma_semaphore, #tpu.memory_space<semaphore_mem>>)
      %scan3A_415 = arith.constant 0 : i32
      scf.yield %scan3A_415 : i32
    }
    %scan3A_88 = arith.constant 32 : i32
    %mul3A_89 = arith.constant 128 : i32
    %mul3A_90 = arith.muli %add3A, %mul3A_89 : i32
    %add3A_91 = arith.constant 126 : i32
    %add3A_92 = arith.addi %mul3A_90, %add3A_91 : i32
    %dma_wait3A = arith.constant 0 : i32
    %dma_wait3A_93 = arith.constant 0 : i32
    %dma_wait3A_94 = arith.constant 0 : i32
    %dma_wait3A_95 = tpu.memref_slice %arg10[%dma_wait3A, %dma_wait3A_93, %dma_wait3A_94] : memref<2x64x401xf32, #tpu.memory_space<vmem>> -> memref<1x64x401xf32, #tpu.memory_space<vmem>>
    %dma_wait3A_96 = tpu.memref_squeeze %dma_wait3A_95 : memref<1x64x401xf32, #tpu.memory_space<vmem>> -> memref<64x401xf32, #tpu.memory_space<vmem>>
    %dma_wait3A_97 = arith.constant 0 : i32
    %dma_wait3A_98 = arith.constant 0 : i32
    %dma_wait3A_99 = tpu.memref_slice %dma_wait3A_96[%dma_wait3A_97, %dma_wait3A_98] : memref<64x401xf32, #tpu.memory_space<vmem>> -> memref<64x400xf32, #tpu.memory_space<vmem>>
    %dma_wait3A_100 = arith.constant 0 : i32
    %dma_wait3A_101 = arith.constant 0 : i32
    %dma_wait3A_102 = tpu.memref_slice %arg4[%add3A_92, %dma_wait3A_100, %dma_wait3A_101] : memref<4096x64x400xf32, #tpu.memory_space<hbm>> -> memref<1x64x400xf32, #tpu.memory_space<hbm>>
    %dma_wait3A_103 = tpu.memref_squeeze %dma_wait3A_102 : memref<1x64x400xf32, #tpu.memory_space<hbm>> -> memref<64x400xf32, #tpu.memory_space<hbm>>
    %dma_wait3A_104 = arith.constant 0 : i32
    %dma_wait3A_105 = arith.constant 0 : i32
    %dma_wait3A_106 = tpu.memref_slice %arg4[%add3A_92, %dma_wait3A_104, %dma_wait3A_105] : memref<4096x64x400xf32, #tpu.memory_space<hbm>> -> memref<1x64x400xf32, #tpu.memory_space<hbm>>
    %dma_wait3A_107 = tpu.memref_squeeze %dma_wait3A_106 : memref<1x64x400xf32, #tpu.memory_space<hbm>> -> memref<64x400xf32, #tpu.memory_space<hbm>>
    %dma_wait3A_108 = arith.constant 0 : i32
    %dma_wait3A_109 = arith.constant 0 : i32
    %dma_wait3A_110 = tpu.memref_slice %arg10[%dma_wait3A, %dma_wait3A_108, %dma_wait3A_109] : memref<2x64x401xf32, #tpu.memory_space<vmem>> -> memref<1x64x401xf32, #tpu.memory_space<vmem>>
    %dma_wait3A_111 = tpu.memref_squeeze %dma_wait3A_110 : memref<1x64x401xf32, #tpu.memory_space<vmem>> -> memref<64x401xf32, #tpu.memory_space<vmem>>
    %dma_wait3A_112 = arith.constant 0 : i32
    %dma_wait3A_113 = arith.constant 0 : i32
    %dma_wait3A_114 = tpu.memref_slice %dma_wait3A_111[%dma_wait3A_112, %dma_wait3A_113] : memref<64x401xf32, #tpu.memory_space<vmem>> -> memref<64x400xf32, #tpu.memory_space<vmem>>
    tpu.wait_dma2 semaphore(%arg19 : memref<!tpu.dma_semaphore, #tpu.memory_space<semaphore_mem>>) src(%dma_wait3A_114 : memref<64x400xf32, #tpu.memory_space<vmem>>) dst(%dma_wait3A_107 : memref<64x400xf32, #tpu.memory_space<hbm>>)
    %mul3A_115 = arith.constant 128 : i32
    %mul3A_116 = arith.muli %add3A, %mul3A_115 : i32
    %add3A_117 = arith.constant 127 : i32
    %add3A_118 = arith.addi %mul3A_116, %add3A_117 : i32
    %dma_wait3A_119 = arith.constant 1 : i32
    %dma_wait3A_120 = arith.constant 0 : i32
    %dma_wait3A_121 = arith.constant 0 : i32
    %dma_wait3A_122 = tpu.memref_slice %arg10[%dma_wait3A_119, %dma_wait3A_120, %dma_wait3A_121] : memref<2x64x401xf32, #tpu.memory_space<vmem>> -> memref<1x64x401xf32, #tpu.memory_space<vmem>>
    %dma_wait3A_123 = tpu.memref_squeeze %dma_wait3A_122 : memref<1x64x401xf32, #tpu.memory_space<vmem>> -> memref<64x401xf32, #tpu.memory_space<vmem>>
    %dma_wait3A_124 = arith.constant 0 : i32
    %dma_wait3A_125 = arith.constant 0 : i32
    %dma_wait3A_126 = tpu.memref_slice %dma_wait3A_123[%dma_wait3A_124, %dma_wait3A_125] : memref<64x401xf32, #tpu.memory_space<vmem>> -> memref<64x400xf32, #tpu.memory_space<vmem>>
    %dma_wait3A_127 = arith.constant 0 : i32
    %dma_wait3A_128 = arith.constant 0 : i32
    %dma_wait3A_129 = tpu.memref_slice %arg4[%add3A_118, %dma_wait3A_127, %dma_wait3A_128] : memref<4096x64x400xf32, #tpu.memory_space<hbm>> -> memref<1x64x400xf32, #tpu.memory_space<hbm>>
    %dma_wait3A_130 = tpu.memref_squeeze %dma_wait3A_129 : memref<1x64x400xf32, #tpu.memory_space<hbm>> -> memref<64x400xf32, #tpu.memory_space<hbm>>
    %dma_wait3A_131 = arith.constant 0 : i32
    %dma_wait3A_132 = arith.constant 0 : i32
    %dma_wait3A_133 = tpu.memref_slice %arg4[%add3A_118, %dma_wait3A_131, %dma_wait3A_132] : memref<4096x64x400xf32, #tpu.memory_space<hbm>> -> memref<1x64x400xf32, #tpu.memory_space<hbm>>
    %dma_wait3A_134 = tpu.memref_squeeze %dma_wait3A_133 : memref<1x64x400xf32, #tpu.memory_space<hbm>> -> memref<64x400xf32, #tpu.memory_space<hbm>>
    %dma_wait3A_135 = arith.constant 0 : i32
    %dma_wait3A_136 = arith.constant 0 : i32
    %dma_wait3A_137 = tpu.memref_slice %arg10[%dma_wait3A_119, %dma_wait3A_135, %dma_wait3A_136] : memref<2x64x401xf32, #tpu.memory_space<vmem>> -> memref<1x64x401xf32, #tpu.memory_space<vmem>>
    %dma_wait3A_138 = tpu.memref_squeeze %dma_wait3A_137 : memref<1x64x401xf32, #tpu.memory_space<vmem>> -> memref<64x401xf32, #tpu.memory_space<vmem>>
    %dma_wait3A_139 = arith.constant 0 : i32
    %dma_wait3A_140 = arith.constant 0 : i32
    %dma_wait3A_141 = tpu.memref_slice %dma_wait3A_138[%dma_wait3A_139, %dma_wait3A_140] : memref<64x401xf32, #tpu.memory_space<vmem>> -> memref<64x400xf32, #tpu.memory_space<vmem>>
    tpu.wait_dma2 semaphore(%arg20 : memref<!tpu.dma_semaphore, #tpu.memory_space<semaphore_mem>>) src(%dma_wait3A_141 : memref<64x400xf32, #tpu.memory_space<vmem>>) dst(%dma_wait3A_134 : memref<64x400xf32, #tpu.memory_space<hbm>>)
    return
  }
}

</mosaic_0001>

<sc_bundles>
// kernel: _embed_sc.3.cloned.1.call-start
scs
__scs_entry_jumppad:
0x0: {  	(pc) =	sbr.rel $0x88, $3  }
0x1: {  	(tag) =	ssettag $0x0;
	lr =	simm.s32 $0x1  }
0x2: {  	[smem:$0x3F9F] =	sst lr;
	_ =	strace $0xD0000000  }
0x3: {  	_ = 	snop  }
0x4: {  	_ = 	snop  }
0x5: {  	_ = 	snop  }
0x6: {  	_ = 	snop  }
0x7: {  	_ = 	snop  }
__scs_overlays_trampoline_lowered:
0x8: {  	[smem:$0x3FAE] =	sst s0  }
0x9: {  	[smem:$0x3FAF] =	sst s1  }
0xa: {  	[smem:$0x3FB0] =	sst s2  }
0xb: {  	[smem:$0x3FB1] =	sst s3  }
0xc: {  	[smem:$0x3FB2] =	sst s4  }
0xd: {  	[smem:$0x3FB3] =	sst s5  }
0xe: {  	[smem:$0x3FB4] =	sst s6  }
0xf: {  	[smem:$0x3FB5] =	sst s7  }
0x10: {  	[smem:$0x3FB6] =	sst s8  }
0x11: {  	[smem:$0x3FB7] =	sst s9;
	s0 =	simm.s32 @!p0 $0x0  }
0x12: {  	s1 =	sld [smem:$0x3F9D];
	s0 =	simm.s32 @p0 $0x1  }
0x13: {  	[smem:$0x3FB8] =	sst s0;
	s0 =	simm.s32 @!p1 $0x0  }
0x14: {  	s2 =	sld [smem:$0x3F9C];
	s0 =	simm.s32 @p1 $0x1  }
0x15: {  	[smem:$0x3FB9] =	sst s0;
	s0 =	simm.s32 @!p2 $0x0  }
0x16: {  	s3 =	sld [smem:$0x3FDB];
	s0 =	simm.s32 @p2 $0x1  }
0x17: {  	s4 =	simm.s32 $0x1BF5;
	[smem:$0x3FBB] =	sst s0  }
0x18: {  	s0 =	sld [smem:$0x3F9E];
	_ =	swait.ge [sflag:s4], $0x0  }
0x19: {  	s7 =	sld [smem:$0x3F9F]  }
0x1a: {  	s8 =	sadd.s32 $0xFFFFE003, lr  }
0x1b: {  	s9 =	sadd.s32 $0xFFFFFEF7, lr;
	s5 =	simm.s32 $0xFFFFFFFF;
	p2 =	slt.u32 s8, $0xFFFFF086  }
0x1c: {  	p1 =	slt.u32 s9, $0xF7A;
	s5 =	simm.s32 @!p2 $0x0  }
0x1d: {  	s5 =	simm.s32 @p1 $0x1;
	p0 =	seq.s32 s7, s2  }
0x1e: {  	s7 =	smul.u32 @!p0 $0xF7A, s2;
	p2 =	seq.s32 @!p0 s5, $0x0  }
0x1f: {  	s9 =	smul.u32 $0xF7A, s1;
	s8 =	simm.s32 @!p0 $0x1BF5;
	p2 =	por !p2, p0  }
0x20: {  	[sflag:s8] =	ssyncset.s32 @!p0 $0xFFFFF086;
	s6 =	sadd.s32 @!p0 s3, s7;
	s7 =	simm.s32 @!p0 $0x108  }
0x21: {  	s3 =	sadd.s32 s3, s9;
	s6 =	sadd.s32 @!p0 $0x88, s6;
	s7 =	simm.s32 @p2 $0x1082  }
0x22: {  	[simem:s7], [sflag:s8] =	dma.local @!p0 [hbm:s6], $0xF7A  }
0x23: {  	s9 =	sor.u32 $0xD0000000, s2;
	s6 =	simm.s32 $0x108;
	_ =	swait.ge @!p0 [sflag:s8], $0x0  }
0x24: {  	s3 =	sadd.s32 $0x88, s3;
	s6 =	simm.s32 @!p1 $0x1082;
	[sflag:s4] =	ssyncset.s32 $0xFFFFF086  }
0x25: {  	[simem:s6], [sflag:s4] =	dma.local [hbm:s3], $0xF7A  }
0x26: {  	[smem:$0x3F9F] =	sst s1;
	(tag) =	ssettag s2;
	_ =	strace s9  }
0x27: {  	s1 =	sld [smem:$0x3FAF]  }
0x28: {  	s2 =	sld [smem:$0x3FB0]  }
0x29: {  	s4 =	sld [smem:$0x3FB2]  }
0x2a: {  	p0 =	seq.s32 s5, $0x0;
	s5 =	sld [smem:$0x3FB3]  }
0x2b: {  	s6 =	sld [smem:$0x3FB4]  }
0x2c: {  	s7 =	sld [smem:$0x3FB5]  }
0x2d: {  	s3 =	simm.s32 $0x108;
	s8 =	sld [smem:$0x3FB6]  }
0x2e: {  	s3 =	simm.s32 @!p0 $0x1082;
	s9 =	sld [smem:$0x3FB7]  }
0x2f: {  	lr =	sadd.s32 s0, s3;
	s0 =	sld [smem:$0x3FAE]  }
0x30: {  	s3 =	sld [smem:$0x3FB1]  }
0x31: {  	[smem:$0x3FBA] =	sst s10  }
0x32: {  	s10 =	sld [smem:$0x3FB8];
	_ =	sdelay $0x3  }
0x33: {  	p0 =	seq.s32 s10, $0x1;
	s10 =	sld [smem:$0x3FBA];
	_ =	sdelay $0x3  }
0x34: {  	[smem:$0x3FBA] =	sst s10  }
0x35: {  	s10 =	sld [smem:$0x3FB9];
	_ =	sdelay $0x3  }
0x36: {  	p1 =	seq.s32 s10, $0x1;
	s10 =	sld [smem:$0x3FBA];
	_ =	sdelay $0x3  }
0x37: {  	[smem:$0x3FBA] =	sst s10  }
0x38: {  	s10 =	sld [smem:$0x3FBB]  }
0x39: {  	_ = 	snop;
	(pc) =	sbr.ind lr, $3  }
0x3a: {  	_ = 	snop  }
0x3b: {  	_ = 	snop  }
0x3c: {  	p2 =	seq.s32 s10, $0x1;
	s10 =	sld [smem:$0x3FBA]  }
0x3d: {  	_ =	shalt  }
0x3e: {  	_ =	shalt  }
0x3f: {  	_ =	shalt  }
0x40: {  	_ =	shalt  }
0x41: {  	_ =	shalt  }
0x42: {  	_ =	shalt  }
0x43: {  	_ =	shalt  }
0x44: {  	_ =	shalt  }
0x45: {  	_ =	shalt  }
0x46: {  	_ =	shalt  }
0x47: {  	_ =	shalt  }
0x48: {  	_ =	shalt  }
0x49: {  	_ =	shalt  }
0x4a: {  	_ =	shalt  }
0x4b: {  	_ =	shalt  }
0x4c: {  	_ =	shalt  }
0x4d: {  	_ =	shalt  }
0x4e: {  	_ =	shalt  }
0x4f: {  	_ =	shalt  }
0x50: {  	_ =	shalt  }
0x51: {  	_ =	shalt  }
0x52: {  	_ =	shalt  }
0x53: {  	_ =	shalt  }
0x54: {  	_ =	shalt  }
0x55: {  	_ =	shalt  }
0x56: {  	_ =	shalt  }
0x57: {  	_ =	shalt  }
0x58: {  	_ =	shalt  }
0x59: {  	_ =	shalt  }
0x5a: {  	_ =	shalt  }
0x5b: {  	_ =	shalt  }
0x5c: {  	_ =	shalt  }
0x5d: {  	_ =	shalt  }
0x5e: {  	_ =	shalt  }
0x5f: {  	_ =	shalt  }
0x60: {  	_ =	shalt  }
0x61: {  	_ =	shalt  }
0x62: {  	_ =	shalt  }
0x63: {  	_ =	shalt  }
0x64: {  	_ =	shalt  }
0x65: {  	_ =	shalt  }
0x66: {  	_ =	shalt  }
0x67: {  	_ =	shalt  }
0x68: {  	_ =	shalt  }
0x69: {  	_ =	shalt  }
0x6a: {  	_ =	shalt  }
0x6b: {  	_ =	shalt  }
0x6c: {  	_ =	shalt  }
0x6d: {  	_ =	shalt  }
0x6e: {  	_ =	shalt  }
0x6f: {  	_ =	shalt  }
0x70: {  	_ =	shalt  }
0x71: {  	_ =	shalt  }
0x72: {  	_ =	shalt  }
0x73: {  	_ =	shalt  }
0x74: {  	_ =	shalt  }
0x75: {  	_ =	shalt  }
0x76: {  	_ =	shalt  }
0x77: {  	_ =	shalt  }
0x78: {  	_ =	shalt  }
0x79: {  	_ =	shalt  }
0x7a: {  	_ =	shalt  }
0x7b: {  	_ =	shalt  }
0x7c: {  	_ =	shalt  }
0x7d: {  	_ =	shalt  }
0x7e: {  	_ =	shalt  }
0x7f: {  	_ =	shalt  }
0x80: {  	_ =	shalt  }
0x81: {  	_ =	shalt  }
0x82: {  	_ =	shalt  }
0x83: {  	_ =	shalt  }
0x84: {  	_ =	shalt  }
0x85: {  	_ =	shalt  }
0x86: {  	_ =	shalt  }
0x87: {  	_ =	shalt  }
.Lfunc_end0:
.L_simem_size_0:
called_computation.1_lowered:
.L_overlay_start_0:
0x88: {  	s2 =	sld [smem:$0x3FD9]  }
0x89: {  	s3 =	sld [smem:$0x3FFE];
	_ =	sdelay $0x1  }
0x8a: {  	s1 =	srdreg.scid  }
0x8b: {  	s0 =	sand.u32 $0x1, s1  }
0x8c: {  	s17 =	sshll.u32 s0, $0xA;
	s2 =	sadd.s32 s3, s2  }
0x8d: {  	s2 =	sadd.s32 s2, s17  }
0x8e: {  	[smem:$0x3FC6] =	sst s2  }
0x8f: {  	_ = 	snop  }
0x90: {  	s2 =	sld [smem:$0x3FC8]  }
0x91: {  	s18 =	sld [smem:$0x3FD0];
	(tm) =	ssettm $0x1  }
0x92: {  	s4 =	sld [smem:$0x3FFB];
	_ =	sdelay $0x3  }
0x93: {  	_ =	strace s4  }
0x94: {  	s4 =	sld [smem:$0x3FFC];
	_ =	sdelay $0x3  }
0x95: {  	_ =	strace s4  }
0x96: {  	s4 =	sld [smem:$0x3FFD];
	_ =	sdelay $0x3  }
0x97: {  	_ =	strace s4  }
0x98: {  	_ =	strace $0x8FFFFFFF  }
0x99: {  	s19 =	sld [smem:$0x3FDB];
	_ =	sdelay $0x1  }
0x9a: {  	s5 =	simm.s32 $_scs_section_size  }
0x9b: {  	s6 =	simm.s32 $_size__tile_overlayer_lowered;
	s7 =	simm.s32 $_tile_overlayer_lowered  }
0x9c: {  	s22 =	simm.s32 $0x1BFF;
	s21 =	sshll.u32 s7, $0x1;
	s4 =	sadd.s32 s5, s19  }
0x9d: {  	s8 =	simm.s32 $0x0;
	s20 =	sshll.u32 s6, $0x1;
	s6 =	sadd.s32 s21, s4  }
0x9e: {  	[timem:s8], [sflag:s22] =	dma.local [hbm:s6], s20  }
0x9f: {  	_ =	swait.ge [sflag:s22], s20  }
0xa0: {  	s5 =	ssub.s32 $0x0, s20;
	[sflag:s22] =	ssyncset.done $0x0  }
0xa1: {  	[sflag:s22] =	ssyncadd.s32 s5;
	_ =	sdelay $0x1  }
0xa2: {  	s23 =	simm.s32 $0x1B8B  }
0xa3: {  	_ =	swait.ge [sflag:s23], $0x1  }
0xa4: {  	[sflag:s23] =	ssyncset.done $0x0  }
0xa5: {  	s25 =	simm.s32 $0x1B8E;
	s24 =	sld [smem:$0x3FFE];
	[sflag:s23] =	ssyncadd.s32 $0xFFFFFFFF  }
0xa6: {  	s26 =	simm.s32 $execute0_lowered;
	[smem:$0x3FD2] =	sst s25  }
0xa7: {  	s6 =	sshll.u32 s26, $0x1;
	_ =	strace $0x80000046;
	[dreg:$0x1] =	wrdreg $0xFFFFFFFF  }
0xa8: {  	s28 =	simm.s32 $_size_execute0_lowered;
	s4 =	sadd.s32 s4, s6;
	[dreg:$0x0] =	wrdreg $0x0  }
0xa9: {  	s6 =	sshll.u32 s28, $0x1;
	[dreg:$0x2] =	wrdreg s4  }
0xaa: {  	[dreg:$0x3] =	wrdreg s6  }
0xab: {  	[dreg:$0x4] =	wrdreg $0xC0  }
0xac: {  	_ =	task [dreg:s8], $0x5FFFF  }
0xad: {  	[dreg:$0x1] =	wrdreg $0xFFFFFFFF  }
0xae: {  	[dreg:$0x0] =	wrdreg $0x60  }
0xaf: {  	[dreg:$0x2] =	wrdreg s24  }
0xb0: {  	[dreg:$0x3] =	wrdreg s2  }
0xb1: {  	[dreg:$0x4] =	wrdreg s18  }
0xb2: {  	[dreg:$0x5] =	wrdreg $0x9  }
0xb3: {  	_ =	task.clear_ibuf [dreg:s8], $0x6FFFF;
	_ =	strace $0x90000046  }
0xb4: {  	s29 =	simm.s32 $0x9;
	_ =	strace $0x80000048  }
0xb5: {  	_ =	swait.ge [sflag:s29], $0x1  }
0xb6: {  	[sflag:s29] =	ssyncadd.s32 $0xFFFFFFFF  }
0xb7: {  	_ =	strace $0x90000048  }
0xb8: {  	_ =	sfence  }
0xb9: {  	s30 =	sld [smem:$0x0];
	_ =	sdelay $0x2  }
0xba: {  	s31 =	sshll.u32 s1, $0xD;
	s1 =	sshrl.u32 s1, $0x2  }
0xbb: {  	s3 =	sand.u32 $0x4000, s31;
	s1 =	sadd.s32 s1, s30  }
0xbc: {  	s0 =	sor.u32 s3, s0;
	s1 =	sshll.u32 s1, $0x11  }
0xbd: {  	s0 =	sor.u32 s1, s0  }
0xbe: {  	s0 =	sadd.s32 $0x8F2B, s0  }
0xbf: {  	[sflag:s0] =	ssyncadd.remote.s32 $0x1  }
0xc0: {  	_ =	sfence.sel $0xFFFF  }
0xc1: {  	[dreg:$0x0] =	wrdreg $0xFFFFFFFF;
	(pc) =	sbr.abs _section_cstart, $3  }
0xc2: {  	[dreg:$0x1] =	wrdreg $0xFFFFFFFF  }
0xc3: {  	_ =	task.clear_ibuf [dreg:s8], $0x2FFFF;
	_ =	strace $0x9FFFFFFF  }
0xc4: {  	(tm) =	ssettm $0x7FFFFFFF  }
0xc5: {  	_ =	shalt  }
tec
execute0_lowered:
.L_overlay_start_1:
0x0: {  	(tag) =	ssettag $0x1  }
0x1: {  	s0 =	srdreg.scid;
	s1 =	rddreg [dreg:$0x0]  }
0x2: {  	s3 =	stileid.u32;
	s2 =	rddreg [dreg:$0x1];
	v0 =	vlaneseq.u32  }
0x3: {  	s13 =	simm.s32 $0x60;
	s15 =	simm.s32 $0x68;
	s20 =	simm.s32 $0x9720;
	v0 =	vmul.u32 $0x198, v0  }
0x4: {  	v1 =	vimm.s32 $0x0;
	vm0 =	vcmask $0x300;
	s21 =	simm.s32 $0x190;
	s22 =	simm.s32 $0x258;
	s23 =	simm.s32 $0x5  }
0x5: {  	s29 =	simm.s32 $0x7;
	s30 =	simm.s32 $0x13120;
	s31 =	simm.s32 $0x8;
	v1 =	vsel vm0, $0x3, v1;
	v2 =	vadd.s32 $0x1980, v0  }
0x6: {  	s19 =	simm.s32 $0x9;
	s17 =	simm.s32 $0xA;
	s0 =	sand.u32 $0x1, s0;
	v3 =	vadd.s32 $0x3300, v0;
	v4 =	vadd.s32 $0x4C80, v0;
	v5 =	vor.u32 $0x1, v0  }
0x7: {  	s4 =	sshll.u32 s3, $0x8;
	s5 =	sshll.u32 s0, $0x7;
	s0 =	ssub.s32 $0x2, s0;
	v6 =	vadd.s32 $0x1981, v0;
	v7 =	vadd.s32 $0x3301, v0;
	v8 =	vadd.s32 $0x4C81, v0  }
0x8: {  	s3 =	rddreg [dreg:$0x2];
	s4 =	sor.u32 s5, s4;
	s24 =	sshrl.u32 s0, $0x1;
	v9 =	vor.u32 $0x2, v0;
	v10 =	vadd.s32 $0x1982, v0;
	v11 =	vadd.s32 $0x3302, v0  }
0x9: {  	s5 =	simm.s32 $0x0;
	v12 =	vadd.s32 $0x4C82, v0;
	v13 =	vor.u32 $0x3, v0;
	v14 =	vadd.s32 $0x1983, v0;
	s7 =	smul.u32 $0x19, s4;
	s0 =	ssub.s32 s0, s24  }
0xa: {  	s6 =	sadd.s32 $0x800, s1;
	v15 =	vadd.s32 $0x3303, v0;
	v16 =	vadd.s32 $0x4C83, v0;
	v17 =	vor.u32 $0x4, v0;
	[smem:$0x7FF] =	sst s5;
	s0 =	smax.u32 s0, $0x1  }
0xb: {  	v18 =	vadd.s32 $0x1984, v0;
	v19 =	vadd.s32 $0x3304, v0;
	v20 =	vadd.s32 $0x4C84, v0;
	_ =	strace $0x80000047;
	s7 =	sadd.s32 s6, s7;
	[dreg:$0x8] =	wrdreg s0  }
0xc: {  	s1 =	simm.s32 $0x4;
	v21 =	vor.u32 $0x5, v0;
	v22 =	vadd.s32 $0x1985, v0;
	v23 =	vadd.s32 $0x3305, v0;
	s25 =	sadd.s32 $0x19, s7;
	[dreg:$0x4] =	wrdreg s7  }
0xd: {  	v24 =	vadd.s32 $0x4C85, v0;
	v25 =	vor.u32 $0x6, v0;
	v26 =	vadd.s32 $0x1986, v0;
	s24 =	simm.s32 $0xCB20;
	s26 =	sadd.s32 $0x32, s7;
	[dreg:$0x5] =	wrdreg s25  }
0xe: {  	v27 =	vadd.s32 $0x3306, v0;
	v28 =	vadd.s32 $0x4C86, v0;
	v29 =	vor.u32 $0x7, v0;
	s28 =	sadd.s32 $0x4B, s7;
	s7 =	simm.s32 $0x0;
	[dreg:$0x6] =	wrdreg s26  }
0xf: {  	v30 =	vadd.s32 $0x1987, v0;
	v31 =	vadd.s32 $0x3307, v0;
	v32 =	vadd.s32 $0x4C87, v0;
	[dreg:$0x7] =	wrdreg s28;
	s25 =	simm.s32 $0x6;
	s26 =	simm.s32 $0x3  }
.LBB2_1:
0x10: {  	[dreg:$0x9] =	wrdreg s7  }
0x11: {  	s0 =	rddreg [dreg:$0x4];
	s9 =	simm.s32 $0xB  }
0x12: {  	[tilespmem:s5], [sflag:$0xB] =	stream.linear.gather [hbm4b:s0+s5], $0xC8, $0x38;
	[tilespmem:$0x19720] =	vst v63  }
0x13: {  	_ =	swait.ge [sflag:s9], $0xC8  }
0x14: {  	[sflag:s9] =	ssyncset.done $0x0  }
0x15: {  	s10 =	simm.s32 $0x320;
	[sflag:s9] =	ssyncadd.s32 $0xFFFFFF38  }
0x16: {  	[tilespmem:s10], [sflag:$0x5] =	stream.indirect.gather [hbm4b:s2+s13], $0x80, s5, s13, $0xb8;
	[tilespmem:$0x19720] =	vst v63  }
0x17: {  	s11 =	simm.s32 $0x3320  }
0x18: {  	[tilespmem:s11], [sflag:$0x6] =	stream.indirect.gather [hbm4b:s2+s15], $0x80, s13, s15, $0xb8;
	[tilespmem:$0x19720] =	vst v63  }
0x19: {  	s8 =	simm.s32 $0xC8;
	s12 =	rddreg [dreg:$0x5]  }
0x1a: {  	[tilespmem:s8], [sflag:$0xB] =	stream.linear.gather [hbm4b:s12+s5], $0xC8, $0x38;
	[tilespmem:$0x19720] =	vst v63  }
0x1b: {  	_ =	swait.ge [sflag:s9], $0xC8  }
0x1c: {  	[sflag:s9] =	ssyncset.done $0x0  }
0x1d: {  	s14 =	simm.s32 $0x6720;
	[sflag:s9] =	ssyncadd.s32 $0xFFFFFF38  }
0x1e: {  	[tilespmem:s14], [sflag:$0x7] =	stream.indirect.gather [hbm4b:s2+s13], $0x80, s8, s13, $0xb8;
	[tilespmem:$0x19720] =	vst v63  }
0x1f: {  	s16 =	simm.s32 $0x128  }
0x20: {  	[tilespmem:s20], [sflag:$0x8] =	stream.indirect.gather [hbm4b:s2+s15], $0x80, s16, s15, $0xb8;
	[tilespmem:$0x19720] =	vst v63  }
0x21: {  	s18 =	rddreg [dreg:$0x6]  }
0x22: {  	[tilespmem:s21], [sflag:$0x3] =	stream.linear.gather [hbm4b:s18+s5], $0xC8, $0x38;
	[tilespmem:$0x19720] =	vst v63  }
0x23: {  	s28 =	rddreg [dreg:$0x7];
	s9 =	simm.s32 $0x0  }
0x24: {  	[tilespmem:s22], [sflag:$0x4] =	stream.linear.gather [hbm4b:s28+s5], $0xC8, $0x38;
	[tilespmem:$0x19720] =	vst v63  }
.LBB2_2:
0x25: {  	p1 =	seq.s32 s9, $0x0  }
0x26: {  	s0 =	simm.s32 @!p1 $0x9  }
0x27: {  	s7 =	simm.s32 $0x4;
	_ =	swait.ge @!p1 [sflag:s0], $0x6400  }
0x28: {  	v33 =	vmov s7;
	[sflag:s0] =	ssyncset.done @!p1 $0x0  }
0x29: {  	v33 =	vshrl.u32 v33, $0x3;
	[sflag:s0] =	ssyncadd.s32 @!p1 $0xFFFF9C00  }
0x2a: {  	v33 =	vshll.u32 v33, v1;
	_ =	swait.ge [sflag:s23], $0x3000  }
0x2b: {  	s10 =	simm.s32 $0x6;
	v39 =	vbroadcast v33, $0x0;
	[sflag:s23] =	ssyncset.done $0x0  }
0x2c: {  	s11 =	simm.s32 $0x0;
	s7 =	simm.s32 $0x420;
	v35 =	vmov s10;
	[sflag:s23] =	ssyncadd.s32 $0xFFFFD000  }
0x2d: {  	v37 =	vmov s11;
	v35 =	vshrl.u32 v35, $0x3;
	v34 =	vadd.s32 v17, v39;
	v57 =	vld [tilespmem:s7+$0x0]  }
0x2e: {  	v61 =	vshrl.u32 v37, $0x3;
	v35 =	vshll.u32 v35, v1  }
0x2f: {  	s8 =	simm.s32 $0x2;
	v41 =	vbroadcast v35, $0x0;
	v35 =	vshll.u32 v61, v1  }
0x30: {  	v36 =	vmov s8;
	v35 =	vbroadcast v35, $0x0  }
0x31: {  	v36 =	vshrl.u32 v36, $0x3;
	v62 =	vadd.s32 v25, v41;
	v38 =	vld [tilespmem:s7+$0x80]  }
0x32: {  	v58 =	vshll.u32 v36, v1;
	v44 =	vadd.s32 v0, v35;
	v43 =	vld [tilespmem:s7+$0xFFFFFF00];
	[tilespmem:v34+s24+$0x0] =	vst.idx.msk $0xffff, v57  }
0x33: {  	v33 =	vbroadcast v58, $0x0;
	v59 =	vadd.s32 v18, v39;
	v60 =	vld [tilespmem:s7+$0x10];
	_ =	sdelay $0x1  }
0x34: {  	v40 =	vadd.s32 v9, v33;
	v42 =	vld [tilespmem:s7+$0xFFFFFF80]  }
0x35: {  	[tilespmem:v62+s24+$0x0] =	vst.idx.msk $0xffff, v38  }
0x36: {  	v48 =	vadd.s32 v26, v41;
	[tilespmem:v44+s24+$0x0] =	vst.idx.msk $0xffff, v43;
	v38 =	vld [tilespmem:s7+$0x90]  }
0x37: {  	v50 =	vadd.s32 v2, v35;
	v43 =	vld [tilespmem:s7+$0xFFFFFF10];
	[tilespmem:v59+s24+$0x0] =	vst.idx.msk $0xffff, v60  }
0x38: {  	v63 =	vadd.s32 v19, v39;
	v34 =	vld [tilespmem:s7+$0x20]  }
0x39: {  	[tilespmem:v40+s24+$0x0] =	vst.idx.msk $0xffff, v42  }
0x3a: {  	v49 =	vadd.s32 v10, v33;
	v42 =	vld [tilespmem:s7+$0xFFFFFF90]  }
0x3b: {  	[tilespmem:v48+s24+$0x0] =	vst.idx.msk $0xffff, v38  }
0x3c: {  	v52 =	vadd.s32 v27, v41;
	[tilespmem:v50+s24+$0x0] =	vst.idx.msk $0xffff, v43;
	v37 =	vld [tilespmem:s7+$0xA0]  }
0x3d: {  	v54 =	vadd.s32 v3, v35;
	v44 =	vld [tilespmem:s7+$0xFFFFFF20];
	[tilespmem:v63+s24+$0x0] =	vst.idx.msk $0xffff, v34  }
0x3e: {  	v51 =	vadd.s32 v20, v39;
	v34 =	vld [tilespmem:s7+$0x30]  }
0x3f: {  	[tilespmem:v49+s24+$0x0] =	vst.idx.msk $0xffff, v42  }
0x40: {  	v53 =	vadd.s32 v11, v33;
	v40 =	vld [tilespmem:s7+$0xFFFFFFA0]  }
0x41: {  	s12 =	simm.s32 $0xC;
	s14 =	simm.s32 $0xE;
	[tilespmem:v52+s24+$0x0] =	vst.idx.msk $0xffff, v37  }
0x42: {  	v55 =	vmov s12;
	v45 =	vadd.s32 v21, v39;
	v57 =	vmov s14;
	[tilespmem:v54+s24+$0x0] =	vst.idx.msk $0xffff, v44  }
0x43: {  	s16 =	simm.s32 $0xA;
	v56 =	vadd.s32 v28, v41;
	v36 =	vshrl.u32 v57, $0x3;
	v38 =	vld [tilespmem:s7+$0xB0];
	[tilespmem:v51+s24+$0x0] =	vst.idx.msk $0xffff, v34;
	v34 =	vshrl.u32 v55, $0x3  }
0x44: {  	v59 =	vmov s16;
	v60 =	vadd.s32 v4, v35;
	v44 =	vld [tilespmem:s7+$0xFFFFFF30];
	v34 =	vshll.u32 v34, v1  }
0x45: {  	v48 =	vshll.u32 v36, v1;
	v43 =	vshrl.u32 v59, $0x3;
	[tilespmem:v53+s24+$0x0] =	vst.idx.msk $0xffff, v40;
	v46 =	vld [tilespmem:s7+$0x40];
	v36 =	vbroadcast v34, $0x0  }
0x46: {  	s11 =	simm.s32 $0x620;
	v58 =	vadd.s32 v12, v33;
	v43 =	vshll.u32 v43, v1;
	v42 =	vld [tilespmem:s7+$0xFFFFFFB0];
	v34 =	vbroadcast v48, $0x0  }
0x47: {  	v47 =	vld [tilespmem:s11+$0x0];
	v37 =	vbroadcast v43, $0x0;
	v61 =	vadd.s32 v17, v36  }
0x48: {  	v49 =	vld [tilespmem:s11+$0x80];
	[tilespmem:v56+s24+$0x0] =	vst.idx.msk $0xffff, v38;
	v62 =	vadd.s32 v25, v34  }
0x49: {  	v52 =	vadd.s32 v9, v37;
	[tilespmem:v60+s24+$0x0] =	vst.idx.msk $0xffff, v44;
	v56 =	vld [tilespmem:s11+$0xFFFFFF80]  }
0x4a: {  	s18 =	simm.s32 $0x8;
	v60 =	vadd.s32 v5, v35;
	v59 =	vld [tilespmem:s7+$0xFFFFFF40];
	[tilespmem:v45+s24+$0x0] =	vst.idx.msk $0xffff, v46  }
0x4b: {  	v57 =	vadd.s32 v22, v39;
	[tilespmem:v58+s24+$0x0] =	vst.idx.msk $0xffff, v42;
	v51 =	vmov s18;
	v46 =	vld [tilespmem:s7+$0x50]  }
0x4c: {  	v50 =	vadd.s32 v13, v33;
	v63 =	vld [tilespmem:s7+$0xFFFFFFC0];
	v58 =	vshrl.u32 v51, $0x3;
	[tilespmem:v61+s24+$0x0] =	vst.idx.msk $0xffff, v47  }
0x4d: {  	v48 =	vshll.u32 v58, v1;
	v61 =	vadd.s32 v18, v36;
	[tilespmem:v62+s24+$0x0] =	vst.idx.msk $0xffff, v49;
	v53 =	vld [tilespmem:s11+$0x10]  }
0x4e: {  	v38 =	vbroadcast v48, $0x0;
	[tilespmem:v52+s24+$0x0] =	vst.idx.msk $0xffff, v56;
	v62 =	vadd.s32 v26, v34;
	v49 =	vld [tilespmem:s11+$0x90]  }
0x4f: {  	v42 =	vld [tilespmem:s7+$0xC0];
	[tilespmem:v60+s24+$0x0] =	vst.idx.msk $0xffff, v59;
	v59 =	vadd.s32 v29, v41  }
0x50: {  	v58 =	vadd.s32 v0, v38;
	[tilespmem:v57+s24+$0x0] =	vst.idx.msk $0xffff, v46;
	v57 =	vld [tilespmem:s11+$0xFFFFFF00]  }
0x51: {  	[tilespmem:v50+s24+$0x0] =	vst.idx.msk $0xffff, v63;
	v63 =	vadd.s32 v23, v39;
	v40 =	vld [tilespmem:s7+$0x60]  }
0x52: {  	v60 =	vld [tilespmem:s7+$0xFFFFFF50];
	[tilespmem:v61+s24+$0x0] =	vst.idx.msk $0xffff, v53;
	v61 =	vadd.s32 v6, v35  }
0x53: {  	v44 =	vld [tilespmem:s11+$0xFFFFFF90];
	[tilespmem:v62+s24+$0x0] =	vst.idx.msk $0xffff, v49;
	v62 =	vadd.s32 v10, v37  }
0x54: {  	v54 =	vadd.s32 v19, v36;
	[tilespmem:v59+s24+$0x0] =	vst.idx.msk $0xffff, v42;
	v53 =	vld [tilespmem:s11+$0x20]  }
0x55: {  	v56 =	vld [tilespmem:s7+$0xD0];
	[tilespmem:v58+s24+$0x0] =	vst.idx.msk $0xffff, v57;
	v57 =	vadd.s32 v30, v41  }
0x56: {  	v55 =	vadd.s32 v14, v33;
	[tilespmem:v63+s24+$0x0] =	vst.idx.msk $0xffff, v40;
	v63 =	vld [tilespmem:s7+$0xFFFFFFD0]  }
0x57: {  	v59 =	vadd.s32 v2, v38;
	v58 =	vld [tilespmem:s11+$0xFFFFFF10];
	[tilespmem:v61+s24+$0x0] =	vst.idx.msk $0xffff, v60  }
0x58: {  	v39 =	vadd.s32 v24, v39;
	v43 =	vld [tilespmem:s7+$0x70];
	[tilespmem:v62+s24+$0x0] =	vst.idx.msk $0xffff, v44  }
0x59: {  	v45 =	vld [tilespmem:s11+$0xA0];
	[tilespmem:v54+s24+$0x0] =	vst.idx.msk $0xffff, v53  }
0x5a: {  	v52 =	vadd.s32 v27, v34;
	v44 =	vld [tilespmem:s7+$0xFFFFFF60];
	[tilespmem:v57+s24+$0x0] =	vst.idx.msk $0xffff, v56  }
0x5b: {  	v50 =	vadd.s32 v20, v36;
	v49 =	vld [tilespmem:s11+$0x30];
	[tilespmem:v55+s24+$0x0] =	vst.idx.msk $0xffff, v63  }
0x5c: {  	s28 =	sshll.u32 s9, $0x2;
	v47 =	vadd.s32 v7, v35;
	v51 =	vld [tilespmem:s11+$0xFFFFFFA0];
	v53 =	vadd.s32 v11, v37;
	[tilespmem:v59+s24+$0x0] =	vst.idx.msk $0xffff, v58  }
0x5d: {  	s10 =	sor.u32 s4, s28;
	v46 =	vadd.s32 v12, v37;
	v40 =	vadd.s32 v3, v38;
	v48 =	vld [tilespmem:s7+$0xE0];
	[tilespmem:v39+s24+$0x0] =	vst.idx.msk $0xffff, v43  }
0x5e: {  	s8 =	simm.s32 $0x10;
	s12 =	simm.s32 $0x620;
	s0 =	simm.s32 $0x4;
	v39 =	vadd.s32 v32, v41;
	v42 =	vld [tilespmem:s7+$0xFFFFFFE0];
	v43 =	vadd.s32 v15, v33;
	v41 =	vadd.s32 v31, v41  }
.LBB2_3:
0x5f: {  	v54 =	vmov s8;
	s14 =	sadd.s32 $0x2, s8;
	s28 =	sadd.s32 $0x6, s8;
	v55 =	vld [tilespmem:s11+$0xFFFFFF20];
	v56 =	vadd.s32 v21, v36;
	[tilespmem:v52+s24+$0x0] =	vst.idx.msk $0xffff, v45;
	v45 =	vadd.s32 v28, v34;
	s12 =	sadd.s32 $0x200, s12  }
0x60: {  	s0 =	sadd.s32 $0x4, s0;
	v52 =	vshrl.u32 v54, $0x3;
	v54 =	vmov s14;
	s14 =	sadd.s32 $0x4, s8;
	v57 =	vmov s28;
	[tilespmem:v50+s24+$0x0] =	vst.idx.msk $0xffff, v49;
	v49 =	vld [tilespmem:s11+$0xB0]  }
0x61: {  	p0 =	slt.u32 s0, $0x5C;
	v50 =	vshrl.u32 v54, $0x3;
	v54 =	vmov s14;
	v58 =	vld [tilespmem:s12+$0x0];
	v57 =	vshrl.u32 v57, $0x3;
	[tilespmem:v53+s24+$0x0] =	vst.idx.msk $0xffff, v51  }
0x62: {  	v50 =	vshll.u32 v50, v1;
	v51 =	vshrl.u32 v54, $0x3;
	v53 =	vshll.u32 v57, v1;
	v54 =	vld [tilespmem:s11+$0x40];
	[tilespmem:v47+s24+$0x0] =	vst.idx.msk $0xffff, v44  }
0x63: {  	v44 =	vbroadcast v50, $0x0;
	v47 =	vshll.u32 v51, v1;
	v57 =	vbroadcast v53, $0x0;
	v50 =	vld [tilespmem:s11+$0xFFFFFFB0];
	[tilespmem:v41+s24+$0x0] =	vst.idx.msk $0xffff, v48  }
0x64: {  	v41 =	vshll.u32 v52, v1;
	v51 =	vadd.s32 v8, v35;
	v47 =	vbroadcast v47, $0x0;
	[tilespmem:v40+s24+$0x0] =	vst.idx.msk $0xffff, v55;
	v48 =	vld [tilespmem:s7+$0xFFFFFF70]  }
0x65: {  	v41 =	vbroadcast v41, $0x0;
	v55 =	vadd.s32 v4, v38;
	v52 =	vadd.s32 v9, v44;
	v53 =	vld [tilespmem:s11+$0xFFFFFF30];
	[tilespmem:v43+s24+$0x0] =	vst.idx.msk $0xffff, v42  }
0x66: {  	v42 =	vadd.s32 v17, v47;
	[tilespmem:v45+s24+$0x0] =	vst.idx.msk $0xffff, v49;
	v43 =	vld [tilespmem:s7+$0xFFFFFFF0];
	v45 =	vadd.s32 v16, v33;
	v33 =	vmov v37  }
0x67: {  	v40 =	vadd.s32 v3, v41;
	v49 =	vadd.s32 v25, v57;
	v37 =	vmov v44;
	[tilespmem:v56+s24+$0x0] =	vst.idx.msk $0xffff, v54;
	v54 =	vld [tilespmem:s7+$0xF0];
	s7 =	smov.u32 s11;
	s11 =	smov.u32 s12  }
0x68: {  	v35 =	vmov v38;
	v38 =	vmov v41;
	[tilespmem:v46+s24+$0x0] =	vst.idx.msk $0xffff, v50;
	v44 =	vld [tilespmem:s7+$0x50]  }
0x69: {  	v41 =	vld [tilespmem:s12+$0x80];
	[tilespmem:v51+s24+$0x0] =	vst.idx.msk $0xffff, v48  }
0x6a: {  	v46 =	vadd.s32 v22, v36;
	[tilespmem:v55+s24+$0x0] =	vst.idx.msk $0xffff, v53;
	v48 =	vld [tilespmem:s7+$0xC0]  }
0x6b: {  	v50 =	vadd.s32 v10, v37;
	v53 =	vadd.s32 v13, v33;
	v51 =	vld [tilespmem:s7+$0xFFFFFFC0];
	[tilespmem:v45+s24+$0x0] =	vst.idx.msk $0xffff, v43  }
0x6c: {  	v45 =	vadd.s32 v18, v47;
	v43 =	vld [tilespmem:s12+$0xFFFFFF80];
	[tilespmem:v39+s24+$0x0] =	vst.idx.msk $0xffff, v54  }
0x6d: {  	[tilespmem:v42+s24+$0x0] =	vst.idx.msk $0xffff, v58;
	v39 =	vld [tilespmem:s7+$0xFFFFFF40];
	v42 =	vadd.s32 v5, v35  }
0x6e: {  	v54 =	vld [tilespmem:s12+$0x10];
	[tilespmem:v49+s24+$0x0] =	vst.idx.msk $0xffff, v41;
	v41 =	vadd.s32 v26, v57  }
0x6f: {  	v49 =	vld [tilespmem:s12+$0x90];
	[tilespmem:v46+s24+$0x0] =	vst.idx.msk $0xffff, v44  }
0x70: {  	v46 =	vadd.s32 v23, v36;
	[tilespmem:v53+s24+$0x0] =	vst.idx.msk $0xffff, v51;
	v44 =	vld [tilespmem:s7+$0x60]  }
0x71: {  	v53 =	vadd.s32 v0, v38;
	v51 =	vld [tilespmem:s12+$0xFFFFFF00];
	[tilespmem:v52+s24+$0x0] =	vst.idx.msk $0xffff, v43  }
0x72: {  	v43 =	vld [tilespmem:s12+$0xFFFFFF90];
	[tilespmem:v42+s24+$0x0] =	vst.idx.msk $0xffff, v39;
	v39 =	vadd.s32 v29, v34  }
0x73: {  	v52 =	vadd.s32 v6, v35;
	[tilespmem:v45+s24+$0x0] =	vst.idx.msk $0xffff, v54;
	v42 =	vld [tilespmem:s7+$0xFFFFFF50]  }
0x74: {  	v55 =	vadd.s32 v19, v47;
	v54 =	vld [tilespmem:s12+$0x20];
	[tilespmem:v41+s24+$0x0] =	vst.idx.msk $0xffff, v49  }
0x75: {  	v45 =	vld [tilespmem:s12+$0xA0];
	[tilespmem:v46+s24+$0x0] =	vst.idx.msk $0xffff, v44  }
0x76: {  	v46 =	vadd.s32 v24, v36;
	v36 =	vmov v47;
	[tilespmem:v53+s24+$0x0] =	vst.idx.msk $0xffff, v51;
	v41 =	vld [tilespmem:s7+$0x70]  }
0x77: {  	v56 =	vadd.s32 v14, v33;
	v47 =	vld [tilespmem:s7+$0xFFFFFFD0];
	[tilespmem:v39+s24+$0x0] =	vst.idx.msk $0xffff, v48  }
0x78: {  	v58 =	vadd.s32 v30, v34;
	[tilespmem:v52+s24+$0x0] =	vst.idx.msk $0xffff, v42;
	v48 =	vld [tilespmem:s7+$0xD0]  }
0x79: {  	v60 =	vadd.s32 v2, v38;
	v59 =	vld [tilespmem:s12+$0xFFFFFF10];
	[tilespmem:v55+s24+$0x0] =	vst.idx.msk $0xffff, v54  }
.Ltmp0:
0x7a: {  	v52 =	vadd.s32 v27, v57;
	[tilespmem:v50+s24+$0x0] =	vst.idx.msk $0xffff, v43;
	v44 =	vld [tilespmem:s7+$0xFFFFFF60];
	(pc) =	sbr.rel @p0 .LBB2_3-.Ltmp0, $4  }
0x7b: {  	v50 =	vadd.s32 v20, v36;
	v49 =	vld [tilespmem:s12+$0x30];
	[tilespmem:v46+s24+$0x0] =	vst.idx.msk $0xffff, v41  }
0x7c: {  	v53 =	vadd.s32 v11, v37;
	v39 =	vadd.s32 v32, v34;
	v51 =	vld [tilespmem:s12+$0xFFFFFFA0];
	[tilespmem:v56+s24+$0x0] =	vst.idx.msk $0xffff, v47  }
0x7d: {  	v43 =	vadd.s32 v15, v33;
	v47 =	vadd.s32 v7, v35;
	v42 =	vld [tilespmem:s7+$0xFFFFFFE0];
	[tilespmem:v58+s24+$0x0] =	vst.idx.msk $0xffff, v48  }
0x7e: {  	s8 =	sadd.s32 $0x8, s8;
	v46 =	vadd.s32 v12, v37;
	v41 =	vadd.s32 v31, v34;
	v34 =	vmov v57;
	[tilespmem:v60+s24+$0x0] =	vst.idx.msk $0xffff, v59;
	v48 =	vld [tilespmem:s7+$0xE0]  }
0x7f: {  	_ = 	snop  }
0x80: {  	v54 =	vld [tilespmem:s11+$0xFFFFFF20];
	_ =	sdelay $0x2  }
0x81: {  	[tilespmem:v53+s24+$0x0] =	vst.idx.msk $0xffff, v51  }
0x82: {  	[tilespmem:v52+s24+$0x0] =	vst.idx.msk $0xffff, v45;
	v62 =	vld [tilespmem:s11+$0xFFFFFFB0]  }
0x83: {  	v63 =	vadd.s32 v28, v34;
	v56 =	vld [tilespmem:s11+$0xB0];
	[tilespmem:v40+s24+$0x0] =	vst.idx.msk $0xffff, v54  }
0x84: {  	v61 =	vadd.s32 v4, v38;
	v40 =	vld [tilespmem:s11+$0xFFFFFF30];
	_ =	sdelay $0x1  }
0x85: {  	[tilespmem:v50+s24+$0x0] =	vst.idx.msk $0xffff, v49  }
0x86: {  	v57 =	vadd.s32 v21, v36;
	v50 =	vld [tilespmem:s11+$0x40];
	[tilespmem:v46+s24+$0x0] =	vst.idx.msk $0xffff, v62  }
0x87: {  	v59 =	vadd.s32 v13, v37;
	[tilespmem:v63+s24+$0x0] =	vst.idx.msk $0xffff, v56;
	v46 =	vld [tilespmem:s11+$0xFFFFFFC0]  }
0x88: {  	v60 =	vadd.s32 v29, v34;
	v52 =	vld [tilespmem:s11+$0xC0];
	[tilespmem:v61+s24+$0x0] =	vst.idx.msk $0xffff, v40  }
0x89: {  	v58 =	vadd.s32 v5, v38;
	v40 =	vld [tilespmem:s11+$0xFFFFFF40];
	_ =	sdelay $0x1  }
0x8a: {  	[tilespmem:v57+s24+$0x0] =	vst.idx.msk $0xffff, v50  }
0x8b: {  	v49 =	vld [tilespmem:s11+$0x50];
	v61 =	vadd.s32 v22, v36;
	[tilespmem:v59+s24+$0x0] =	vst.idx.msk $0xffff, v46  }
0x8c: {  	v63 =	vadd.s32 v14, v37;
	[tilespmem:v60+s24+$0x0] =	vst.idx.msk $0xffff, v52;
	v46 =	vld [tilespmem:s11+$0xFFFFFFD0]  }
0x8d: {  	v55 =	vadd.s32 v30, v34;
	v54 =	vld [tilespmem:s11+$0xD0];
	[tilespmem:v58+s24+$0x0] =	vst.idx.msk $0xffff, v40  }
0x8e: {  	[tilespmem:v47+s24+$0x0] =	vst.idx.msk $0xffff, v44;
	v62 =	vadd.s32 v6, v38;
	v40 =	vld [tilespmem:s11+$0xFFFFFF50]  }
0x8f: {  	[tilespmem:v43+s24+$0x0] =	vst.idx.msk $0xffff, v42  }
0x90: {  	v35 =	vadd.s32 v8, v35;
	v56 =	vld [tilespmem:s7+$0xFFFFFF70];
	[tilespmem:v61+s24+$0x0] =	vst.idx.msk $0xffff, v49  }
0x91: {  	v57 =	vld [tilespmem:s11+$0x60];
	v58 =	vadd.s32 v23, v36;
	[tilespmem:v63+s24+$0x0] =	vst.idx.msk $0xffff, v46  }
0x92: {  	v60 =	vadd.s32 v15, v37;
	[tilespmem:v55+s24+$0x0] =	vst.idx.msk $0xffff, v54;
	v46 =	vld [tilespmem:s11+$0xFFFFFFE0]  }
0x93: {  	v61 =	vld [tilespmem:s11+$0xE0];
	[tilespmem:v62+s24+$0x0] =	vst.idx.msk $0xffff, v40;
	v62 =	vadd.s32 v31, v34  }
0x94: {  	[tilespmem:v41+s24+$0x0] =	vst.idx.msk $0xffff, v48;
	v59 =	vadd.s32 v7, v38;
	v40 =	vld [tilespmem:s11+$0xFFFFFF60]  }
0x95: {  	v51 =	vld [tilespmem:s7+$0xF0];
	[tilespmem:v35+s24+$0x0] =	vst.idx.msk $0xffff, v56  }
0x96: {  	v33 =	vadd.s32 v16, v33;
	v63 =	vld [tilespmem:s7+$0xFFFFFFF0];
	[tilespmem:v58+s24+$0x0] =	vst.idx.msk $0xffff, v57  }
0x97: {  	v53 =	vadd.s32 v24, v36;
	v52 =	vld [tilespmem:s11+$0x70];
	[tilespmem:v60+s24+$0x0] =	vst.idx.msk $0xffff, v46  }
0x98: {  	v56 =	vadd.s32 v16, v37;
	v55 =	vld [tilespmem:s11+$0xFFFFFFF0];
	[tilespmem:v62+s24+$0x0] =	vst.idx.msk $0xffff, v61  }
0x99: {  	v57 =	vadd.s32 v32, v34;
	[tilespmem:v59+s24+$0x0] =	vst.idx.msk $0xffff, v40;
	v58 =	vld [tilespmem:s11+$0xF0]  }
0x9a: {  	[tilespmem:v39+s24+$0x0] =	vst.idx.msk $0xffff, v51;
	v54 =	vadd.s32 v8, v38;
	v40 =	vld [tilespmem:s11+$0xFFFFFF70]  }
0x9b: {  	[tilespmem:v33+s24+$0x0] =	vst.idx.msk $0xffff, v63  }
0x9c: {  	[tilespmem:v53+s24+$0x0] =	vst.idx.msk $0xffff, v52  }
0x9d: {  	s0 =	simm.s32 $0xC0;
	[tilespmem:v56+s24+$0x0] =	vst.idx.msk $0xffff, v55  }
0x9e: {  	v59 =	vmov s0;
	s11 =	simm.s32 $0xC2;
	[tilespmem:v57+s24+$0x0] =	vst.idx.msk $0xffff, v58  }
0x9f: {  	v60 =	vshrl.u32 v59, $0x3;
	v61 =	vmov s11;
	[tilespmem:v54+s24+$0x0] =	vst.idx.msk $0xffff, v40  }
0xa0: {  	v33 =	vshll.u32 v60, v1;
	v34 =	vshrl.u32 v61, $0x3;
	_ =	swait.ge [sflag:s25], $0x3400  }
0xa1: {  	s12 =	simm.s32 $0xC4;
	v33 =	vbroadcast v33, $0x0;
	v34 =	vshll.u32 v34, v1;
	[sflag:s25] =	ssyncset.done $0x0  }
0xa2: {  	s14 =	simm.s32 $0xC6;
	v62 =	vmov s12;
	s11 =	simm.s32 $0x3420;
	v34 =	vbroadcast v34, $0x0;
	[sflag:s25] =	ssyncadd.s32 $0xFFFFCC00  }
0xa3: {  	v47 =	vmov s14;
	v35 =	vshrl.u32 v62, $0x3;
	v63 =	vadd.s32 v0, v33;
	v44 =	vld [tilespmem:s11+$0xFFFFFF00]  }
0xa4: {  	v48 =	vshrl.u32 v47, $0x3;
	v35 =	vshll.u32 v35, v1;
	v45 =	vadd.s32 v9, v34;
	v46 =	vld [tilespmem:s11+$0xFFFFFF80]  }
0xa5: {  	v41 =	vbroadcast v35, $0x0;
	v35 =	vshll.u32 v48, v1  }
0xa6: {  	v42 =	vbroadcast v35, $0x0  }
0xa7: {  	v49 =	vadd.s32 v17, v41;
	v50 =	vld [tilespmem:s11+$0x0]  }
0xa8: {  	v54 =	vadd.s32 v25, v42;
	v53 =	vld [tilespmem:s11+$0x80];
	[tilespmem:v63+s24+$0x0] =	vst.idx.msk $0xffff, v44  }
0xa9: {  	v51 =	vadd.s32 v2, v33;
	[tilespmem:v45+s24+$0x0] =	vst.idx.msk $0xffff, v46;
	v37 =	vld [tilespmem:s11+$0xFFFFFF10]  }
0xaa: {  	v52 =	vadd.s32 v10, v34;
	v39 =	vld [tilespmem:s11+$0xFFFFFF90];
	_ =	sdelay $0x1  }
0xab: {  	[tilespmem:v49+s24+$0x0] =	vst.idx.msk $0xffff, v50  }
0xac: {  	v55 =	vadd.s32 v18, v41;
	[tilespmem:v54+s24+$0x0] =	vst.idx.msk $0xffff, v53;
	v36 =	vld [tilespmem:s11+$0x10]  }
0xad: {  	s16 =	simm.s32 $0xC8;
	v58 =	vadd.s32 v26, v42;
	v44 =	vld [tilespmem:s11+$0x90];
	[tilespmem:v51+s24+$0x0] =	vst.idx.msk $0xffff, v37  }
0xae: {  	v59 =	vmov s16;
	v56 =	vadd.s32 v3, v33;
	[tilespmem:v52+s24+$0x0] =	vst.idx.msk $0xffff, v39;
	v35 =	vld [tilespmem:s11+$0xFFFFFF20]  }
0xaf: {  	v57 =	vadd.s32 v11, v34;
	v45 =	vadd.s32 v4, v33;
	v33 =	vshrl.u32 v59, $0x3;
	v38 =	vld [tilespmem:s11+$0xFFFFFFA0]  }
0xb0: {  	s18 =	simm.s32 $0xCE;
	v33 =	vshll.u32 v33, v1  }
0xb1: {  	s8 =	simm.s32 $0xCA;
	s7 =	simm.s32 $0x3620;
	v60 =	vmov s18;
	v43 =	vbroadcast v33, $0x0;
	[tilespmem:v55+s24+$0x0] =	vst.idx.msk $0xffff, v36  }
0xb2: {  	v61 =	vmov s8;
	v40 =	vadd.s32 v27, v42;
	v34 =	vadd.s32 v12, v34;
	[tilespmem:v58+s24+$0x0] =	vst.idx.msk $0xffff, v44;
	v44 =	vld [tilespmem:s7+$0x80]  }
0xb3: {  	s14 =	simm.s32 $0xC1;
	v46 =	vadd.s32 v19, v41;
	v49 =	vadd.s32 v0, v43;
	v36 =	vshrl.u32 v60, $0x3;
	v63 =	vld [tilespmem:s11+$0xA0];
	[tilespmem:v56+s24+$0x0] =	vst.idx.msk $0xffff, v35  }
0xb4: {  	s12 =	simm.s32 $0xCC;
	v58 =	vmov s14;
	v36 =	vshll.u32 v36, v1;
	[tilespmem:v57+s24+$0x0] =	vst.idx.msk $0xffff, v38;
	v35 =	vshrl.u32 v61, $0x3;
	v62 =	vld [tilespmem:s11+$0xFFFFFF30]  }
0xb5: {  	s8 =	simm.s32 $0xC3;
	v33 =	vbroadcast v36, $0x0;
	v56 =	vmov s12;
	v38 =	vld [tilespmem:s11+$0xFFFFFFB0];
	v35 =	vshll.u32 v35, v1  }
0xb6: {  	v51 =	vld [tilespmem:s7+$0xFFFFFF00];
	v57 =	vmov s8;
	v37 =	vbroadcast v35, $0x0;
	v35 =	vshrl.u32 v56, $0x3  }
0xb7: {  	v47 =	vld [tilespmem:s11+$0x20];
	v59 =	vshrl.u32 v58, $0x3;
	v36 =	vshrl.u32 v57, $0x3;
	v35 =	vshll.u32 v35, v1  }
0xb8: {  	v50 =	vadd.s32 v25, v33;
	[tilespmem:v40+s24+$0x0] =	vst.idx.msk $0xffff, v63;
	v63 =	vld [tilespmem:s7+$0x0];
	v36 =	vshll.u32 v36, v1;
	v35 =	vbroadcast v35, $0x0  }
0xb9: {  	v56 =	vshll.u32 v59, v1;
	v36 =	vbroadcast v36, $0x0;
	v60 =	vadd.s32 v9, v37;
	[tilespmem:v45+s24+$0x0] =	vst.idx.msk $0xffff, v62;
	v45 =	vld [tilespmem:s7+$0xFFFFFF80]  }
0xba: {  	v59 =	vld [tilespmem:s11+$0xB0];
	[tilespmem:v34+s24+$0x0] =	vst.idx.msk $0xffff, v38;
	v34 =	vbroadcast v56, $0x0;
	v62 =	vadd.s32 v17, v35  }
0xbb: {  	[tilespmem:v49+s24+$0x0] =	vst.idx.msk $0xffff, v51;
	v61 =	vadd.s32 v13, v36;
	v57 =	vld [tilespmem:s11+$0xFFFFFFC0]  }
0xbc: {  	[tilespmem:v46+s24+$0x0] =	vst.idx.msk $0xffff, v47;
	v38 =	vld [tilespmem:s11+$0xFFFFFF40];
	v58 =	vadd.s32 v5, v34  }
0xbd: {  	v42 =	vadd.s32 v28, v42;
	[tilespmem:v50+s24+$0x0] =	vst.idx.msk $0xffff, v44;
	v44 =	vld [tilespmem:s7+$0xFFFFFF10]  }
0xbe: {  	s16 =	simm.s32 $0xC5;
	v41 =	vadd.s32 v20, v41;
	[tilespmem:v60+s24+$0x0] =	vst.idx.msk $0xffff, v45;
	v45 =	vld [tilespmem:s11+$0x30]  }
0xbf: {  	s18 =	simm.s32 $0xC7;
	v55 =	vmov s16;
	v54 =	vld [tilespmem:s7+$0x90];
	v60 =	vadd.s32 v2, v43;
	[tilespmem:v62+s24+$0x0] =	vst.idx.msk $0xffff, v63  }
0xc0: {  	v56 =	vadd.s32 v10, v37;
	v62 =	vmov s18;
	[tilespmem:v61+s24+$0x0] =	vst.idx.msk $0xffff, v57;
	v57 =	vld [tilespmem:s7+$0xFFFFFF90];
	v61 =	vshrl.u32 v55, $0x3  }
0xc1: {  	v63 =	vadd.s32 v14, v36;
	v40 =	vshrl.u32 v62, $0x3;
	[tilespmem:v58+s24+$0x0] =	vst.idx.msk $0xffff, v38;
	v46 =	vld [tilespmem:s11+$0xFFFFFFD0];
	v58 =	vshll.u32 v61, v1  }
0xc2: {  	[tilespmem:v42+s24+$0x0] =	vst.idx.msk $0xffff, v59;
	v42 =	vadd.s32 v18, v35;
	v59 =	vshll.u32 v40, v1;
	v40 =	vld [tilespmem:s7+$0x10];
	v39 =	vbroadcast v58, $0x0  }
0xc3: {  	v53 =	vadd.s32 v6, v34;
	v52 =	vld [tilespmem:s11+$0xFFFFFF50];
	v38 =	vbroadcast v59, $0x0;
	[tilespmem:v41+s24+$0x0] =	vst.idx.msk $0xffff, v45  }
0xc4: {  	[tilespmem:v60+s24+$0x0] =	vst.idx.msk $0xffff, v44;
	v60 =	vadd.s32 v21, v39;
	v41 =	vld [tilespmem:s11+$0x40]  }
0xc5: {  	v61 =	vld [tilespmem:s11+$0xC0];
	v62 =	vadd.s32 v29, v38;
	[tilespmem:v56+s24+$0x0] =	vst.idx.msk $0xffff, v57  }
0xc6: {  	v55 =	vld [tilespmem:s7+$0xFFFFFF20];
	v56 =	vadd.s32 v3, v43;
	[tilespmem:v63+s24+$0x0] =	vst.idx.msk $0xffff, v46  }
0xc7: {  	v58 =	vadd.s32 v26, v33;
	v63 =	vld [tilespmem:s7+$0xFFFFFFA0];
	[tilespmem:v42+s24+$0x0] =	vst.idx.msk $0xffff, v40  }
0xc8: {  	v57 =	vadd.s32 v11, v37;
	[tilespmem:v53+s24+$0x0] =	vst.idx.msk $0xffff, v52;
	v50 =	vld [tilespmem:s11+$0xFFFFFFE0]  }
0xc9: {  	v47 =	vld [tilespmem:s7+$0x20];
	v52 =	vadd.s32 v15, v36;
	[tilespmem:v60+s24+$0x0] =	vst.idx.msk $0xffff, v41  }
0xca: {  	v51 =	vadd.s32 v22, v39;
	[tilespmem:v62+s24+$0x0] =	vst.idx.msk $0xffff, v61;
	v49 =	vld [tilespmem:s11+$0x50]  }
0xcb: {  	v45 =	vadd.s32 v30, v38;
	v40 =	vadd.s32 v7, v34;
	[tilespmem:v56+s24+$0x0] =	vst.idx.msk $0xffff, v55;
	v44 =	vld [tilespmem:s11+$0xD0]  }
0xcc: {  	s28 =	simm.s32 $0xD7;
	v42 =	vadd.s32 v4, v43;
	v43 =	vadd.s32 v23, v39;
	[tilespmem:v58+s24+$0x0] =	vst.idx.msk $0xffff, v54;
	v48 =	vld [tilespmem:s7+$0xFFFFFF30]  }
0xcd: {  	s0 =	simm.s32 $0x3620;
	s12 =	simm.s32 $0xCF;
	s8 =	simm.s32 $0x4;
	v53 =	vadd.s32 v19, v35;
	v46 =	vld [tilespmem:s11+$0xFFFFFF60];
	v41 =	vadd.s32 v31, v38;
	[tilespmem:v57+s24+$0x0] =	vst.idx.msk $0xffff, v63  }
.LBB2_5:
0xce: {  	s14 =	sadd.s32 $0xFFFFFFF9, s28;
	s16 =	sadd.s32 $0xFFFFFFFF, s28;
	v54 =	vadd.s32 v12, v37;
	v55 =	vld [tilespmem:s7+$0xA0];
	s0 =	sadd.s32 $0x200, s0;
	[tilespmem:v52+s24+$0x0] =	vst.idx.msk $0xffff, v50;
	v50 =	vadd.s32 v16, v36  }
0xcf: {  	s8 =	sadd.s32 $0x4, s8;
	v56 =	vadd.s32 v27, v33;
	v36 =	vmov s14;
	s14 =	sadd.s32 $0xFFFFFFFB, s28;
	v37 =	vmov s16;
	v52 =	vld [tilespmem:s7+$0xFFFFFFB0];
	[tilespmem:v51+s24+$0x0] =	vst.idx.msk $0xffff, v49  }
0xd0: {  	p0 =	slt.u32 s8, $0x64;
	v36 =	vshrl.u32 v36, $0x3;
	v49 =	vmov s14;
	s14 =	sadd.s32 $0xFFFFFFFD, s28;
	v51 =	vld [tilespmem:s0+$0x80];
	v37 =	vshrl.u32 v37, $0x3;
	[tilespmem:v45+s24+$0x0] =	vst.idx.msk $0xffff, v44  }
0xd1: {  	v36 =	vshll.u32 v36, v1;
	v44 =	vshrl.u32 v49, $0x3;
	v37 =	vshll.u32 v37, v1;
	[tilespmem:v42+s24+$0x0] =	vst.idx.msk $0xffff, v48;
	v45 =	vld [tilespmem:s11+$0x60]  }
0xd2: {  	v42 =	vbroadcast v36, $0x0;
	v36 =	vshll.u32 v44, v1;
	v44 =	vbroadcast v37, $0x0;
	[tilespmem:v53+s24+$0x0] =	vst.idx.msk $0xffff, v47;
	v47 =	vld [tilespmem:s11+$0xE0]  }
0xd3: {  	v34 =	vadd.s32 v8, v34;
	v37 =	vbroadcast v36, $0x0;
	v36 =	vmov s14;
	[tilespmem:v40+s24+$0x0] =	vst.idx.msk $0xffff, v46;
	v40 =	vld [tilespmem:s11+$0xFFFFFFF0]  }
0xd4: {  	s14 =	sadd.s32 $0xFFFFFFFC, s12;
	v46 =	vadd.s32 v0, v42;
	v36 =	vshrl.u32 v36, $0x3;
	v48 =	vadd.s32 v25, v44;
	[tilespmem:v56+s24+$0x0] =	vst.idx.msk $0xffff, v55;
	v49 =	vld [tilespmem:s11+$0xFFFFFF70]  }
0xd5: {  	v53 =	vld [tilespmem:s0+$0xFFFFFF00];
	v55 =	vadd.s32 v9, v37;
	v36 =	vshll.u32 v36, v1;
	[tilespmem:v54+s24+$0x0] =	vst.idx.msk $0xffff, v52;
	v52 =	vmov s14  }
0xd6: {  	s14 =	sadd.s32 $0xFFFFFFFA, s12;
	v54 =	vld [tilespmem:s0+$0xFFFFFF80];
	v56 =	vbroadcast v36, $0x0;
	v36 =	vshrl.u32 v52, $0x3;
	[tilespmem:v43+s24+$0x0] =	vst.idx.msk $0xffff, v45  }
0xd7: {  	v39 =	vadd.s32 v24, v39;
	v43 =	vmov s14;
	v36 =	vshll.u32 v36, v1;
	v45 =	vld [tilespmem:s11+$0x70];
	[tilespmem:v41+s24+$0x0] =	vst.idx.msk $0xffff, v47  }
0xd8: {  	v43 =	vshrl.u32 v43, $0x3;
	v41 =	vadd.s32 v17, v56;
	v36 =	vbroadcast v36, $0x0;
	[tilespmem:v50+s24+$0x0] =	vst.idx.msk $0xffff, v40;
	v47 =	vld [tilespmem:s11+$0xF0];
	s11 =	smov.u32 s7;
	s7 =	smov.u32 s0  }
0xd9: {  	v38 =	vadd.s32 v32, v38;
	v40 =	vshll.u32 v43, v1;
	v50 =	vld [tilespmem:s11+$0xFFFFFF40];
	[tilespmem:v34+s24+$0x0] =	vst.idx.msk $0xffff, v49  }
0xda: {  	v34 =	vbroadcast v40, $0x0;
	[tilespmem:v48+s24+$0x0] =	vst.idx.msk $0xffff, v51;
	v43 =	vld [tilespmem:s11+$0xFFFFFFC0];
	v48 =	vadd.s32 v13, v36  }
0xdb: {  	v49 =	vadd.s32 v10, v37;
	[tilespmem:v46+s24+$0x0] =	vst.idx.msk $0xffff, v53;
	v46 =	vadd.s32 v2, v42;
	v51 =	vld [tilespmem:s0+$0x0]  }
0xdc: {  	v52 =	vadd.s32 v5, v34;
	v40 =	vadd.s32 v7, v34;
	v53 =	vld [tilespmem:s11+$0xB0];
	[tilespmem:v39+s24+$0x0] =	vst.idx.msk $0xffff, v45  }
0xdd: {  	v45 =	vld [tilespmem:s0+$0xFFFFFF10];
	[tilespmem:v55+s24+$0x0] =	vst.idx.msk $0xffff, v54;
	v54 =	vadd.s32 v28, v33;
	v33 =	vmov v44  }
0xde: {  	v57 =	vadd.s32 v20, v35;
	s14 =	sadd.s32 $0xFFFFFFFE, s12;
	v35 =	vmov v56;
	v55 =	vadd.s32 v26, v33;
	v44 =	vld [tilespmem:s11+$0x30];
	[tilespmem:v38+s24+$0x0] =	vst.idx.msk $0xffff, v47  }
0xdf: {  	v38 =	vmov s14;
	v56 =	vld [tilespmem:s0+$0x90];
	[tilespmem:v48+s24+$0x0] =	vst.idx.msk $0xffff, v43  }
0xe0: {  	v39 =	vmov s12;
	s12 =	smov.u32 s28;
	v38 =	vshrl.u32 v38, $0x3;
	v43 =	vld [tilespmem:s0+$0xFFFFFF90];
	[tilespmem:v41+s24+$0x0] =	vst.idx.msk $0xffff, v51  }
0xe1: {  	v47 =	vadd.s32 v14, v36;
	v48 =	vshrl.u32 v39, $0x3;
	v38 =	vshll.u32 v38, v1;
	[tilespmem:v52+s24+$0x0] =	vst.idx.msk $0xffff, v50;
	v41 =	vld [tilespmem:s11+$0xFFFFFFD0]  }
0xe2: {  	v51 =	vadd.s32 v6, v34;
	v39 =	vbroadcast v38, $0x0;
	v38 =	vshll.u32 v48, v1;
	v50 =	vld [tilespmem:s11+$0xFFFFFF50];
	[tilespmem:v54+s24+$0x0] =	vst.idx.msk $0xffff, v53  }
0xe3: {  	v52 =	vadd.s32 v18, v35;
	v38 =	vbroadcast v38, $0x0;
	v48 =	vld [tilespmem:s0+$0x10];
	[tilespmem:v57+s24+$0x0] =	vst.idx.msk $0xffff, v44  }
0xe4: {  	[tilespmem:v46+s24+$0x0] =	vst.idx.msk $0xffff, v45;
	v44 =	vld [tilespmem:s11+$0x40];
	v45 =	vadd.s32 v21, v39  }
0xe5: {  	v46 =	vadd.s32 v29, v38;
	[tilespmem:v49+s24+$0x0] =	vst.idx.msk $0xffff, v43;
	v43 =	vld [tilespmem:s11+$0xC0]  }
0xe6: {  	v54 =	vadd.s32 v3, v42;
	v53 =	vld [tilespmem:s0+$0xFFFFFF20];
	[tilespmem:v47+s24+$0x0] =	vst.idx.msk $0xffff, v41  }
0xe7: {  	v57 =	vadd.s32 v11, v37;
	v41 =	vld [tilespmem:s0+$0xFFFFFFA0];
	[tilespmem:v51+s24+$0x0] =	vst.idx.msk $0xffff, v50  }
0xe8: {  	[tilespmem:v52+s24+$0x0] =	vst.idx.msk $0xffff, v48;
	v50 =	vld [tilespmem:s11+$0xFFFFFFE0]  }
.Ltmp1:
0xe9: {  	v52 =	vadd.s32 v15, v36;
	v47 =	vld [tilespmem:s0+$0x20];
	[tilespmem:v45+s24+$0x0] =	vst.idx.msk $0xffff, v44;
	(pc) =	sbr.rel @p0 .LBB2_5-.Ltmp1, $4  }
0xea: {  	v51 =	vadd.s32 v22, v39;
	v49 =	vld [tilespmem:s11+$0x50];
	[tilespmem:v46+s24+$0x0] =	vst.idx.msk $0xffff, v43  }
0xeb: {  	v45 =	vadd.s32 v30, v38;
	[tilespmem:v54+s24+$0x0] =	vst.idx.msk $0xffff, v53;
	v44 =	vld [tilespmem:s11+$0xD0]  }
0xec: {  	v42 =	vadd.s32 v4, v42;
	v48 =	vld [tilespmem:s0+$0xFFFFFF30];
	[tilespmem:v57+s24+$0x0] =	vst.idx.msk $0xffff, v41;
	v41 =	vadd.s32 v31, v38  }
0xed: {  	s28 =	sadd.s32 $0x8, s28;
	v43 =	vadd.s32 v23, v39;
	v53 =	vadd.s32 v19, v35;
	[tilespmem:v55+s24+$0x0] =	vst.idx.msk $0xffff, v56;
	v46 =	vld [tilespmem:s11+$0xFFFFFF60]  }
0xee: {  	v54 =	vld [tilespmem:s7+$0xA0];
	v55 =	vadd.s32 v27, v33;
	_ =	sdelay $0x2  }
0xef: {  	s0 =	sadd.s32 $0xFFFFFFFC, s12;
	v37 =	vadd.s32 v12, v37;
	v56 =	vld [tilespmem:s7+$0xFFFFFFB0]  }
0xf0: {  	s8 =	sadd.s32 $0xFFFFFFFA, s12;
	[tilespmem:v53+s24+$0x0] =	vst.idx.msk $0xffff, v47;
	v35 =	vadd.s32 v20, v35;
	v33 =	vadd.s32 v28, v33;
	v57 =	vmov s0  }
0xf1: {  	s14 =	sadd.s32 $0xFFFFFFFE, s12;
	v62 =	vmov s12;
	v58 =	vmov s8;
	v57 =	vshrl.u32 v57, $0x3;
	[tilespmem:v55+s24+$0x0] =	vst.idx.msk $0xffff, v54;
	v54 =	vld [tilespmem:s7+$0x30]  }
0xf2: {  	[tilespmem:v52+s24+$0x0] =	vst.idx.msk $0xffff, v50;
	v59 =	vmov s14;
	v53 =	vshrl.u32 v58, $0x3;
	v47 =	vshll.u32 v57, v1;
	v50 =	vld [tilespmem:s7+$0xB0]  }
0xf3: {  	[tilespmem:v51+s24+$0x0] =	vst.idx.msk $0xffff, v49;
	v61 =	vshrl.u32 v59, $0x3;
	v60 =	vshll.u32 v53, v1;
	v47 =	vbroadcast v47, $0x0  }
0xf4: {  	v63 =	vshll.u32 v61, v1;
	[tilespmem:v37+s24+$0x0] =	vst.idx.msk $0xffff, v56;
	v37 =	vbroadcast v60, $0x0;
	v55 =	vshrl.u32 v62, $0x3  }
0xf5: {  	[tilespmem:v42+s24+$0x0] =	vst.idx.msk $0xffff, v48;
	v49 =	vbroadcast v63, $0x0;
	v42 =	vld [tilespmem:s7+$0xFFFFFFC0];
	v56 =	vadd.s32 v13, v47;
	v51 =	vshll.u32 v55, v1  }
0xf6: {  	v57 =	vld [tilespmem:s7+$0xFFFFFF40];
	v58 =	vadd.s32 v5, v37;
	[tilespmem:v35+s24+$0x0] =	vst.idx.msk $0xffff, v54;
	v35 =	vbroadcast v51, $0x0  }
0xf7: {  	v59 =	vadd.s32 v21, v49;
	[tilespmem:v33+s24+$0x0] =	vst.idx.msk $0xffff, v50;
	v33 =	vld [tilespmem:s7+$0x40]  }
0xf8: {  	[tilespmem:v45+s24+$0x0] =	vst.idx.msk $0xffff, v44;
	v60 =	vld [tilespmem:s7+$0xC0];
	v61 =	vadd.s32 v29, v35  }
0xf9: {  	[tilespmem:v40+s24+$0x0] =	vst.idx.msk $0xffff, v46;
	v63 =	vld [tilespmem:s11+$0xE0]  }
0xfa: {  	v62 =	vld [tilespmem:s11+$0x60];
	[tilespmem:v56+s24+$0x0] =	vst.idx.msk $0xffff, v42  }
0xfb: {  	v56 =	vadd.s32 v14, v47;
	[tilespmem:v58+s24+$0x0] =	vst.idx.msk $0xffff, v57;
	v42 =	vld [tilespmem:s7+$0xFFFFFFD0]  }
0xfc: {  	v58 =	vadd.s32 v6, v37;
	v57 =	vld [tilespmem:s7+$0xFFFFFF50];
	[tilespmem:v59+s24+$0x0] =	vst.idx.msk $0xffff, v33  }
0xfd: {  	v59 =	vadd.s32 v22, v49;
	v33 =	vld [tilespmem:s7+$0x50];
	[tilespmem:v61+s24+$0x0] =	vst.idx.msk $0xffff, v60  }
0xfe: {  	[tilespmem:v41+s24+$0x0] =	vst.idx.msk $0xffff, v63;
	v61 =	vadd.s32 v30, v35;
	v60 =	vld [tilespmem:s7+$0xD0]  }
0xff: {  	v34 =	vadd.s32 v8, v34;
	v63 =	vld [tilespmem:s11+$0xFFFFFF70];
	[tilespmem:v43+s24+$0x0] =	vst.idx.msk $0xffff, v62  }
0x100: {  	v36 =	vadd.s32 v16, v36;
	v62 =	vld [tilespmem:s11+$0xFFFFFFF0];
	[tilespmem:v56+s24+$0x0] =	vst.idx.msk $0xffff, v42  }
0x101: {  	v54 =	vadd.s32 v15, v47;
	[tilespmem:v58+s24+$0x0] =	vst.idx.msk $0xffff, v57;
	v53 =	vld [tilespmem:s7+$0xFFFFFFE0]  }
0x102: {  	v55 =	vadd.s32 v7, v37;
	v48 =	vld [tilespmem:s7+$0xFFFFFF60];
	[tilespmem:v59+s24+$0x0] =	vst.idx.msk $0xffff, v33  }
0x103: {  	v56 =	vadd.s32 v23, v49;
	[tilespmem:v61+s24+$0x0] =	vst.idx.msk $0xffff, v60;
	v57 =	vld [tilespmem:s7+$0x60]  }
0x104: {  	[tilespmem:v34+s24+$0x0] =	vst.idx.msk $0xffff, v63;
	v58 =	vadd.s32 v31, v35;
	v44 =	vld [tilespmem:s7+$0xE0]  }
0x105: {  	v39 =	vadd.s32 v24, v39;
	[tilespmem:v36+s24+$0x0] =	vst.idx.msk $0xffff, v62;
	v59 =	vld [tilespmem:s11+$0x70]  }
0x106: {  	v38 =	vadd.s32 v32, v38;
	v60 =	vld [tilespmem:s11+$0xF0];
	[tilespmem:v54+s24+$0x0] =	vst.idx.msk $0xffff, v53  }
0x107: {  	v61 =	vadd.s32 v16, v47;
	[tilespmem:v55+s24+$0x0] =	vst.idx.msk $0xffff, v48;
	v41 =	vld [tilespmem:s7+$0xFFFFFFF0]  }
0x108: {  	v37 =	vadd.s32 v8, v37;
	v62 =	vld [tilespmem:s7+$0xFFFFFF70];
	[tilespmem:v56+s24+$0x0] =	vst.idx.msk $0xffff, v57  }
0x109: {  	v63 =	vadd.s32 v24, v49;
	v33 =	vld [tilespmem:s7+$0x70];
	[tilespmem:v58+s24+$0x0] =	vst.idx.msk $0xffff, v44  }
0x10a: {  	v35 =	vadd.s32 v32, v35;
	[tilespmem:v39+s24+$0x0] =	vst.idx.msk $0xffff, v59;
	v36 =	vld [tilespmem:s7+$0xF0]  }
0x10b: {  	[tilespmem:v38+s24+$0x0] =	vst.idx.msk $0xffff, v60  }
0x10c: {  	[tilespmem:v61+s24+$0x0] =	vst.idx.msk $0xffff, v41  }
0x10d: {  	[tilespmem:v37+s24+$0x0] =	vst.idx.msk $0xffff, v62  }
0x10e: {  	[tilespmem:v63+s24+$0x0] =	vst.idx.msk $0xffff, v33  }
0x10f: {  	p0 =	seq.s32 s9, $0x1F;
	[tilespmem:v35+s24+$0x0] =	vst.idx.msk $0xffff, v36  }
0x110: {  	s0 =	smul.u32 @!p0 $0xC8, s10;
	_ =	swait.ge [sflag:s26], $0xC8  }
0x111: {  	[sflag:s26] =	ssyncset.done $0x0  }
0x112: {  	s16 =	simm.s32 $0x320;
	s0 =	sshrl.u32 @!p0 s0, $0x3;
	[sflag:s26] =	ssyncadd.s32 $0xFFFFFF38  }
0x113: {  	[tilespmem:s16], [sflag:$0x5] =	stream.indirect.gather [hbm4b:s2+s13], $0x80, s21, s13, $0xb8;
	[tilespmem:$0x19720] =	vst v63  }
0x114: {  	s18 =	simm.s32 $0x3320;
	s8 =	simm.s32 $0x1F0;
	s0 =	sadd.s32 @!p0 s6, s0  }
0x115: {  	[tilespmem:s18], [sflag:$0x6] =	stream.indirect.gather [hbm4b:s2+s15], $0x80, s8, s15, $0xb8;
	[tilespmem:$0x19720] =	vst v63  }
0x116: {  	s28 =	smul.u32 $0xC80, s10;
	s0 =	sadd.s32 @!p0 $0x64, s0;
	s7 =	simm.s32 @!p0 $0x0  }
0x117: {  	[tilespmem:s7], [sflag:$0x1] =	stream.linear.gather @!p0 [hbm4b:s0+s7], $0xC8, $0x38;
	[tilespmem:$0x19720] =	vst v63  }
0x118: {  	s11 =	simm.s32 $0xCCB8;
	s0 =	sadd.s32 s3, s28  }
0x119: {  	s8 =	simm.s32 $0x32;
	s7 =	simm.s32 $0xCB20;
	s12 =	sadd.s32 $0x0, s0  }
.LBB2_7:
0x11a: {  	[hbm4b:s12+s5] =	stream.linear.scatter [tilespmem:s7], [sflag:$0x9], $0x190, $0x38;
	[tilespmem:$0x19720] =	vst v63  }
0x11b: {  	s12 =	smov.u32 s8;
	s7 =	smov.u32 s11;
	p2 =	sne.s32 s8, $0xC4E  }
.Ltmp2:
0x11c: {  	s8 =	sadd.s32 $0x32, s8;
	(pc) =	sbr.rel @p2 .LBB2_7-.Ltmp2, $2  }
0x11d: {  	_ =	sdelay $0x2  }
0x11e: {  	s11 =	sadd.s32 $0x198, s11;
	s12 =	sadd.s32 s12, s0  }
0x11f: {  	[hbm4b:s12+s5] =	stream.linear.scatter [tilespmem:s7], [sflag:$0x9], $0x190, $0x38;
	[tilespmem:$0x19720] =	vst v63  }
0x120: {  	s0 =	simm.s32 @!p1 $0xA  }
0x121: {  	s8 =	simm.s32 $0x4;
	_ =	swait.ge @!p1 [sflag:s0], $0x6400  }
0x122: {  	v33 =	vmov s8;
	[sflag:s0] =	ssyncset.done @!p1 $0x0  }
0x123: {  	v33 =	vshrl.u32 v33, $0x3;
	[sflag:s0] =	ssyncadd.s32 @!p1 $0xFFFF9C00  }
0x124: {  	v33 =	vshll.u32 v33, v1;
	_ =	swait.ge [sflag:s29], $0x3000  }
0x125: {  	s11 =	simm.s32 $0x6;
	v39 =	vbroadcast v33, $0x0;
	[sflag:s29] =	ssyncset.done $0x0  }
0x126: {  	s7 =	simm.s32 $0x6820;
	s12 =	simm.s32 $0x0;
	v35 =	vmov s11;
	[sflag:s29] =	ssyncadd.s32 $0xFFFFD000  }
0x127: {  	v37 =	vmov s12;
	v35 =	vshrl.u32 v35, $0x3;
	v34 =	vadd.s32 v17, v39;
	v57 =	vld [tilespmem:s7+$0x0]  }
0x128: {  	v61 =	vshrl.u32 v37, $0x3;
	v35 =	vshll.u32 v35, v1  }
0x129: {  	s8 =	simm.s32 $0x2;
	v41 =	vbroadcast v35, $0x0;
	v35 =	vshll.u32 v61, v1  }
0x12a: {  	v36 =	vmov s8;
	v35 =	vbroadcast v35, $0x0  }
0x12b: {  	v36 =	vshrl.u32 v36, $0x3;
	v62 =	vadd.s32 v25, v41;
	v38 =	vld [tilespmem:s7+$0x80]  }
0x12c: {  	v58 =	vshll.u32 v36, v1;
	v43 =	vld [tilespmem:s7+$0xFFFFFF00];
	v44 =	vadd.s32 v0, v35;
	[tilespmem:v34+s30+$0x0] =	vst.idx.msk $0xffff, v57  }
0x12d: {  	v33 =	vbroadcast v58, $0x0;
	v59 =	vadd.s32 v18, v39;
	v60 =	vld [tilespmem:s7+$0x10];
	_ =	sdelay $0x1  }
0x12e: {  	v40 =	vadd.s32 v9, v33;
	v42 =	vld [tilespmem:s7+$0xFFFFFF80]  }
0x12f: {  	[tilespmem:v62+s30+$0x0] =	vst.idx.msk $0xffff, v38  }
0x130: {  	v48 =	vadd.s32 v26, v41;
	[tilespmem:v44+s30+$0x0] =	vst.idx.msk $0xffff, v43;
	v38 =	vld [tilespmem:s7+$0x90]  }
0x131: {  	v50 =	vadd.s32 v2, v35;
	v43 =	vld [tilespmem:s7+$0xFFFFFF10];
	[tilespmem:v59+s30+$0x0] =	vst.idx.msk $0xffff, v60  }
0x132: {  	v63 =	vadd.s32 v19, v39;
	v34 =	vld [tilespmem:s7+$0x20]  }
0x133: {  	[tilespmem:v40+s30+$0x0] =	vst.idx.msk $0xffff, v42  }
0x134: {  	v49 =	vadd.s32 v10, v33;
	v42 =	vld [tilespmem:s7+$0xFFFFFF90]  }
0x135: {  	[tilespmem:v48+s30+$0x0] =	vst.idx.msk $0xffff, v38  }
0x136: {  	v52 =	vadd.s32 v27, v41;
	[tilespmem:v50+s30+$0x0] =	vst.idx.msk $0xffff, v43;
	v37 =	vld [tilespmem:s7+$0xA0]  }
0x137: {  	v54 =	vadd.s32 v3, v35;
	v44 =	vld [tilespmem:s7+$0xFFFFFF20];
	[tilespmem:v63+s30+$0x0] =	vst.idx.msk $0xffff, v34  }
0x138: {  	v51 =	vadd.s32 v20, v39;
	v34 =	vld [tilespmem:s7+$0x30]  }
0x139: {  	[tilespmem:v49+s30+$0x0] =	vst.idx.msk $0xffff, v42  }
0x13a: {  	v53 =	vadd.s32 v11, v33;
	v40 =	vld [tilespmem:s7+$0xFFFFFFA0]  }
0x13b: {  	s14 =	simm.s32 $0xC;
	s16 =	simm.s32 $0xE;
	[tilespmem:v52+s30+$0x0] =	vst.idx.msk $0xffff, v37  }
0x13c: {  	v55 =	vmov s14;
	v45 =	vadd.s32 v21, v39;
	v57 =	vmov s16;
	[tilespmem:v54+s30+$0x0] =	vst.idx.msk $0xffff, v44  }
0x13d: {  	s18 =	simm.s32 $0xA;
	v56 =	vadd.s32 v28, v41;
	v36 =	vshrl.u32 v57, $0x3;
	v38 =	vld [tilespmem:s7+$0xB0];
	[tilespmem:v51+s30+$0x0] =	vst.idx.msk $0xffff, v34;
	v34 =	vshrl.u32 v55, $0x3  }
0x13e: {  	v59 =	vmov s18;
	v60 =	vadd.s32 v4, v35;
	v44 =	vld [tilespmem:s7+$0xFFFFFF30];
	v34 =	vshll.u32 v34, v1  }
0x13f: {  	v48 =	vshll.u32 v36, v1;
	v43 =	vshrl.u32 v59, $0x3;
	[tilespmem:v53+s30+$0x0] =	vst.idx.msk $0xffff, v40;
	v46 =	vld [tilespmem:s7+$0x40];
	v36 =	vbroadcast v34, $0x0  }
0x140: {  	s12 =	simm.s32 $0x6A20;
	v58 =	vadd.s32 v12, v33;
	v43 =	vshll.u32 v43, v1;
	v42 =	vld [tilespmem:s7+$0xFFFFFFB0];
	v34 =	vbroadcast v48, $0x0  }
0x141: {  	v47 =	vld [tilespmem:s12+$0x0];
	v37 =	vbroadcast v43, $0x0;
	v61 =	vadd.s32 v17, v36  }
0x142: {  	v49 =	vld [tilespmem:s12+$0x80];
	[tilespmem:v56+s30+$0x0] =	vst.idx.msk $0xffff, v38;
	v62 =	vadd.s32 v25, v34  }
0x143: {  	v52 =	vadd.s32 v9, v37;
	[tilespmem:v60+s30+$0x0] =	vst.idx.msk $0xffff, v44;
	v56 =	vld [tilespmem:s12+$0xFFFFFF80]  }
0x144: {  	s28 =	simm.s32 $0x8;
	v60 =	vadd.s32 v5, v35;
	v59 =	vld [tilespmem:s7+$0xFFFFFF40];
	[tilespmem:v45+s30+$0x0] =	vst.idx.msk $0xffff, v46  }
0x145: {  	v57 =	vadd.s32 v22, v39;
	[tilespmem:v58+s30+$0x0] =	vst.idx.msk $0xffff, v42;
	v51 =	vmov s28;
	v46 =	vld [tilespmem:s7+$0x50]  }
0x146: {  	v50 =	vadd.s32 v13, v33;
	v63 =	vld [tilespmem:s7+$0xFFFFFFC0];
	v58 =	vshrl.u32 v51, $0x3;
	[tilespmem:v61+s30+$0x0] =	vst.idx.msk $0xffff, v47  }
0x147: {  	v48 =	vshll.u32 v58, v1;
	v61 =	vadd.s32 v18, v36;
	[tilespmem:v62+s30+$0x0] =	vst.idx.msk $0xffff, v49;
	v53 =	vld [tilespmem:s12+$0x10]  }
0x148: {  	v38 =	vbroadcast v48, $0x0;
	[tilespmem:v52+s30+$0x0] =	vst.idx.msk $0xffff, v56;
	v62 =	vadd.s32 v26, v34;
	v49 =	vld [tilespmem:s12+$0x90]  }
0x149: {  	v42 =	vld [tilespmem:s7+$0xC0];
	[tilespmem:v60+s30+$0x0] =	vst.idx.msk $0xffff, v59;
	v59 =	vadd.s32 v29, v41  }
0x14a: {  	v58 =	vadd.s32 v0, v38;
	[tilespmem:v57+s30+$0x0] =	vst.idx.msk $0xffff, v46;
	v57 =	vld [tilespmem:s12+$0xFFFFFF00]  }
0x14b: {  	[tilespmem:v50+s30+$0x0] =	vst.idx.msk $0xffff, v63;
	v63 =	vadd.s32 v23, v39;
	v40 =	vld [tilespmem:s7+$0x60]  }
0x14c: {  	v60 =	vld [tilespmem:s7+$0xFFFFFF50];
	[tilespmem:v61+s30+$0x0] =	vst.idx.msk $0xffff, v53;
	v61 =	vadd.s32 v6, v35  }
0x14d: {  	v44 =	vld [tilespmem:s12+$0xFFFFFF90];
	[tilespmem:v62+s30+$0x0] =	vst.idx.msk $0xffff, v49;
	v62 =	vadd.s32 v10, v37  }
0x14e: {  	v54 =	vadd.s32 v19, v36;
	[tilespmem:v59+s30+$0x0] =	vst.idx.msk $0xffff, v42;
	v53 =	vld [tilespmem:s12+$0x20]  }
0x14f: {  	v56 =	vld [tilespmem:s7+$0xD0];
	[tilespmem:v58+s30+$0x0] =	vst.idx.msk $0xffff, v57;
	v57 =	vadd.s32 v30, v41  }
0x150: {  	v55 =	vadd.s32 v14, v33;
	[tilespmem:v63+s30+$0x0] =	vst.idx.msk $0xffff, v40;
	v63 =	vld [tilespmem:s7+$0xFFFFFFD0]  }
0x151: {  	v59 =	vadd.s32 v2, v38;
	v58 =	vld [tilespmem:s12+$0xFFFFFF10];
	[tilespmem:v61+s30+$0x0] =	vst.idx.msk $0xffff, v60  }
0x152: {  	v39 =	vadd.s32 v24, v39;
	v43 =	vld [tilespmem:s7+$0x70];
	[tilespmem:v62+s30+$0x0] =	vst.idx.msk $0xffff, v44  }
0x153: {  	v45 =	vld [tilespmem:s12+$0xA0];
	[tilespmem:v54+s30+$0x0] =	vst.idx.msk $0xffff, v53  }
0x154: {  	v44 =	vld [tilespmem:s7+$0xFFFFFF60];
	v53 =	vadd.s32 v27, v34;
	[tilespmem:v57+s30+$0x0] =	vst.idx.msk $0xffff, v56  }
0x155: {  	v50 =	vadd.s32 v20, v36;
	v49 =	vld [tilespmem:s12+$0x30];
	[tilespmem:v55+s30+$0x0] =	vst.idx.msk $0xffff, v63  }
0x156: {  	v52 =	vadd.s32 v11, v37;
	v47 =	vadd.s32 v7, v35;
	v51 =	vld [tilespmem:s12+$0xFFFFFFA0];
	[tilespmem:v59+s30+$0x0] =	vst.idx.msk $0xffff, v58  }
0x157: {  	s11 =	sor.u32 $0x1, s10;
	v46 =	vadd.s32 v12, v37;
	v40 =	vadd.s32 v3, v38;
	v48 =	vld [tilespmem:s7+$0xE0];
	[tilespmem:v39+s30+$0x0] =	vst.idx.msk $0xffff, v43  }
0x158: {  	s14 =	simm.s32 $0x6A20;
	s8 =	simm.s32 $0x10;
	s0 =	simm.s32 $0x4;
	v39 =	vadd.s32 v32, v41;
	v42 =	vld [tilespmem:s7+$0xFFFFFFE0];
	v43 =	vadd.s32 v15, v33;
	v41 =	vadd.s32 v31, v41  }
.LBB2_9:
0x159: {  	v54 =	vmov s8;
	s16 =	sadd.s32 $0x2, s8;
	s28 =	sadd.s32 $0x6, s8;
	v55 =	vld [tilespmem:s12+$0xFFFFFF20];
	v56 =	vadd.s32 v21, v36;
	[tilespmem:v53+s30+$0x0] =	vst.idx.msk $0xffff, v45;
	v45 =	vadd.s32 v28, v34;
	s14 =	sadd.s32 $0x200, s14  }
0x15a: {  	s0 =	sadd.s32 $0x4, s0;
	v53 =	vshrl.u32 v54, $0x3;
	v54 =	vmov s16;
	s16 =	sadd.s32 $0x4, s8;
	v57 =	vmov s28;
	[tilespmem:v50+s30+$0x0] =	vst.idx.msk $0xffff, v49;
	v49 =	vld [tilespmem:s12+$0xB0]  }
0x15b: {  	p1 =	slt.u32 s0, $0x5C;
	v50 =	vshrl.u32 v54, $0x3;
	v54 =	vmov s16;
	v58 =	vld [tilespmem:s14+$0x0];
	v57 =	vshrl.u32 v57, $0x3;
	[tilespmem:v52+s30+$0x0] =	vst.idx.msk $0xffff, v51  }
0x15c: {  	v50 =	vshll.u32 v50, v1;
	v51 =	vshrl.u32 v54, $0x3;
	v52 =	vshll.u32 v57, v1;
	v54 =	vld [tilespmem:s12+$0x40];
	[tilespmem:v47+s30+$0x0] =	vst.idx.msk $0xffff, v44  }
0x15d: {  	v44 =	vbroadcast v50, $0x0;
	v47 =	vshll.u32 v51, v1;
	v57 =	vbroadcast v52, $0x0;
	v50 =	vld [tilespmem:s12+$0xFFFFFFB0];
	[tilespmem:v41+s30+$0x0] =	vst.idx.msk $0xffff, v48  }
0x15e: {  	v41 =	vshll.u32 v53, v1;
	v51 =	vadd.s32 v8, v35;
	v47 =	vbroadcast v47, $0x0;
	[tilespmem:v40+s30+$0x0] =	vst.idx.msk $0xffff, v55;
	v48 =	vld [tilespmem:s7+$0xFFFFFF70]  }
0x15f: {  	v41 =	vbroadcast v41, $0x0;
	v55 =	vadd.s32 v4, v38;
	v52 =	vadd.s32 v9, v44;
	v53 =	vld [tilespmem:s12+$0xFFFFFF30];
	[tilespmem:v43+s30+$0x0] =	vst.idx.msk $0xffff, v42  }
0x160: {  	v42 =	vadd.s32 v17, v47;
	[tilespmem:v45+s30+$0x0] =	vst.idx.msk $0xffff, v49;
	v43 =	vld [tilespmem:s7+$0xFFFFFFF0];
	v45 =	vadd.s32 v16, v33;
	v33 =	vmov v37  }
0x161: {  	v40 =	vadd.s32 v3, v41;
	v49 =	vadd.s32 v25, v57;
	v37 =	vmov v44;
	[tilespmem:v56+s30+$0x0] =	vst.idx.msk $0xffff, v54;
	v54 =	vld [tilespmem:s7+$0xF0];
	s7 =	smov.u32 s12;
	s12 =	smov.u32 s14  }
0x162: {  	v35 =	vmov v38;
	v38 =	vmov v41;
	[tilespmem:v46+s30+$0x0] =	vst.idx.msk $0xffff, v50;
	v44 =	vld [tilespmem:s7+$0x50]  }
0x163: {  	v41 =	vld [tilespmem:s14+$0x80];
	[tilespmem:v51+s30+$0x0] =	vst.idx.msk $0xffff, v48  }
0x164: {  	v46 =	vadd.s32 v22, v36;
	[tilespmem:v55+s30+$0x0] =	vst.idx.msk $0xffff, v53;
	v48 =	vld [tilespmem:s7+$0xC0]  }
0x165: {  	v50 =	vadd.s32 v10, v37;
	v53 =	vadd.s32 v13, v33;
	v51 =	vld [tilespmem:s7+$0xFFFFFFC0];
	[tilespmem:v45+s30+$0x0] =	vst.idx.msk $0xffff, v43  }
0x166: {  	v45 =	vadd.s32 v18, v47;
	v43 =	vld [tilespmem:s14+$0xFFFFFF80];
	[tilespmem:v39+s30+$0x0] =	vst.idx.msk $0xffff, v54  }
0x167: {  	[tilespmem:v42+s30+$0x0] =	vst.idx.msk $0xffff, v58;
	v39 =	vld [tilespmem:s7+$0xFFFFFF40];
	v42 =	vadd.s32 v5, v35  }
0x168: {  	v54 =	vld [tilespmem:s14+$0x10];
	[tilespmem:v49+s30+$0x0] =	vst.idx.msk $0xffff, v41;
	v41 =	vadd.s32 v26, v57  }
0x169: {  	v49 =	vld [tilespmem:s14+$0x90];
	[tilespmem:v46+s30+$0x0] =	vst.idx.msk $0xffff, v44  }
0x16a: {  	v46 =	vadd.s32 v23, v36;
	[tilespmem:v53+s30+$0x0] =	vst.idx.msk $0xffff, v51;
	v44 =	vld [tilespmem:s7+$0x60]  }
0x16b: {  	v53 =	vadd.s32 v0, v38;
	v51 =	vld [tilespmem:s14+$0xFFFFFF00];
	[tilespmem:v52+s30+$0x0] =	vst.idx.msk $0xffff, v43  }
0x16c: {  	v43 =	vld [tilespmem:s14+$0xFFFFFF90];
	[tilespmem:v42+s30+$0x0] =	vst.idx.msk $0xffff, v39;
	v39 =	vadd.s32 v29, v34  }
0x16d: {  	v52 =	vadd.s32 v6, v35;
	[tilespmem:v45+s30+$0x0] =	vst.idx.msk $0xffff, v54;
	v42 =	vld [tilespmem:s7+$0xFFFFFF50]  }
0x16e: {  	v55 =	vadd.s32 v19, v47;
	v54 =	vld [tilespmem:s14+$0x20];
	[tilespmem:v41+s30+$0x0] =	vst.idx.msk $0xffff, v49  }
0x16f: {  	v45 =	vld [tilespmem:s14+$0xA0];
	[tilespmem:v46+s30+$0x0] =	vst.idx.msk $0xffff, v44  }
0x170: {  	v46 =	vadd.s32 v24, v36;
	v36 =	vmov v47;
	[tilespmem:v53+s30+$0x0] =	vst.idx.msk $0xffff, v51;
	v41 =	vld [tilespmem:s7+$0x70]  }
0x171: {  	v56 =	vadd.s32 v14, v33;
	v47 =	vld [tilespmem:s7+$0xFFFFFFD0];
	[tilespmem:v39+s30+$0x0] =	vst.idx.msk $0xffff, v48  }
0x172: {  	v58 =	vadd.s32 v30, v34;
	[tilespmem:v52+s30+$0x0] =	vst.idx.msk $0xffff, v42;
	v48 =	vld [tilespmem:s7+$0xD0]  }
0x173: {  	v60 =	vadd.s32 v2, v38;
	v59 =	vld [tilespmem:s14+$0xFFFFFF10];
	[tilespmem:v55+s30+$0x0] =	vst.idx.msk $0xffff, v54  }
.Ltmp3:
0x174: {  	v53 =	vadd.s32 v27, v57;
	[tilespmem:v50+s30+$0x0] =	vst.idx.msk $0xffff, v43;
	v44 =	vld [tilespmem:s7+$0xFFFFFF60];
	(pc) =	sbr.rel @p1 .LBB2_9-.Ltmp3, $4  }
0x175: {  	v50 =	vadd.s32 v20, v36;
	v49 =	vld [tilespmem:s14+$0x30];
	[tilespmem:v46+s30+$0x0] =	vst.idx.msk $0xffff, v41  }
0x176: {  	v39 =	vadd.s32 v32, v34;
	v52 =	vadd.s32 v11, v37;
	v51 =	vld [tilespmem:s14+$0xFFFFFFA0];
	[tilespmem:v56+s30+$0x0] =	vst.idx.msk $0xffff, v47  }
0x177: {  	v43 =	vadd.s32 v15, v33;
	v47 =	vadd.s32 v7, v35;
	v42 =	vld [tilespmem:s7+$0xFFFFFFE0];
	[tilespmem:v58+s30+$0x0] =	vst.idx.msk $0xffff, v48  }
0x178: {  	s8 =	sadd.s32 $0x8, s8;
	v46 =	vadd.s32 v12, v37;
	v41 =	vadd.s32 v31, v34;
	v34 =	vmov v57;
	[tilespmem:v60+s30+$0x0] =	vst.idx.msk $0xffff, v59;
	v48 =	vld [tilespmem:s7+$0xE0]  }
0x179: {  	_ = 	snop  }
0x17a: {  	v54 =	vld [tilespmem:s12+$0xFFFFFF20];
	_ =	sdelay $0x2  }
0x17b: {  	[tilespmem:v52+s30+$0x0] =	vst.idx.msk $0xffff, v51  }
0x17c: {  	[tilespmem:v53+s30+$0x0] =	vst.idx.msk $0xffff, v45;
	v63 =	vld [tilespmem:s12+$0xFFFFFFB0]  }
0x17d: {  	v56 =	vadd.s32 v28, v34;
	v53 =	vld [tilespmem:s12+$0xB0];
	[tilespmem:v40+s30+$0x0] =	vst.idx.msk $0xffff, v54  }
0x17e: {  	v62 =	vadd.s32 v4, v38;
	v40 =	vld [tilespmem:s12+$0xFFFFFF30];
	_ =	sdelay $0x1  }
0x17f: {  	[tilespmem:v50+s30+$0x0] =	vst.idx.msk $0xffff, v49  }
0x180: {  	v57 =	vadd.s32 v21, v36;
	v50 =	vld [tilespmem:s12+$0x40];
	[tilespmem:v46+s30+$0x0] =	vst.idx.msk $0xffff, v63  }
0x181: {  	v59 =	vadd.s32 v13, v37;
	[tilespmem:v56+s30+$0x0] =	vst.idx.msk $0xffff, v53;
	v46 =	vld [tilespmem:s12+$0xFFFFFFC0]  }
0x182: {  	v60 =	vadd.s32 v29, v34;
	v52 =	vld [tilespmem:s12+$0xC0];
	[tilespmem:v62+s30+$0x0] =	vst.idx.msk $0xffff, v40  }
0x183: {  	v58 =	vadd.s32 v5, v38;
	v40 =	vld [tilespmem:s12+$0xFFFFFF40];
	_ =	sdelay $0x1  }
0x184: {  	[tilespmem:v57+s30+$0x0] =	vst.idx.msk $0xffff, v50  }
0x185: {  	v61 =	vadd.s32 v22, v36;
	v49 =	vld [tilespmem:s12+$0x50];
	[tilespmem:v59+s30+$0x0] =	vst.idx.msk $0xffff, v46  }
0x186: {  	v63 =	vadd.s32 v14, v37;
	[tilespmem:v60+s30+$0x0] =	vst.idx.msk $0xffff, v52;
	v46 =	vld [tilespmem:s12+$0xFFFFFFD0]  }
0x187: {  	v55 =	vadd.s32 v30, v34;
	v54 =	vld [tilespmem:s12+$0xD0];
	[tilespmem:v58+s30+$0x0] =	vst.idx.msk $0xffff, v40  }
0x188: {  	[tilespmem:v47+s30+$0x0] =	vst.idx.msk $0xffff, v44;
	v62 =	vadd.s32 v6, v38;
	v40 =	vld [tilespmem:s12+$0xFFFFFF50]  }
0x189: {  	[tilespmem:v43+s30+$0x0] =	vst.idx.msk $0xffff, v42  }
0x18a: {  	v35 =	vadd.s32 v8, v35;
	v56 =	vld [tilespmem:s7+$0xFFFFFF70];
	[tilespmem:v61+s30+$0x0] =	vst.idx.msk $0xffff, v49  }
0x18b: {  	v57 =	vld [tilespmem:s12+$0x60];
	v58 =	vadd.s32 v23, v36;
	[tilespmem:v63+s30+$0x0] =	vst.idx.msk $0xffff, v46  }
0x18c: {  	v60 =	vadd.s32 v15, v37;
	[tilespmem:v55+s30+$0x0] =	vst.idx.msk $0xffff, v54;
	v46 =	vld [tilespmem:s12+$0xFFFFFFE0]  }
0x18d: {  	v61 =	vld [tilespmem:s12+$0xE0];
	[tilespmem:v62+s30+$0x0] =	vst.idx.msk $0xffff, v40;
	v62 =	vadd.s32 v31, v34  }
0x18e: {  	[tilespmem:v41+s30+$0x0] =	vst.idx.msk $0xffff, v48;
	v59 =	vadd.s32 v7, v38;
	v40 =	vld [tilespmem:s12+$0xFFFFFF60]  }
0x18f: {  	v51 =	vld [tilespmem:s7+$0xF0];
	[tilespmem:v35+s30+$0x0] =	vst.idx.msk $0xffff, v56  }
0x190: {  	v33 =	vadd.s32 v16, v33;
	v63 =	vld [tilespmem:s7+$0xFFFFFFF0];
	[tilespmem:v58+s30+$0x0] =	vst.idx.msk $0xffff, v57  }
0x191: {  	v53 =	vadd.s32 v24, v36;
	v52 =	vld [tilespmem:s12+$0x70];
	[tilespmem:v60+s30+$0x0] =	vst.idx.msk $0xffff, v46  }
0x192: {  	v56 =	vadd.s32 v16, v37;
	v55 =	vld [tilespmem:s12+$0xFFFFFFF0];
	[tilespmem:v62+s30+$0x0] =	vst.idx.msk $0xffff, v61  }
0x193: {  	v57 =	vadd.s32 v32, v34;
	[tilespmem:v59+s30+$0x0] =	vst.idx.msk $0xffff, v40;
	v58 =	vld [tilespmem:s12+$0xF0]  }
0x194: {  	[tilespmem:v39+s30+$0x0] =	vst.idx.msk $0xffff, v51;
	v54 =	vadd.s32 v8, v38;
	v40 =	vld [tilespmem:s12+$0xFFFFFF70]  }
0x195: {  	[tilespmem:v33+s30+$0x0] =	vst.idx.msk $0xffff, v63  }
0x196: {  	[tilespmem:v53+s30+$0x0] =	vst.idx.msk $0xffff, v52  }
0x197: {  	s0 =	simm.s32 $0xC0;
	[tilespmem:v56+s30+$0x0] =	vst.idx.msk $0xffff, v55  }
0x198: {  	s16 =	simm.s32 $0xC2;
	v59 =	vmov s0;
	[tilespmem:v57+s30+$0x0] =	vst.idx.msk $0xffff, v58  }
0x199: {  	v61 =	vmov s16;
	v60 =	vshrl.u32 v59, $0x3;
	[tilespmem:v54+s30+$0x0] =	vst.idx.msk $0xffff, v40  }
0x19a: {  	v34 =	vshrl.u32 v61, $0x3;
	v33 =	vshll.u32 v60, v1;
	_ =	swait.ge [sflag:s31], $0x3400  }
0x19b: {  	s18 =	simm.s32 $0xC4;
	v34 =	vshll.u32 v34, v1;
	v33 =	vbroadcast v33, $0x0;
	[sflag:s31] =	ssyncset.done $0x0  }
0x19c: {  	s8 =	simm.s32 $0xC6;
	s7 =	simm.s32 $0x9820;
	v62 =	vmov s18;
	v34 =	vbroadcast v34, $0x0;
	[sflag:s31] =	ssyncadd.s32 $0xFFFFCC00  }
0x19d: {  	v47 =	vmov s8;
	v35 =	vshrl.u32 v62, $0x3;
	v63 =	vadd.s32 v0, v33;
	v44 =	vld [tilespmem:s7+$0xFFFFFF00]  }
0x19e: {  	v48 =	vshrl.u32 v47, $0x3;
	v35 =	vshll.u32 v35, v1;
	v45 =	vadd.s32 v9, v34;
	v46 =	vld [tilespmem:s7+$0xFFFFFF80]  }
0x19f: {  	v41 =	vbroadcast v35, $0x0;
	v35 =	vshll.u32 v48, v1  }
0x1a0: {  	v42 =	vbroadcast v35, $0x0  }
0x1a1: {  	v49 =	vadd.s32 v17, v41;
	v50 =	vld [tilespmem:s7+$0x0]  }
0x1a2: {  	v54 =	vadd.s32 v25, v42;
	v53 =	vld [tilespmem:s7+$0x80];
	[tilespmem:v63+s30+$0x0] =	vst.idx.msk $0xffff, v44  }
0x1a3: {  	v51 =	vadd.s32 v2, v33;
	[tilespmem:v45+s30+$0x0] =	vst.idx.msk $0xffff, v46;
	v37 =	vld [tilespmem:s7+$0xFFFFFF10]  }
0x1a4: {  	v52 =	vadd.s32 v10, v34;
	v39 =	vld [tilespmem:s7+$0xFFFFFF90];
	_ =	sdelay $0x1  }
0x1a5: {  	[tilespmem:v49+s30+$0x0] =	vst.idx.msk $0xffff, v50  }
0x1a6: {  	v55 =	vadd.s32 v18, v41;
	[tilespmem:v54+s30+$0x0] =	vst.idx.msk $0xffff, v53;
	v36 =	vld [tilespmem:s7+$0x10]  }
0x1a7: {  	s12 =	simm.s32 $0xC8;
	v58 =	vadd.s32 v26, v42;
	v44 =	vld [tilespmem:s7+$0x90];
	[tilespmem:v51+s30+$0x0] =	vst.idx.msk $0xffff, v37  }
0x1a8: {  	v59 =	vmov s12;
	v56 =	vadd.s32 v3, v33;
	[tilespmem:v52+s30+$0x0] =	vst.idx.msk $0xffff, v39;
	v35 =	vld [tilespmem:s7+$0xFFFFFF20]  }
0x1a9: {  	v57 =	vadd.s32 v11, v34;
	v45 =	vadd.s32 v4, v33;
	v33 =	vshrl.u32 v59, $0x3;
	v38 =	vld [tilespmem:s7+$0xFFFFFFA0]  }
0x1aa: {  	s14 =	simm.s32 $0xCA;
	v33 =	vshll.u32 v33, v1  }
0x1ab: {  	s8 =	simm.s32 $0xCE;
	v61 =	vmov s14;
	s12 =	simm.s32 $0x9A20;
	v43 =	vbroadcast v33, $0x0;
	[tilespmem:v55+s30+$0x0] =	vst.idx.msk $0xffff, v36  }
0x1ac: {  	v60 =	vmov s8;
	v34 =	vadd.s32 v12, v34;
	v40 =	vadd.s32 v27, v42;
	[tilespmem:v58+s30+$0x0] =	vst.idx.msk $0xffff, v44;
	v44 =	vld [tilespmem:s12+$0x80]  }
0x1ad: {  	s14 =	simm.s32 $0xC1;
	v46 =	vadd.s32 v19, v41;
	v49 =	vadd.s32 v0, v43;
	v36 =	vshrl.u32 v60, $0x3;
	v63 =	vld [tilespmem:s7+$0xA0];
	[tilespmem:v56+s30+$0x0] =	vst.idx.msk $0xffff, v35  }
0x1ae: {  	s16 =	simm.s32 $0xCC;
	v58 =	vmov s14;
	v36 =	vshll.u32 v36, v1;
	[tilespmem:v57+s30+$0x0] =	vst.idx.msk $0xffff, v38;
	v35 =	vshrl.u32 v61, $0x3;
	v62 =	vld [tilespmem:s7+$0xFFFFFF30]  }
0x1af: {  	s18 =	simm.s32 $0xC3;
	v33 =	vbroadcast v36, $0x0;
	v56 =	vmov s16;
	v38 =	vld [tilespmem:s7+$0xFFFFFFB0];
	v35 =	vshll.u32 v35, v1  }
0x1b0: {  	v51 =	vld [tilespmem:s12+$0xFFFFFF00];
	v57 =	vmov s18;
	v37 =	vbroadcast v35, $0x0;
	v35 =	vshrl.u32 v56, $0x3  }
0x1b1: {  	v47 =	vld [tilespmem:s7+$0x20];
	v59 =	vshrl.u32 v58, $0x3;
	v36 =	vshrl.u32 v57, $0x3;
	v35 =	vshll.u32 v35, v1  }
0x1b2: {  	v50 =	vadd.s32 v25, v33;
	[tilespmem:v40+s30+$0x0] =	vst.idx.msk $0xffff, v63;
	v63 =	vld [tilespmem:s12+$0x0];
	v36 =	vshll.u32 v36, v1;
	v35 =	vbroadcast v35, $0x0  }
0x1b3: {  	v56 =	vshll.u32 v59, v1;
	v36 =	vbroadcast v36, $0x0;
	v60 =	vadd.s32 v9, v37;
	[tilespmem:v45+s30+$0x0] =	vst.idx.msk $0xffff, v62;
	v45 =	vld [tilespmem:s12+$0xFFFFFF80]  }
0x1b4: {  	v59 =	vld [tilespmem:s7+$0xB0];
	[tilespmem:v34+s30+$0x0] =	vst.idx.msk $0xffff, v38;
	v34 =	vbroadcast v56, $0x0;
	v62 =	vadd.s32 v17, v35  }
0x1b5: {  	[tilespmem:v49+s30+$0x0] =	vst.idx.msk $0xffff, v51;
	v61 =	vadd.s32 v13, v36;
	v57 =	vld [tilespmem:s7+$0xFFFFFFC0]  }
0x1b6: {  	[tilespmem:v46+s30+$0x0] =	vst.idx.msk $0xffff, v47;
	v38 =	vld [tilespmem:s7+$0xFFFFFF40];
	v58 =	vadd.s32 v5, v34  }
0x1b7: {  	v42 =	vadd.s32 v28, v42;
	[tilespmem:v50+s30+$0x0] =	vst.idx.msk $0xffff, v44;
	v44 =	vld [tilespmem:s12+$0xFFFFFF10]  }
0x1b8: {  	v41 =	vadd.s32 v20, v41;
	s16 =	simm.s32 $0xC5;
	[tilespmem:v60+s30+$0x0] =	vst.idx.msk $0xffff, v45;
	v45 =	vld [tilespmem:s7+$0x30]  }
0x1b9: {  	s18 =	simm.s32 $0xC7;
	v55 =	vmov s16;
	v54 =	vld [tilespmem:s12+$0x90];
	v60 =	vadd.s32 v2, v43;
	[tilespmem:v62+s30+$0x0] =	vst.idx.msk $0xffff, v63  }
0x1ba: {  	v56 =	vadd.s32 v10, v37;
	v62 =	vmov s18;
	[tilespmem:v61+s30+$0x0] =	vst.idx.msk $0xffff, v57;
	v57 =	vld [tilespmem:s12+$0xFFFFFF90];
	v61 =	vshrl.u32 v55, $0x3  }
0x1bb: {  	v63 =	vadd.s32 v14, v36;
	v40 =	vshrl.u32 v62, $0x3;
	[tilespmem:v58+s30+$0x0] =	vst.idx.msk $0xffff, v38;
	v46 =	vld [tilespmem:s7+$0xFFFFFFD0];
	v58 =	vshll.u32 v61, v1  }
0x1bc: {  	[tilespmem:v42+s30+$0x0] =	vst.idx.msk $0xffff, v59;
	v42 =	vadd.s32 v18, v35;
	v59 =	vshll.u32 v40, v1;
	v40 =	vld [tilespmem:s12+$0x10];
	v39 =	vbroadcast v58, $0x0  }
0x1bd: {  	v53 =	vadd.s32 v6, v34;
	v52 =	vld [tilespmem:s7+$0xFFFFFF50];
	v38 =	vbroadcast v59, $0x0;
	[tilespmem:v41+s30+$0x0] =	vst.idx.msk $0xffff, v45  }
0x1be: {  	[tilespmem:v60+s30+$0x0] =	vst.idx.msk $0xffff, v44;
	v60 =	vadd.s32 v21, v39;
	v41 =	vld [tilespmem:s7+$0x40]  }
0x1bf: {  	v61 =	vld [tilespmem:s7+$0xC0];
	v62 =	vadd.s32 v29, v38;
	[tilespmem:v56+s30+$0x0] =	vst.idx.msk $0xffff, v57  }
0x1c0: {  	v55 =	vld [tilespmem:s12+$0xFFFFFF20];
	v56 =	vadd.s32 v3, v43;
	[tilespmem:v63+s30+$0x0] =	vst.idx.msk $0xffff, v46  }
0x1c1: {  	v58 =	vadd.s32 v26, v33;
	v63 =	vld [tilespmem:s12+$0xFFFFFFA0];
	[tilespmem:v42+s30+$0x0] =	vst.idx.msk $0xffff, v40  }
0x1c2: {  	v57 =	vadd.s32 v11, v37;
	[tilespmem:v53+s30+$0x0] =	vst.idx.msk $0xffff, v52;
	v50 =	vld [tilespmem:s7+$0xFFFFFFE0]  }
0x1c3: {  	v47 =	vld [tilespmem:s12+$0x20];
	v52 =	vadd.s32 v15, v36;
	[tilespmem:v60+s30+$0x0] =	vst.idx.msk $0xffff, v41  }
0x1c4: {  	v51 =	vadd.s32 v22, v39;
	[tilespmem:v62+s30+$0x0] =	vst.idx.msk $0xffff, v61;
	v49 =	vld [tilespmem:s7+$0x50]  }
0x1c5: {  	v45 =	vadd.s32 v30, v38;
	v40 =	vadd.s32 v7, v34;
	[tilespmem:v56+s30+$0x0] =	vst.idx.msk $0xffff, v55;
	v44 =	vld [tilespmem:s7+$0xD0]  }
0x1c6: {  	s28 =	simm.s32 $0x4;
	v42 =	vadd.s32 v4, v43;
	v43 =	vadd.s32 v23, v39;
	[tilespmem:v58+s30+$0x0] =	vst.idx.msk $0xffff, v54;
	v48 =	vld [tilespmem:s12+$0xFFFFFF30]  }
0x1c7: {  	s0 =	simm.s32 $0xD7;
	s8 =	simm.s32 $0xCF;
	s14 =	simm.s32 $0x9A20;
	v53 =	vadd.s32 v19, v35;
	v46 =	vld [tilespmem:s7+$0xFFFFFF60];
	v41 =	vadd.s32 v31, v38;
	[tilespmem:v57+s30+$0x0] =	vst.idx.msk $0xffff, v63  }
.LBB2_11:
0x1c8: {  	s16 =	sadd.s32 $0xFFFFFFF9, s0;
	s18 =	sadd.s32 $0xFFFFFFFF, s0;
	v54 =	vadd.s32 v12, v37;
	v55 =	vld [tilespmem:s12+$0xA0];
	s14 =	sadd.s32 $0x200, s14;
	[tilespmem:v52+s30+$0x0] =	vst.idx.msk $0xffff, v50;
	v50 =	vadd.s32 v16, v36  }
0x1c9: {  	s28 =	sadd.s32 $0x4, s28;
	v56 =	vadd.s32 v27, v33;
	v36 =	vmov s16;
	s16 =	sadd.s32 $0xFFFFFFFB, s0;
	v37 =	vmov s18;
	v52 =	vld [tilespmem:s12+$0xFFFFFFB0];
	[tilespmem:v51+s30+$0x0] =	vst.idx.msk $0xffff, v49  }
0x1ca: {  	p1 =	slt.u32 s28, $0x64;
	v36 =	vshrl.u32 v36, $0x3;
	v49 =	vmov s16;
	s16 =	sadd.s32 $0xFFFFFFFD, s0;
	v51 =	vld [tilespmem:s14+$0x80];
	v37 =	vshrl.u32 v37, $0x3;
	[tilespmem:v45+s30+$0x0] =	vst.idx.msk $0xffff, v44  }
0x1cb: {  	v36 =	vshll.u32 v36, v1;
	v44 =	vshrl.u32 v49, $0x3;
	v37 =	vshll.u32 v37, v1;
	[tilespmem:v42+s30+$0x0] =	vst.idx.msk $0xffff, v48;
	v45 =	vld [tilespmem:s7+$0x60]  }
0x1cc: {  	v42 =	vbroadcast v36, $0x0;
	v36 =	vshll.u32 v44, v1;
	v44 =	vbroadcast v37, $0x0;
	[tilespmem:v53+s30+$0x0] =	vst.idx.msk $0xffff, v47;
	v47 =	vld [tilespmem:s7+$0xE0]  }
0x1cd: {  	v34 =	vadd.s32 v8, v34;
	v37 =	vbroadcast v36, $0x0;
	v36 =	vmov s16;
	[tilespmem:v40+s30+$0x0] =	vst.idx.msk $0xffff, v46;
	v40 =	vld [tilespmem:s7+$0xFFFFFFF0]  }
0x1ce: {  	s16 =	sadd.s32 $0xFFFFFFFC, s8;
	v46 =	vadd.s32 v0, v42;
	v36 =	vshrl.u32 v36, $0x3;
	v48 =	vadd.s32 v25, v44;
	[tilespmem:v56+s30+$0x0] =	vst.idx.msk $0xffff, v55;
	v49 =	vld [tilespmem:s7+$0xFFFFFF70]  }
0x1cf: {  	v53 =	vld [tilespmem:s14+$0xFFFFFF00];
	v55 =	vadd.s32 v9, v37;
	v36 =	vshll.u32 v36, v1;
	[tilespmem:v54+s30+$0x0] =	vst.idx.msk $0xffff, v52;
	v52 =	vmov s16  }
0x1d0: {  	s16 =	sadd.s32 $0xFFFFFFFA, s8;
	v54 =	vld [tilespmem:s14+$0xFFFFFF80];
	v56 =	vbroadcast v36, $0x0;
	v36 =	vshrl.u32 v52, $0x3;
	[tilespmem:v43+s30+$0x0] =	vst.idx.msk $0xffff, v45  }
0x1d1: {  	v39 =	vadd.s32 v24, v39;
	v43 =	vmov s16;
	v36 =	vshll.u32 v36, v1;
	v45 =	vld [tilespmem:s7+$0x70];
	[tilespmem:v41+s30+$0x0] =	vst.idx.msk $0xffff, v47  }
0x1d2: {  	v43 =	vshrl.u32 v43, $0x3;
	v41 =	vadd.s32 v17, v56;
	v36 =	vbroadcast v36, $0x0;
	[tilespmem:v50+s30+$0x0] =	vst.idx.msk $0xffff, v40;
	v47 =	vld [tilespmem:s7+$0xF0];
	s7 =	smov.u32 s12;
	s12 =	smov.u32 s14  }
0x1d3: {  	v38 =	vadd.s32 v32, v38;
	v40 =	vshll.u32 v43, v1;
	v50 =	vld [tilespmem:s7+$0xFFFFFF40];
	[tilespmem:v34+s30+$0x0] =	vst.idx.msk $0xffff, v49  }
0x1d4: {  	v34 =	vbroadcast v40, $0x0;
	[tilespmem:v48+s30+$0x0] =	vst.idx.msk $0xffff, v51;
	v43 =	vld [tilespmem:s7+$0xFFFFFFC0];
	v48 =	vadd.s32 v13, v36  }
0x1d5: {  	v49 =	vadd.s32 v10, v37;
	[tilespmem:v46+s30+$0x0] =	vst.idx.msk $0xffff, v53;
	v46 =	vadd.s32 v2, v42;
	v51 =	vld [tilespmem:s14+$0x0]  }
0x1d6: {  	v52 =	vadd.s32 v5, v34;
	v40 =	vadd.s32 v7, v34;
	v53 =	vld [tilespmem:s7+$0xB0];
	[tilespmem:v39+s30+$0x0] =	vst.idx.msk $0xffff, v45  }
0x1d7: {  	v45 =	vld [tilespmem:s14+$0xFFFFFF10];
	[tilespmem:v55+s30+$0x0] =	vst.idx.msk $0xffff, v54;
	v54 =	vadd.s32 v28, v33;
	v33 =	vmov v44  }
0x1d8: {  	v57 =	vadd.s32 v20, v35;
	s16 =	sadd.s32 $0xFFFFFFFE, s8;
	v35 =	vmov v56;
	v55 =	vadd.s32 v26, v33;
	v44 =	vld [tilespmem:s7+$0x30];
	[tilespmem:v38+s30+$0x0] =	vst.idx.msk $0xffff, v47  }
0x1d9: {  	v38 =	vmov s16;
	v56 =	vld [tilespmem:s14+$0x90];
	[tilespmem:v48+s30+$0x0] =	vst.idx.msk $0xffff, v43  }
0x1da: {  	v39 =	vmov s8;
	s8 =	smov.u32 s0;
	v38 =	vshrl.u32 v38, $0x3;
	v43 =	vld [tilespmem:s14+$0xFFFFFF90];
	[tilespmem:v41+s30+$0x0] =	vst.idx.msk $0xffff, v51  }
0x1db: {  	v47 =	vadd.s32 v14, v36;
	v48 =	vshrl.u32 v39, $0x3;
	v38 =	vshll.u32 v38, v1;
	[tilespmem:v52+s30+$0x0] =	vst.idx.msk $0xffff, v50;
	v41 =	vld [tilespmem:s7+$0xFFFFFFD0]  }
0x1dc: {  	v51 =	vadd.s32 v6, v34;
	v39 =	vbroadcast v38, $0x0;
	v38 =	vshll.u32 v48, v1;
	v50 =	vld [tilespmem:s7+$0xFFFFFF50];
	[tilespmem:v54+s30+$0x0] =	vst.idx.msk $0xffff, v53  }
0x1dd: {  	v52 =	vadd.s32 v18, v35;
	v38 =	vbroadcast v38, $0x0;
	v48 =	vld [tilespmem:s14+$0x10];
	[tilespmem:v57+s30+$0x0] =	vst.idx.msk $0xffff, v44  }
0x1de: {  	[tilespmem:v46+s30+$0x0] =	vst.idx.msk $0xffff, v45;
	v44 =	vld [tilespmem:s7+$0x40];
	v45 =	vadd.s32 v21, v39  }
0x1df: {  	v46 =	vadd.s32 v29, v38;
	[tilespmem:v49+s30+$0x0] =	vst.idx.msk $0xffff, v43;
	v43 =	vld [tilespmem:s7+$0xC0]  }
0x1e0: {  	v54 =	vadd.s32 v3, v42;
	v53 =	vld [tilespmem:s14+$0xFFFFFF20];
	[tilespmem:v47+s30+$0x0] =	vst.idx.msk $0xffff, v41  }
0x1e1: {  	v57 =	vadd.s32 v11, v37;
	v41 =	vld [tilespmem:s14+$0xFFFFFFA0];
	[tilespmem:v51+s30+$0x0] =	vst.idx.msk $0xffff, v50  }
0x1e2: {  	[tilespmem:v52+s30+$0x0] =	vst.idx.msk $0xffff, v48;
	v50 =	vld [tilespmem:s7+$0xFFFFFFE0]  }
.Ltmp4:
0x1e3: {  	v52 =	vadd.s32 v15, v36;
	v47 =	vld [tilespmem:s14+$0x20];
	[tilespmem:v45+s30+$0x0] =	vst.idx.msk $0xffff, v44;
	(pc) =	sbr.rel @p1 .LBB2_11-.Ltmp4, $4  }
0x1e4: {  	v51 =	vadd.s32 v22, v39;
	v49 =	vld [tilespmem:s7+$0x50];
	[tilespmem:v46+s30+$0x0] =	vst.idx.msk $0xffff, v43  }
0x1e5: {  	v45 =	vadd.s32 v30, v38;
	[tilespmem:v54+s30+$0x0] =	vst.idx.msk $0xffff, v53;
	v44 =	vld [tilespmem:s7+$0xD0]  }
0x1e6: {  	v42 =	vadd.s32 v4, v42;
	v48 =	vld [tilespmem:s14+$0xFFFFFF30];
	[tilespmem:v57+s30+$0x0] =	vst.idx.msk $0xffff, v41;
	v41 =	vadd.s32 v31, v38  }
0x1e7: {  	s0 =	sadd.s32 $0x8, s0;
	v43 =	vadd.s32 v23, v39;
	v53 =	vadd.s32 v19, v35;
	[tilespmem:v55+s30+$0x0] =	vst.idx.msk $0xffff, v56;
	v46 =	vld [tilespmem:s7+$0xFFFFFF60]  }
0x1e8: {  	v54 =	vld [tilespmem:s12+$0xA0];
	v55 =	vadd.s32 v27, v33;
	_ =	sdelay $0x2  }
0x1e9: {  	s0 =	sadd.s32 $0xFFFFFFFC, s8;
	v37 =	vadd.s32 v12, v37;
	v56 =	vld [tilespmem:s12+$0xFFFFFFB0]  }
0x1ea: {  	s28 =	sadd.s32 $0xFFFFFFFA, s8;
	[tilespmem:v53+s30+$0x0] =	vst.idx.msk $0xffff, v47;
	v35 =	vadd.s32 v20, v35;
	v33 =	vadd.s32 v28, v33;
	v57 =	vmov s0  }
0x1eb: {  	s14 =	sadd.s32 $0xFFFFFFFE, s8;
	v62 =	vmov s8;
	v58 =	vmov s28;
	v57 =	vshrl.u32 v57, $0x3;
	[tilespmem:v55+s30+$0x0] =	vst.idx.msk $0xffff, v54;
	v54 =	vld [tilespmem:s12+$0x30]  }
0x1ec: {  	[tilespmem:v52+s30+$0x0] =	vst.idx.msk $0xffff, v50;
	v59 =	vmov s14;
	v53 =	vshrl.u32 v58, $0x3;
	v47 =	vshll.u32 v57, v1;
	v50 =	vld [tilespmem:s12+$0xB0]  }
0x1ed: {  	[tilespmem:v51+s30+$0x0] =	vst.idx.msk $0xffff, v49;
	v61 =	vshrl.u32 v59, $0x3;
	v60 =	vshll.u32 v53, v1;
	v47 =	vbroadcast v47, $0x0  }
0x1ee: {  	v63 =	vshll.u32 v61, v1;
	[tilespmem:v37+s30+$0x0] =	vst.idx.msk $0xffff, v56;
	v37 =	vbroadcast v60, $0x0;
	v55 =	vshrl.u32 v62, $0x3  }
0x1ef: {  	[tilespmem:v42+s30+$0x0] =	vst.idx.msk $0xffff, v48;
	v49 =	vbroadcast v63, $0x0;
	v42 =	vld [tilespmem:s12+$0xFFFFFFC0];
	v56 =	vadd.s32 v13, v47;
	v51 =	vshll.u32 v55, v1  }
0x1f0: {  	v57 =	vld [tilespmem:s12+$0xFFFFFF40];
	v58 =	vadd.s32 v5, v37;
	[tilespmem:v35+s30+$0x0] =	vst.idx.msk $0xffff, v54;
	v35 =	vbroadcast v51, $0x0  }
0x1f1: {  	v59 =	vadd.s32 v21, v49;
	[tilespmem:v33+s30+$0x0] =	vst.idx.msk $0xffff, v50;
	v33 =	vld [tilespmem:s12+$0x40]  }
0x1f2: {  	[tilespmem:v45+s30+$0x0] =	vst.idx.msk $0xffff, v44;
	v60 =	vld [tilespmem:s12+$0xC0];
	v61 =	vadd.s32 v29, v35  }
0x1f3: {  	[tilespmem:v40+s30+$0x0] =	vst.idx.msk $0xffff, v46;
	v63 =	vld [tilespmem:s7+$0xE0]  }
0x1f4: {  	v62 =	vld [tilespmem:s7+$0x60];
	[tilespmem:v56+s30+$0x0] =	vst.idx.msk $0xffff, v42  }
0x1f5: {  	v56 =	vadd.s32 v14, v47;
	[tilespmem:v58+s30+$0x0] =	vst.idx.msk $0xffff, v57;
	v42 =	vld [tilespmem:s12+$0xFFFFFFD0]  }
0x1f6: {  	v58 =	vadd.s32 v6, v37;
	v57 =	vld [tilespmem:s12+$0xFFFFFF50];
	[tilespmem:v59+s30+$0x0] =	vst.idx.msk $0xffff, v33  }
0x1f7: {  	v59 =	vadd.s32 v22, v49;
	v33 =	vld [tilespmem:s12+$0x50];
	[tilespmem:v61+s30+$0x0] =	vst.idx.msk $0xffff, v60  }
0x1f8: {  	[tilespmem:v41+s30+$0x0] =	vst.idx.msk $0xffff, v63;
	v61 =	vadd.s32 v30, v35;
	v60 =	vld [tilespmem:s12+$0xD0]  }
0x1f9: {  	v34 =	vadd.s32 v8, v34;
	v63 =	vld [tilespmem:s7+$0xFFFFFF70];
	[tilespmem:v43+s30+$0x0] =	vst.idx.msk $0xffff, v62  }
0x1fa: {  	v36 =	vadd.s32 v16, v36;
	v62 =	vld [tilespmem:s7+$0xFFFFFFF0];
	[tilespmem:v56+s30+$0x0] =	vst.idx.msk $0xffff, v42  }
0x1fb: {  	v54 =	vadd.s32 v15, v47;
	[tilespmem:v58+s30+$0x0] =	vst.idx.msk $0xffff, v57;
	v53 =	vld [tilespmem:s12+$0xFFFFFFE0]  }
0x1fc: {  	v55 =	vadd.s32 v7, v37;
	v48 =	vld [tilespmem:s12+$0xFFFFFF60];
	[tilespmem:v59+s30+$0x0] =	vst.idx.msk $0xffff, v33  }
0x1fd: {  	v56 =	vadd.s32 v23, v49;
	[tilespmem:v61+s30+$0x0] =	vst.idx.msk $0xffff, v60;
	v57 =	vld [tilespmem:s12+$0x60]  }
0x1fe: {  	[tilespmem:v34+s30+$0x0] =	vst.idx.msk $0xffff, v63;
	v58 =	vadd.s32 v31, v35;
	v44 =	vld [tilespmem:s12+$0xE0]  }
0x1ff: {  	v39 =	vadd.s32 v24, v39;
	[tilespmem:v36+s30+$0x0] =	vst.idx.msk $0xffff, v62;
	v59 =	vld [tilespmem:s7+$0x70]  }
0x200: {  	v38 =	vadd.s32 v32, v38;
	v60 =	vld [tilespmem:s7+$0xF0];
	[tilespmem:v54+s30+$0x0] =	vst.idx.msk $0xffff, v53  }
0x201: {  	v61 =	vadd.s32 v16, v47;
	[tilespmem:v55+s30+$0x0] =	vst.idx.msk $0xffff, v48;
	v41 =	vld [tilespmem:s12+$0xFFFFFFF0]  }
0x202: {  	v37 =	vadd.s32 v8, v37;
	v62 =	vld [tilespmem:s12+$0xFFFFFF70];
	[tilespmem:v56+s30+$0x0] =	vst.idx.msk $0xffff, v57  }
0x203: {  	v63 =	vadd.s32 v24, v49;
	v33 =	vld [tilespmem:s12+$0x70];
	[tilespmem:v58+s30+$0x0] =	vst.idx.msk $0xffff, v44  }
0x204: {  	v35 =	vadd.s32 v32, v35;
	[tilespmem:v39+s30+$0x0] =	vst.idx.msk $0xffff, v59;
	v36 =	vld [tilespmem:s12+$0xF0]  }
0x205: {  	[tilespmem:v38+s30+$0x0] =	vst.idx.msk $0xffff, v60  }
0x206: {  	[tilespmem:v61+s30+$0x0] =	vst.idx.msk $0xffff, v41  }
0x207: {  	[tilespmem:v37+s30+$0x0] =	vst.idx.msk $0xffff, v62  }
0x208: {  	[tilespmem:v63+s30+$0x0] =	vst.idx.msk $0xffff, v33  }
0x209: {  	[tilespmem:v35+s30+$0x0] =	vst.idx.msk $0xffff, v36  }
0x20a: {  	s0 =	smul.u32 @!p0 $0xC8, s11;
	_ =	swait.ge [sflag:s1], $0xC8  }
0x20b: {  	[sflag:s1] =	ssyncset.done $0x0  }
0x20c: {  	s16 =	simm.s32 $0x6720;
	s0 =	sshrl.u32 @!p0 s0, $0x3;
	[sflag:s1] =	ssyncadd.s32 $0xFFFFFF38  }
0x20d: {  	[tilespmem:s16], [sflag:$0x7] =	stream.indirect.gather [hbm4b:s2+s13], $0x80, s22, s13, $0xb8;
	[tilespmem:$0x19720] =	vst v63  }
0x20e: {  	s18 =	simm.s32 $0x2B8;
	s8 =	simm.s32 @!p0 $0xC8;
	s0 =	sadd.s32 @!p0 s6, s0  }
0x20f: {  	[tilespmem:s20], [sflag:$0x8] =	stream.indirect.gather [hbm4b:s2+s15], $0x80, s18, s15, $0xb8;
	[tilespmem:$0x19720] =	vst v63  }
0x210: {  	s28 =	smul.u32 $0xC80, s11;
	s0 =	sadd.s32 @!p0 $0x64, s0;
	s7 =	simm.s32 @!p0 $0x0  }
0x211: {  	[tilespmem:s8], [sflag:$0x2] =	stream.linear.gather @!p0 [hbm4b:s0+s7], $0xC8, $0x38;
	[tilespmem:$0x19720] =	vst v63  }
0x212: {  	s11 =	simm.s32 $0x132B8;
	s0 =	sadd.s32 s3, s28  }
0x213: {  	s7 =	simm.s32 $0x13120;
	s8 =	simm.s32 $0x32;
	s12 =	sadd.s32 $0x0, s0  }
.LBB2_13:
0x214: {  	[hbm4b:s12+s5] =	stream.linear.scatter [tilespmem:s7], [sflag:$0xA], $0x190, $0x38;
	[tilespmem:$0x19720] =	vst v63  }
0x215: {  	s12 =	smov.u32 s8;
	s7 =	smov.u32 s11;
	p1 =	sne.s32 s8, $0xC4E  }
.Ltmp5:
0x216: {  	s8 =	sadd.s32 $0x32, s8;
	(pc) =	sbr.rel @p1 .LBB2_13-.Ltmp5, $2  }
0x217: {  	_ =	sdelay $0x2  }
0x218: {  	s11 =	sadd.s32 $0x198, s11;
	s12 =	sadd.s32 s12, s0  }
0x219: {  	[hbm4b:s12+s5] =	stream.linear.scatter [tilespmem:s7], [sflag:$0xA], $0x190, $0x38;
	[tilespmem:$0x19720] =	vst v63  }
0x21a: {  	s0 =	simm.s32 $0x4;
	_ =	swait.ge [sflag:s19], $0x6400  }
0x21b: {  	v33 =	vmov s0;
	[sflag:s19] =	ssyncset.done $0x0  }
0x21c: {  	v33 =	vshrl.u32 v33, $0x3;
	[sflag:s19] =	ssyncadd.s32 $0xFFFF9C00  }
0x21d: {  	v33 =	vshll.u32 v33, v1;
	_ =	swait.ge [sflag:s23], $0x3000  }
0x21e: {  	s11 =	simm.s32 $0x6;
	v39 =	vbroadcast v33, $0x0;
	[sflag:s23] =	ssyncset.done $0x0  }
0x21f: {  	s7 =	simm.s32 $0x420;
	s12 =	simm.s32 $0x0;
	v35 =	vmov s11;
	[sflag:s23] =	ssyncadd.s32 $0xFFFFD000  }
0x220: {  	v37 =	vmov s12;
	v35 =	vshrl.u32 v35, $0x3;
	v34 =	vadd.s32 v17, v39;
	v57 =	vld [tilespmem:s7+$0x0]  }
0x221: {  	v61 =	vshrl.u32 v37, $0x3;
	v35 =	vshll.u32 v35, v1  }
0x222: {  	s8 =	simm.s32 $0x2;
	v41 =	vbroadcast v35, $0x0;
	v35 =	vshll.u32 v61, v1  }
0x223: {  	v36 =	vmov s8;
	v35 =	vbroadcast v35, $0x0  }
0x224: {  	v36 =	vshrl.u32 v36, $0x3;
	v62 =	vadd.s32 v25, v41;
	v38 =	vld [tilespmem:s7+$0x80]  }
0x225: {  	v58 =	vshll.u32 v36, v1;
	v43 =	vld [tilespmem:s7+$0xFFFFFF00];
	v44 =	vadd.s32 v0, v35;
	[tilespmem:v34+s24+$0x0] =	vst.idx.msk $0xffff, v57  }
0x226: {  	v33 =	vbroadcast v58, $0x0;
	v59 =	vadd.s32 v18, v39;
	v60 =	vld [tilespmem:s7+$0x10];
	_ =	sdelay $0x1  }
0x227: {  	v40 =	vadd.s32 v9, v33;
	v42 =	vld [tilespmem:s7+$0xFFFFFF80]  }
0x228: {  	[tilespmem:v62+s24+$0x0] =	vst.idx.msk $0xffff, v38  }
0x229: {  	v48 =	vadd.s32 v26, v41;
	[tilespmem:v44+s24+$0x0] =	vst.idx.msk $0xffff, v43;
	v38 =	vld [tilespmem:s7+$0x90]  }
0x22a: {  	v50 =	vadd.s32 v2, v35;
	v43 =	vld [tilespmem:s7+$0xFFFFFF10];
	[tilespmem:v59+s24+$0x0] =	vst.idx.msk $0xffff, v60  }
0x22b: {  	v63 =	vadd.s32 v19, v39;
	v34 =	vld [tilespmem:s7+$0x20]  }
0x22c: {  	[tilespmem:v40+s24+$0x0] =	vst.idx.msk $0xffff, v42  }
0x22d: {  	v49 =	vadd.s32 v10, v33;
	v42 =	vld [tilespmem:s7+$0xFFFFFF90]  }
0x22e: {  	[tilespmem:v48+s24+$0x0] =	vst.idx.msk $0xffff, v38  }
0x22f: {  	v52 =	vadd.s32 v27, v41;
	[tilespmem:v50+s24+$0x0] =	vst.idx.msk $0xffff, v43;
	v37 =	vld [tilespmem:s7+$0xA0]  }
0x230: {  	v54 =	vadd.s32 v3, v35;
	v44 =	vld [tilespmem:s7+$0xFFFFFF20];
	[tilespmem:v63+s24+$0x0] =	vst.idx.msk $0xffff, v34  }
0x231: {  	v51 =	vadd.s32 v20, v39;
	v34 =	vld [tilespmem:s7+$0x30]  }
0x232: {  	[tilespmem:v49+s24+$0x0] =	vst.idx.msk $0xffff, v42  }
0x233: {  	v53 =	vadd.s32 v11, v33;
	v40 =	vld [tilespmem:s7+$0xFFFFFFA0]  }
0x234: {  	s14 =	simm.s32 $0xC;
	s16 =	simm.s32 $0xE;
	[tilespmem:v52+s24+$0x0] =	vst.idx.msk $0xffff, v37  }
0x235: {  	v55 =	vmov s14;
	v45 =	vadd.s32 v21, v39;
	v57 =	vmov s16;
	[tilespmem:v54+s24+$0x0] =	vst.idx.msk $0xffff, v44  }
0x236: {  	s18 =	simm.s32 $0xA;
	v56 =	vadd.s32 v28, v41;
	v36 =	vshrl.u32 v57, $0x3;
	v38 =	vld [tilespmem:s7+$0xB0];
	[tilespmem:v51+s24+$0x0] =	vst.idx.msk $0xffff, v34;
	v34 =	vshrl.u32 v55, $0x3  }
0x237: {  	v59 =	vmov s18;
	v60 =	vadd.s32 v4, v35;
	v44 =	vld [tilespmem:s7+$0xFFFFFF30];
	v34 =	vshll.u32 v34, v1  }
0x238: {  	v48 =	vshll.u32 v36, v1;
	v43 =	vshrl.u32 v59, $0x3;
	[tilespmem:v53+s24+$0x0] =	vst.idx.msk $0xffff, v40;
	v46 =	vld [tilespmem:s7+$0x40];
	v36 =	vbroadcast v34, $0x0  }
0x239: {  	s11 =	simm.s32 $0x620;
	v58 =	vadd.s32 v12, v33;
	v43 =	vshll.u32 v43, v1;
	v42 =	vld [tilespmem:s7+$0xFFFFFFB0];
	v34 =	vbroadcast v48, $0x0  }
0x23a: {  	v47 =	vld [tilespmem:s11+$0x0];
	v37 =	vbroadcast v43, $0x0;
	v61 =	vadd.s32 v17, v36  }
0x23b: {  	v49 =	vld [tilespmem:s11+$0x80];
	[tilespmem:v56+s24+$0x0] =	vst.idx.msk $0xffff, v38;
	v62 =	vadd.s32 v25, v34  }
0x23c: {  	v52 =	vadd.s32 v9, v37;
	[tilespmem:v60+s24+$0x0] =	vst.idx.msk $0xffff, v44;
	v56 =	vld [tilespmem:s11+$0xFFFFFF80]  }
0x23d: {  	s28 =	simm.s32 $0x8;
	v60 =	vadd.s32 v5, v35;
	v59 =	vld [tilespmem:s7+$0xFFFFFF40];
	[tilespmem:v45+s24+$0x0] =	vst.idx.msk $0xffff, v46  }
0x23e: {  	v57 =	vadd.s32 v22, v39;
	[tilespmem:v58+s24+$0x0] =	vst.idx.msk $0xffff, v42;
	v51 =	vmov s28;
	v46 =	vld [tilespmem:s7+$0x50]  }
0x23f: {  	v50 =	vadd.s32 v13, v33;
	v63 =	vld [tilespmem:s7+$0xFFFFFFC0];
	v58 =	vshrl.u32 v51, $0x3;
	[tilespmem:v61+s24+$0x0] =	vst.idx.msk $0xffff, v47  }
0x240: {  	v48 =	vshll.u32 v58, v1;
	v61 =	vadd.s32 v18, v36;
	[tilespmem:v62+s24+$0x0] =	vst.idx.msk $0xffff, v49;
	v53 =	vld [tilespmem:s11+$0x10]  }
0x241: {  	v38 =	vbroadcast v48, $0x0;
	[tilespmem:v52+s24+$0x0] =	vst.idx.msk $0xffff, v56;
	v62 =	vadd.s32 v26, v34;
	v49 =	vld [tilespmem:s11+$0x90]  }
0x242: {  	v42 =	vld [tilespmem:s7+$0xC0];
	[tilespmem:v60+s24+$0x0] =	vst.idx.msk $0xffff, v59;
	v59 =	vadd.s32 v29, v41  }
0x243: {  	v58 =	vadd.s32 v0, v38;
	[tilespmem:v57+s24+$0x0] =	vst.idx.msk $0xffff, v46;
	v57 =	vld [tilespmem:s11+$0xFFFFFF00]  }
0x244: {  	[tilespmem:v50+s24+$0x0] =	vst.idx.msk $0xffff, v63;
	v63 =	vadd.s32 v23, v39;
	v40 =	vld [tilespmem:s7+$0x60]  }
0x245: {  	v60 =	vld [tilespmem:s7+$0xFFFFFF50];
	[tilespmem:v61+s24+$0x0] =	vst.idx.msk $0xffff, v53;
	v61 =	vadd.s32 v6, v35  }
0x246: {  	v44 =	vld [tilespmem:s11+$0xFFFFFF90];
	[tilespmem:v62+s24+$0x0] =	vst.idx.msk $0xffff, v49;
	v62 =	vadd.s32 v10, v37  }
0x247: {  	v54 =	vadd.s32 v19, v36;
	[tilespmem:v59+s24+$0x0] =	vst.idx.msk $0xffff, v42;
	v53 =	vld [tilespmem:s11+$0x20]  }
0x248: {  	v56 =	vld [tilespmem:s7+$0xD0];
	[tilespmem:v58+s24+$0x0] =	vst.idx.msk $0xffff, v57;
	v57 =	vadd.s32 v30, v41  }
0x249: {  	v55 =	vadd.s32 v14, v33;
	[tilespmem:v63+s24+$0x0] =	vst.idx.msk $0xffff, v40;
	v63 =	vld [tilespmem:s7+$0xFFFFFFD0]  }
0x24a: {  	v59 =	vadd.s32 v2, v38;
	v58 =	vld [tilespmem:s11+$0xFFFFFF10];
	[tilespmem:v61+s24+$0x0] =	vst.idx.msk $0xffff, v60  }
0x24b: {  	v39 =	vadd.s32 v24, v39;
	v43 =	vld [tilespmem:s7+$0x70];
	[tilespmem:v62+s24+$0x0] =	vst.idx.msk $0xffff, v44  }
0x24c: {  	v45 =	vld [tilespmem:s11+$0xA0];
	[tilespmem:v54+s24+$0x0] =	vst.idx.msk $0xffff, v53  }
0x24d: {  	v44 =	vld [tilespmem:s7+$0xFFFFFF60];
	v53 =	vadd.s32 v27, v34;
	[tilespmem:v57+s24+$0x0] =	vst.idx.msk $0xffff, v56  }
0x24e: {  	v50 =	vadd.s32 v20, v36;
	v49 =	vld [tilespmem:s11+$0x30];
	[tilespmem:v55+s24+$0x0] =	vst.idx.msk $0xffff, v63  }
0x24f: {  	v52 =	vadd.s32 v11, v37;
	v47 =	vadd.s32 v7, v35;
	v51 =	vld [tilespmem:s11+$0xFFFFFFA0];
	[tilespmem:v59+s24+$0x0] =	vst.idx.msk $0xffff, v58  }
0x250: {  	v46 =	vadd.s32 v12, v37;
	v40 =	vadd.s32 v3, v38;
	v48 =	vld [tilespmem:s7+$0xE0];
	[tilespmem:v39+s24+$0x0] =	vst.idx.msk $0xffff, v43  }
0x251: {  	s0 =	simm.s32 $0x4;
	s8 =	simm.s32 $0x10;
	s12 =	simm.s32 $0x620;
	v39 =	vadd.s32 v32, v41;
	v42 =	vld [tilespmem:s7+$0xFFFFFFE0];
	v43 =	vadd.s32 v15, v33;
	v41 =	vadd.s32 v31, v41  }
.LBB2_15:
0x252: {  	v54 =	vmov s8;
	s14 =	sadd.s32 $0x2, s8;
	s16 =	sadd.s32 $0x6, s8;
	v55 =	vld [tilespmem:s11+$0xFFFFFF20];
	v56 =	vadd.s32 v21, v36;
	[tilespmem:v53+s24+$0x0] =	vst.idx.msk $0xffff, v45;
	v45 =	vadd.s32 v28, v34;
	s12 =	sadd.s32 $0x200, s12  }
0x253: {  	s0 =	sadd.s32 $0x4, s0;
	v53 =	vshrl.u32 v54, $0x3;
	v54 =	vmov s14;
	s14 =	sadd.s32 $0x4, s8;
	v57 =	vmov s16;
	[tilespmem:v50+s24+$0x0] =	vst.idx.msk $0xffff, v49;
	v49 =	vld [tilespmem:s11+$0xB0]  }
0x254: {  	p1 =	slt.u32 s0, $0x5C;
	v50 =	vshrl.u32 v54, $0x3;
	v54 =	vmov s14;
	v58 =	vld [tilespmem:s12+$0x0];
	v57 =	vshrl.u32 v57, $0x3;
	[tilespmem:v52+s24+$0x0] =	vst.idx.msk $0xffff, v51  }
0x255: {  	v50 =	vshll.u32 v50, v1;
	v51 =	vshrl.u32 v54, $0x3;
	v52 =	vshll.u32 v57, v1;
	v54 =	vld [tilespmem:s11+$0x40];
	[tilespmem:v47+s24+$0x0] =	vst.idx.msk $0xffff, v44  }
0x256: {  	v44 =	vbroadcast v50, $0x0;
	v47 =	vshll.u32 v51, v1;
	v57 =	vbroadcast v52, $0x0;
	v50 =	vld [tilespmem:s11+$0xFFFFFFB0];
	[tilespmem:v41+s24+$0x0] =	vst.idx.msk $0xffff, v48  }
0x257: {  	v41 =	vshll.u32 v53, v1;
	v51 =	vadd.s32 v8, v35;
	v47 =	vbroadcast v47, $0x0;
	[tilespmem:v40+s24+$0x0] =	vst.idx.msk $0xffff, v55;
	v48 =	vld [tilespmem:s7+$0xFFFFFF70]  }
0x258: {  	v41 =	vbroadcast v41, $0x0;
	v55 =	vadd.s32 v4, v38;
	v52 =	vadd.s32 v9, v44;
	v53 =	vld [tilespmem:s11+$0xFFFFFF30];
	[tilespmem:v43+s24+$0x0] =	vst.idx.msk $0xffff, v42  }
0x259: {  	v42 =	vadd.s32 v17, v47;
	[tilespmem:v45+s24+$0x0] =	vst.idx.msk $0xffff, v49;
	v43 =	vld [tilespmem:s7+$0xFFFFFFF0];
	v45 =	vadd.s32 v16, v33;
	v33 =	vmov v37  }
0x25a: {  	v40 =	vadd.s32 v3, v41;
	v49 =	vadd.s32 v25, v57;
	v37 =	vmov v44;
	[tilespmem:v56+s24+$0x0] =	vst.idx.msk $0xffff, v54;
	v54 =	vld [tilespmem:s7+$0xF0];
	s7 =	smov.u32 s11;
	s11 =	smov.u32 s12  }
0x25b: {  	v35 =	vmov v38;
	v38 =	vmov v41;
	[tilespmem:v46+s24+$0x0] =	vst.idx.msk $0xffff, v50;
	v44 =	vld [tilespmem:s7+$0x50]  }
0x25c: {  	v41 =	vld [tilespmem:s12+$0x80];
	[tilespmem:v51+s24+$0x0] =	vst.idx.msk $0xffff, v48  }
0x25d: {  	v46 =	vadd.s32 v22, v36;
	[tilespmem:v55+s24+$0x0] =	vst.idx.msk $0xffff, v53;
	v48 =	vld [tilespmem:s7+$0xC0]  }
0x25e: {  	v50 =	vadd.s32 v10, v37;
	v53 =	vadd.s32 v13, v33;
	v51 =	vld [tilespmem:s7+$0xFFFFFFC0];
	[tilespmem:v45+s24+$0x0] =	vst.idx.msk $0xffff, v43  }
0x25f: {  	v45 =	vadd.s32 v18, v47;
	v43 =	vld [tilespmem:s12+$0xFFFFFF80];
	[tilespmem:v39+s24+$0x0] =	vst.idx.msk $0xffff, v54  }
0x260: {  	[tilespmem:v42+s24+$0x0] =	vst.idx.msk $0xffff, v58;
	v39 =	vld [tilespmem:s7+$0xFFFFFF40];
	v42 =	vadd.s32 v5, v35  }
0x261: {  	v54 =	vld [tilespmem:s12+$0x10];
	[tilespmem:v49+s24+$0x0] =	vst.idx.msk $0xffff, v41;
	v41 =	vadd.s32 v26, v57  }
0x262: {  	v49 =	vld [tilespmem:s12+$0x90];
	[tilespmem:v46+s24+$0x0] =	vst.idx.msk $0xffff, v44  }
0x263: {  	v46 =	vadd.s32 v23, v36;
	[tilespmem:v53+s24+$0x0] =	vst.idx.msk $0xffff, v51;
	v44 =	vld [tilespmem:s7+$0x60]  }
0x264: {  	v53 =	vadd.s32 v0, v38;
	v51 =	vld [tilespmem:s12+$0xFFFFFF00];
	[tilespmem:v52+s24+$0x0] =	vst.idx.msk $0xffff, v43  }
0x265: {  	v43 =	vld [tilespmem:s12+$0xFFFFFF90];
	[tilespmem:v42+s24+$0x0] =	vst.idx.msk $0xffff, v39;
	v39 =	vadd.s32 v29, v34  }
0x266: {  	v52 =	vadd.s32 v6, v35;
	[tilespmem:v45+s24+$0x0] =	vst.idx.msk $0xffff, v54;
	v42 =	vld [tilespmem:s7+$0xFFFFFF50]  }
0x267: {  	v55 =	vadd.s32 v19, v47;
	v54 =	vld [tilespmem:s12+$0x20];
	[tilespmem:v41+s24+$0x0] =	vst.idx.msk $0xffff, v49  }
0x268: {  	v45 =	vld [tilespmem:s12+$0xA0];
	[tilespmem:v46+s24+$0x0] =	vst.idx.msk $0xffff, v44  }
0x269: {  	v46 =	vadd.s32 v24, v36;
	v36 =	vmov v47;
	[tilespmem:v53+s24+$0x0] =	vst.idx.msk $0xffff, v51;
	v41 =	vld [tilespmem:s7+$0x70]  }
0x26a: {  	v56 =	vadd.s32 v14, v33;
	v47 =	vld [tilespmem:s7+$0xFFFFFFD0];
	[tilespmem:v39+s24+$0x0] =	vst.idx.msk $0xffff, v48  }
0x26b: {  	v58 =	vadd.s32 v30, v34;
	[tilespmem:v52+s24+$0x0] =	vst.idx.msk $0xffff, v42;
	v48 =	vld [tilespmem:s7+$0xD0]  }
0x26c: {  	v60 =	vadd.s32 v2, v38;
	v59 =	vld [tilespmem:s12+$0xFFFFFF10];
	[tilespmem:v55+s24+$0x0] =	vst.idx.msk $0xffff, v54  }
.Ltmp6:
0x26d: {  	v53 =	vadd.s32 v27, v57;
	[tilespmem:v50+s24+$0x0] =	vst.idx.msk $0xffff, v43;
	v44 =	vld [tilespmem:s7+$0xFFFFFF60];
	(pc) =	sbr.rel @p1 .LBB2_15-.Ltmp6, $4  }
0x26e: {  	v50 =	vadd.s32 v20, v36;
	v49 =	vld [tilespmem:s12+$0x30];
	[tilespmem:v46+s24+$0x0] =	vst.idx.msk $0xffff, v41  }
0x26f: {  	v39 =	vadd.s32 v32, v34;
	v52 =	vadd.s32 v11, v37;
	v51 =	vld [tilespmem:s12+$0xFFFFFFA0];
	[tilespmem:v56+s24+$0x0] =	vst.idx.msk $0xffff, v47  }
0x270: {  	v43 =	vadd.s32 v15, v33;
	v47 =	vadd.s32 v7, v35;
	v42 =	vld [tilespmem:s7+$0xFFFFFFE0];
	[tilespmem:v58+s24+$0x0] =	vst.idx.msk $0xffff, v48  }
0x271: {  	s8 =	sadd.s32 $0x8, s8;
	v46 =	vadd.s32 v12, v37;
	v41 =	vadd.s32 v31, v34;
	v34 =	vmov v57;
	[tilespmem:v60+s24+$0x0] =	vst.idx.msk $0xffff, v59;
	v48 =	vld [tilespmem:s7+$0xE0]  }
0x272: {  	_ = 	snop  }
0x273: {  	v54 =	vld [tilespmem:s11+$0xFFFFFF20];
	_ =	sdelay $0x2  }
0x274: {  	[tilespmem:v52+s24+$0x0] =	vst.idx.msk $0xffff, v51  }
0x275: {  	[tilespmem:v53+s24+$0x0] =	vst.idx.msk $0xffff, v45;
	v63 =	vld [tilespmem:s11+$0xFFFFFFB0]  }
0x276: {  	v56 =	vadd.s32 v28, v34;
	v53 =	vld [tilespmem:s11+$0xB0];
	[tilespmem:v40+s24+$0x0] =	vst.idx.msk $0xffff, v54  }
0x277: {  	v62 =	vadd.s32 v4, v38;
	v40 =	vld [tilespmem:s11+$0xFFFFFF30];
	_ =	sdelay $0x1  }
0x278: {  	[tilespmem:v50+s24+$0x0] =	vst.idx.msk $0xffff, v49  }
0x279: {  	v57 =	vadd.s32 v21, v36;
	v50 =	vld [tilespmem:s11+$0x40];
	[tilespmem:v46+s24+$0x0] =	vst.idx.msk $0xffff, v63  }
0x27a: {  	v59 =	vadd.s32 v13, v37;
	[tilespmem:v56+s24+$0x0] =	vst.idx.msk $0xffff, v53;
	v46 =	vld [tilespmem:s11+$0xFFFFFFC0]  }
0x27b: {  	v60 =	vadd.s32 v29, v34;
	v52 =	vld [tilespmem:s11+$0xC0];
	[tilespmem:v62+s24+$0x0] =	vst.idx.msk $0xffff, v40  }
0x27c: {  	v58 =	vadd.s32 v5, v38;
	v40 =	vld [tilespmem:s11+$0xFFFFFF40];
	_ =	sdelay $0x1  }
0x27d: {  	[tilespmem:v57+s24+$0x0] =	vst.idx.msk $0xffff, v50  }
0x27e: {  	v61 =	vadd.s32 v22, v36;
	v49 =	vld [tilespmem:s11+$0x50];
	[tilespmem:v59+s24+$0x0] =	vst.idx.msk $0xffff, v46  }
0x27f: {  	v63 =	vadd.s32 v14, v37;
	[tilespmem:v60+s24+$0x0] =	vst.idx.msk $0xffff, v52;
	v46 =	vld [tilespmem:s11+$0xFFFFFFD0]  }
0x280: {  	v55 =	vadd.s32 v30, v34;
	v54 =	vld [tilespmem:s11+$0xD0];
	[tilespmem:v58+s24+$0x0] =	vst.idx.msk $0xffff, v40  }
0x281: {  	[tilespmem:v47+s24+$0x0] =	vst.idx.msk $0xffff, v44;
	v62 =	vadd.s32 v6, v38;
	v40 =	vld [tilespmem:s11+$0xFFFFFF50]  }
0x282: {  	[tilespmem:v43+s24+$0x0] =	vst.idx.msk $0xffff, v42  }
0x283: {  	v35 =	vadd.s32 v8, v35;
	v56 =	vld [tilespmem:s7+$0xFFFFFF70];
	[tilespmem:v61+s24+$0x0] =	vst.idx.msk $0xffff, v49  }
0x284: {  	v57 =	vld [tilespmem:s11+$0x60];
	v58 =	vadd.s32 v23, v36;
	[tilespmem:v63+s24+$0x0] =	vst.idx.msk $0xffff, v46  }
0x285: {  	v60 =	vadd.s32 v15, v37;
	[tilespmem:v55+s24+$0x0] =	vst.idx.msk $0xffff, v54;
	v46 =	vld [tilespmem:s11+$0xFFFFFFE0]  }
0x286: {  	v61 =	vld [tilespmem:s11+$0xE0];
	[tilespmem:v62+s24+$0x0] =	vst.idx.msk $0xffff, v40;
	v62 =	vadd.s32 v31, v34  }
0x287: {  	[tilespmem:v41+s24+$0x0] =	vst.idx.msk $0xffff, v48;
	v59 =	vadd.s32 v7, v38;
	v40 =	vld [tilespmem:s11+$0xFFFFFF60]  }
0x288: {  	v51 =	vld [tilespmem:s7+$0xF0];
	[tilespmem:v35+s24+$0x0] =	vst.idx.msk $0xffff, v56  }
0x289: {  	v33 =	vadd.s32 v16, v33;
	v63 =	vld [tilespmem:s7+$0xFFFFFFF0];
	[tilespmem:v58+s24+$0x0] =	vst.idx.msk $0xffff, v57  }
0x28a: {  	v53 =	vadd.s32 v24, v36;
	v52 =	vld [tilespmem:s11+$0x70];
	[tilespmem:v60+s24+$0x0] =	vst.idx.msk $0xffff, v46  }
0x28b: {  	v56 =	vadd.s32 v16, v37;
	v55 =	vld [tilespmem:s11+$0xFFFFFFF0];
	[tilespmem:v62+s24+$0x0] =	vst.idx.msk $0xffff, v61  }
0x28c: {  	v57 =	vadd.s32 v32, v34;
	[tilespmem:v59+s24+$0x0] =	vst.idx.msk $0xffff, v40;
	v58 =	vld [tilespmem:s11+$0xF0]  }
0x28d: {  	[tilespmem:v39+s24+$0x0] =	vst.idx.msk $0xffff, v51;
	v54 =	vadd.s32 v8, v38;
	v40 =	vld [tilespmem:s11+$0xFFFFFF70]  }
0x28e: {  	[tilespmem:v33+s24+$0x0] =	vst.idx.msk $0xffff, v63  }
0x28f: {  	[tilespmem:v53+s24+$0x0] =	vst.idx.msk $0xffff, v52  }
0x290: {  	s0 =	simm.s32 $0xC0;
	[tilespmem:v56+s24+$0x0] =	vst.idx.msk $0xffff, v55  }
0x291: {  	s14 =	simm.s32 $0xC2;
	v59 =	vmov s0;
	[tilespmem:v57+s24+$0x0] =	vst.idx.msk $0xffff, v58  }
0x292: {  	v61 =	vmov s14;
	v60 =	vshrl.u32 v59, $0x3;
	[tilespmem:v54+s24+$0x0] =	vst.idx.msk $0xffff, v40  }
0x293: {  	v34 =	vshrl.u32 v61, $0x3;
	v33 =	vshll.u32 v60, v1;
	_ =	swait.ge [sflag:s25], $0x3400  }
0x294: {  	s16 =	simm.s32 $0xC4;
	v34 =	vshll.u32 v34, v1;
	v33 =	vbroadcast v33, $0x0;
	[sflag:s25] =	ssyncset.done $0x0  }
0x295: {  	s18 =	simm.s32 $0xC6;
	s7 =	simm.s32 $0x3420;
	v62 =	vmov s16;
	v34 =	vbroadcast v34, $0x0;
	[sflag:s25] =	ssyncadd.s32 $0xFFFFCC00  }
0x296: {  	v47 =	vmov s18;
	v35 =	vshrl.u32 v62, $0x3;
	v63 =	vadd.s32 v0, v33;
	v44 =	vld [tilespmem:s7+$0xFFFFFF00]  }
0x297: {  	v48 =	vshrl.u32 v47, $0x3;
	v35 =	vshll.u32 v35, v1;
	v45 =	vadd.s32 v9, v34;
	v46 =	vld [tilespmem:s7+$0xFFFFFF80]  }
0x298: {  	v41 =	vbroadcast v35, $0x0;
	v35 =	vshll.u32 v48, v1  }
0x299: {  	v42 =	vbroadcast v35, $0x0  }
0x29a: {  	v49 =	vadd.s32 v17, v41;
	v50 =	vld [tilespmem:s7+$0x0]  }
0x29b: {  	v54 =	vadd.s32 v25, v42;
	v53 =	vld [tilespmem:s7+$0x80];
	[tilespmem:v63+s24+$0x0] =	vst.idx.msk $0xffff, v44  }
0x29c: {  	v51 =	vadd.s32 v2, v33;
	[tilespmem:v45+s24+$0x0] =	vst.idx.msk $0xffff, v46;
	v37 =	vld [tilespmem:s7+$0xFFFFFF10]  }
0x29d: {  	v52 =	vadd.s32 v10, v34;
	v39 =	vld [tilespmem:s7+$0xFFFFFF90];
	_ =	sdelay $0x1  }
0x29e: {  	[tilespmem:v49+s24+$0x0] =	vst.idx.msk $0xffff, v50  }
0x29f: {  	v55 =	vadd.s32 v18, v41;
	[tilespmem:v54+s24+$0x0] =	vst.idx.msk $0xffff, v53;
	v36 =	vld [tilespmem:s7+$0x10]  }
0x2a0: {  	s28 =	simm.s32 $0xC8;
	v58 =	vadd.s32 v26, v42;
	v44 =	vld [tilespmem:s7+$0x90];
	[tilespmem:v51+s24+$0x0] =	vst.idx.msk $0xffff, v37  }
0x2a1: {  	v59 =	vmov s28;
	v56 =	vadd.s32 v3, v33;
	[tilespmem:v52+s24+$0x0] =	vst.idx.msk $0xffff, v39;
	v35 =	vld [tilespmem:s7+$0xFFFFFF20]  }
0x2a2: {  	v57 =	vadd.s32 v11, v34;
	v45 =	vadd.s32 v4, v33;
	v33 =	vshrl.u32 v59, $0x3;
	v38 =	vld [tilespmem:s7+$0xFFFFFFA0]  }
0x2a3: {  	s11 =	simm.s32 $0xCA;
	v33 =	vshll.u32 v33, v1  }
0x2a4: {  	s8 =	simm.s32 $0xCE;
	v61 =	vmov s11;
	s11 =	simm.s32 $0x3620;
	v43 =	vbroadcast v33, $0x0;
	[tilespmem:v55+s24+$0x0] =	vst.idx.msk $0xffff, v36  }
0x2a5: {  	v60 =	vmov s8;
	v34 =	vadd.s32 v12, v34;
	v40 =	vadd.s32 v27, v42;
	[tilespmem:v58+s24+$0x0] =	vst.idx.msk $0xffff, v44;
	v44 =	vld [tilespmem:s11+$0x80]  }
0x2a6: {  	s16 =	simm.s32 $0xC1;
	v46 =	vadd.s32 v19, v41;
	v49 =	vadd.s32 v0, v43;
	v36 =	vshrl.u32 v60, $0x3;
	v63 =	vld [tilespmem:s7+$0xA0];
	[tilespmem:v56+s24+$0x0] =	vst.idx.msk $0xffff, v35  }
0x2a7: {  	s12 =	simm.s32 $0xCC;
	v58 =	vmov s16;
	v36 =	vshll.u32 v36, v1;
	[tilespmem:v57+s24+$0x0] =	vst.idx.msk $0xffff, v38;
	v35 =	vshrl.u32 v61, $0x3;
	v62 =	vld [tilespmem:s7+$0xFFFFFF30]  }
0x2a8: {  	s14 =	simm.s32 $0xC3;
	v33 =	vbroadcast v36, $0x0;
	v56 =	vmov s12;
	v38 =	vld [tilespmem:s7+$0xFFFFFFB0];
	v35 =	vshll.u32 v35, v1  }
0x2a9: {  	v51 =	vld [tilespmem:s11+$0xFFFFFF00];
	v57 =	vmov s14;
	v37 =	vbroadcast v35, $0x0;
	v35 =	vshrl.u32 v56, $0x3  }
0x2aa: {  	v47 =	vld [tilespmem:s7+$0x20];
	v59 =	vshrl.u32 v58, $0x3;
	v36 =	vshrl.u32 v57, $0x3;
	v35 =	vshll.u32 v35, v1  }
0x2ab: {  	v50 =	vadd.s32 v25, v33;
	[tilespmem:v40+s24+$0x0] =	vst.idx.msk $0xffff, v63;
	v63 =	vld [tilespmem:s11+$0x0];
	v36 =	vshll.u32 v36, v1;
	v35 =	vbroadcast v35, $0x0  }
0x2ac: {  	v56 =	vshll.u32 v59, v1;
	v36 =	vbroadcast v36, $0x0;
	v60 =	vadd.s32 v9, v37;
	[tilespmem:v45+s24+$0x0] =	vst.idx.msk $0xffff, v62;
	v45 =	vld [tilespmem:s11+$0xFFFFFF80]  }
0x2ad: {  	v59 =	vld [tilespmem:s7+$0xB0];
	[tilespmem:v34+s24+$0x0] =	vst.idx.msk $0xffff, v38;
	v34 =	vbroadcast v56, $0x0;
	v62 =	vadd.s32 v17, v35  }
0x2ae: {  	[tilespmem:v49+s24+$0x0] =	vst.idx.msk $0xffff, v51;
	v61 =	vadd.s32 v13, v36;
	v57 =	vld [tilespmem:s7+$0xFFFFFFC0]  }
0x2af: {  	[tilespmem:v46+s24+$0x0] =	vst.idx.msk $0xffff, v47;
	v38 =	vld [tilespmem:s7+$0xFFFFFF40];
	v58 =	vadd.s32 v5, v34  }
0x2b0: {  	v42 =	vadd.s32 v28, v42;
	[tilespmem:v50+s24+$0x0] =	vst.idx.msk $0xffff, v44;
	v44 =	vld [tilespmem:s11+$0xFFFFFF10]  }
0x2b1: {  	s18 =	simm.s32 $0xC5;
	v41 =	vadd.s32 v20, v41;
	[tilespmem:v60+s24+$0x0] =	vst.idx.msk $0xffff, v45;
	v45 =	vld [tilespmem:s7+$0x30]  }
0x2b2: {  	s28 =	simm.s32 $0xC7;
	v55 =	vmov s18;
	v54 =	vld [tilespmem:s11+$0x90];
	v60 =	vadd.s32 v2, v43;
	[tilespmem:v62+s24+$0x0] =	vst.idx.msk $0xffff, v63  }
0x2b3: {  	v56 =	vadd.s32 v10, v37;
	v62 =	vmov s28;
	[tilespmem:v61+s24+$0x0] =	vst.idx.msk $0xffff, v57;
	v57 =	vld [tilespmem:s11+$0xFFFFFF90];
	v61 =	vshrl.u32 v55, $0x3  }
0x2b4: {  	v63 =	vadd.s32 v14, v36;
	v40 =	vshrl.u32 v62, $0x3;
	[tilespmem:v58+s24+$0x0] =	vst.idx.msk $0xffff, v38;
	v46 =	vld [tilespmem:s7+$0xFFFFFFD0];
	v58 =	vshll.u32 v61, v1  }
0x2b5: {  	[tilespmem:v42+s24+$0x0] =	vst.idx.msk $0xffff, v59;
	v42 =	vadd.s32 v18, v35;
	v59 =	vshll.u32 v40, v1;
	v40 =	vld [tilespmem:s11+$0x10];
	v39 =	vbroadcast v58, $0x0  }
0x2b6: {  	v53 =	vadd.s32 v6, v34;
	v52 =	vld [tilespmem:s7+$0xFFFFFF50];
	v38 =	vbroadcast v59, $0x0;
	[tilespmem:v41+s24+$0x0] =	vst.idx.msk $0xffff, v45  }
0x2b7: {  	[tilespmem:v60+s24+$0x0] =	vst.idx.msk $0xffff, v44;
	v60 =	vadd.s32 v21, v39;
	v41 =	vld [tilespmem:s7+$0x40]  }
0x2b8: {  	v61 =	vld [tilespmem:s7+$0xC0];
	v62 =	vadd.s32 v29, v38;
	[tilespmem:v56+s24+$0x0] =	vst.idx.msk $0xffff, v57  }
0x2b9: {  	v55 =	vld [tilespmem:s11+$0xFFFFFF20];
	v56 =	vadd.s32 v3, v43;
	[tilespmem:v63+s24+$0x0] =	vst.idx.msk $0xffff, v46  }
0x2ba: {  	v58 =	vadd.s32 v26, v33;
	v63 =	vld [tilespmem:s11+$0xFFFFFFA0];
	[tilespmem:v42+s24+$0x0] =	vst.idx.msk $0xffff, v40  }
0x2bb: {  	v57 =	vadd.s32 v11, v37;
	[tilespmem:v53+s24+$0x0] =	vst.idx.msk $0xffff, v52;
	v50 =	vld [tilespmem:s7+$0xFFFFFFE0]  }
0x2bc: {  	v47 =	vld [tilespmem:s11+$0x20];
	v52 =	vadd.s32 v15, v36;
	[tilespmem:v60+s24+$0x0] =	vst.idx.msk $0xffff, v41  }
0x2bd: {  	v51 =	vadd.s32 v22, v39;
	[tilespmem:v62+s24+$0x0] =	vst.idx.msk $0xffff, v61;
	v49 =	vld [tilespmem:s7+$0x50]  }
0x2be: {  	v45 =	vadd.s32 v30, v38;
	v40 =	vadd.s32 v7, v34;
	[tilespmem:v56+s24+$0x0] =	vst.idx.msk $0xffff, v55;
	v44 =	vld [tilespmem:s7+$0xD0]  }
0x2bf: {  	s0 =	simm.s32 $0xD7;
	v42 =	vadd.s32 v4, v43;
	v43 =	vadd.s32 v23, v39;
	[tilespmem:v58+s24+$0x0] =	vst.idx.msk $0xffff, v54;
	v48 =	vld [tilespmem:s11+$0xFFFFFF30]  }
0x2c0: {  	s8 =	simm.s32 $0xCF;
	s12 =	simm.s32 $0x4;
	s14 =	simm.s32 $0x3620;
	v53 =	vadd.s32 v19, v35;
	v46 =	vld [tilespmem:s7+$0xFFFFFF60];
	v41 =	vadd.s32 v31, v38;
	[tilespmem:v57+s24+$0x0] =	vst.idx.msk $0xffff, v63  }
.LBB2_17:
0x2c1: {  	s16 =	sadd.s32 $0xFFFFFFF9, s0;
	s18 =	sadd.s32 $0xFFFFFFFF, s0;
	v54 =	vadd.s32 v12, v37;
	v55 =	vld [tilespmem:s11+$0xA0];
	s14 =	sadd.s32 $0x200, s14;
	[tilespmem:v52+s24+$0x0] =	vst.idx.msk $0xffff, v50;
	v50 =	vadd.s32 v16, v36  }
0x2c2: {  	s12 =	sadd.s32 $0x4, s12;
	v56 =	vadd.s32 v27, v33;
	v36 =	vmov s16;
	s16 =	sadd.s32 $0xFFFFFFFB, s0;
	v37 =	vmov s18;
	v52 =	vld [tilespmem:s11+$0xFFFFFFB0];
	[tilespmem:v51+s24+$0x0] =	vst.idx.msk $0xffff, v49  }
0x2c3: {  	p1 =	slt.u32 s12, $0x64;
	v36 =	vshrl.u32 v36, $0x3;
	v49 =	vmov s16;
	s16 =	sadd.s32 $0xFFFFFFFD, s0;
	v51 =	vld [tilespmem:s14+$0x80];
	v37 =	vshrl.u32 v37, $0x3;
	[tilespmem:v45+s24+$0x0] =	vst.idx.msk $0xffff, v44  }
0x2c4: {  	v36 =	vshll.u32 v36, v1;
	v44 =	vshrl.u32 v49, $0x3;
	v37 =	vshll.u32 v37, v1;
	[tilespmem:v42+s24+$0x0] =	vst.idx.msk $0xffff, v48;
	v45 =	vld [tilespmem:s7+$0x60]  }
0x2c5: {  	v42 =	vbroadcast v36, $0x0;
	v36 =	vshll.u32 v44, v1;
	v44 =	vbroadcast v37, $0x0;
	[tilespmem:v53+s24+$0x0] =	vst.idx.msk $0xffff, v47;
	v47 =	vld [tilespmem:s7+$0xE0]  }
0x2c6: {  	v34 =	vadd.s32 v8, v34;
	v37 =	vbroadcast v36, $0x0;
	v36 =	vmov s16;
	[tilespmem:v40+s24+$0x0] =	vst.idx.msk $0xffff, v46;
	v40 =	vld [tilespmem:s7+$0xFFFFFFF0]  }
0x2c7: {  	s16 =	sadd.s32 $0xFFFFFFFC, s8;
	v46 =	vadd.s32 v0, v42;
	v36 =	vshrl.u32 v36, $0x3;
	v48 =	vadd.s32 v25, v44;
	[tilespmem:v56+s24+$0x0] =	vst.idx.msk $0xffff, v55;
	v49 =	vld [tilespmem:s7+$0xFFFFFF70]  }
0x2c8: {  	v53 =	vld [tilespmem:s14+$0xFFFFFF00];
	v55 =	vadd.s32 v9, v37;
	v36 =	vshll.u32 v36, v1;
	[tilespmem:v54+s24+$0x0] =	vst.idx.msk $0xffff, v52;
	v52 =	vmov s16  }
0x2c9: {  	s16 =	sadd.s32 $0xFFFFFFFA, s8;
	v54 =	vld [tilespmem:s14+$0xFFFFFF80];
	v56 =	vbroadcast v36, $0x0;
	v36 =	vshrl.u32 v52, $0x3;
	[tilespmem:v43+s24+$0x0] =	vst.idx.msk $0xffff, v45  }
0x2ca: {  	v39 =	vadd.s32 v24, v39;
	v43 =	vmov s16;
	v36 =	vshll.u32 v36, v1;
	v45 =	vld [tilespmem:s7+$0x70];
	[tilespmem:v41+s24+$0x0] =	vst.idx.msk $0xffff, v47  }
0x2cb: {  	v43 =	vshrl.u32 v43, $0x3;
	v41 =	vadd.s32 v17, v56;
	v36 =	vbroadcast v36, $0x0;
	[tilespmem:v50+s24+$0x0] =	vst.idx.msk $0xffff, v40;
	v47 =	vld [tilespmem:s7+$0xF0];
	s7 =	smov.u32 s11;
	s11 =	smov.u32 s14  }
0x2cc: {  	v38 =	vadd.s32 v32, v38;
	v40 =	vshll.u32 v43, v1;
	v50 =	vld [tilespmem:s7+$0xFFFFFF40];
	[tilespmem:v34+s24+$0x0] =	vst.idx.msk $0xffff, v49  }
0x2cd: {  	v34 =	vbroadcast v40, $0x0;
	[tilespmem:v48+s24+$0x0] =	vst.idx.msk $0xffff, v51;
	v43 =	vld [tilespmem:s7+$0xFFFFFFC0];
	v48 =	vadd.s32 v13, v36  }
0x2ce: {  	v49 =	vadd.s32 v10, v37;
	[tilespmem:v46+s24+$0x0] =	vst.idx.msk $0xffff, v53;
	v46 =	vadd.s32 v2, v42;
	v51 =	vld [tilespmem:s14+$0x0]  }
0x2cf: {  	v52 =	vadd.s32 v5, v34;
	v40 =	vadd.s32 v7, v34;
	v53 =	vld [tilespmem:s7+$0xB0];
	[tilespmem:v39+s24+$0x0] =	vst.idx.msk $0xffff, v45  }
0x2d0: {  	v45 =	vld [tilespmem:s14+$0xFFFFFF10];
	[tilespmem:v55+s24+$0x0] =	vst.idx.msk $0xffff, v54;
	v54 =	vadd.s32 v28, v33;
	v33 =	vmov v44  }
0x2d1: {  	v57 =	vadd.s32 v20, v35;
	s16 =	sadd.s32 $0xFFFFFFFE, s8;
	v35 =	vmov v56;
	v55 =	vadd.s32 v26, v33;
	v44 =	vld [tilespmem:s7+$0x30];
	[tilespmem:v38+s24+$0x0] =	vst.idx.msk $0xffff, v47  }
0x2d2: {  	v38 =	vmov s16;
	v56 =	vld [tilespmem:s14+$0x90];
	[tilespmem:v48+s24+$0x0] =	vst.idx.msk $0xffff, v43  }
0x2d3: {  	v39 =	vmov s8;
	s8 =	smov.u32 s0;
	v38 =	vshrl.u32 v38, $0x3;
	v43 =	vld [tilespmem:s14+$0xFFFFFF90];
	[tilespmem:v41+s24+$0x0] =	vst.idx.msk $0xffff, v51  }
0x2d4: {  	v47 =	vadd.s32 v14, v36;
	v48 =	vshrl.u32 v39, $0x3;
	v38 =	vshll.u32 v38, v1;
	[tilespmem:v52+s24+$0x0] =	vst.idx.msk $0xffff, v50;
	v41 =	vld [tilespmem:s7+$0xFFFFFFD0]  }
0x2d5: {  	v51 =	vadd.s32 v6, v34;
	v39 =	vbroadcast v38, $0x0;
	v38 =	vshll.u32 v48, v1;
	v50 =	vld [tilespmem:s7+$0xFFFFFF50];
	[tilespmem:v54+s24+$0x0] =	vst.idx.msk $0xffff, v53  }
0x2d6: {  	v52 =	vadd.s32 v18, v35;
	v38 =	vbroadcast v38, $0x0;
	v48 =	vld [tilespmem:s14+$0x10];
	[tilespmem:v57+s24+$0x0] =	vst.idx.msk $0xffff, v44  }
0x2d7: {  	[tilespmem:v46+s24+$0x0] =	vst.idx.msk $0xffff, v45;
	v44 =	vld [tilespmem:s7+$0x40];
	v45 =	vadd.s32 v21, v39  }
0x2d8: {  	v46 =	vadd.s32 v29, v38;
	[tilespmem:v49+s24+$0x0] =	vst.idx.msk $0xffff, v43;
	v43 =	vld [tilespmem:s7+$0xC0]  }
0x2d9: {  	v54 =	vadd.s32 v3, v42;
	v53 =	vld [tilespmem:s14+$0xFFFFFF20];
	[tilespmem:v47+s24+$0x0] =	vst.idx.msk $0xffff, v41  }
0x2da: {  	v57 =	vadd.s32 v11, v37;
	v41 =	vld [tilespmem:s14+$0xFFFFFFA0];
	[tilespmem:v51+s24+$0x0] =	vst.idx.msk $0xffff, v50  }
0x2db: {  	[tilespmem:v52+s24+$0x0] =	vst.idx.msk $0xffff, v48;
	v50 =	vld [tilespmem:s7+$0xFFFFFFE0]  }
.Ltmp7:
0x2dc: {  	v52 =	vadd.s32 v15, v36;
	v47 =	vld [tilespmem:s14+$0x20];
	[tilespmem:v45+s24+$0x0] =	vst.idx.msk $0xffff, v44;
	(pc) =	sbr.rel @p1 .LBB2_17-.Ltmp7, $4  }
0x2dd: {  	v51 =	vadd.s32 v22, v39;
	v49 =	vld [tilespmem:s7+$0x50];
	[tilespmem:v46+s24+$0x0] =	vst.idx.msk $0xffff, v43  }
0x2de: {  	v45 =	vadd.s32 v30, v38;
	[tilespmem:v54+s24+$0x0] =	vst.idx.msk $0xffff, v53;
	v44 =	vld [tilespmem:s7+$0xD0]  }
0x2df: {  	v42 =	vadd.s32 v4, v42;
	v48 =	vld [tilespmem:s14+$0xFFFFFF30];
	[tilespmem:v57+s24+$0x0] =	vst.idx.msk $0xffff, v41;
	v41 =	vadd.s32 v31, v38  }
0x2e0: {  	s0 =	sadd.s32 $0x8, s0;
	v43 =	vadd.s32 v23, v39;
	v53 =	vadd.s32 v19, v35;
	[tilespmem:v55+s24+$0x0] =	vst.idx.msk $0xffff, v56;
	v46 =	vld [tilespmem:s7+$0xFFFFFF60]  }
0x2e1: {  	v54 =	vld [tilespmem:s11+$0xA0];
	v55 =	vadd.s32 v27, v33;
	_ =	sdelay $0x2  }
0x2e2: {  	s0 =	sadd.s32 $0xFFFFFFFC, s8;
	v37 =	vadd.s32 v12, v37;
	v56 =	vld [tilespmem:s11+$0xFFFFFFB0]  }
0x2e3: {  	s18 =	sadd.s32 $0xFFFFFFFA, s8;
	[tilespmem:v53+s24+$0x0] =	vst.idx.msk $0xffff, v47;
	v35 =	vadd.s32 v20, v35;
	v33 =	vadd.s32 v28, v33;
	v57 =	vmov s0  }
0x2e4: {  	s28 =	sadd.s32 $0xFFFFFFFE, s8;
	v62 =	vmov s8;
	v58 =	vmov s18;
	v57 =	vshrl.u32 v57, $0x3;
	[tilespmem:v55+s24+$0x0] =	vst.idx.msk $0xffff, v54;
	v54 =	vld [tilespmem:s11+$0x30]  }
0x2e5: {  	[tilespmem:v52+s24+$0x0] =	vst.idx.msk $0xffff, v50;
	v59 =	vmov s28;
	v53 =	vshrl.u32 v58, $0x3;
	v47 =	vshll.u32 v57, v1;
	v50 =	vld [tilespmem:s11+$0xB0]  }
0x2e6: {  	[tilespmem:v51+s24+$0x0] =	vst.idx.msk $0xffff, v49;
	v61 =	vshrl.u32 v59, $0x3;
	v60 =	vshll.u32 v53, v1;
	v47 =	vbroadcast v47, $0x0  }
0x2e7: {  	v63 =	vshll.u32 v61, v1;
	[tilespmem:v37+s24+$0x0] =	vst.idx.msk $0xffff, v56;
	v37 =	vbroadcast v60, $0x0;
	v55 =	vshrl.u32 v62, $0x3  }
0x2e8: {  	[tilespmem:v42+s24+$0x0] =	vst.idx.msk $0xffff, v48;
	v49 =	vbroadcast v63, $0x0;
	v42 =	vld [tilespmem:s11+$0xFFFFFFC0];
	v56 =	vadd.s32 v13, v47;
	v51 =	vshll.u32 v55, v1  }
0x2e9: {  	v57 =	vld [tilespmem:s11+$0xFFFFFF40];
	v58 =	vadd.s32 v5, v37;
	[tilespmem:v35+s24+$0x0] =	vst.idx.msk $0xffff, v54;
	v35 =	vbroadcast v51, $0x0  }
0x2ea: {  	v59 =	vadd.s32 v21, v49;
	[tilespmem:v33+s24+$0x0] =	vst.idx.msk $0xffff, v50;
	v33 =	vld [tilespmem:s11+$0x40]  }
0x2eb: {  	[tilespmem:v45+s24+$0x0] =	vst.idx.msk $0xffff, v44;
	v60 =	vld [tilespmem:s11+$0xC0];
	v61 =	vadd.s32 v29, v35  }
0x2ec: {  	[tilespmem:v40+s24+$0x0] =	vst.idx.msk $0xffff, v46;
	v63 =	vld [tilespmem:s7+$0xE0]  }
0x2ed: {  	v62 =	vld [tilespmem:s7+$0x60];
	[tilespmem:v56+s24+$0x0] =	vst.idx.msk $0xffff, v42  }
0x2ee: {  	v56 =	vadd.s32 v14, v47;
	[tilespmem:v58+s24+$0x0] =	vst.idx.msk $0xffff, v57;
	v42 =	vld [tilespmem:s11+$0xFFFFFFD0]  }
0x2ef: {  	v58 =	vadd.s32 v6, v37;
	v57 =	vld [tilespmem:s11+$0xFFFFFF50];
	[tilespmem:v59+s24+$0x0] =	vst.idx.msk $0xffff, v33  }
0x2f0: {  	v59 =	vadd.s32 v22, v49;
	v33 =	vld [tilespmem:s11+$0x50];
	[tilespmem:v61+s24+$0x0] =	vst.idx.msk $0xffff, v60  }
0x2f1: {  	[tilespmem:v41+s24+$0x0] =	vst.idx.msk $0xffff, v63;
	v61 =	vadd.s32 v30, v35;
	v60 =	vld [tilespmem:s11+$0xD0]  }
0x2f2: {  	v34 =	vadd.s32 v8, v34;
	v63 =	vld [tilespmem:s7+$0xFFFFFF70];
	[tilespmem:v43+s24+$0x0] =	vst.idx.msk $0xffff, v62  }
0x2f3: {  	v36 =	vadd.s32 v16, v36;
	v62 =	vld [tilespmem:s7+$0xFFFFFFF0];
	[tilespmem:v56+s24+$0x0] =	vst.idx.msk $0xffff, v42  }
0x2f4: {  	v54 =	vadd.s32 v15, v47;
	[tilespmem:v58+s24+$0x0] =	vst.idx.msk $0xffff, v57;
	v53 =	vld [tilespmem:s11+$0xFFFFFFE0]  }
0x2f5: {  	v55 =	vadd.s32 v7, v37;
	v48 =	vld [tilespmem:s11+$0xFFFFFF60];
	[tilespmem:v59+s24+$0x0] =	vst.idx.msk $0xffff, v33  }
0x2f6: {  	v56 =	vadd.s32 v23, v49;
	[tilespmem:v61+s24+$0x0] =	vst.idx.msk $0xffff, v60;
	v57 =	vld [tilespmem:s11+$0x60]  }
0x2f7: {  	[tilespmem:v34+s24+$0x0] =	vst.idx.msk $0xffff, v63;
	v58 =	vadd.s32 v31, v35;
	v44 =	vld [tilespmem:s11+$0xE0]  }
0x2f8: {  	v39 =	vadd.s32 v24, v39;
	[tilespmem:v36+s24+$0x0] =	vst.idx.msk $0xffff, v62;
	v59 =	vld [tilespmem:s7+$0x70]  }
0x2f9: {  	v38 =	vadd.s32 v32, v38;
	v60 =	vld [tilespmem:s7+$0xF0];
	[tilespmem:v54+s24+$0x0] =	vst.idx.msk $0xffff, v53  }
0x2fa: {  	v61 =	vadd.s32 v16, v47;
	[tilespmem:v55+s24+$0x0] =	vst.idx.msk $0xffff, v48;
	v41 =	vld [tilespmem:s11+$0xFFFFFFF0]  }
0x2fb: {  	v37 =	vadd.s32 v8, v37;
	v62 =	vld [tilespmem:s11+$0xFFFFFF70];
	[tilespmem:v56+s24+$0x0] =	vst.idx.msk $0xffff, v57  }
0x2fc: {  	v63 =	vadd.s32 v24, v49;
	v33 =	vld [tilespmem:s11+$0x70];
	[tilespmem:v58+s24+$0x0] =	vst.idx.msk $0xffff, v44  }
0x2fd: {  	v35 =	vadd.s32 v32, v35;
	[tilespmem:v39+s24+$0x0] =	vst.idx.msk $0xffff, v59;
	v36 =	vld [tilespmem:s11+$0xF0]  }
0x2fe: {  	[tilespmem:v38+s24+$0x0] =	vst.idx.msk $0xffff, v60  }
0x2ff: {  	[tilespmem:v61+s24+$0x0] =	vst.idx.msk $0xffff, v41  }
0x300: {  	[tilespmem:v37+s24+$0x0] =	vst.idx.msk $0xffff, v62  }
0x301: {  	[tilespmem:v63+s24+$0x0] =	vst.idx.msk $0xffff, v33  }
0x302: {  	s0 =	simm.s32 @!p0 $0x1;
	[tilespmem:v35+s24+$0x0] =	vst.idx.msk $0xffff, v36  }
0x303: {  	_ =	swait.ge @!p0 [sflag:s0], $0xC8  }
0x304: {  	s8 =	simm.s32 @!p0 $0x0;
	s7 =	sor.u32 $0x2, s10;
	[sflag:s0] =	ssyncset.done @!p0 $0x0  }
0x305: {  	s11 =	simm.s32 @!p0 $0x320;
	[sflag:s0] =	ssyncadd.s32 @!p0 $0xFFFFFF38;
	s0 =	simm.s32 @!p0 $0x60  }
0x306: {  	[tilespmem:s11], [sflag:$0x5] =	stream.indirect.gather @!p0 [hbm4b:s2+s0], $0x80, s8, s0, $0xb8;
	[tilespmem:$0x19720] =	vst v63  }
0x307: {  	s12 =	simm.s32 @!p0 $0x3320;
	s14 =	smul.u32 @!p0 $0xC8, s7;
	s11 =	simm.s32 @!p0 $0x68  }
0x308: {  	[tilespmem:s12], [sflag:$0x6] =	stream.indirect.gather @!p0 [hbm4b:s2+s11], $0x80, s0, s11, $0xb8;
	[tilespmem:$0x19720] =	vst v63  }
0x309: {  	s0 =	sshrl.u32 @!p0 s14, $0x3  }
0x30a: {  	s0 =	sadd.s32 @!p0 s6, s0  }
0x30b: {  	s7 =	smul.u32 $0xC80, s7;
	s11 =	simm.s32 @!p0 $0x190;
	s0 =	sadd.s32 @!p0 $0x64, s0  }
0x30c: {  	[tilespmem:s11], [sflag:$0x3] =	stream.linear.gather @!p0 [hbm4b:s0+s8], $0xC8, $0x38;
	[tilespmem:$0x19720] =	vst v63  }
0x30d: {  	s0 =	sadd.s32 s3, s7;
	s7 =	simm.s32 $0xCB20  }
0x30e: {  	s8 =	simm.s32 $0x32;
	s11 =	simm.s32 $0xCCB8;
	s12 =	sadd.s32 $0x0, s0  }
.LBB2_19:
0x30f: {  	[hbm4b:s12+s5] =	stream.linear.scatter [tilespmem:s7], [sflag:$0x9], $0x190, $0x38;
	[tilespmem:$0x19720] =	vst v63  }
0x310: {  	s12 =	smov.u32 s8;
	s7 =	smov.u32 s11;
	p1 =	sne.s32 s8, $0xC4E  }
.Ltmp8:
0x311: {  	s8 =	sadd.s32 $0x32, s8;
	(pc) =	sbr.rel @p1 .LBB2_19-.Ltmp8, $2  }
0x312: {  	_ =	sdelay $0x2  }
0x313: {  	s11 =	sadd.s32 $0x198, s11;
	s12 =	sadd.s32 s12, s0  }
0x314: {  	[hbm4b:s12+s5] =	stream.linear.scatter [tilespmem:s7], [sflag:$0x9], $0x190, $0x38;
	[tilespmem:$0x19720] =	vst v63  }
0x315: {  	s0 =	simm.s32 $0x4;
	_ =	swait.ge [sflag:s17], $0x6400  }
0x316: {  	v33 =	vmov s0;
	[sflag:s17] =	ssyncset.done $0x0  }
0x317: {  	v33 =	vshrl.u32 v33, $0x3;
	[sflag:s17] =	ssyncadd.s32 $0xFFFF9C00  }
0x318: {  	v33 =	vshll.u32 v33, v1;
	_ =	swait.ge [sflag:s29], $0x3000  }
0x319: {  	s11 =	simm.s32 $0x6;
	v39 =	vbroadcast v33, $0x0;
	[sflag:s29] =	ssyncset.done $0x0  }
0x31a: {  	s7 =	simm.s32 $0x6820;
	s12 =	simm.s32 $0x0;
	v35 =	vmov s11;
	[sflag:s29] =	ssyncadd.s32 $0xFFFFD000  }
0x31b: {  	v37 =	vmov s12;
	v35 =	vshrl.u32 v35, $0x3;
	v34 =	vadd.s32 v17, v39;
	v57 =	vld [tilespmem:s7+$0x0]  }
0x31c: {  	v61 =	vshrl.u32 v37, $0x3;
	v35 =	vshll.u32 v35, v1  }
0x31d: {  	s8 =	simm.s32 $0x2;
	v41 =	vbroadcast v35, $0x0;
	v35 =	vshll.u32 v61, v1  }
0x31e: {  	v36 =	vmov s8;
	v35 =	vbroadcast v35, $0x0  }
0x31f: {  	v36 =	vshrl.u32 v36, $0x3;
	v62 =	vadd.s32 v25, v41;
	v38 =	vld [tilespmem:s7+$0x80]  }
0x320: {  	v58 =	vshll.u32 v36, v1;
	v43 =	vld [tilespmem:s7+$0xFFFFFF00];
	v44 =	vadd.s32 v0, v35;
	[tilespmem:v34+s30+$0x0] =	vst.idx.msk $0xffff, v57  }
0x321: {  	v33 =	vbroadcast v58, $0x0;
	v59 =	vadd.s32 v18, v39;
	v60 =	vld [tilespmem:s7+$0x10];
	_ =	sdelay $0x1  }
0x322: {  	v40 =	vadd.s32 v9, v33;
	v42 =	vld [tilespmem:s7+$0xFFFFFF80]  }
0x323: {  	[tilespmem:v62+s30+$0x0] =	vst.idx.msk $0xffff, v38  }
0x324: {  	v48 =	vadd.s32 v26, v41;
	[tilespmem:v44+s30+$0x0] =	vst.idx.msk $0xffff, v43;
	v38 =	vld [tilespmem:s7+$0x90]  }
0x325: {  	v50 =	vadd.s32 v2, v35;
	v43 =	vld [tilespmem:s7+$0xFFFFFF10];
	[tilespmem:v59+s30+$0x0] =	vst.idx.msk $0xffff, v60  }
0x326: {  	v63 =	vadd.s32 v19, v39;
	v34 =	vld [tilespmem:s7+$0x20]  }
0x327: {  	[tilespmem:v40+s30+$0x0] =	vst.idx.msk $0xffff, v42  }
0x328: {  	v49 =	vadd.s32 v10, v33;
	v42 =	vld [tilespmem:s7+$0xFFFFFF90]  }
0x329: {  	[tilespmem:v48+s30+$0x0] =	vst.idx.msk $0xffff, v38  }
0x32a: {  	v52 =	vadd.s32 v27, v41;
	[tilespmem:v50+s30+$0x0] =	vst.idx.msk $0xffff, v43;
	v37 =	vld [tilespmem:s7+$0xA0]  }
0x32b: {  	v54 =	vadd.s32 v3, v35;
	v44 =	vld [tilespmem:s7+$0xFFFFFF20];
	[tilespmem:v63+s30+$0x0] =	vst.idx.msk $0xffff, v34  }
0x32c: {  	v51 =	vadd.s32 v20, v39;
	v34 =	vld [tilespmem:s7+$0x30]  }
0x32d: {  	[tilespmem:v49+s30+$0x0] =	vst.idx.msk $0xffff, v42  }
0x32e: {  	v53 =	vadd.s32 v11, v33;
	v40 =	vld [tilespmem:s7+$0xFFFFFFA0]  }
0x32f: {  	s14 =	simm.s32 $0xC;
	s16 =	simm.s32 $0xE;
	[tilespmem:v52+s30+$0x0] =	vst.idx.msk $0xffff, v37  }
0x330: {  	v55 =	vmov s14;
	v45 =	vadd.s32 v21, v39;
	v57 =	vmov s16;
	[tilespmem:v54+s30+$0x0] =	vst.idx.msk $0xffff, v44  }
0x331: {  	s18 =	simm.s32 $0xA;
	v56 =	vadd.s32 v28, v41;
	v36 =	vshrl.u32 v57, $0x3;
	v38 =	vld [tilespmem:s7+$0xB0];
	[tilespmem:v51+s30+$0x0] =	vst.idx.msk $0xffff, v34;
	v34 =	vshrl.u32 v55, $0x3  }
0x332: {  	v59 =	vmov s18;
	v60 =	vadd.s32 v4, v35;
	v44 =	vld [tilespmem:s7+$0xFFFFFF30];
	v34 =	vshll.u32 v34, v1  }
0x333: {  	v48 =	vshll.u32 v36, v1;
	v43 =	vshrl.u32 v59, $0x3;
	[tilespmem:v53+s30+$0x0] =	vst.idx.msk $0xffff, v40;
	v46 =	vld [tilespmem:s7+$0x40];
	v36 =	vbroadcast v34, $0x0  }
0x334: {  	s11 =	simm.s32 $0x6A20;
	v58 =	vadd.s32 v12, v33;
	v43 =	vshll.u32 v43, v1;
	v42 =	vld [tilespmem:s7+$0xFFFFFFB0];
	v34 =	vbroadcast v48, $0x0  }
0x335: {  	v47 =	vld [tilespmem:s11+$0x0];
	v37 =	vbroadcast v43, $0x0;
	v61 =	vadd.s32 v17, v36  }
0x336: {  	v49 =	vld [tilespmem:s11+$0x80];
	[tilespmem:v56+s30+$0x0] =	vst.idx.msk $0xffff, v38;
	v62 =	vadd.s32 v25, v34  }
0x337: {  	v52 =	vadd.s32 v9, v37;
	[tilespmem:v60+s30+$0x0] =	vst.idx.msk $0xffff, v44;
	v56 =	vld [tilespmem:s11+$0xFFFFFF80]  }
0x338: {  	s28 =	simm.s32 $0x8;
	v60 =	vadd.s32 v5, v35;
	v59 =	vld [tilespmem:s7+$0xFFFFFF40];
	[tilespmem:v45+s30+$0x0] =	vst.idx.msk $0xffff, v46  }
0x339: {  	v57 =	vadd.s32 v22, v39;
	[tilespmem:v58+s30+$0x0] =	vst.idx.msk $0xffff, v42;
	v51 =	vmov s28;
	v46 =	vld [tilespmem:s7+$0x50]  }
0x33a: {  	v50 =	vadd.s32 v13, v33;
	v63 =	vld [tilespmem:s7+$0xFFFFFFC0];
	v58 =	vshrl.u32 v51, $0x3;
	[tilespmem:v61+s30+$0x0] =	vst.idx.msk $0xffff, v47  }
0x33b: {  	v48 =	vshll.u32 v58, v1;
	v61 =	vadd.s32 v18, v36;
	[tilespmem:v62+s30+$0x0] =	vst.idx.msk $0xffff, v49;
	v53 =	vld [tilespmem:s11+$0x10]  }
0x33c: {  	v38 =	vbroadcast v48, $0x0;
	[tilespmem:v52+s30+$0x0] =	vst.idx.msk $0xffff, v56;
	v62 =	vadd.s32 v26, v34;
	v49 =	vld [tilespmem:s11+$0x90]  }
0x33d: {  	v42 =	vld [tilespmem:s7+$0xC0];
	[tilespmem:v60+s30+$0x0] =	vst.idx.msk $0xffff, v59;
	v59 =	vadd.s32 v29, v41  }
0x33e: {  	v58 =	vadd.s32 v0, v38;
	[tilespmem:v57+s30+$0x0] =	vst.idx.msk $0xffff, v46;
	v57 =	vld [tilespmem:s11+$0xFFFFFF00]  }
0x33f: {  	[tilespmem:v50+s30+$0x0] =	vst.idx.msk $0xffff, v63;
	v63 =	vadd.s32 v23, v39;
	v40 =	vld [tilespmem:s7+$0x60]  }
0x340: {  	v60 =	vld [tilespmem:s7+$0xFFFFFF50];
	[tilespmem:v61+s30+$0x0] =	vst.idx.msk $0xffff, v53;
	v61 =	vadd.s32 v6, v35  }
0x341: {  	v44 =	vld [tilespmem:s11+$0xFFFFFF90];
	[tilespmem:v62+s30+$0x0] =	vst.idx.msk $0xffff, v49;
	v62 =	vadd.s32 v10, v37  }
0x342: {  	v54 =	vadd.s32 v19, v36;
	[tilespmem:v59+s30+$0x0] =	vst.idx.msk $0xffff, v42;
	v53 =	vld [tilespmem:s11+$0x20]  }
0x343: {  	v56 =	vld [tilespmem:s7+$0xD0];
	[tilespmem:v58+s30+$0x0] =	vst.idx.msk $0xffff, v57;
	v57 =	vadd.s32 v30, v41  }
0x344: {  	v55 =	vadd.s32 v14, v33;
	[tilespmem:v63+s30+$0x0] =	vst.idx.msk $0xffff, v40;
	v63 =	vld [tilespmem:s7+$0xFFFFFFD0]  }
0x345: {  	v59 =	vadd.s32 v2, v38;
	v58 =	vld [tilespmem:s11+$0xFFFFFF10];
	[tilespmem:v61+s30+$0x0] =	vst.idx.msk $0xffff, v60  }
0x346: {  	v39 =	vadd.s32 v24, v39;
	v43 =	vld [tilespmem:s7+$0x70];
	[tilespmem:v62+s30+$0x0] =	vst.idx.msk $0xffff, v44  }
0x347: {  	v45 =	vld [tilespmem:s11+$0xA0];
	[tilespmem:v54+s30+$0x0] =	vst.idx.msk $0xffff, v53  }
0x348: {  	v44 =	vld [tilespmem:s7+$0xFFFFFF60];
	v53 =	vadd.s32 v27, v34;
	[tilespmem:v57+s30+$0x0] =	vst.idx.msk $0xffff, v56  }
0x349: {  	v50 =	vadd.s32 v20, v36;
	v49 =	vld [tilespmem:s11+$0x30];
	[tilespmem:v55+s30+$0x0] =	vst.idx.msk $0xffff, v63  }
0x34a: {  	v52 =	vadd.s32 v11, v37;
	v47 =	vadd.s32 v7, v35;
	v51 =	vld [tilespmem:s11+$0xFFFFFFA0];
	[tilespmem:v59+s30+$0x0] =	vst.idx.msk $0xffff, v58  }
0x34b: {  	v46 =	vadd.s32 v12, v37;
	v40 =	vadd.s32 v3, v38;
	v48 =	vld [tilespmem:s7+$0xE0];
	[tilespmem:v39+s30+$0x0] =	vst.idx.msk $0xffff, v43  }
0x34c: {  	s0 =	simm.s32 $0x4;
	s8 =	simm.s32 $0x10;
	s12 =	simm.s32 $0x6A20;
	v39 =	vadd.s32 v32, v41;
	v42 =	vld [tilespmem:s7+$0xFFFFFFE0];
	v43 =	vadd.s32 v15, v33;
	v41 =	vadd.s32 v31, v41  }
.LBB2_21:
0x34d: {  	v54 =	vmov s8;
	s14 =	sadd.s32 $0x2, s8;
	s16 =	sadd.s32 $0x6, s8;
	v55 =	vld [tilespmem:s11+$0xFFFFFF20];
	v56 =	vadd.s32 v21, v36;
	[tilespmem:v53+s30+$0x0] =	vst.idx.msk $0xffff, v45;
	v45 =	vadd.s32 v28, v34;
	s12 =	sadd.s32 $0x200, s12  }
0x34e: {  	s0 =	sadd.s32 $0x4, s0;
	v53 =	vshrl.u32 v54, $0x3;
	v54 =	vmov s14;
	s14 =	sadd.s32 $0x4, s8;
	v57 =	vmov s16;
	[tilespmem:v50+s30+$0x0] =	vst.idx.msk $0xffff, v49;
	v49 =	vld [tilespmem:s11+$0xB0]  }
0x34f: {  	p1 =	slt.u32 s0, $0x5C;
	v50 =	vshrl.u32 v54, $0x3;
	v54 =	vmov s14;
	v58 =	vld [tilespmem:s12+$0x0];
	v57 =	vshrl.u32 v57, $0x3;
	[tilespmem:v52+s30+$0x0] =	vst.idx.msk $0xffff, v51  }
0x350: {  	v50 =	vshll.u32 v50, v1;
	v51 =	vshrl.u32 v54, $0x3;
	v52 =	vshll.u32 v57, v1;
	v54 =	vld [tilespmem:s11+$0x40];
	[tilespmem:v47+s30+$0x0] =	vst.idx.msk $0xffff, v44  }
0x351: {  	v44 =	vbroadcast v50, $0x0;
	v47 =	vshll.u32 v51, v1;
	v57 =	vbroadcast v52, $0x0;
	v50 =	vld [tilespmem:s11+$0xFFFFFFB0];
	[tilespmem:v41+s30+$0x0] =	vst.idx.msk $0xffff, v48  }
0x352: {  	v41 =	vshll.u32 v53, v1;
	v51 =	vadd.s32 v8, v35;
	v47 =	vbroadcast v47, $0x0;
	[tilespmem:v40+s30+$0x0] =	vst.idx.msk $0xffff, v55;
	v48 =	vld [tilespmem:s7+$0xFFFFFF70]  }
0x353: {  	v41 =	vbroadcast v41, $0x0;
	v55 =	vadd.s32 v4, v38;
	v52 =	vadd.s32 v9, v44;
	v53 =	vld [tilespmem:s11+$0xFFFFFF30];
	[tilespmem:v43+s30+$0x0] =	vst.idx.msk $0xffff, v42  }
0x354: {  	v42 =	vadd.s32 v17, v47;
	[tilespmem:v45+s30+$0x0] =	vst.idx.msk $0xffff, v49;
	v43 =	vld [tilespmem:s7+$0xFFFFFFF0];
	v45 =	vadd.s32 v16, v33;
	v33 =	vmov v37  }
0x355: {  	v40 =	vadd.s32 v3, v41;
	v49 =	vadd.s32 v25, v57;
	v37 =	vmov v44;
	[tilespmem:v56+s30+$0x0] =	vst.idx.msk $0xffff, v54;
	v54 =	vld [tilespmem:s7+$0xF0];
	s7 =	smov.u32 s11;
	s11 =	smov.u32 s12  }
0x356: {  	v35 =	vmov v38;
	v38 =	vmov v41;
	[tilespmem:v46+s30+$0x0] =	vst.idx.msk $0xffff, v50;
	v44 =	vld [tilespmem:s7+$0x50]  }
0x357: {  	v41 =	vld [tilespmem:s12+$0x80];
	[tilespmem:v51+s30+$0x0] =	vst.idx.msk $0xffff, v48  }
0x358: {  	v46 =	vadd.s32 v22, v36;
	[tilespmem:v55+s30+$0x0] =	vst.idx.msk $0xffff, v53;
	v48 =	vld [tilespmem:s7+$0xC0]  }
0x359: {  	v50 =	vadd.s32 v10, v37;
	v53 =	vadd.s32 v13, v33;
	v51 =	vld [tilespmem:s7+$0xFFFFFFC0];
	[tilespmem:v45+s30+$0x0] =	vst.idx.msk $0xffff, v43  }
0x35a: {  	v45 =	vadd.s32 v18, v47;
	v43 =	vld [tilespmem:s12+$0xFFFFFF80];
	[tilespmem:v39+s30+$0x0] =	vst.idx.msk $0xffff, v54  }
0x35b: {  	[tilespmem:v42+s30+$0x0] =	vst.idx.msk $0xffff, v58;
	v39 =	vld [tilespmem:s7+$0xFFFFFF40];
	v42 =	vadd.s32 v5, v35  }
0x35c: {  	v54 =	vld [tilespmem:s12+$0x10];
	[tilespmem:v49+s30+$0x0] =	vst.idx.msk $0xffff, v41;
	v41 =	vadd.s32 v26, v57  }
0x35d: {  	v49 =	vld [tilespmem:s12+$0x90];
	[tilespmem:v46+s30+$0x0] =	vst.idx.msk $0xffff, v44  }
0x35e: {  	v46 =	vadd.s32 v23, v36;
	[tilespmem:v53+s30+$0x0] =	vst.idx.msk $0xffff, v51;
	v44 =	vld [tilespmem:s7+$0x60]  }
0x35f: {  	v53 =	vadd.s32 v0, v38;
	v51 =	vld [tilespmem:s12+$0xFFFFFF00];
	[tilespmem:v52+s30+$0x0] =	vst.idx.msk $0xffff, v43  }
0x360: {  	v43 =	vld [tilespmem:s12+$0xFFFFFF90];
	[tilespmem:v42+s30+$0x0] =	vst.idx.msk $0xffff, v39;
	v39 =	vadd.s32 v29, v34  }
0x361: {  	v52 =	vadd.s32 v6, v35;
	[tilespmem:v45+s30+$0x0] =	vst.idx.msk $0xffff, v54;
	v42 =	vld [tilespmem:s7+$0xFFFFFF50]  }
0x362: {  	v55 =	vadd.s32 v19, v47;
	v54 =	vld [tilespmem:s12+$0x20];
	[tilespmem:v41+s30+$0x0] =	vst.idx.msk $0xffff, v49  }
0x363: {  	v45 =	vld [tilespmem:s12+$0xA0];
	[tilespmem:v46+s30+$0x0] =	vst.idx.msk $0xffff, v44  }
0x364: {  	v46 =	vadd.s32 v24, v36;
	v36 =	vmov v47;
	[tilespmem:v53+s30+$0x0] =	vst.idx.msk $0xffff, v51;
	v41 =	vld [tilespmem:s7+$0x70]  }
0x365: {  	v56 =	vadd.s32 v14, v33;
	v47 =	vld [tilespmem:s7+$0xFFFFFFD0];
	[tilespmem:v39+s30+$0x0] =	vst.idx.msk $0xffff, v48  }
0x366: {  	v58 =	vadd.s32 v30, v34;
	[tilespmem:v52+s30+$0x0] =	vst.idx.msk $0xffff, v42;
	v48 =	vld [tilespmem:s7+$0xD0]  }
0x367: {  	v60 =	vadd.s32 v2, v38;
	v59 =	vld [tilespmem:s12+$0xFFFFFF10];
	[tilespmem:v55+s30+$0x0] =	vst.idx.msk $0xffff, v54  }
.Ltmp9:
0x368: {  	v53 =	vadd.s32 v27, v57;
	[tilespmem:v50+s30+$0x0] =	vst.idx.msk $0xffff, v43;
	v44 =	vld [tilespmem:s7+$0xFFFFFF60];
	(pc) =	sbr.rel @p1 .LBB2_21-.Ltmp9, $4  }
0x369: {  	v50 =	vadd.s32 v20, v36;
	v49 =	vld [tilespmem:s12+$0x30];
	[tilespmem:v46+s30+$0x0] =	vst.idx.msk $0xffff, v41  }
0x36a: {  	v39 =	vadd.s32 v32, v34;
	v52 =	vadd.s32 v11, v37;
	v51 =	vld [tilespmem:s12+$0xFFFFFFA0];
	[tilespmem:v56+s30+$0x0] =	vst.idx.msk $0xffff, v47  }
0x36b: {  	v43 =	vadd.s32 v15, v33;
	v47 =	vadd.s32 v7, v35;
	v42 =	vld [tilespmem:s7+$0xFFFFFFE0];
	[tilespmem:v58+s30+$0x0] =	vst.idx.msk $0xffff, v48  }
0x36c: {  	s8 =	sadd.s32 $0x8, s8;
	v46 =	vadd.s32 v12, v37;
	v41 =	vadd.s32 v31, v34;
	v34 =	vmov v57;
	[tilespmem:v60+s30+$0x0] =	vst.idx.msk $0xffff, v59;
	v48 =	vld [tilespmem:s7+$0xE0]  }
0x36d: {  	_ = 	snop  }
0x36e: {  	v54 =	vld [tilespmem:s11+$0xFFFFFF20];
	_ =	sdelay $0x2  }
0x36f: {  	[tilespmem:v52+s30+$0x0] =	vst.idx.msk $0xffff, v51  }
0x370: {  	[tilespmem:v53+s30+$0x0] =	vst.idx.msk $0xffff, v45;
	v63 =	vld [tilespmem:s11+$0xFFFFFFB0]  }
0x371: {  	v56 =	vadd.s32 v28, v34;
	v53 =	vld [tilespmem:s11+$0xB0];
	[tilespmem:v40+s30+$0x0] =	vst.idx.msk $0xffff, v54  }
0x372: {  	v62 =	vadd.s32 v4, v38;
	v40 =	vld [tilespmem:s11+$0xFFFFFF30];
	_ =	sdelay $0x1  }
0x373: {  	[tilespmem:v50+s30+$0x0] =	vst.idx.msk $0xffff, v49  }
0x374: {  	v57 =	vadd.s32 v21, v36;
	v50 =	vld [tilespmem:s11+$0x40];
	[tilespmem:v46+s30+$0x0] =	vst.idx.msk $0xffff, v63  }
0x375: {  	v59 =	vadd.s32 v13, v37;
	[tilespmem:v56+s30+$0x0] =	vst.idx.msk $0xffff, v53;
	v46 =	vld [tilespmem:s11+$0xFFFFFFC0]  }
0x376: {  	v60 =	vadd.s32 v29, v34;
	v52 =	vld [tilespmem:s11+$0xC0];
	[tilespmem:v62+s30+$0x0] =	vst.idx.msk $0xffff, v40  }
0x377: {  	v58 =	vadd.s32 v5, v38;
	v40 =	vld [tilespmem:s11+$0xFFFFFF40];
	_ =	sdelay $0x1  }
0x378: {  	[tilespmem:v57+s30+$0x0] =	vst.idx.msk $0xffff, v50  }
0x379: {  	v61 =	vadd.s32 v22, v36;
	v49 =	vld [tilespmem:s11+$0x50];
	[tilespmem:v59+s30+$0x0] =	vst.idx.msk $0xffff, v46  }
0x37a: {  	v63 =	vadd.s32 v14, v37;
	[tilespmem:v60+s30+$0x0] =	vst.idx.msk $0xffff, v52;
	v46 =	vld [tilespmem:s11+$0xFFFFFFD0]  }
0x37b: {  	v55 =	vadd.s32 v30, v34;
	v54 =	vld [tilespmem:s11+$0xD0];
	[tilespmem:v58+s30+$0x0] =	vst.idx.msk $0xffff, v40  }
0x37c: {  	[tilespmem:v47+s30+$0x0] =	vst.idx.msk $0xffff, v44;
	v62 =	vadd.s32 v6, v38;
	v40 =	vld [tilespmem:s11+$0xFFFFFF50]  }
0x37d: {  	[tilespmem:v43+s30+$0x0] =	vst.idx.msk $0xffff, v42  }
0x37e: {  	v35 =	vadd.s32 v8, v35;
	v56 =	vld [tilespmem:s7+$0xFFFFFF70];
	[tilespmem:v61+s30+$0x0] =	vst.idx.msk $0xffff, v49  }
0x37f: {  	v57 =	vld [tilespmem:s11+$0x60];
	v58 =	vadd.s32 v23, v36;
	[tilespmem:v63+s30+$0x0] =	vst.idx.msk $0xffff, v46  }
0x380: {  	v60 =	vadd.s32 v15, v37;
	[tilespmem:v55+s30+$0x0] =	vst.idx.msk $0xffff, v54;
	v46 =	vld [tilespmem:s11+$0xFFFFFFE0]  }
0x381: {  	v61 =	vld [tilespmem:s11+$0xE0];
	[tilespmem:v62+s30+$0x0] =	vst.idx.msk $0xffff, v40;
	v62 =	vadd.s32 v31, v34  }
0x382: {  	[tilespmem:v41+s30+$0x0] =	vst.idx.msk $0xffff, v48;
	v59 =	vadd.s32 v7, v38;
	v40 =	vld [tilespmem:s11+$0xFFFFFF60]  }
0x383: {  	v51 =	vld [tilespmem:s7+$0xF0];
	[tilespmem:v35+s30+$0x0] =	vst.idx.msk $0xffff, v56  }
0x384: {  	v33 =	vadd.s32 v16, v33;
	v63 =	vld [tilespmem:s7+$0xFFFFFFF0];
	[tilespmem:v58+s30+$0x0] =	vst.idx.msk $0xffff, v57  }
0x385: {  	v53 =	vadd.s32 v24, v36;
	v52 =	vld [tilespmem:s11+$0x70];
	[tilespmem:v60+s30+$0x0] =	vst.idx.msk $0xffff, v46  }
0x386: {  	v56 =	vadd.s32 v16, v37;
	v55 =	vld [tilespmem:s11+$0xFFFFFFF0];
	[tilespmem:v62+s30+$0x0] =	vst.idx.msk $0xffff, v61  }
0x387: {  	v57 =	vadd.s32 v32, v34;
	[tilespmem:v59+s30+$0x0] =	vst.idx.msk $0xffff, v40;
	v58 =	vld [tilespmem:s11+$0xF0]  }
0x388: {  	[tilespmem:v39+s30+$0x0] =	vst.idx.msk $0xffff, v51;
	v54 =	vadd.s32 v8, v38;
	v40 =	vld [tilespmem:s11+$0xFFFFFF70]  }
0x389: {  	[tilespmem:v33+s30+$0x0] =	vst.idx.msk $0xffff, v63  }
0x38a: {  	[tilespmem:v53+s30+$0x0] =	vst.idx.msk $0xffff, v52  }
0x38b: {  	s0 =	simm.s32 $0xC0;
	[tilespmem:v56+s30+$0x0] =	vst.idx.msk $0xffff, v55  }
0x38c: {  	s14 =	simm.s32 $0xC2;
	v59 =	vmov s0;
	[tilespmem:v57+s30+$0x0] =	vst.idx.msk $0xffff, v58  }
0x38d: {  	v61 =	vmov s14;
	v60 =	vshrl.u32 v59, $0x3;
	[tilespmem:v54+s30+$0x0] =	vst.idx.msk $0xffff, v40  }
0x38e: {  	v34 =	vshrl.u32 v61, $0x3;
	v33 =	vshll.u32 v60, v1;
	_ =	swait.ge [sflag:s31], $0x3400  }
0x38f: {  	s16 =	simm.s32 $0xC4;
	v34 =	vshll.u32 v34, v1;
	v33 =	vbroadcast v33, $0x0;
	[sflag:s31] =	ssyncset.done $0x0  }
0x390: {  	s18 =	simm.s32 $0xC6;
	s7 =	simm.s32 $0x9820;
	v62 =	vmov s16;
	v34 =	vbroadcast v34, $0x0;
	[sflag:s31] =	ssyncadd.s32 $0xFFFFCC00  }
0x391: {  	v47 =	vmov s18;
	v35 =	vshrl.u32 v62, $0x3;
	v63 =	vadd.s32 v0, v33;
	v44 =	vld [tilespmem:s7+$0xFFFFFF00]  }
0x392: {  	v48 =	vshrl.u32 v47, $0x3;
	v35 =	vshll.u32 v35, v1;
	v45 =	vadd.s32 v9, v34;
	v46 =	vld [tilespmem:s7+$0xFFFFFF80]  }
0x393: {  	v41 =	vbroadcast v35, $0x0;
	v35 =	vshll.u32 v48, v1  }
0x394: {  	v42 =	vbroadcast v35, $0x0  }
0x395: {  	v49 =	vadd.s32 v17, v41;
	v50 =	vld [tilespmem:s7+$0x0]  }
0x396: {  	v54 =	vadd.s32 v25, v42;
	v53 =	vld [tilespmem:s7+$0x80];
	[tilespmem:v63+s30+$0x0] =	vst.idx.msk $0xffff, v44  }
0x397: {  	v51 =	vadd.s32 v2, v33;
	[tilespmem:v45+s30+$0x0] =	vst.idx.msk $0xffff, v46;
	v37 =	vld [tilespmem:s7+$0xFFFFFF10]  }
0x398: {  	v52 =	vadd.s32 v10, v34;
	v39 =	vld [tilespmem:s7+$0xFFFFFF90];
	_ =	sdelay $0x1  }
0x399: {  	[tilespmem:v49+s30+$0x0] =	vst.idx.msk $0xffff, v50  }
0x39a: {  	v55 =	vadd.s32 v18, v41;
	[tilespmem:v54+s30+$0x0] =	vst.idx.msk $0xffff, v53;
	v36 =	vld [tilespmem:s7+$0x10]  }
0x39b: {  	s28 =	simm.s32 $0xC8;
	v58 =	vadd.s32 v26, v42;
	v44 =	vld [tilespmem:s7+$0x90];
	[tilespmem:v51+s30+$0x0] =	vst.idx.msk $0xffff, v37  }
0x39c: {  	v59 =	vmov s28;
	v56 =	vadd.s32 v3, v33;
	[tilespmem:v52+s30+$0x0] =	vst.idx.msk $0xffff, v39;
	v35 =	vld [tilespmem:s7+$0xFFFFFF20]  }
0x39d: {  	v57 =	vadd.s32 v11, v34;
	v45 =	vadd.s32 v4, v33;
	v33 =	vshrl.u32 v59, $0x3;
	v38 =	vld [tilespmem:s7+$0xFFFFFFA0]  }
0x39e: {  	s11 =	simm.s32 $0xCA;
	v33 =	vshll.u32 v33, v1  }
0x39f: {  	s8 =	simm.s32 $0xCE;
	v61 =	vmov s11;
	s11 =	simm.s32 $0x9A20;
	v43 =	vbroadcast v33, $0x0;
	[tilespmem:v55+s30+$0x0] =	vst.idx.msk $0xffff, v36  }
0x3a0: {  	v60 =	vmov s8;
	v34 =	vadd.s32 v12, v34;
	v40 =	vadd.s32 v27, v42;
	[tilespmem:v58+s30+$0x0] =	vst.idx.msk $0xffff, v44;
	v44 =	vld [tilespmem:s11+$0x80]  }
0x3a1: {  	s16 =	simm.s32 $0xC1;
	v46 =	vadd.s32 v19, v41;
	v49 =	vadd.s32 v0, v43;
	v36 =	vshrl.u32 v60, $0x3;
	v63 =	vld [tilespmem:s7+$0xA0];
	[tilespmem:v56+s30+$0x0] =	vst.idx.msk $0xffff, v35  }
0x3a2: {  	s12 =	simm.s32 $0xCC;
	v58 =	vmov s16;
	v36 =	vshll.u32 v36, v1;
	[tilespmem:v57+s30+$0x0] =	vst.idx.msk $0xffff, v38;
	v35 =	vshrl.u32 v61, $0x3;
	v62 =	vld [tilespmem:s7+$0xFFFFFF30]  }
0x3a3: {  	s14 =	simm.s32 $0xC3;
	v33 =	vbroadcast v36, $0x0;
	v56 =	vmov s12;
	v38 =	vld [tilespmem:s7+$0xFFFFFFB0];
	v35 =	vshll.u32 v35, v1  }
0x3a4: {  	v51 =	vld [tilespmem:s11+$0xFFFFFF00];
	v57 =	vmov s14;
	v37 =	vbroadcast v35, $0x0;
	v35 =	vshrl.u32 v56, $0x3  }
0x3a5: {  	v47 =	vld [tilespmem:s7+$0x20];
	v59 =	vshrl.u32 v58, $0x3;
	v36 =	vshrl.u32 v57, $0x3;
	v35 =	vshll.u32 v35, v1  }
0x3a6: {  	v50 =	vadd.s32 v25, v33;
	[tilespmem:v40+s30+$0x0] =	vst.idx.msk $0xffff, v63;
	v63 =	vld [tilespmem:s11+$0x0];
	v36 =	vshll.u32 v36, v1;
	v35 =	vbroadcast v35, $0x0  }
0x3a7: {  	v56 =	vshll.u32 v59, v1;
	v36 =	vbroadcast v36, $0x0;
	v60 =	vadd.s32 v9, v37;
	[tilespmem:v45+s30+$0x0] =	vst.idx.msk $0xffff, v62;
	v45 =	vld [tilespmem:s11+$0xFFFFFF80]  }
0x3a8: {  	v59 =	vld [tilespmem:s7+$0xB0];
	[tilespmem:v34+s30+$0x0] =	vst.idx.msk $0xffff, v38;
	v34 =	vbroadcast v56, $0x0;
	v62 =	vadd.s32 v17, v35  }
0x3a9: {  	[tilespmem:v49+s30+$0x0] =	vst.idx.msk $0xffff, v51;
	v61 =	vadd.s32 v13, v36;
	v57 =	vld [tilespmem:s7+$0xFFFFFFC0]  }
0x3aa: {  	[tilespmem:v46+s30+$0x0] =	vst.idx.msk $0xffff, v47;
	v38 =	vld [tilespmem:s7+$0xFFFFFF40];
	v58 =	vadd.s32 v5, v34  }
0x3ab: {  	v42 =	vadd.s32 v28, v42;
	[tilespmem:v50+s30+$0x0] =	vst.idx.msk $0xffff, v44;
	v44 =	vld [tilespmem:s11+$0xFFFFFF10]  }
0x3ac: {  	s18 =	simm.s32 $0xC5;
	v41 =	vadd.s32 v20, v41;
	[tilespmem:v60+s30+$0x0] =	vst.idx.msk $0xffff, v45;
	v45 =	vld [tilespmem:s7+$0x30]  }
0x3ad: {  	s28 =	simm.s32 $0xC7;
	v55 =	vmov s18;
	v54 =	vld [tilespmem:s11+$0x90];
	v60 =	vadd.s32 v2, v43;
	[tilespmem:v62+s30+$0x0] =	vst.idx.msk $0xffff, v63  }
0x3ae: {  	v56 =	vadd.s32 v10, v37;
	v62 =	vmov s28;
	[tilespmem:v61+s30+$0x0] =	vst.idx.msk $0xffff, v57;
	v57 =	vld [tilespmem:s11+$0xFFFFFF90];
	v61 =	vshrl.u32 v55, $0x3  }
0x3af: {  	v63 =	vadd.s32 v14, v36;
	v40 =	vshrl.u32 v62, $0x3;
	[tilespmem:v58+s30+$0x0] =	vst.idx.msk $0xffff, v38;
	v46 =	vld [tilespmem:s7+$0xFFFFFFD0];
	v58 =	vshll.u32 v61, v1  }
0x3b0: {  	[tilespmem:v42+s30+$0x0] =	vst.idx.msk $0xffff, v59;
	v42 =	vadd.s32 v18, v35;
	v59 =	vshll.u32 v40, v1;
	v40 =	vld [tilespmem:s11+$0x10];
	v39 =	vbroadcast v58, $0x0  }
0x3b1: {  	v53 =	vadd.s32 v6, v34;
	v52 =	vld [tilespmem:s7+$0xFFFFFF50];
	v38 =	vbroadcast v59, $0x0;
	[tilespmem:v41+s30+$0x0] =	vst.idx.msk $0xffff, v45  }
0x3b2: {  	[tilespmem:v60+s30+$0x0] =	vst.idx.msk $0xffff, v44;
	v60 =	vadd.s32 v21, v39;
	v41 =	vld [tilespmem:s7+$0x40]  }
0x3b3: {  	v61 =	vld [tilespmem:s7+$0xC0];
	v62 =	vadd.s32 v29, v38;
	[tilespmem:v56+s30+$0x0] =	vst.idx.msk $0xffff, v57  }
0x3b4: {  	v55 =	vld [tilespmem:s11+$0xFFFFFF20];
	v56 =	vadd.s32 v3, v43;
	[tilespmem:v63+s30+$0x0] =	vst.idx.msk $0xffff, v46  }
0x3b5: {  	v58 =	vadd.s32 v26, v33;
	v63 =	vld [tilespmem:s11+$0xFFFFFFA0];
	[tilespmem:v42+s30+$0x0] =	vst.idx.msk $0xffff, v40  }
0x3b6: {  	v57 =	vadd.s32 v11, v37;
	[tilespmem:v53+s30+$0x0] =	vst.idx.msk $0xffff, v52;
	v50 =	vld [tilespmem:s7+$0xFFFFFFE0]  }
0x3b7: {  	v47 =	vld [tilespmem:s11+$0x20];
	v52 =	vadd.s32 v15, v36;
	[tilespmem:v60+s30+$0x0] =	vst.idx.msk $0xffff, v41  }
0x3b8: {  	v51 =	vadd.s32 v22, v39;
	[tilespmem:v62+s30+$0x0] =	vst.idx.msk $0xffff, v61;
	v49 =	vld [tilespmem:s7+$0x50]  }
0x3b9: {  	v45 =	vadd.s32 v30, v38;
	v40 =	vadd.s32 v7, v34;
	[tilespmem:v56+s30+$0x0] =	vst.idx.msk $0xffff, v55;
	v44 =	vld [tilespmem:s7+$0xD0]  }
0x3ba: {  	s0 =	simm.s32 $0xD7;
	v42 =	vadd.s32 v4, v43;
	v43 =	vadd.s32 v23, v39;
	[tilespmem:v58+s30+$0x0] =	vst.idx.msk $0xffff, v54;
	v48 =	vld [tilespmem:s11+$0xFFFFFF30]  }
0x3bb: {  	s8 =	simm.s32 $0xCF;
	s12 =	simm.s32 $0x4;
	s14 =	simm.s32 $0x9A20;
	v53 =	vadd.s32 v19, v35;
	v46 =	vld [tilespmem:s7+$0xFFFFFF60];
	v41 =	vadd.s32 v31, v38;
	[tilespmem:v57+s30+$0x0] =	vst.idx.msk $0xffff, v63  }
.LBB2_23:
0x3bc: {  	s16 =	sadd.s32 $0xFFFFFFF9, s0;
	s18 =	sadd.s32 $0xFFFFFFFF, s0;
	v54 =	vadd.s32 v12, v37;
	v55 =	vld [tilespmem:s11+$0xA0];
	s14 =	sadd.s32 $0x200, s14;
	[tilespmem:v52+s30+$0x0] =	vst.idx.msk $0xffff, v50;
	v50 =	vadd.s32 v16, v36  }
0x3bd: {  	s12 =	sadd.s32 $0x4, s12;
	v56 =	vadd.s32 v27, v33;
	v36 =	vmov s16;
	s16 =	sadd.s32 $0xFFFFFFFB, s0;
	v37 =	vmov s18;
	v52 =	vld [tilespmem:s11+$0xFFFFFFB0];
	[tilespmem:v51+s30+$0x0] =	vst.idx.msk $0xffff, v49  }
0x3be: {  	p1 =	slt.u32 s12, $0x64;
	v36 =	vshrl.u32 v36, $0x3;
	v49 =	vmov s16;
	s16 =	sadd.s32 $0xFFFFFFFD, s0;
	v51 =	vld [tilespmem:s14+$0x80];
	v37 =	vshrl.u32 v37, $0x3;
	[tilespmem:v45+s30+$0x0] =	vst.idx.msk $0xffff, v44  }
0x3bf: {  	v36 =	vshll.u32 v36, v1;
	v44 =	vshrl.u32 v49, $0x3;
	v37 =	vshll.u32 v37, v1;
	[tilespmem:v42+s30+$0x0] =	vst.idx.msk $0xffff, v48;
	v45 =	vld [tilespmem:s7+$0x60]  }
0x3c0: {  	v42 =	vbroadcast v36, $0x0;
	v36 =	vshll.u32 v44, v1;
	v44 =	vbroadcast v37, $0x0;
	[tilespmem:v53+s30+$0x0] =	vst.idx.msk $0xffff, v47;
	v47 =	vld [tilespmem:s7+$0xE0]  }
0x3c1: {  	v34 =	vadd.s32 v8, v34;
	v37 =	vbroadcast v36, $0x0;
	v36 =	vmov s16;
	[tilespmem:v40+s30+$0x0] =	vst.idx.msk $0xffff, v46;
	v40 =	vld [tilespmem:s7+$0xFFFFFFF0]  }
0x3c2: {  	s16 =	sadd.s32 $0xFFFFFFFC, s8;
	v46 =	vadd.s32 v0, v42;
	v36 =	vshrl.u32 v36, $0x3;
	v48 =	vadd.s32 v25, v44;
	[tilespmem:v56+s30+$0x0] =	vst.idx.msk $0xffff, v55;
	v49 =	vld [tilespmem:s7+$0xFFFFFF70]  }
0x3c3: {  	v53 =	vld [tilespmem:s14+$0xFFFFFF00];
	v55 =	vadd.s32 v9, v37;
	v36 =	vshll.u32 v36, v1;
	[tilespmem:v54+s30+$0x0] =	vst.idx.msk $0xffff, v52;
	v52 =	vmov s16  }
0x3c4: {  	s16 =	sadd.s32 $0xFFFFFFFA, s8;
	v54 =	vld [tilespmem:s14+$0xFFFFFF80];
	v56 =	vbroadcast v36, $0x0;
	v36 =	vshrl.u32 v52, $0x3;
	[tilespmem:v43+s30+$0x0] =	vst.idx.msk $0xffff, v45  }
0x3c5: {  	v39 =	vadd.s32 v24, v39;
	v43 =	vmov s16;
	v36 =	vshll.u32 v36, v1;
	v45 =	vld [tilespmem:s7+$0x70];
	[tilespmem:v41+s30+$0x0] =	vst.idx.msk $0xffff, v47  }
0x3c6: {  	v43 =	vshrl.u32 v43, $0x3;
	v41 =	vadd.s32 v17, v56;
	v36 =	vbroadcast v36, $0x0;
	[tilespmem:v50+s30+$0x0] =	vst.idx.msk $0xffff, v40;
	v47 =	vld [tilespmem:s7+$0xF0];
	s7 =	smov.u32 s11;
	s11 =	smov.u32 s14  }
0x3c7: {  	v38 =	vadd.s32 v32, v38;
	v40 =	vshll.u32 v43, v1;
	v50 =	vld [tilespmem:s7+$0xFFFFFF40];
	[tilespmem:v34+s30+$0x0] =	vst.idx.msk $0xffff, v49  }
0x3c8: {  	v34 =	vbroadcast v40, $0x0;
	[tilespmem:v48+s30+$0x0] =	vst.idx.msk $0xffff, v51;
	v43 =	vld [tilespmem:s7+$0xFFFFFFC0];
	v48 =	vadd.s32 v13, v36  }
0x3c9: {  	v49 =	vadd.s32 v10, v37;
	[tilespmem:v46+s30+$0x0] =	vst.idx.msk $0xffff, v53;
	v46 =	vadd.s32 v2, v42;
	v51 =	vld [tilespmem:s14+$0x0]  }
0x3ca: {  	v52 =	vadd.s32 v5, v34;
	v40 =	vadd.s32 v7, v34;
	v53 =	vld [tilespmem:s7+$0xB0];
	[tilespmem:v39+s30+$0x0] =	vst.idx.msk $0xffff, v45  }
0x3cb: {  	v45 =	vld [tilespmem:s14+$0xFFFFFF10];
	[tilespmem:v55+s30+$0x0] =	vst.idx.msk $0xffff, v54;
	v54 =	vadd.s32 v28, v33;
	v33 =	vmov v44  }
0x3cc: {  	v57 =	vadd.s32 v20, v35;
	s16 =	sadd.s32 $0xFFFFFFFE, s8;
	v35 =	vmov v56;
	v55 =	vadd.s32 v26, v33;
	v44 =	vld [tilespmem:s7+$0x30];
	[tilespmem:v38+s30+$0x0] =	vst.idx.msk $0xffff, v47  }
0x3cd: {  	v38 =	vmov s16;
	v56 =	vld [tilespmem:s14+$0x90];
	[tilespmem:v48+s30+$0x0] =	vst.idx.msk $0xffff, v43  }
0x3ce: {  	v39 =	vmov s8;
	s8 =	smov.u32 s0;
	v38 =	vshrl.u32 v38, $0x3;
	v43 =	vld [tilespmem:s14+$0xFFFFFF90];
	[tilespmem:v41+s30+$0x0] =	vst.idx.msk $0xffff, v51  }
0x3cf: {  	v47 =	vadd.s32 v14, v36;
	v48 =	vshrl.u32 v39, $0x3;
	v38 =	vshll.u32 v38, v1;
	[tilespmem:v52+s30+$0x0] =	vst.idx.msk $0xffff, v50;
	v41 =	vld [tilespmem:s7+$0xFFFFFFD0]  }
0x3d0: {  	v51 =	vadd.s32 v6, v34;
	v39 =	vbroadcast v38, $0x0;
	v38 =	vshll.u32 v48, v1;
	v50 =	vld [tilespmem:s7+$0xFFFFFF50];
	[tilespmem:v54+s30+$0x0] =	vst.idx.msk $0xffff, v53  }
0x3d1: {  	v52 =	vadd.s32 v18, v35;
	v38 =	vbroadcast v38, $0x0;
	v48 =	vld [tilespmem:s14+$0x10];
	[tilespmem:v57+s30+$0x0] =	vst.idx.msk $0xffff, v44  }
0x3d2: {  	[tilespmem:v46+s30+$0x0] =	vst.idx.msk $0xffff, v45;
	v44 =	vld [tilespmem:s7+$0x40];
	v45 =	vadd.s32 v21, v39  }
0x3d3: {  	v46 =	vadd.s32 v29, v38;
	[tilespmem:v49+s30+$0x0] =	vst.idx.msk $0xffff, v43;
	v43 =	vld [tilespmem:s7+$0xC0]  }
0x3d4: {  	v54 =	vadd.s32 v3, v42;
	v53 =	vld [tilespmem:s14+$0xFFFFFF20];
	[tilespmem:v47+s30+$0x0] =	vst.idx.msk $0xffff, v41  }
0x3d5: {  	v57 =	vadd.s32 v11, v37;
	v41 =	vld [tilespmem:s14+$0xFFFFFFA0];
	[tilespmem:v51+s30+$0x0] =	vst.idx.msk $0xffff, v50  }
0x3d6: {  	[tilespmem:v52+s30+$0x0] =	vst.idx.msk $0xffff, v48;
	v50 =	vld [tilespmem:s7+$0xFFFFFFE0]  }
.Ltmp10:
0x3d7: {  	v52 =	vadd.s32 v15, v36;
	v47 =	vld [tilespmem:s14+$0x20];
	[tilespmem:v45+s30+$0x0] =	vst.idx.msk $0xffff, v44;
	(pc) =	sbr.rel @p1 .LBB2_23-.Ltmp10, $4  }
0x3d8: {  	v51 =	vadd.s32 v22, v39;
	v49 =	vld [tilespmem:s7+$0x50];
	[tilespmem:v46+s30+$0x0] =	vst.idx.msk $0xffff, v43  }
0x3d9: {  	v45 =	vadd.s32 v30, v38;
	[tilespmem:v54+s30+$0x0] =	vst.idx.msk $0xffff, v53;
	v44 =	vld [tilespmem:s7+$0xD0]  }
0x3da: {  	v42 =	vadd.s32 v4, v42;
	v48 =	vld [tilespmem:s14+$0xFFFFFF30];
	[tilespmem:v57+s30+$0x0] =	vst.idx.msk $0xffff, v41;
	v41 =	vadd.s32 v31, v38  }
0x3db: {  	s0 =	sadd.s32 $0x8, s0;
	v43 =	vadd.s32 v23, v39;
	v53 =	vadd.s32 v19, v35;
	[tilespmem:v55+s30+$0x0] =	vst.idx.msk $0xffff, v56;
	v46 =	vld [tilespmem:s7+$0xFFFFFF60]  }
0x3dc: {  	v54 =	vld [tilespmem:s11+$0xA0];
	v55 =	vadd.s32 v27, v33;
	_ =	sdelay $0x2  }
0x3dd: {  	s0 =	sadd.s32 $0xFFFFFFFC, s8;
	v37 =	vadd.s32 v12, v37;
	v56 =	vld [tilespmem:s11+$0xFFFFFFB0]  }
0x3de: {  	s18 =	sadd.s32 $0xFFFFFFFA, s8;
	[tilespmem:v53+s30+$0x0] =	vst.idx.msk $0xffff, v47;
	v35 =	vadd.s32 v20, v35;
	v33 =	vadd.s32 v28, v33;
	v57 =	vmov s0  }
0x3df: {  	s28 =	sadd.s32 $0xFFFFFFFE, s8;
	v62 =	vmov s8;
	v58 =	vmov s18;
	v57 =	vshrl.u32 v57, $0x3;
	[tilespmem:v55+s30+$0x0] =	vst.idx.msk $0xffff, v54;
	v54 =	vld [tilespmem:s11+$0x30]  }
0x3e0: {  	[tilespmem:v52+s30+$0x0] =	vst.idx.msk $0xffff, v50;
	v59 =	vmov s28;
	v53 =	vshrl.u32 v58, $0x3;
	v47 =	vshll.u32 v57, v1;
	v50 =	vld [tilespmem:s11+$0xB0]  }
0x3e1: {  	[tilespmem:v51+s30+$0x0] =	vst.idx.msk $0xffff, v49;
	v61 =	vshrl.u32 v59, $0x3;
	v60 =	vshll.u32 v53, v1;
	v47 =	vbroadcast v47, $0x0  }
0x3e2: {  	v63 =	vshll.u32 v61, v1;
	[tilespmem:v37+s30+$0x0] =	vst.idx.msk $0xffff, v56;
	v37 =	vbroadcast v60, $0x0;
	v55 =	vshrl.u32 v62, $0x3  }
0x3e3: {  	[tilespmem:v42+s30+$0x0] =	vst.idx.msk $0xffff, v48;
	v49 =	vbroadcast v63, $0x0;
	v42 =	vld [tilespmem:s11+$0xFFFFFFC0];
	v56 =	vadd.s32 v13, v47;
	v51 =	vshll.u32 v55, v1  }
0x3e4: {  	v57 =	vld [tilespmem:s11+$0xFFFFFF40];
	v58 =	vadd.s32 v5, v37;
	[tilespmem:v35+s30+$0x0] =	vst.idx.msk $0xffff, v54;
	v35 =	vbroadcast v51, $0x0  }
0x3e5: {  	v59 =	vadd.s32 v21, v49;
	[tilespmem:v33+s30+$0x0] =	vst.idx.msk $0xffff, v50;
	v33 =	vld [tilespmem:s11+$0x40]  }
0x3e6: {  	[tilespmem:v45+s30+$0x0] =	vst.idx.msk $0xffff, v44;
	v60 =	vld [tilespmem:s11+$0xC0];
	v61 =	vadd.s32 v29, v35  }
0x3e7: {  	[tilespmem:v40+s30+$0x0] =	vst.idx.msk $0xffff, v46;
	v63 =	vld [tilespmem:s7+$0xE0]  }
0x3e8: {  	v62 =	vld [tilespmem:s7+$0x60];
	[tilespmem:v56+s30+$0x0] =	vst.idx.msk $0xffff, v42  }
0x3e9: {  	v56 =	vadd.s32 v14, v47;
	[tilespmem:v58+s30+$0x0] =	vst.idx.msk $0xffff, v57;
	v42 =	vld [tilespmem:s11+$0xFFFFFFD0]  }
0x3ea: {  	v58 =	vadd.s32 v6, v37;
	v57 =	vld [tilespmem:s11+$0xFFFFFF50];
	[tilespmem:v59+s30+$0x0] =	vst.idx.msk $0xffff, v33  }
0x3eb: {  	v59 =	vadd.s32 v22, v49;
	v33 =	vld [tilespmem:s11+$0x50];
	[tilespmem:v61+s30+$0x0] =	vst.idx.msk $0xffff, v60  }
0x3ec: {  	[tilespmem:v41+s30+$0x0] =	vst.idx.msk $0xffff, v63;
	v61 =	vadd.s32 v30, v35;
	v60 =	vld [tilespmem:s11+$0xD0]  }
0x3ed: {  	v34 =	vadd.s32 v8, v34;
	v63 =	vld [tilespmem:s7+$0xFFFFFF70];
	[tilespmem:v43+s30+$0x0] =	vst.idx.msk $0xffff, v62  }
0x3ee: {  	v36 =	vadd.s32 v16, v36;
	v62 =	vld [tilespmem:s7+$0xFFFFFFF0];
	[tilespmem:v56+s30+$0x0] =	vst.idx.msk $0xffff, v42  }
0x3ef: {  	v54 =	vadd.s32 v15, v47;
	[tilespmem:v58+s30+$0x0] =	vst.idx.msk $0xffff, v57;
	v53 =	vld [tilespmem:s11+$0xFFFFFFE0]  }
0x3f0: {  	v55 =	vadd.s32 v7, v37;
	v48 =	vld [tilespmem:s11+$0xFFFFFF60];
	[tilespmem:v59+s30+$0x0] =	vst.idx.msk $0xffff, v33  }
0x3f1: {  	v56 =	vadd.s32 v23, v49;
	[tilespmem:v61+s30+$0x0] =	vst.idx.msk $0xffff, v60;
	v57 =	vld [tilespmem:s11+$0x60]  }
0x3f2: {  	[tilespmem:v34+s30+$0x0] =	vst.idx.msk $0xffff, v63;
	v58 =	vadd.s32 v31, v35;
	v44 =	vld [tilespmem:s11+$0xE0]  }
0x3f3: {  	v39 =	vadd.s32 v24, v39;
	[tilespmem:v36+s30+$0x0] =	vst.idx.msk $0xffff, v62;
	v59 =	vld [tilespmem:s7+$0x70]  }
0x3f4: {  	v38 =	vadd.s32 v32, v38;
	v60 =	vld [tilespmem:s7+$0xF0];
	[tilespmem:v54+s30+$0x0] =	vst.idx.msk $0xffff, v53  }
0x3f5: {  	v61 =	vadd.s32 v16, v47;
	[tilespmem:v55+s30+$0x0] =	vst.idx.msk $0xffff, v48;
	v41 =	vld [tilespmem:s11+$0xFFFFFFF0]  }
0x3f6: {  	v37 =	vadd.s32 v8, v37;
	v62 =	vld [tilespmem:s11+$0xFFFFFF70];
	[tilespmem:v56+s30+$0x0] =	vst.idx.msk $0xffff, v57  }
0x3f7: {  	v63 =	vadd.s32 v24, v49;
	v33 =	vld [tilespmem:s11+$0x70];
	[tilespmem:v58+s30+$0x0] =	vst.idx.msk $0xffff, v44  }
0x3f8: {  	v35 =	vadd.s32 v32, v35;
	[tilespmem:v39+s30+$0x0] =	vst.idx.msk $0xffff, v59;
	v36 =	vld [tilespmem:s11+$0xF0]  }
0x3f9: {  	[tilespmem:v38+s30+$0x0] =	vst.idx.msk $0xffff, v60  }
0x3fa: {  	[tilespmem:v61+s30+$0x0] =	vst.idx.msk $0xffff, v41  }
0x3fb: {  	[tilespmem:v37+s30+$0x0] =	vst.idx.msk $0xffff, v62  }
0x3fc: {  	[tilespmem:v63+s30+$0x0] =	vst.idx.msk $0xffff, v33  }
0x3fd: {  	s0 =	simm.s32 @!p0 $0x2;
	[tilespmem:v35+s30+$0x0] =	vst.idx.msk $0xffff, v36  }
0x3fe: {  	_ =	swait.ge @!p0 [sflag:s0], $0xC8  }
0x3ff: {  	s8 =	simm.s32 @!p0 $0x6720;
	[sflag:s0] =	ssyncset.done @!p0 $0x0  }
0x400: {  	s7 =	simm.s32 @!p0 $0xC8;
	[sflag:s0] =	ssyncadd.s32 @!p0 $0xFFFFFF38;
	s0 =	simm.s32 @!p0 $0x60  }
0x401: {  	[tilespmem:s8], [sflag:$0x7] =	stream.indirect.gather @!p0 [hbm4b:s2+s0], $0x80, s7, s0, $0xb8;
	[tilespmem:$0x19720] =	vst v63  }
0x402: {  	s0 =	sor.u32 $0x3, s10  }
0x403: {  	s7 =	simm.s32 @!p0 $0x68;
	s11 =	smul.u32 @!p0 $0xC8, s0  }
0x404: {  	s8 =	simm.s32 @!p0 $0x128;
	s10 =	simm.s32 @!p0 $0x9720;
	s0 =	smul.u32 $0xC80, s0  }
0x405: {  	[tilespmem:s10], [sflag:$0x8] =	stream.indirect.gather @!p0 [hbm4b:s2+s7], $0x80, s8, s7, $0xb8;
	[tilespmem:$0x19720] =	vst v63  }
0x406: {  	s7 =	sshrl.u32 @!p0 s11, $0x3  }
0x407: {  	s8 =	simm.s32 @!p0 $0x0;
	s0 =	sadd.s32 s3, s0;
	s7 =	sadd.s32 @!p0 s6, s7  }
0x408: {  	s10 =	simm.s32 @!p0 $0x258;
	s11 =	sadd.s32 $0x0, s0;
	s7 =	sadd.s32 @!p0 $0x64, s7  }
0x409: {  	[tilespmem:s10], [sflag:$0x4] =	stream.linear.gather @!p0 [hbm4b:s7+s8], $0xC8, $0x38;
	[tilespmem:$0x19720] =	vst v63  }
0x40a: {  	s7 =	simm.s32 $0x13120;
	s8 =	simm.s32 $0x32;
	s10 =	simm.s32 $0x132B8  }
.LBB2_25:
0x40b: {  	[hbm4b:s11+s5] =	stream.linear.scatter [tilespmem:s7], [sflag:$0xA], $0x190, $0x38;
	[tilespmem:$0x19720] =	vst v63  }
0x40c: {  	s11 =	smov.u32 s8;
	s7 =	smov.u32 s10;
	p0 =	sne.s32 s8, $0xC4E  }
.Ltmp11:
0x40d: {  	s8 =	sadd.s32 $0x32, s8;
	(pc) =	sbr.rel @p0 .LBB2_25-.Ltmp11, $2  }
0x40e: {  	_ =	sdelay $0x2  }
0x40f: {  	s10 =	sadd.s32 $0x198, s10;
	s11 =	sadd.s32 s11, s0  }
0x410: {  	s9 =	sadd.s32 $0x1, s9  }
0x411: {  	p0 =	sne.s32 s9, $0x20  }
.Ltmp12:
0x412: {  	_ = 	snop;
	(pc) =	sbr.rel @p0 .LBB2_2-.Ltmp12, $2  }
0x413: {  	_ =	sdelay $0x2  }
0x414: {  	[hbm4b:s11+s5] =	stream.linear.scatter [tilespmem:s7], [sflag:$0xA], $0x190, $0x38;
	[tilespmem:$0x19720] =	vst v63  }
0x415: {  	_ =	swait.ge [sflag:s19], $0x6400  }
0x416: {  	[sflag:s19] =	ssyncset.done $0x0  }
0x417: {  	[sflag:s19] =	ssyncadd.s32 $0xFFFF9C00  }
0x418: {  	_ =	swait.ge [sflag:s17], $0x6400  }
0x419: {  	s7 =	rddreg [dreg:$0x9]  }
0x41a: {  	s0 =	rddreg [dreg:$0x8];
	s7 =	sadd.s32 $0x1, s7  }
0x41b: {  	p0 =	sne.s32 s7, s0  }
.Ltmp13:
0x41c: {  	_ = 	snop;
	(pc) =	sbr.rel @p0 .LBB2_1-.Ltmp13, $3  }
0x41d: {  	_ =	sdelay $0x1  }
0x41e: {  	[sflag:s17] =	ssyncset.done $0x0  }
0x41f: {  	[sflag:s17] =	ssyncadd.s32 $0xFFFF9C00  }
0x420: {  	_ =	sfence.sel $0x180000  }
0x421: {  	[bflag:$0x0] =	sbarrier.arrive $0xFFFF  }
0x422: {  	_ =	strace $0x90000047  }
0x423: {  	s0 =	stileid.u32;
	[bflag:$0x2] =	sbarrier.arrive $0xFFFF  }
0x424: {  	p0 =	sne.s32 s0, $0x0;
	s0 =	rddreg [dreg:$0x3]  }
0x425: {  	s0 =	sadd.s32 @!p0 $0x100000, s0  }
0x426: {  	[sflag:s0] =	ssyncadd.tile.s32 @!p0 $0x1;
	_ =	shalt  }
.Lfunc_end2:
_tile_overlayer_lowered:
.L_overlay_start_2:
0x427: {  	(tag) =	ssettag $0x2  }
0x428: {  	s0 =	rddreg [dreg:$0x0];
	s2 =	stileid.u32  }
0x429: {  	s1 =	rddreg [dreg:$0x1];
	p0 =	sne.s32 s2, $0x0  }
0x42a: {  	s3 =	rddreg [dreg:$0x2];
	[bflag:$0x3] =	sbarrier.arrive $0xFFFF;
	s2 =	simm.s32 @!p0 $0x1C0B  }
0x42b: {  	[timem:s3], [sflag:s2] =	dma.local @!p0 [hbm:s0], s1  }
0x42c: {  	s0 =	simm.s32 @!p0 $0xB  }
0x42d: {  	_ =	swait.ge @!p0 [sflag:s0], s1  }
0x42e: {  	s1 =	ssub.s32 @!p0 $0x0, s1;
	[sflag:s0] =	ssyncset.done @!p0 $0x0  }
0x42f: {  	[sflag:s0] =	ssyncadd.s32 @!p0 s1  }
0x430: {  	[bflag:$0x3] =	sbarrier.arrive $0xFFFF  }
0x431: {  	_ =	shalt  }

// kernel: sparse-core-data-format-call.cloned.1.call-start
scs
called_computation_lowered:
.L_overlay_start_0:
0x0: {  	s2 =	sld [smem:$0x3FD9]  }
0x1: {  	s3 =	sld [smem:$0x3FFE];
	_ =	sdelay $0x1  }
0x2: {  	s1 =	srdreg.scid  }
0x3: {  	s0 =	sand.u32 $0x1, s1  }
0x4: {  	s18 =	sshll.u32 s0, $0xA;
	s2 =	sadd.s32 s3, s2  }
0x5: {  	s2 =	sadd.s32 s2, s18  }
0x6: {  	[smem:$0x3FC6] =	sst s2  }
0x7: {  	_ = 	snop  }
0x8: {  	s2 =	sld [smem:$0x3FD0];
	(tm) =	ssettm $0x1  }
0x9: {  	s19 =	sld [smem:$0x3FFB];
	_ =	sdelay $0x3  }
0xa: {  	_ =	strace s19  }
0xb: {  	s3 =	sld [smem:$0x3FFC];
	_ =	sdelay $0x3  }
0xc: {  	_ =	strace s3  }
0xd: {  	s3 =	sld [smem:$0x3FFD];
	_ =	sdelay $0x3  }
0xe: {  	_ =	strace s3  }
0xf: {  	_ =	strace $0x8FFFFFFF  }
0x10: {  	s20 =	sld [smem:$0x3FDB];
	_ =	sdelay $0x1  }
0x11: {  	s4 =	simm.s32 $_scs_section_size  }
0x12: {  	s5 =	simm.s32 $_size__tile_overlayer_lowered;
	s6 =	simm.s32 $_tile_overlayer_lowered  }
0x13: {  	s23 =	simm.s32 $0x1BFF;
	s22 =	sshll.u32 s6, $0x1;
	s3 =	sadd.s32 s4, s20  }
0x14: {  	s7 =	simm.s32 $0x0;
	s21 =	sshll.u32 s5, $0x1;
	s5 =	sadd.s32 s22, s3  }
0x15: {  	[timem:s7], [sflag:s23] =	dma.local [hbm:s5], s21  }
0x16: {  	_ =	swait.ge [sflag:s23], s21  }
0x17: {  	s4 =	ssub.s32 $0x0, s21;
	[sflag:s23] =	ssyncset.done $0x0  }
0x18: {  	[sflag:s23] =	ssyncadd.s32 s4;
	_ =	sdelay $0x1  }
0x19: {  	s24 =	simm.s32 $0x1B8B  }
0x1a: {  	_ =	swait.ge [sflag:s24], $0x1  }
0x1b: {  	[sflag:s24] =	ssyncset.done $0x0  }
0x1c: {  	s26 =	simm.s32 $0x1B8E;
	s25 =	sld [smem:$0x3FFE];
	[sflag:s24] =	ssyncadd.s32 $0xFFFFFFFF  }
0x1d: {  	s27 =	simm.s32 $execute0_lowered;
	[smem:$0x3FD2] =	sst s26  }
0x1e: {  	s5 =	sshll.u32 s27, $0x1;
	_ =	strace $0x80000049;
	[dreg:$0x1] =	wrdreg $0xFFFFFFFF  }
0x1f: {  	s28 =	simm.s32 $_size_execute0_lowered;
	s3 =	sadd.s32 s3, s5;
	[dreg:$0x0] =	wrdreg $0x0  }
0x20: {  	s5 =	sshll.u32 s28, $0x1;
	[dreg:$0x2] =	wrdreg s3  }
0x21: {  	[dreg:$0x3] =	wrdreg s5  }
0x22: {  	[dreg:$0x4] =	wrdreg $0xC0  }
0x23: {  	_ =	task [dreg:s7], $0x5FFFF  }
0x24: {  	[dreg:$0x1] =	wrdreg $0xFFFFFFFF  }
0x25: {  	[dreg:$0x0] =	wrdreg $0x60  }
0x26: {  	[dreg:$0x2] =	wrdreg s25  }
0x27: {  	[dreg:$0x3] =	wrdreg s2  }
0x28: {  	[dreg:$0x4] =	wrdreg $0x9  }
0x29: {  	_ =	task.clear_ibuf [dreg:s7], $0x5FFFF;
	_ =	strace $0x90000049  }
0x2a: {  	s29 =	simm.s32 $0x9;
	_ =	strace $0x8000004B  }
0x2b: {  	_ =	swait.ge [sflag:s29], $0x1  }
0x2c: {  	[sflag:s29] =	ssyncadd.s32 $0xFFFFFFFF  }
0x2d: {  	_ =	strace $0x9000004B  }
0x2e: {  	_ =	sfence  }
0x2f: {  	s30 =	sld [smem:$0x0];
	_ =	sdelay $0x2  }
0x30: {  	s31 =	sshll.u32 s1, $0xD;
	s1 =	sshrl.u32 s1, $0x2  }
0x31: {  	s3 =	sand.u32 $0x4000, s31;
	s1 =	sadd.s32 s1, s30  }
0x32: {  	s0 =	sor.u32 s3, s0;
	s1 =	sshll.u32 s1, $0x11  }
0x33: {  	s0 =	sor.u32 s1, s0  }
0x34: {  	s0 =	sadd.s32 $0x8F2B, s0  }
0x35: {  	[sflag:s0] =	ssyncadd.remote.s32 $0x1  }
0x36: {  	_ =	sfence.sel $0xFFFF  }
0x37: {  	[dreg:$0x0] =	wrdreg $0xFFFFFFFF;
	(pc) =	sbr.abs _section_cstart, $3  }
0x38: {  	[dreg:$0x1] =	wrdreg $0xFFFFFFFF  }
0x39: {  	_ =	task.clear_ibuf [dreg:s7], $0x2FFFF;
	_ =	strace $0x9FFFFFFF  }
0x3a: {  	(tm) =	ssettm $0x7FFFFFFF  }
0x3b: {  	_ =	shalt  }
tec
execute0_lowered:
.L_overlay_start_1:
0x0: {  	(tag) =	ssettag $0x1  }
0x1: {  	s5 =	rddreg [dreg:$0x0]  }
0x2: {  	s0 =	srdreg.scid;
	s3 =	rddreg [dreg:$0x1];
	s7 =	simm.s32 $0x1  }
0x3: {  	s8 =	simm.s32 $0x2;
	s16 =	simm.s32 $0x0;
	s1 =	sshll.u32 s0, $0x4  }
0x4: {  	s18 =	simm.s32 $0x0;
	s0 =	stileid.u32;
	s1 =	sand.u32 $0x10, s1  }
0x5: {  	s17 =	simm.s32 $0x0;
	s9 =	simm.s32 $0x0;
	s1 =	sor.u32 s0, s1  }
0x6: {  	s10 =	simm.s32 $0x0;
	s11 =	simm.s32 $0x0;
	s2 =	sshll.u32 s1, $0x7  }
0x7: {  	s12 =	simm.s32 $0x0;
	s13 =	simm.s32 $0x0;
	s6 =	ssub.s32 $0x1000, s2  }
0x8: {  	s15 =	simm.s32 $0x0;
	s5 =	sadd.s32 $0x800, s5;
	s4 =	sand.u32 $0xF80, s6  }
.Ltmp0:
0x9: {  	s1 =	rddreg [dreg:$0x2];
	p0 =	sne.s32 s4, $0x0;
	(pc) =	sbr.rel .LBB1_1-.Ltmp0, $4  }
0xa: {  	_ =	strace $0x8000004A;
	s6 =	sshrl.u32 s6, $0xC;
	s7 =	simm.s32 @!p0 $0x0  }
0xb: {  	s14 =	smov.u32 s2;
	s4 =	simm.s32 $0x1;
	s6 =	sadd.s32 s7, s6  }
0xc: {  	[sflag:s4] =	ssyncpa.u1 $0x0;
	p0 =	por $0x0, $0x0;
	s6 =	sshll.u32 s6, $0x8  }
0xd: {  	[sflag:s8] =	ssyncpa.u1 $0x0;
	s8 =	simm.s32 $0x8000;
	s7 =	sor.u32 $0x1, s6  }
.LBB1_4:
0xe: {  	s23 =	sshra.s32 s23, $0x2;
	s30 =	sshll.u32 s9, $0xC  }
0xf: {  	p1 =	sgt.s32 s10, $0x3F;
	s24 =	smov.u32 s10;
	s25 =	sshra.s32 s10, $0x1F  }
0x10: {  	s26 =	sshll.u32 s11, $0x3;
	s28 =	smov.u32 s11;
	s29 =	sshra.s32 s11, $0x1F  }
0x11: {  	s22 =	sadd.s32 s23, s22;
	s24 =	simm.s32 @!p1 $0x3F;
	s25 =	sand.u32 s25, s10  }
0x12: {  	s23 =	sand.u32 $0xFFFF8000, s30;
	s27 =	sand.u32 $0xFFFFFC00, s26;
	p1 =	sgt.s32 s9, $0x110  }
0x13: {  	s31 =	sand.u32 s29, s11;
	s29 =	sshll.u32 s9, $0x7;
	s30 =	sshra.s32 s9, $0x1F  }
0x14: {  	[tilespmem:s21+$0x2040 ss:$0x81] =	vst.msk $0xffff, v4;
	s24 =	ssub.s32 s24, s25;
	s23 =	sadd.s32 s27, s23;
	s27 =	smov.u32 s9  }
0x15: {  	[tilespmem:s21+$0x2850 ss:$0x81] =	vst.msk $0xffff, v3;
	s29 =	sand.u32 $0x380, s29;
	s25 =	sadd.s32 $0xFFFFFFC1, s24;
	s27 =	simm.s32 @!p1 $0x110  }
0x16: {  	v5 =	vld [tilespmem:s20+$0xFFFFFFD0];
	[tilespmem:s21+$0x3060 ss:$0x81] =	vst.msk $0xffff, v2;
	p1 =	sgt.s32 s11, $0xF80;
	s23 =	sshrl.u32 s23, $0xC;
	s24 =	ssub.s32 $0x40, s24  }
0x17: {  	v58 =	vld [tilespmem:s20+$0xFFFFFFE0];
	[tilespmem:s21+$0x0 ss:$0x81] =	vst.msk $0xffff, v1;
	s28 =	simm.s32 @!p1 $0xF80;
	p1 =	sgt.s32 s25, $0x0;
	s21 =	smulhi.u32 $0xA3D70B, s23  }
0x18: {  	v59 =	vld [tilespmem:s20+$0xFFFFFFF0];
	s25 =	ssub.s32 s28, s31;
	s28 =	sand.u32 s30, s9;
	s24 =	simm.s32 @p1 $0x0  }
0x19: {  	v60 =	vld [tilespmem:s20+$0x0];
	s27 =	ssub.s32 s27, s28;
	s31 =	sadd.s32 $0xFFFFF080, s25;
	s25 =	ssub.s32 $0x1000, s25  }
0x1a: {  	v61 =	vld [tilespmem:s20+$0x10];
	[tilespmem:s22+$0x3870 ss:$0x81] =	vst.msk $0xffff, v0;
	s21 =	smul.u32 $0x190, s21;
	s28 =	sand.u32 $0x7, s11;
	p1 =	sgt.s32 s31, $0x7F  }
0x1b: {  	v62 =	vld [tilespmem:s20+$0x20];
	[tilespmem:s22+$0x810 ss:$0x81] =	vst.msk $0xffff, v5;
	s30 =	sadd.s32 $0xFFFFFEF0, s27;
	s31 =	sand.u32 $0x78, s11;
	s25 =	simm.s32 @p1 $0x0  }
0x1c: {  	v63 =	vld [tilespmem:s20+$0xFFFFFFC0];
	[tilespmem:s22+$0x1020 ss:$0x81] =	vst.msk $0xffff, v58;
	p1 =	sgt.s32 s30, $0x7F;
	s30 =	sand.u32 $0xC00, s26;
	s24 =	smul.u32 s25, s24  }
0x1d: {  	[tilespmem:s22+$0x1830 ss:$0x81] =	vst.msk $0xffff, v59;
	s26 =	ssub.s32 $0x190, s27;
	s20 =	sor.u32 s31, s30;
	s31 =	smul.u32 $0x32000, s10  }
0x1e: {  	[tilespmem:s22+$0x2040 ss:$0x81] =	vst.msk $0xffff, v60;
	s21 =	ssub.s32 s23, s21;
	s26 =	simm.s32 @p1 $0x0;
	s20 =	sor.u32 s29, s20  }
0x1f: {  	[tilespmem:s22+$0x2850 ss:$0x81] =	vst.msk $0xffff, v61;
	s26 =	smul.u32 s26, s24;
	s20 =	sshrl.u32 s20, $0x3;
	s27 =	sadd.s32 s3, s31  }
0x20: {  	[tilespmem:s22+$0x3060 ss:$0x81] =	vst.msk $0xffff, v62;
	s21 =	sshll.u32 s21, $0x9;
	s29 =	sshll.u32 s28, $0x12;
	s20 =	sadd.s32 s20, s27  }
0x21: {  	[tilespmem:s22+$0x0 ss:$0x81] =	vst.msk $0xffff, v63;
	s31 =	sor.u32 $0x400, s29;
	s30 =	sand.u32 $0x3FFFFFFF, s26;
	s20 =	sadd.s32 s21, s20  }
0x22: {  	[hbm4b:s20+s31] =	stream.strided.scatter [tilespmem:s19], [sflag:$0x2], s30, s8, s31, $0x20;
	[tilespmem:$0x10100] =	vst v63  }
.LBB1_5:
0x23: {  	p1 =	slt.u32 s15, $0x2  }
0x24: {  	p2 =	sgt.s32 @!p1 s18, $0x3F  }
0x25: {  	s19 =	smov.u32 s18;
	s20 =	sshra.s32 @!p1 s18, $0x1F;
	p2 =	por !p2, p1  }
0x26: {  	s18 =	sand.u32 @!p1 s20, s18;
	s19 =	simm.s32 @p2 $0x3F  }
0x27: {  	p3 =	sgt.s32 @!p1 s16, $0x110;
	s18 =	ssub.s32 @!p1 s19, s18  }
0x28: {  	p4 =	sgt.s32 @!p1 s17, $0xF80;
	s21 =	sshra.s32 @!p1 s17, $0x1F;
	s19 =	sadd.s32 @!p1 $0xFFFFFFC1, s18  }
0x29: {  	s20 =	smov.u32 s16;
	p2 =	sgt.s32 @!p1 s19, $0x0;
	s19 =	sshra.s32 @!p1 s16, $0x1F  }
0x2a: {  	p4 =	por !p4, p1;
	s16 =	sand.u32 @!p1 s19, s16;
	s19 =	smov.u32 s17  }
0x2b: {  	p3 =	por !p3, p1;
	s17 =	sand.u32 @!p1 s21, s17;
	s19 =	simm.s32 @p4 $0xF80  }
0x2c: {  	s20 =	simm.s32 @p3 $0x110;
	s18 =	ssub.s32 @!p1 $0x40, s18;
	s17 =	ssub.s32 @!p1 s19, s17  }
0x2d: {  	p2 =	por !p2, p1;
	s16 =	ssub.s32 @!p1 s20, s16;
	s20 =	sadd.s32 @!p1 $0xFFFFF080, s17  }
0x2e: {  	s18 =	simm.s32 @!p2 $0x0;
	p3 =	sgt.s32 @!p1 s20, $0x7F  }
0x2f: {  	s19 =	sadd.s32 @!p1 $0xFFFFFEF0, s16;
	s17 =	ssub.s32 @!p1 $0x1000, s17;
	p3 =	por !p3, p1  }
0x30: {  	p2 =	sgt.s32 @!p1 s19, $0x7F;
	s19 =	sadd.s32 $0x80, s12;
	s17 =	simm.s32 @!p3 $0x0  }
0x31: {  	p3 =	sgt.s32 s19, $0x18F;
	s17 =	smul.u32 @!p1 s17, s18;
	s18 =	simm.s32 $0x1  }
0x32: {  	s16 =	ssub.s32 @!p1 $0x190, s16;
	p2 =	por !p2, p1;
	s18 =	simm.s32 @!p3 $0x0  }
0x33: {  	s21 =	smov.u32 s14;
	s16 =	simm.s32 @!p2 $0x0;
	s20 =	sadd.s32 s18, s13  }
0x34: {  	s16 =	smul.u32 @!p1 s16, s17;
	s17 =	sadd.s32 $0x1000, s14;
	p2 =	sgt.s32 s20, $0x3F  }
0x35: {  	p0 =	por !p0, !p0;
	s22 =	simm.s32 @!p1 $0x2;
	s21 =	smov.u32 @p2 s17  }
0x36: {  	s19 =	simm.s32 @p3 $0x0;
	s20 =	simm.s32 @p2 $0x0;
	p2 =	sgt.s32 s21, $0xFFF  }
0x37: {  	s18 =	smov.u32 s10;
	s21 =	smov.u32 @p2 s2;
	p2 =	sne.s32 s15, s7  }
.Ltmp1:
0x38: {  	s10 =	smov.u32 s13;
	s16 =	sand.u32 @!p1 $0x3FFFFFFF, s16;
	(pc) =	sbr.rel @!p2 .LBB1_6-.Ltmp1, $4  }
0x39: {  	s17 =	smov.u32 s11;
	s11 =	smov.u32 s14;
	_ =	swait.ge @!p1 [sflag:s22], s16  }
0x3a: {  	s23 =	ssub.s32 @!p1 $0x0, s16;
	s16 =	smov.u32 s9;
	s9 =	smov.u32 s12  }
0x3b: {  	s12 =	smov.u32 s19;
	s13 =	smov.u32 s20;
	[sflag:s22] =	ssyncset.done @!p1 $0x0  }
0x3c: {  	s15 =	sadd.s32 $0x1, s15;
	[sflag:s22] =	ssyncadd.s32 @!p1 s23;
	s14 =	smov.u32 s21  }
.LBB1_1:
0x3d: {  	p1 =	sge.u32 s15, s6  }
0x3e: {  	s31 =	sadd.s32 $0xFFFFFFFF, s15;
	s19 =	sxor.u32 @!p1 $0xFFFFFFFF, s15  }
0x3f: {  	s20 =	sshll.u32 @!p1 s13, $0x9;
	s21 =	sshll.u32 @!p1 s12, $0x3;
	s22 =	sshll.u32 @!p1 s13, $0x7  }
0x40: {  	s23 =	sand.u32 @!p1 $0x78, s12;
	s20 =	sand.u32 @!p1 $0x7000, s20;
	s21 =	sand.u32 @!p1 $0x7C00, s21  }
0x41: {  	s19 =	sshll.u32 @!p1 s19, $0xE;
	s20 =	sadd.s32 @!p1 s20, s21;
	s21 =	sand.u32 @!p1 $0x200, s22  }
0x42: {  	s19 =	sand.u32 @!p1 $0x4000, s19;
	s20 =	sor.u32 @!p1 s21, s20;
	s21 =	sand.u32 @!p1 $0x180, s22  }
0x43: {  	s22 =	sshll.u32 @!p1 s14, $0xC;
	s21 =	sor.u32 @!p1 s23, s21;
	s20 =	sshrl.u32 @!p1 s20, $0x3  }
0x44: {  	s22 =	sadd.s32 @!p1 s5, s22;
	s23 =	sand.u32 @!p1 $0x7, s12;
	s21 =	sshrl.u32 @!p1 s21, $0x3  }
0x45: {  	s20 =	sand.u32 @!p1 $0xFC0, s20;
	s21 =	sadd.s32 @!p1 s21, s22;
	s22 =	sshll.u32 @!p1 s23, $0x12  }
0x46: {  	s20 =	sadd.s32 @!p1 s20, s21;
	s21 =	sor.u32 @!p1 $0x80, s22;
	s22 =	simm.s32 @!p1 $0x8000  }
0x47: {  	[tilespmem:s19], [sflag:$0x1] =	stream.strided.gather @!p1 [hbm4b:s20+s21], $0x4000, s22, s21, $0x38;
	[tilespmem:$0x10100] =	vst v63  }
0x48: {  	p1 =	sge.u32 s31, s6  }
.Ltmp2:
0x49: {  	_ = 	snop;
	(pc) =	sbr.rel @p1 .LBB1_5-.Ltmp2, $1  }
0x4a: {  	_ =	sdelay $0x3  }
0x4b: {  	s19 =	simm.s32 $0x1  }
0x4c: {  	_ =	swait.ge [sflag:s4], $0x4000;
	s19 =	simm.s32 @!p0 $0x0  }
0x4d: {  	[sflag:s4] =	ssyncset.done $0x0;
	s20 =	sshll.u32 s19, $0xE  }
0x4e: {  	[sflag:s4] =	ssyncadd.s32 $0xFFFFC000;
	s20 =	sor.u32 $0x40, s20  }
0x4f: {  	s19 =	smul.u32 $0x10200, s19;
	v0 =	vld [tilespmem:s20+$0x30]  }
0x50: {  	v1 =	vld [tilespmem:s20+$0xFFFFFFD0]  }
0x51: {  	s19 =	sshrl.u32 s19, $0x2;
	v5 =	vld [tilespmem:s20+$0xFFFFFFE0]  }
0x52: {  	v6 =	vld [tilespmem:s20+$0xFFFFFFF0];
	s22 =	sor.u32 $0x8000, s19  }
0x53: {  	s31 =	sand.u32 $0x1, s15;
	v4 =	vld [tilespmem:s20+$0x0];
	s21 =	sadd.s32 $0x0, s22  }
0x54: {  	v3 =	vld [tilespmem:s20+$0x10];
	s19 =	smul.u32 $0x10200, s31;
	[tilespmem:s21+$0x3870 ss:$0x81] =	vst.msk $0xffff, v0  }
0x55: {  	v2 =	vld [tilespmem:s20+$0x20];
	[tilespmem:s21+$0x810 ss:$0x81] =	vst.msk $0xffff, v1  }
0x56: {  	s19 =	sshrl.u32 s19, $0x2;
	v1 =	vld [tilespmem:s20+$0xFFFFFFC0];
	[tilespmem:s21+$0x1020 ss:$0x81] =	vst.msk $0xffff, v5;
	s20 =	sadd.s32 $0x80, s20  }
0x57: {  	s23 =	simm.s32 $0x4;
	s24 =	simm.s32 $0x8;
	s19 =	sor.u32 $0x8000, s19;
	[tilespmem:s21+$0x1830 ss:$0x81] =	vst.msk $0xffff, v6;
	v0 =	vld [tilespmem:s20+$0x30]  }
.LBB1_3:
0x58: {  	p1 =	sne.s32 s24, $0x1FC;
	v5 =	vld [tilespmem:s20+$0xFFFFFFD0];
	[tilespmem:s21+$0x2040 ss:$0x81] =	vst.msk $0xffff, v4  }
0x59: {  	v6 =	vld [tilespmem:s20+$0xFFFFFFE0];
	[tilespmem:s21+$0x2850 ss:$0x81] =	vst.msk $0xffff, v3  }
0x5a: {  	s25 =	sshra.s32 s23, $0x2;
	s23 =	smov.u32 s24;
	v7 =	vld [tilespmem:s20+$0xFFFFFFF0];
	[tilespmem:s21+$0x3060 ss:$0x81] =	vst.msk $0xffff, v2  }
.Ltmp3:
0x5b: {  	v4 =	vld [tilespmem:s20+$0x0];
	[tilespmem:s21+$0x0 ss:$0x81] =	vst.msk $0xffff, v1;
	s21 =	sadd.s32 s25, s22;
	(pc) =	sbr.rel @p1 .LBB1_3-.Ltmp3, $4  }
0x5c: {  	v3 =	vld [tilespmem:s20+$0x10];
	[tilespmem:s21+$0x3870 ss:$0x81] =	vst.msk $0xffff, v0  }
0x5d: {  	[tilespmem:s21+$0x810 ss:$0x81] =	vst.msk $0xffff, v5;
	v2 =	vld [tilespmem:s20+$0x20]  }
0x5e: {  	v1 =	vld [tilespmem:s20+$0xFFFFFFC0];
	[tilespmem:s21+$0x1020 ss:$0x81] =	vst.msk $0xffff, v6;
	s20 =	sadd.s32 $0x80, s20  }
0x5f: {  	s24 =	sadd.s32 $0x4, s24;
	v0 =	vld [tilespmem:s20+$0x30];
	[tilespmem:s21+$0x1830 ss:$0x81] =	vst.msk $0xffff, v7  }
.Ltmp4:
0x60: {  	_ = 	snop;
	(pc) =	sbr.rel .LBB1_4-.Ltmp4, $1  }
0x61: {  	_ =	sdelay $0x3  }
.LBB1_6:
0x62: {  	_ =	sfence.sel $0x180000  }
0x63: {  	s2 =	simm.s32 $0x1;
	[bflag:$0x0] =	sbarrier.arrive $0xFFFF  }
0x64: {  	s31 =	simm.s32 $0x2;
	[sflag:s2] =	ssyncpa.u1 $0x1  }
0x65: {  	[sflag:s31] =	ssyncpa.u1 $0x1  }
0x66: {  	p0 =	sne.s32 s0, $0x0;
	_ =	strace $0x9000004A  }
0x67: {  	s0 =	sadd.s32 @!p0 $0x100000, s1;
	[bflag:$0x2] =	sbarrier.arrive $0xFFFF  }
0x68: {  	[sflag:s0] =	ssyncadd.tile.s32 @!p0 $0x1;
	_ =	shalt  }
.Lfunc_end1:
_tile_overlayer_lowered:
.L_overlay_start_2:
0x69: {  	(tag) =	ssettag $0x2  }
0x6a: {  	s0 =	rddreg [dreg:$0x0];
	s2 =	stileid.u32  }
0x6b: {  	s1 =	rddreg [dreg:$0x1];
	p0 =	sne.s32 s2, $0x0  }
0x6c: {  	s3 =	rddreg [dreg:$0x2];
	[bflag:$0x3] =	sbarrier.arrive $0xFFFF;
	s2 =	simm.s32 @!p0 $0x1C01  }
0x6d: {  	[timem:s3], [sflag:s2] =	dma.local @!p0 [hbm:s0], s1  }
0x6e: {  	s0 =	simm.s32 @!p0 $0x1  }
0x6f: {  	_ =	swait.ge @!p0 [sflag:s0], s1  }
0x70: {  	s1 =	ssub.s32 @!p0 $0x0, s1;
	[sflag:s0] =	ssyncset.done @!p0 $0x0  }
0x71: {  	[sflag:s0] =	ssyncadd.s32 @!p0 s1  }
0x72: {  	[bflag:$0x3] =	sbarrier.arrive $0xFFFF  }
0x73: {  	_ =	shalt  }

</sc_bundles>
